<compile_context>
chip_gen: v7x
topology: tpu7x:2x2x1
jax: 0.10.2.dev20260603
libtpu: 0.0.44.dev20260713+nightly
codegen_flags: <defaults>
</compile_context>

<pallas_src>
import functools
import jax
import jax.numpy as jnp
from jax import lax
from jax.experimental import pallas as pl
from jax.experimental.pallas import tpu as pltpu
from jax.experimental.pallas import tpu_sc as plsc

_DELTA_VAR = 0.5
_DELTA_DIST = 1.5
_ALPHA = 1.0
_BETA = 1.0
_GAMMA = 0.1

_B, _C, _P = 4, 4, 512 * 512
_NW_PER_B = 8
_CHUNK = _P // _NW_PER_B
_SUB = 8192
_NSUB = _CHUNK // _SUB


def _sqrt16(x):
    xs = jnp.maximum(x, jnp.float32(1e-30))
    i = lax.bitcast_convert_type(xs, jnp.int32)
    i = jnp.int32(0x5F3759DF) - lax.shift_right_logical(i, 1)
    r = lax.bitcast_convert_type(i, jnp.float32)
    for _ in range(3):
        r = r * (1.5 - 0.5 * xs * r * r)
    return xs * r


def _sc_body(emb_hbm, mask_hbm, out_hbm,
             m_buf, e_buf, acc48, tacc, comb48, meanb, row64, shared, shared2):
    cc = lax.axis_index("c")
    ss = lax.axis_index("s")
    group = ss // _NW_PER_B
    batch = 2 * cc + group
    chunk = ss % _NW_PER_B
    base = chunk * _CHUNK

    iota = lax.iota(jnp.int32, 16)
    zeros16 = jnp.zeros((16,), jnp.float32)
    ones16 = jnp.ones((16,), jnp.float32)

    for j in range(3):
        acc48[pl.ds(j * 16, 16)] = zeros16
    tacc[...] = zeros16

    for sub in range(_NSUB):
        lo = base + sub * _SUB
        pltpu.sync_copy(mask_hbm.at[batch, pl.ds(lo, _SUB)], m_buf)
        for c in range(_C):
            pltpu.sync_copy(emb_hbm.at[batch, c, pl.ds(lo, _SUB)],
                            e_buf.at[c])

        def p1(i, _):
            off = pl.multiple_of(i * 16, 16)
            m16 = m_buf[pl.ds(off, 16)]
            ev = [e_buf[c, pl.ds(off, 16)] for c in range(_C)]
            nsq = ev[0] * ev[0] + ev[1] * ev[1] + ev[2] * ev[2] + ev[3] * ev[3]
            nrm = _sqrt16(nsq)
            for c in range(_C):
                plsc.addupdate_scatter(acc48, [m16 + (8 * c)], ev[c])
            plsc.addupdate_scatter(acc48, [m16 + 32], ones16)
            plsc.addupdate_scatter(acc48, [m16 + 40], nrm)
            return 0

        lax.fori_loop(0, _SUB // 16, p1, 0)

    row64[pl.ds(0, 16)] = acc48[pl.ds(0, 16)]
    row64[pl.ds(16, 16)] = acc48[pl.ds(16, 16)]
    row64[pl.ds(32, 16)] = acc48[pl.ds(32, 16)]
    row64[pl.ds(48, 16)] = zeros16
    pltpu.sync_copy(row64.at[pl.ds(0, 64)], shared.at[ss])
    plsc.subcore_barrier()

    a0 = zeros16
    a1 = zeros16
    a2 = zeros16
    for r in range(_NW_PER_B):
        pltpu.sync_copy(shared.at[group * _NW_PER_B + r], row64.at[pl.ds(0, 64)])
        a0 = a0 + row64[pl.ds(0, 16)]
        a1 = a1 + row64[pl.ds(16, 16)]
        a2 = a2 + row64[pl.ds(32, 16)]
    comb48[pl.ds(0, 16)] = a0
    comb48[pl.ds(16, 16)] = a1
    comb48[pl.ds(32, 16)] = a2

    lane8 = jnp.bitwise_and(iota, jnp.int32(7))
    cnt_rep = plsc.load_gather(comb48, [lane8 + 32])
    inv = ones16 / jnp.maximum(cnt_rep, 1.0)
    meanb[pl.ds(0, 16)] = a0 * inv
    meanb[pl.ds(16, 16)] = a1 * inv

    for sub in range(_NSUB):
        lo = base + sub * _SUB
        pltpu.sync_copy(mask_hbm.at[batch, pl.ds(lo, _SUB)], m_buf)
        for c in range(_C):
            pltpu.sync_copy(emb_hbm.at[batch, c, pl.ds(lo, _SUB)],
                            e_buf.at[c])

        def p2(i, _):
            off = pl.multiple_of(i * 16, 16)
            m16 = m_buf[pl.ds(off, 16)]
            dsq = zeros16
            for c in range(_C):
                ev = e_buf[c, pl.ds(off, 16)]
                mv = plsc.load_gather(meanb, [m16 + (8 * c)])
                d = ev - mv
                dsq = dsq + d * d
            plsc.addupdate_scatter(tacc, [m16], _sqrt16(dsq))
            return 0

        lax.fori_loop(0, _SUB // 16, p2, 0)

    pltpu.sync_copy(tacc, shared2.at[ss])
    plsc.subcore_barrier()

    @pl.when(chunk == 0)
    def _leader():
        t16 = zeros16
        for r in range(_NW_PER_B):
            pltpu.sync_copy(shared2.at[group * _NW_PER_B + r], tacc)
            t16 = t16 + tacc[...]

        def bc(x):
            return jnp.full((16,), x, jnp.float32)

        cnt = plsc.load_gather(comb48, [lane8 + 32])
        nrms = plsc.load_gather(comb48, [lane8 + 40])
        lmask = (iota >= 1) & (iota < 8)
        pres = (cnt > 0.0) & lmask
        presf = jnp.where(pres, ones16, zeros16)
        ni16 = bc(jnp.sum(presf))

        safe = jnp.maximum(cnt, 1.0)
        mean_norm = t16 / safe
        tr = jnp.maximum(mean_norm - _DELTA_VAR, 0.0)
        term = tr * tr
        var16 = (bc(jnp.sum(jnp.where(pres, term, zeros16)))
                 / jnp.maximum(ni16, 1.0))

        nv16 = bc(jnp.sum(jnp.where(lmask, cnt, zeros16)))
        rs16 = bc(jnp.sum(jnp.where(lmask, nrms, zeros16)))
        reg16 = rs16 / jnp.maximum(nv16, 1.0)

        dg = jnp.float32(_DELTA_DIST) + jnp.float32(1e6)
        diag = dg * dg
        dsum16 = ni16 * diag
        for shift in range(1, 8):
            idx2 = jnp.bitwise_and(lane8 + shift, jnp.int32(7))
            psq = zeros16
            for c in range(_C):
                av = plsc.load_gather(meanb, [lane8 + (8 * c)])
                bv = plsc.load_gather(meanb, [idx2 + (8 * c)])
                d = av - bv
                psq = psq + d * d
            pd = _sqrt16(psq)
            hg = jnp.maximum(_DELTA_DIST - pd, 0.0)
            hinge = hg * hg
            cntp = plsc.load_gather(comb48, [idx2 + 32])
            okp = pres & (cntp > 0.0) & (idx2 != 0)
            dsum16 = dsum16 + bc(jnp.sum(jnp.where(okp, hinge, zeros16)))
        denom16 = ni16 * (ni16 - 1.0)
        dist16 = jnp.where(
            ni16 > 1.0, dsum16 / jnp.maximum(denom16, 1.0), zeros16)

        loss16 = _ALPHA * var16 + _BETA * dist16 + _GAMMA * reg16
        inc16 = jnp.where(nv16 > 0.0, ones16, zeros16)
        outv = jnp.where(iota == 0, loss16,
                         jnp.where(iota == 1, inc16, zeros16))
        row64[pl.ds(0, 16)] = outv
        for j in range(1, 8):
            row64[pl.ds(j * 16, 16)] = zeros16
        pltpu.sync_copy(row64, out_hbm.at[batch])


def _make_sc_kernel():
    mesh = plsc.VectorSubcoreMesh(core_axis_name="c", subcore_axis_name="s")
    return functools.partial(
        pl.kernel,
        mesh=mesh,
        out_type=jax.ShapeDtypeStruct((_B, 128), jnp.float32),
        scratch_types=[
            pltpu.VMEM((_SUB,), jnp.int32),
            pltpu.VMEM((_C, _SUB), jnp.float32),
            pltpu.VMEM((48,), jnp.float32),
            pltpu.VMEM((16,), jnp.float32),
            pltpu.VMEM((48,), jnp.float32),
            pltpu.VMEM((32,), jnp.float32),
            pltpu.VMEM((128,), jnp.float32),
            pltpu.VMEM_SHARED((16, 64), jnp.float32),
            pltpu.VMEM_SHARED((16, 16), jnp.float32),
        ],
        compiler_params=pltpu.CompilerParams(needs_layout_passes=False),
    )(_sc_body)


def kernel(embeddings, instance_mask):
    B, C, H, W = embeddings.shape
    embf = embeddings.reshape(B, C, H * W)
    maskf = instance_mask.reshape(B, H * W)
    out = _make_sc_kernel()(embf, maskf)
    losses = out[:, 0]
    incs = out[:, 1]
    n_inc = incs.sum()
    total = (losses * incs).sum() / jnp.maximum(n_inc, 1.0)
    return jnp.where(n_inc > 0, total, jnp.array(0.0, dtype=embeddings.dtype))

# --- scband reference (transcript-rebuilt; emitter-appended) ---
"""Pipeline reference for scband-discriminative-loss-21878563406298 (READ-ONLY COPY).

The authoritative reference and input builder live on the scoring server;
editing this copy changes nothing except your own understanding.
"""

import jax, jax.numpy as jnp
import numpy as np

DELTA_VAR = 0.5
DELTA_DIST = 1.5
ALPHA = 1.0
BETA = 1.0
GAMMA = 0.1


def setup_inputs(seed: int = 0) -> dict:
    key = jax.random.key(seed)
    k1, k2 = jax.random.split(key)
    embeddings = jax.random.normal(k1, (4, 4, 512, 512), dtype=jnp.float32)
    instance_mask = jax.random.randint(k2, (4, 512, 512), 0, 8, dtype=jnp.int32)
    return {"embeddings": embeddings, "instance_mask": instance_mask}


def reference(embeddings, instance_mask):
    B, C, H, W = embeddings.shape
    max_id = 8
    losses = []
    includes = []
    for b in range(B):
        emb = jnp.transpose(embeddings[b], (1, 2, 0)).reshape(-1, C)
        mask = instance_mask[b].reshape(-1)
        valid = mask != 0
        n_valid = valid.sum()
        means = []
        presents = []
        var_terms = []
        for uid in range(1, max_id):
            sel = mask == uid
            cnt = sel.sum()
            present = cnt > 0
            w = sel.astype(emb.dtype)
            safe = jnp.maximum(cnt, 1).astype(emb.dtype)
            mean_emb = (emb * w[:, None]).sum(axis=0) / safe
            norms = jnp.linalg.norm(emb - mean_emb, axis=1)
            mean_norm = (norms * w).sum() / safe
            term = jnp.maximum(mean_norm - DELTA_VAR, 0.0) ** 2
            var_terms.append(jnp.where(present, term, 0.0))
            means.append(mean_emb)
            presents.append(present)
        present_v = jnp.stack(presents)
        num_instances = present_v.sum()
        var_loss = jnp.stack(var_terms).sum() / jnp.maximum(num_instances, 1).astype(emb.dtype)
        means_s = jnp.stack(means)
        pairwise = jnp.linalg.norm(means_s[:, None, :] - means_s[None, :, :], axis=2)
        eye = jnp.eye(max_id - 1, dtype=embeddings.dtype)
        pair_ok = (present_v[:, None] & present_v[None, :]).astype(emb.dtype)
        dist_sum = ((jnp.maximum(DELTA_DIST - pairwise + eye * 1000000.0, 0.0) ** 2) * pair_ok).sum()
        denom = (num_instances * (num_instances - 1)).astype(emb.dtype)
        dist_loss = jnp.where(num_instances > 1, dist_sum / jnp.maximum(denom, 1.0), 0.0)
        reg_loss = (jnp.linalg.norm(emb, axis=1) * valid.astype(emb.dtype)).sum() / jnp.maximum(n_valid, 1).astype(emb.dtype)
        losses.append(ALPHA * var_loss + BETA * dist_loss + GAMMA * reg_loss)
        includes.append(n_valid > 0)
    losses_s = jnp.stack(losses)
    inc = jnp.stack(includes).astype(losses_s.dtype)
    n_inc = inc.sum()
    total = (losses_s * inc).sum() / jnp.maximum(n_inc, 1.0)
    return jnp.where(n_inc > 0, total, jnp.array(0.0, dtype=embeddings.dtype))

if __name__ == "__main__":
    import jax
    _d = setup_inputs()
    print(jax.jit(kernel)(*tuple(_d.values())))

</pallas_src>

<mosaic_0001>
#map = affine_map<(d0, d1) -> (0, 0, 0)>
#map1 = affine_map<(d0, d1) -> (0, 0)>
module attributes {stable_mosaic.version = 14 : i64} {
  func.func @_sc_body(%arg0: i32, %arg1: i32, %arg2: memref<4x4x262144xf32, #tpu.memory_space<hbm>>, %arg3: memref<4x262144xi32, #tpu.memory_space<hbm>>, %arg4: memref<4x128xf32, #tpu.memory_space<hbm>>, %arg5: memref<8192xi32, #tpu.memory_space<vmem>>, %arg6: memref<4x8192xf32, #tpu.memory_space<vmem>>, %arg7: memref<48xf32, #tpu.memory_space<vmem>>, %arg8: memref<16xf32, #tpu.memory_space<vmem>>, %arg9: memref<48xf32, #tpu.memory_space<vmem>>, %arg10: memref<32xf32, #tpu.memory_space<vmem>>, %arg11: memref<128xf32, #tpu.memory_space<vmem>>, %arg12: memref<16x64xf32, #tpu.memory_space<vmem_shared>>, %arg13: memref<16x16xf32, #tpu.memory_space<vmem_shared>>) attributes {dimension_semantics = [#tpu.dimension_semantics<core_parallel>, #tpu.dimension_semantics<subcore_parallel>], iteration_bounds = array<i64: 2, 16>, scalar_prefetch = 0 : i64, scratch_operands = 9 : i64, tpu.core_type = #tpu.core_type<sc_vector_subcore>, window_params = [{transform_indices = #map}, {transform_indices = #map1}, {transform_indices = #map1}]} {
    %jit3A = arith.constant 8 : i32
    %div3A = arith.divsi %arg1, %jit3A : i32
    %sign3A = arith.constant 0 : i32
    %sign3A_0 = arith.cmpi sgt, %arg1, %sign3A : i32
    %sign3A_1 = arith.extui %sign3A_0 : i1 to i32
    %sign3A_2 = arith.constant 0 : i32
    %sign3A_3 = arith.cmpi slt, %arg1, %sign3A_2 : i32
    %sign3A_4 = arith.extui %sign3A_3 : i1 to i32
    %sign3A_5 = arith.subi %sign3A_1, %sign3A_4 : i32
    %sign3A_6 = arith.constant 0 : i32
    %sign3A_7 = arith.cmpi sgt, %jit3A, %sign3A_6 : i32
    %sign3A_8 = arith.extui %sign3A_7 : i1 to i32
    %sign3A_9 = arith.constant 0 : i32
    %sign3A_10 = arith.cmpi slt, %jit3A, %sign3A_9 : i32
    %sign3A_11 = arith.extui %sign3A_10 : i1 to i32
    %sign3A_12 = arith.subi %sign3A_8, %sign3A_11 : i32
    %ne3A = arith.cmpi ne, %sign3A_5, %sign3A_12 : i32
    %rem3A = arith.remsi %arg1, %jit3A : i32
    %ne3A_13 = arith.constant 0 : i32
    %ne3A_14 = arith.cmpi ne, %rem3A, %ne3A_13 : i32
    %and3A = arith.andi %ne3A, %ne3A_14 : i1
    %sub3A = arith.constant 1 : i32
    %sub3A_15 = arith.subi %div3A, %sub3A : i32
    %select_n3A = arith.select %and3A, %sub3A_15, %div3A : i32
    %mul3A = arith.constant 2 : i32
    %mul3A_16 = arith.muli %mul3A, %arg0 : i32
    %add3A = arith.addi %mul3A_16, %select_n3A : i32
    %jit3A_17 = arith.constant 8 : i32
    %eq3A = arith.constant 0 : i32
    %eq3A_18 = arith.cmpi eq, %jit3A_17, %eq3A : i32
    %jit3A_19 = arith.constant 1 : i32
    %select_n3A_20 = arith.select %eq3A_18, %jit3A_19, %jit3A_17 : i32
    %rem3A_21 = arith.remsi %arg1, %select_n3A_20 : i32
    %ne3A_22 = arith.constant 0 : i32
    %ne3A_23 = arith.cmpi ne, %rem3A_21, %ne3A_22 : i32
    %lt3A = arith.constant 0 : i32
    %lt3A_24 = arith.cmpi slt, %rem3A_21, %lt3A : i32
    %lt3A_25 = arith.constant 0 : i32
    %lt3A_26 = arith.cmpi slt, %select_n3A_20, %lt3A_25 : i32
    %ne3A_27 = arith.xori %lt3A_24, %lt3A_26 : i1
    %and3A_28 = arith.andi %ne3A_27, %ne3A_23 : i1
    %add3A_29 = arith.addi %rem3A_21, %select_n3A_20 : i32
    %select_n3A_30 = arith.select %and3A_28, %add3A_29, %rem3A_21 : i32
    %mul3A_31 = arith.constant 32768 : i32
    %mul3A_32 = arith.muli %select_n3A_30, %mul3A_31 : i32
    %iota3A = tpu.iota {dimensions = array<i32: 0>} : vector<16xi32>
    %broadcast_in_dim3A = arith.constant 0.000000e+00 : f32
    %broadcast_in_dim3A_33 = vector.broadcast %broadcast_in_dim3A : f32 to vector<16xf32>
    %broadcast_in_dim3A_34 = arith.constant 1.000000e+00 : f32
    %broadcast_in_dim3A_35 = vector.broadcast %broadcast_in_dim3A_34 : f32 to vector<16xf32>
    %swap3A = arith.constant 0 : index
    %swap3A_36 = tpu.vector_load %arg7[%swap3A] {strides = array<i32>} : memref<48xf32, #tpu.memory_space<vmem>>, vector<16xf32>,
    tpu.vector_store %arg7[%swap3A], %broadcast_in_dim3A_33 {strides = array<i32>} : memref<48xf32, #tpu.memory_space<vmem>>, vector<16xf32>,
    %swap3A_37 = arith.constant 16 : index
    %swap3A_38 = tpu.vector_load %arg7[%swap3A_37] {strides = array<i32>} : memref<48xf32, #tpu.memory_space<vmem>>, vector<16xf32>,
    tpu.vector_store %arg7[%swap3A_37], %broadcast_in_dim3A_33 {strides = array<i32>} : memref<48xf32, #tpu.memory_space<vmem>>, vector<16xf32>,
    %swap3A_39 = arith.constant 32 : index
    %swap3A_40 = tpu.vector_load %arg7[%swap3A_39] {strides = array<i32>} : memref<48xf32, #tpu.memory_space<vmem>>, vector<16xf32>,
    tpu.vector_store %arg7[%swap3A_39], %broadcast_in_dim3A_33 {strides = array<i32>} : memref<48xf32, #tpu.memory_space<vmem>>, vector<16xf32>,
    %swap3A_41 = arith.constant 0 : index
    %swap3A_42 = tpu.vector_load %arg8[%swap3A_41] {strides = array<i32>} : memref<16xf32, #tpu.memory_space<vmem>>, vector<16xf32>,
    tpu.vector_store %arg8[%swap3A_41], %broadcast_in_dim3A_33 {strides = array<i32>} : memref<16xf32, #tpu.memory_space<vmem>>, vector<16xf32>,
    %add3A_43 = arith.constant 0 : i32
    %add3A_44 = arith.addi %mul3A_32, %add3A_43 : i32
    "tpu.region"() ({
      %run_scoped3A_319 = tpu.sem_alloc : memref<!tpu.dma_semaphore, #tpu.memory_space<semaphore_mem>>
      %dma_start3A = tpu.memref_slice %arg3[%add3A, %add3A_44] : memref<4x262144xi32, #tpu.memory_space<hbm>> -> memref<1x8192xi32, #tpu.memory_space<hbm>>
      %dma_start3A_320 = tpu.memref_squeeze %dma_start3A : memref<1x8192xi32, #tpu.memory_space<hbm>> -> memref<8192xi32, #tpu.memory_space<hbm>>
      %dma_start3A_321 = tpu.memref_slice %arg3[%add3A, %add3A_44] : memref<4x262144xi32, #tpu.memory_space<hbm>> -> memref<1x8192xi32, #tpu.memory_space<hbm>>
      %dma_start3A_322 = tpu.memref_squeeze %dma_start3A_321 : memref<1x8192xi32, #tpu.memory_space<hbm>> -> memref<8192xi32, #tpu.memory_space<hbm>>
      tpu.enqueue_dma source(%dma_start3A_322 : memref<8192xi32, #tpu.memory_space<hbm>>) target(%arg5 : memref<8192xi32, #tpu.memory_space<vmem>>) target_semaphore(%run_scoped3A_319 : memref<!tpu.dma_semaphore, #tpu.memory_space<semaphore_mem>>)
      %dma_wait3A = tpu.memref_slice %arg3[%add3A, %add3A_44] : memref<4x262144xi32, #tpu.memory_space<hbm>> -> memref<1x8192xi32, #tpu.memory_space<hbm>>
      %dma_wait3A_323 = tpu.memref_squeeze %dma_wait3A : memref<1x8192xi32, #tpu.memory_space<hbm>> -> memref<8192xi32, #tpu.memory_space<hbm>>
      %dma_wait3A_324 = tpu.memref_slice %arg3[%add3A, %add3A_44] : memref<4x262144xi32, #tpu.memory_space<hbm>> -> memref<1x8192xi32, #tpu.memory_space<hbm>>
      %dma_wait3A_325 = tpu.memref_squeeze %dma_wait3A_324 : memref<1x8192xi32, #tpu.memory_space<hbm>> -> memref<8192xi32, #tpu.memory_space<hbm>>
      tpu.wait_dma2 semaphore(%run_scoped3A_319 : memref<!tpu.dma_semaphore, #tpu.memory_space<semaphore_mem>>) src(%dma_wait3A_325 : memref<8192xi32, #tpu.memory_space<hbm>>) dst(%arg5 : memref<8192xi32, #tpu.memory_space<vmem>>)
      tpu.yield
    }) : () -> ()
    %run_scoped3A = arith.constant 0 : i32
    %run_scoped3A_45 = arith.constant 0 : i32
    "tpu.region"() ({
      %run_scoped3A_319 = tpu.sem_alloc : memref<!tpu.dma_semaphore, #tpu.memory_space<semaphore_mem>>
      %dma_start3A = arith.constant 0 : i32
      %dma_start3A_320 = tpu.memref_slice %arg6[%run_scoped3A_45, %dma_start3A] : memref<4x8192xf32, #tpu.memory_space<vmem>> -> memref<1x8192xf32, #tpu.memory_space<vmem>>
      %dma_start3A_321 = tpu.memref_squeeze %dma_start3A_320 : memref<1x8192xf32, #tpu.memory_space<vmem>> -> memref<8192xf32, #tpu.memory_space<vmem>>
      %dma_start3A_322 = tpu.memref_slice %arg2[%add3A, %run_scoped3A, %add3A_44] : memref<4x4x262144xf32, #tpu.memory_space<hbm>> -> memref<1x1x8192xf32, #tpu.memory_space<hbm>>
      %dma_start3A_323 = tpu.memref_squeeze %dma_start3A_322 : memref<1x1x8192xf32, #tpu.memory_space<hbm>> -> memref<8192xf32, #tpu.memory_space<hbm>>
      %dma_start3A_324 = arith.constant 0 : i32
      %dma_start3A_325 = tpu.memref_slice %arg6[%run_scoped3A_45, %dma_start3A_324] : memref<4x8192xf32, #tpu.memory_space<vmem>> -> memref<1x8192xf32, #tpu.memory_space<vmem>>
      %dma_start3A_326 = tpu.memref_squeeze %dma_start3A_325 : memref<1x8192xf32, #tpu.memory_space<vmem>> -> memref<8192xf32, #tpu.memory_space<vmem>>
      %dma_start3A_327 = tpu.memref_slice %arg2[%add3A, %run_scoped3A, %add3A_44] : memref<4x4x262144xf32, #tpu.memory_space<hbm>> -> memref<1x1x8192xf32, #tpu.memory_space<hbm>>
      %dma_start3A_328 = tpu.memref_squeeze %dma_start3A_327 : memref<1x1x8192xf32, #tpu.memory_space<hbm>> -> memref<8192xf32, #tpu.memory_space<hbm>>
      tpu.enqueue_dma source(%dma_start3A_328 : memref<8192xf32, #tpu.memory_space<hbm>>) target(%dma_start3A_326 : memref<8192xf32, #tpu.memory_space<vmem>>) target_semaphore(%run_scoped3A_319 : memref<!tpu.dma_semaphore, #tpu.memory_space<semaphore_mem>>)
      %dma_wait3A = arith.constant 0 : i32
      %dma_wait3A_329 = tpu.memref_slice %arg6[%run_scoped3A_45, %dma_wait3A] : memref<4x8192xf32, #tpu.memory_space<vmem>> -> memref<1x8192xf32, #tpu.memory_space<vmem>>
      %dma_wait3A_330 = tpu.memref_squeeze %dma_wait3A_329 : memref<1x8192xf32, #tpu.memory_space<vmem>> -> memref<8192xf32, #tpu.memory_space<vmem>>
      %dma_wait3A_331 = tpu.memref_slice %arg2[%add3A, %run_scoped3A, %add3A_44] : memref<4x4x262144xf32, #tpu.memory_space<hbm>> -> memref<1x1x8192xf32, #tpu.memory_space<hbm>>
      %dma_wait3A_332 = tpu.memref_squeeze %dma_wait3A_331 : memref<1x1x8192xf32, #tpu.memory_space<hbm>> -> memref<8192xf32, #tpu.memory_space<hbm>>
      %dma_wait3A_333 = arith.constant 0 : i32
      %dma_wait3A_334 = tpu.memref_slice %arg6[%run_scoped3A_45, %dma_wait3A_333] : memref<4x8192xf32, #tpu.memory_space<vmem>> -> memref<1x8192xf32, #tpu.memory_space<vmem>>
      %dma_wait3A_335 = tpu.memref_squeeze %dma_wait3A_334 : memref<1x8192xf32, #tpu.memory_space<vmem>> -> memref<8192xf32, #tpu.memory_space<vmem>>
      %dma_wait3A_336 = tpu.memref_slice %arg2[%add3A, %run_scoped3A, %add3A_44] : memref<4x4x262144xf32, #tpu.memory_space<hbm>> -> memref<1x1x8192xf32, #tpu.memory_space<hbm>>
      %dma_wait3A_337 = tpu.memref_squeeze %dma_wait3A_336 : memref<1x1x8192xf32, #tpu.memory_space<hbm>> -> memref<8192xf32, #tpu.memory_space<hbm>>
      tpu.wait_dma2 semaphore(%run_scoped3A_319 : memref<!tpu.dma_semaphore, #tpu.memory_space<semaphore_mem>>) src(%dma_wait3A_337 : memref<8192xf32, #tpu.memory_space<hbm>>) dst(%dma_wait3A_335 : memref<8192xf32, #tpu.memory_space<vmem>>)
      tpu.yield
    }) : () -> ()
    %run_scoped3A_46 = arith.constant 1 : i32
    %run_scoped3A_47 = arith.constant 1 : i32
    "tpu.region"() ({
      %run_scoped3A_319 = tpu.sem_alloc : memref<!tpu.dma_semaphore, #tpu.memory_space<semaphore_mem>>
      %dma_start3A = arith.constant 0 : i32
      %dma_start3A_320 = tpu.memref_slice %arg6[%run_scoped3A_47, %dma_start3A] : memref<4x8192xf32, #tpu.memory_space<vmem>> -> memref<1x8192xf32, #tpu.memory_space<vmem>>
      %dma_start3A_321 = tpu.memref_squeeze %dma_start3A_320 : memref<1x8192xf32, #tpu.memory_space<vmem>> -> memref<8192xf32, #tpu.memory_space<vmem>>
      %dma_start3A_322 = tpu.memref_slice %arg2[%add3A, %run_scoped3A_46, %add3A_44] : memref<4x4x262144xf32, #tpu.memory_space<hbm>> -> memref<1x1x8192xf32, #tpu.memory_space<hbm>>
      %dma_start3A_323 = tpu.memref_squeeze %dma_start3A_322 : memref<1x1x8192xf32, #tpu.memory_space<hbm>> -> memref<8192xf32, #tpu.memory_space<hbm>>
      %dma_start3A_324 = arith.constant 0 : i32
      %dma_start3A_325 = tpu.memref_slice %arg6[%run_scoped3A_47, %dma_start3A_324] : memref<4x8192xf32, #tpu.memory_space<vmem>> -> memref<1x8192xf32, #tpu.memory_space<vmem>>
      %dma_start3A_326 = tpu.memref_squeeze %dma_start3A_325 : memref<1x8192xf32, #tpu.memory_space<vmem>> -> memref<8192xf32, #tpu.memory_space<vmem>>
      %dma_start3A_327 = tpu.memref_slice %arg2[%add3A, %run_scoped3A_46, %add3A_44] : memref<4x4x262144xf32, #tpu.memory_space<hbm>> -> memref<1x1x8192xf32, #tpu.memory_space<hbm>>
      %dma_start3A_328 = tpu.memref_squeeze %dma_start3A_327 : memref<1x1x8192xf32, #tpu.memory_space<hbm>> -> memref<8192xf32, #tpu.memory_space<hbm>>
      tpu.enqueue_dma source(%dma_start3A_328 : memref<8192xf32, #tpu.memory_space<hbm>>) target(%dma_start3A_326 : memref<8192xf32, #tpu.memory_space<vmem>>) target_semaphore(%run_scoped3A_319 : memref<!tpu.dma_semaphore, #tpu.memory_space<semaphore_mem>>)
      %dma_wait3A = arith.constant 0 : i32
      %dma_wait3A_329 = tpu.memref_slice %arg6[%run_scoped3A_47, %dma_wait3A] : memref<4x8192xf32, #tpu.memory_space<vmem>> -> memref<1x8192xf32, #tpu.memory_space<vmem>>
      %dma_wait3A_330 = tpu.memref_squeeze %dma_wait3A_329 : memref<1x8192xf32, #tpu.memory_space<vmem>> -> memref<8192xf32, #tpu.memory_space<vmem>>
      %dma_wait3A_331 = tpu.memref_slice %arg2[%add3A, %run_scoped3A_46, %add3A_44] : memref<4x4x262144xf32, #tpu.memory_space<hbm>> -> memref<1x1x8192xf32, #tpu.memory_space<hbm>>
      %dma_wait3A_332 = tpu.memref_squeeze %dma_wait3A_331 : memref<1x1x8192xf32, #tpu.memory_space<hbm>> -> memref<8192xf32, #tpu.memory_space<hbm>>
      %dma_wait3A_333 = arith.constant 0 : i32
      %dma_wait3A_334 = tpu.memref_slice %arg6[%run_scoped3A_47, %dma_wait3A_333] : memref<4x8192xf32, #tpu.memory_space<vmem>> -> memref<1x8192xf32, #tpu.memory_space<vmem>>
      %dma_wait3A_335 = tpu.memref_squeeze %dma_wait3A_334 : memref<1x8192xf32, #tpu.memory_space<vmem>> -> memref<8192xf32, #tpu.memory_space<vmem>>
      %dma_wait3A_336 = tpu.memref_slice %arg2[%add3A, %run_scoped3A_46, %add3A_44] : memref<4x4x262144xf32, #tpu.memory_space<hbm>> -> memref<1x1x8192xf32, #tpu.memory_space<hbm>>
      %dma_wait3A_337 = tpu.memref_squeeze %dma_wait3A_336 : memref<1x1x8192xf32, #tpu.memory_space<hbm>> -> memref<8192xf32, #tpu.memory_space<hbm>>
      tpu.wait_dma2 semaphore(%run_scoped3A_319 : memref<!tpu.dma_semaphore, #tpu.memory_space<semaphore_mem>>) src(%dma_wait3A_337 : memref<8192xf32, #tpu.memory_space<hbm>>) dst(%dma_wait3A_335 : memref<8192xf32, #tpu.memory_space<vmem>>)
      tpu.yield
    }) : () -> ()
    %run_scoped3A_48 = arith.constant 2 : i32
    %run_scoped3A_49 = arith.constant 2 : i32
    "tpu.region"() ({
      %run_scoped3A_319 = tpu.sem_alloc : memref<!tpu.dma_semaphore, #tpu.memory_space<semaphore_mem>>
      %dma_start3A = arith.constant 0 : i32
      %dma_start3A_320 = tpu.memref_slice %arg6[%run_scoped3A_49, %dma_start3A] : memref<4x8192xf32, #tpu.memory_space<vmem>> -> memref<1x8192xf32, #tpu.memory_space<vmem>>
      %dma_start3A_321 = tpu.memref_squeeze %dma_start3A_320 : memref<1x8192xf32, #tpu.memory_space<vmem>> -> memref<8192xf32, #tpu.memory_space<vmem>>
      %dma_start3A_322 = tpu.memref_slice %arg2[%add3A, %run_scoped3A_48, %add3A_44] : memref<4x4x262144xf32, #tpu.memory_space<hbm>> -> memref<1x1x8192xf32, #tpu.memory_space<hbm>>
      %dma_start3A_323 = tpu.memref_squeeze %dma_start3A_322 : memref<1x1x8192xf32, #tpu.memory_space<hbm>> -> memref<8192xf32, #tpu.memory_space<hbm>>
      %dma_start3A_324 = arith.constant 0 : i32
      %dma_start3A_325 = tpu.memref_slice %arg6[%run_scoped3A_49, %dma_start3A_324] : memref<4x8192xf32, #tpu.memory_space<vmem>> -> memref<1x8192xf32, #tpu.memory_space<vmem>>
      %dma_start3A_326 = tpu.memref_squeeze %dma_start3A_325 : memref<1x8192xf32, #tpu.memory_space<vmem>> -> memref<8192xf32, #tpu.memory_space<vmem>>
      %dma_start3A_327 = tpu.memref_slice %arg2[%add3A, %run_scoped3A_48, %add3A_44] : memref<4x4x262144xf32, #tpu.memory_space<hbm>> -> memref<1x1x8192xf32, #tpu.memory_space<hbm>>
      %dma_start3A_328 = tpu.memref_squeeze %dma_start3A_327 : memref<1x1x8192xf32, #tpu.memory_space<hbm>> -> memref<8192xf32, #tpu.memory_space<hbm>>
      tpu.enqueue_dma source(%dma_start3A_328 : memref<8192xf32, #tpu.memory_space<hbm>>) target(%dma_start3A_326 : memref<8192xf32, #tpu.memory_space<vmem>>) target_semaphore(%run_scoped3A_319 : memref<!tpu.dma_semaphore, #tpu.memory_space<semaphore_mem>>)
      %dma_wait3A = arith.constant 0 : i32
      %dma_wait3A_329 = tpu.memref_slice %arg6[%run_scoped3A_49, %dma_wait3A] : memref<4x8192xf32, #tpu.memory_space<vmem>> -> memref<1x8192xf32, #tpu.memory_space<vmem>>
      %dma_wait3A_330 = tpu.memref_squeeze %dma_wait3A_329 : memref<1x8192xf32, #tpu.memory_space<vmem>> -> memref<8192xf32, #tpu.memory_space<vmem>>
      %dma_wait3A_331 = tpu.memref_slice %arg2[%add3A, %run_scoped3A_48, %add3A_44] : memref<4x4x262144xf32, #tpu.memory_space<hbm>> -> memref<1x1x8192xf32, #tpu.memory_space<hbm>>
      %dma_wait3A_332 = tpu.memref_squeeze %dma_wait3A_331 : memref<1x1x8192xf32, #tpu.memory_space<hbm>> -> memref<8192xf32, #tpu.memory_space<hbm>>
      %dma_wait3A_333 = arith.constant 0 : i32
      %dma_wait3A_334 = tpu.memref_slice %arg6[%run_scoped3A_49, %dma_wait3A_333] : memref<4x8192xf32, #tpu.memory_space<vmem>> -> memref<1x8192xf32, #tpu.memory_space<vmem>>
      %dma_wait3A_335 = tpu.memref_squeeze %dma_wait3A_334 : memref<1x8192xf32, #tpu.memory_space<vmem>> -> memref<8192xf32, #tpu.memory_space<vmem>>
      %dma_wait3A_336 = tpu.memref_slice %arg2[%add3A, %run_scoped3A_48, %add3A_44] : memref<4x4x262144xf32, #tpu.memory_space<hbm>> -> memref<1x1x8192xf32, #tpu.memory_space<hbm>>
      %dma_wait3A_337 = tpu.memref_squeeze %dma_wait3A_336 : memref<1x1x8192xf32, #tpu.memory_space<hbm>> -> memref<8192xf32, #tpu.memory_space<hbm>>
      tpu.wait_dma2 semaphore(%run_scoped3A_319 : memref<!tpu.dma_semaphore, #tpu.memory_space<semaphore_mem>>) src(%dma_wait3A_337 : memref<8192xf32, #tpu.memory_space<hbm>>) dst(%dma_wait3A_335 : memref<8192xf32, #tpu.memory_space<vmem>>)
      tpu.yield
    }) : () -> ()
    %run_scoped3A_50 = arith.constant 3 : i32
    %run_scoped3A_51 = arith.constant 3 : i32
    "tpu.region"() ({
      %run_scoped3A_319 = tpu.sem_alloc : memref<!tpu.dma_semaphore, #tpu.memory_space<semaphore_mem>>
      %dma_start3A = arith.constant 0 : i32
      %dma_start3A_320 = tpu.memref_slice %arg6[%run_scoped3A_51, %dma_start3A] : memref<4x8192xf32, #tpu.memory_space<vmem>> -> memref<1x8192xf32, #tpu.memory_space<vmem>>
      %dma_start3A_321 = tpu.memref_squeeze %dma_start3A_320 : memref<1x8192xf32, #tpu.memory_space<vmem>> -> memref<8192xf32, #tpu.memory_space<vmem>>
      %dma_start3A_322 = tpu.memref_slice %arg2[%add3A, %run_scoped3A_50, %add3A_44] : memref<4x4x262144xf32, #tpu.memory_space<hbm>> -> memref<1x1x8192xf32, #tpu.memory_space<hbm>>
      %dma_start3A_323 = tpu.memref_squeeze %dma_start3A_322 : memref<1x1x8192xf32, #tpu.memory_space<hbm>> -> memref<8192xf32, #tpu.memory_space<hbm>>
      %dma_start3A_324 = arith.constant 0 : i32
      %dma_start3A_325 = tpu.memref_slice %arg6[%run_scoped3A_51, %dma_start3A_324] : memref<4x8192xf32, #tpu.memory_space<vmem>> -> memref<1x8192xf32, #tpu.memory_space<vmem>>
      %dma_start3A_326 = tpu.memref_squeeze %dma_start3A_325 : memref<1x8192xf32, #tpu.memory_space<vmem>> -> memref<8192xf32, #tpu.memory_space<vmem>>
      %dma_start3A_327 = tpu.memref_slice %arg2[%add3A, %run_scoped3A_50, %add3A_44] : memref<4x4x262144xf32, #tpu.memory_space<hbm>> -> memref<1x1x8192xf32, #tpu.memory_space<hbm>>
      %dma_start3A_328 = tpu.memref_squeeze %dma_start3A_327 : memref<1x1x8192xf32, #tpu.memory_space<hbm>> -> memref<8192xf32, #tpu.memory_space<hbm>>
      tpu.enqueue_dma source(%dma_start3A_328 : memref<8192xf32, #tpu.memory_space<hbm>>) target(%dma_start3A_326 : memref<8192xf32, #tpu.memory_space<vmem>>) target_semaphore(%run_scoped3A_319 : memref<!tpu.dma_semaphore, #tpu.memory_space<semaphore_mem>>)
      %dma_wait3A = arith.constant 0 : i32
      %dma_wait3A_329 = tpu.memref_slice %arg6[%run_scoped3A_51, %dma_wait3A] : memref<4x8192xf32, #tpu.memory_space<vmem>> -> memref<1x8192xf32, #tpu.memory_space<vmem>>
      %dma_wait3A_330 = tpu.memref_squeeze %dma_wait3A_329 : memref<1x8192xf32, #tpu.memory_space<vmem>> -> memref<8192xf32, #tpu.memory_space<vmem>>
      %dma_wait3A_331 = tpu.memref_slice %arg2[%add3A, %run_scoped3A_50, %add3A_44] : memref<4x4x262144xf32, #tpu.memory_space<hbm>> -> memref<1x1x8192xf32, #tpu.memory_space<hbm>>
      %dma_wait3A_332 = tpu.memref_squeeze %dma_wait3A_331 : memref<1x1x8192xf32, #tpu.memory_space<hbm>> -> memref<8192xf32, #tpu.memory_space<hbm>>
      %dma_wait3A_333 = arith.constant 0 : i32
      %dma_wait3A_334 = tpu.memref_slice %arg6[%run_scoped3A_51, %dma_wait3A_333] : memref<4x8192xf32, #tpu.memory_space<vmem>> -> memref<1x8192xf32, #tpu.memory_space<vmem>>
      %dma_wait3A_335 = tpu.memref_squeeze %dma_wait3A_334 : memref<1x8192xf32, #tpu.memory_space<vmem>> -> memref<8192xf32, #tpu.memory_space<vmem>>
      %dma_wait3A_336 = tpu.memref_slice %arg2[%add3A, %run_scoped3A_50, %add3A_44] : memref<4x4x262144xf32, #tpu.memory_space<hbm>> -> memref<1x1x8192xf32, #tpu.memory_space<hbm>>
      %dma_wait3A_337 = tpu.memref_squeeze %dma_wait3A_336 : memref<1x1x8192xf32, #tpu.memory_space<hbm>> -> memref<8192xf32, #tpu.memory_space<hbm>>
      tpu.wait_dma2 semaphore(%run_scoped3A_319 : memref<!tpu.dma_semaphore, #tpu.memory_space<semaphore_mem>>) src(%dma_wait3A_337 : memref<8192xf32, #tpu.memory_space<hbm>>) dst(%dma_wait3A_335 : memref<8192xf32, #tpu.memory_space<vmem>>)
      tpu.yield
    }) : () -> ()
    %scan3A = arith.constant 0 : i32
    %scan3A_52 = arith.constant 0 : i32
    %scan3A_53 = arith.constant 512 : i32
    %scan3A_54 = arith.addi %scan3A_52, %scan3A_53 : i32
    %scan3A_55 = arith.constant 1 : i32
    %scan3A_56 = scf.for %scan3A_319 = %scan3A_52 to %scan3A_54 step %scan3A_55 iter_args(%scan3A_320 = %scan3A) -> (i32)  : i32 {
      %mul3A_321 = arith.constant 16 : i32
      %mul3A_322 = arith.muli %scan3A_319, %mul3A_321 : i32
      %multiple_of3A = tpu.assume_multiple %mul3A_322, 16 : i32
      %get3A_323 = arith.index_cast %multiple_of3A : i32 to index
      %get3A_324 = tpu.vector_load %arg5[%get3A_323] {strides = array<i32>} : memref<8192xi32, #tpu.memory_space<vmem>>, vector<16xi32>,
      %get3A_325 = arith.constant 0 : i32
      %get3A_326 = arith.index_cast %get3A_325 : i32 to index
      %get3A_327 = arith.index_cast %multiple_of3A : i32 to index
      %get3A_328 = tpu.vector_load %arg6[%get3A_326, %get3A_327] {strides = array<i32>} : memref<4x8192xf32, #tpu.memory_space<vmem>>, vector<16xf32>,
      %get3A_329 = arith.constant 1 : i32
      %get3A_330 = arith.index_cast %get3A_329 : i32 to index
      %get3A_331 = arith.index_cast %multiple_of3A : i32 to index
      %get3A_332 = tpu.vector_load %arg6[%get3A_330, %get3A_331] {strides = array<i32>} : memref<4x8192xf32, #tpu.memory_space<vmem>>, vector<16xf32>,
      %get3A_333 = arith.constant 2 : i32
      %get3A_334 = arith.index_cast %get3A_333 : i32 to index
      %get3A_335 = arith.index_cast %multiple_of3A : i32 to index
      %get3A_336 = tpu.vector_load %arg6[%get3A_334, %get3A_335] {strides = array<i32>} : memref<4x8192xf32, #tpu.memory_space<vmem>>, vector<16xf32>,
      %get3A_337 = arith.constant 3 : i32
      %get3A_338 = arith.index_cast %get3A_337 : i32 to index
      %get3A_339 = arith.index_cast %multiple_of3A : i32 to index
      %get3A_340 = tpu.vector_load %arg6[%get3A_338, %get3A_339] {strides = array<i32>} : memref<4x8192xf32, #tpu.memory_space<vmem>>, vector<16xf32>,
      %mul3A_341 = arith.mulf %get3A_328, %get3A_328 : vector<16xf32>
      %mul3A_342 = arith.mulf %get3A_332, %get3A_332 : vector<16xf32>
      %add3A_343 = arith.addf %mul3A_341, %mul3A_342 : vector<16xf32>
      %mul3A_344 = arith.mulf %get3A_336, %get3A_336 : vector<16xf32>
      %add3A_345 = arith.addf %add3A_343, %mul3A_344 : vector<16xf32>
      %mul3A_346 = arith.mulf %get3A_340, %get3A_340 : vector<16xf32>
      %add3A_347 = arith.addf %add3A_345, %mul3A_346 : vector<16xf32>
      %max3A_348 = arith.constant 1.000000e-30 : f32
      %max3A_349 = vector.broadcast %max3A_348 : f32 to vector<16xf32>
      %max3A_350 = arith.maximumf %add3A_347, %max3A_349 : vector<16xf32>
      %bitcast_convert_type3A = tpu.bitcast %max3A_350 : vector<16xf32> -> vector<16xi32>
      %shift_right_logical3A = arith.constant 1 : i32
      %shift_right_logical3A_351 = vector.broadcast %shift_right_logical3A : i32 to vector<16xi32>
      %shift_right_logical3A_352 = arith.shrui %bitcast_convert_type3A, %shift_right_logical3A_351 : vector<16xi32>
      %sub3A_353 = arith.constant 1597463007 : i32
      %sub3A_354 = vector.broadcast %sub3A_353 : i32 to vector<16xi32>
      %sub3A_355 = arith.subi %sub3A_354, %shift_right_logical3A_352 : vector<16xi32>
      %bitcast_convert_type3A_356 = tpu.bitcast %sub3A_355 : vector<16xi32> -> vector<16xf32>
      %mul3A_357 = arith.constant 5.000000e-01 : f32
      %mul3A_358 = vector.broadcast %mul3A_357 : f32 to vector<16xf32>
      %mul3A_359 = arith.mulf %mul3A_358, %max3A_350 : vector<16xf32>
      %mul3A_360 = arith.mulf %mul3A_359, %bitcast_convert_type3A_356 : vector<16xf32>
      %mul3A_361 = arith.mulf %mul3A_360, %bitcast_convert_type3A_356 : vector<16xf32>
      %sub3A_362 = arith.constant 1.500000e+00 : f32
      %sub3A_363 = vector.broadcast %sub3A_362 : f32 to vector<16xf32>
      %sub3A_364 = arith.subf %sub3A_363, %mul3A_361 : vector<16xf32>
      %mul3A_365 = arith.mulf %bitcast_convert_type3A_356, %sub3A_364 : vector<16xf32>
      %mul3A_366 = arith.constant 5.000000e-01 : f32
      %mul3A_367 = vector.broadcast %mul3A_366 : f32 to vector<16xf32>
      %mul3A_368 = arith.mulf %mul3A_367, %max3A_350 : vector<16xf32>
      %mul3A_369 = arith.mulf %mul3A_368, %mul3A_365 : vector<16xf32>
      %mul3A_370 = arith.mulf %mul3A_369, %mul3A_365 : vector<16xf32>
      %sub3A_371 = arith.constant 1.500000e+00 : f32
      %sub3A_372 = vector.broadcast %sub3A_371 : f32 to vector<16xf32>
      %sub3A_373 = arith.subf %sub3A_372, %mul3A_370 : vector<16xf32>
      %mul3A_374 = arith.mulf %mul3A_365, %sub3A_373 : vector<16xf32>
      %mul3A_375 = arith.constant 5.000000e-01 : f32
      %mul3A_376 = vector.broadcast %mul3A_375 : f32 to vector<16xf32>
      %mul3A_377 = arith.mulf %mul3A_376, %max3A_350 : vector<16xf32>
      %mul3A_378 = arith.mulf %mul3A_377, %mul3A_374 : vector<16xf32>
      %mul3A_379 = arith.mulf %mul3A_378, %mul3A_374 : vector<16xf32>
      %sub3A_380 = arith.constant 1.500000e+00 : f32
      %sub3A_381 = vector.broadcast %sub3A_380 : f32 to vector<16xf32>
      %sub3A_382 = arith.subf %sub3A_381, %mul3A_379 : vector<16xf32>
      %mul3A_383 = arith.mulf %mul3A_374, %sub3A_382 : vector<16xf32>
      %mul3A_384 = arith.mulf %max3A_350, %mul3A_383 : vector<16xf32>
      %add3A_385 = arith.constant 0 : i32
      %add3A_386 = vector.broadcast %add3A_385 : i32 to vector<16xi32>
      %add3A_387 = arith.addi %get3A_324, %add3A_386 : vector<16xi32>
      tpu.vector_store_idx %arg7[%add3A_387], %get3A_328 {add = true} : memref<48xf32, #tpu.memory_space<vmem>>[vector<16xi32>], vector<16xf32>,
      %add3A_388 = arith.constant 8 : i32
      %add3A_389 = vector.broadcast %add3A_388 : i32 to vector<16xi32>
      %add3A_390 = arith.addi %get3A_324, %add3A_389 : vector<16xi32>
      tpu.vector_store_idx %arg7[%add3A_390], %get3A_332 {add = true} : memref<48xf32, #tpu.memory_space<vmem>>[vector<16xi32>], vector<16xf32>,
      %add3A_391 = arith.constant 16 : i32
      %add3A_392 = vector.broadcast %add3A_391 : i32 to vector<16xi32>
      %add3A_393 = arith.addi %get3A_324, %add3A_392 : vector<16xi32>
      tpu.vector_store_idx %arg7[%add3A_393], %get3A_336 {add = true} : memref<48xf32, #tpu.memory_space<vmem>>[vector<16xi32>], vector<16xf32>,
      %add3A_394 = arith.constant 24 : i32
      %add3A_395 = vector.broadcast %add3A_394 : i32 to vector<16xi32>
      %add3A_396 = arith.addi %get3A_324, %add3A_395 : vector<16xi32>
      tpu.vector_store_idx %arg7[%add3A_396], %get3A_340 {add = true} : memref<48xf32, #tpu.memory_space<vmem>>[vector<16xi32>], vector<16xf32>,
      %add3A_397 = arith.constant 32 : i32
      %add3A_398 = vector.broadcast %add3A_397 : i32 to vector<16xi32>
      %add3A_399 = arith.addi %get3A_324, %add3A_398 : vector<16xi32>
      tpu.vector_store_idx %arg7[%add3A_399], %broadcast_in_dim3A_35 {add = true} : memref<48xf32, #tpu.memory_space<vmem>>[vector<16xi32>], vector<16xf32>,
      %add3A_400 = arith.constant 40 : i32
      %add3A_401 = vector.broadcast %add3A_400 : i32 to vector<16xi32>
      %add3A_402 = arith.addi %get3A_324, %add3A_401 : vector<16xi32>
      tpu.vector_store_idx %arg7[%add3A_402], %mul3A_384 {add = true} : memref<48xf32, #tpu.memory_space<vmem>>[vector<16xi32>], vector<16xf32>,
      %scan3A_403 = arith.constant 0 : i32
      scf.yield %scan3A_403 : i32
    }
    %scan3A_57 = arith.constant 512 : i32
    %add3A_58 = arith.constant 8192 : i32
    %add3A_59 = arith.addi %mul3A_32, %add3A_58 : i32
    "tpu.region"() ({
      %run_scoped3A_319 = tpu.sem_alloc : memref<!tpu.dma_semaphore, #tpu.memory_space<semaphore_mem>>
      %dma_start3A = tpu.memref_slice %arg3[%add3A, %add3A_59] : memref<4x262144xi32, #tpu.memory_space<hbm>> -> memref<1x8192xi32, #tpu.memory_space<hbm>>
      %dma_start3A_320 = tpu.memref_squeeze %dma_start3A : memref<1x8192xi32, #tpu.memory_space<hbm>> -> memref<8192xi32, #tpu.memory_space<hbm>>
      %dma_start3A_321 = tpu.memref_slice %arg3[%add3A, %add3A_59] : memref<4x262144xi32, #tpu.memory_space<hbm>> -> memref<1x8192xi32, #tpu.memory_space<hbm>>
      %dma_start3A_322 = tpu.memref_squeeze %dma_start3A_321 : memref<1x8192xi32, #tpu.memory_space<hbm>> -> memref<8192xi32, #tpu.memory_space<hbm>>
      tpu.enqueue_dma source(%dma_start3A_322 : memref<8192xi32, #tpu.memory_space<hbm>>) target(%arg5 : memref<8192xi32, #tpu.memory_space<vmem>>) target_semaphore(%run_scoped3A_319 : memref<!tpu.dma_semaphore, #tpu.memory_space<semaphore_mem>>)
      %dma_wait3A = tpu.memref_slice %arg3[%add3A, %add3A_59] : memref<4x262144xi32, #tpu.memory_space<hbm>> -> memref<1x8192xi32, #tpu.memory_space<hbm>>
      %dma_wait3A_323 = tpu.memref_squeeze %dma_wait3A : memref<1x8192xi32, #tpu.memory_space<hbm>> -> memref<8192xi32, #tpu.memory_space<hbm>>
      %dma_wait3A_324 = tpu.memref_slice %arg3[%add3A, %add3A_59] : memref<4x262144xi32, #tpu.memory_space<hbm>> -> memref<1x8192xi32, #tpu.memory_space<hbm>>
      %dma_wait3A_325 = tpu.memref_squeeze %dma_wait3A_324 : memref<1x8192xi32, #tpu.memory_space<hbm>> -> memref<8192xi32, #tpu.memory_space<hbm>>
      tpu.wait_dma2 semaphore(%run_scoped3A_319 : memref<!tpu.dma_semaphore, #tpu.memory_space<semaphore_mem>>) src(%dma_wait3A_325 : memref<8192xi32, #tpu.memory_space<hbm>>) dst(%arg5 : memref<8192xi32, #tpu.memory_space<vmem>>)
      tpu.yield
    }) : () -> ()
    %run_scoped3A_60 = arith.constant 0 : i32
    %run_scoped3A_61 = arith.constant 0 : i32
    "tpu.region"() ({
      %run_scoped3A_319 = tpu.sem_alloc : memref<!tpu.dma_semaphore, #tpu.memory_space<semaphore_mem>>
      %dma_start3A = arith.constant 0 : i32
      %dma_start3A_320 = tpu.memref_slice %arg6[%run_scoped3A_61, %dma_start3A] : memref<4x8192xf32, #tpu.memory_space<vmem>> -> memref<1x8192xf32, #tpu.memory_space<vmem>>
      %dma_start3A_321 = tpu.memref_squeeze %dma_start3A_320 : memref<1x8192xf32, #tpu.memory_space<vmem>> -> memref<8192xf32, #tpu.memory_space<vmem>>
      %dma_start3A_322 = tpu.memref_slice %arg2[%add3A, %run_scoped3A_60, %add3A_59] : memref<4x4x262144xf32, #tpu.memory_space<hbm>> -> memref<1x1x8192xf32, #tpu.memory_space<hbm>>
      %dma_start3A_323 = tpu.memref_squeeze %dma_start3A_322 : memref<1x1x8192xf32, #tpu.memory_space<hbm>> -> memref<8192xf32, #tpu.memory_space<hbm>>
      %dma_start3A_324 = arith.constant 0 : i32
      %dma_start3A_325 = tpu.memref_slice %arg6[%run_scoped3A_61, %dma_start3A_324] : memref<4x8192xf32, #tpu.memory_space<vmem>> -> memref<1x8192xf32, #tpu.memory_space<vmem>>
      %dma_start3A_326 = tpu.memref_squeeze %dma_start3A_325 : memref<1x8192xf32, #tpu.memory_space<vmem>> -> memref<8192xf32, #tpu.memory_space<vmem>>
      %dma_start3A_327 = tpu.memref_slice %arg2[%add3A, %run_scoped3A_60, %add3A_59] : memref<4x4x262144xf32, #tpu.memory_space<hbm>> -> memref<1x1x8192xf32, #tpu.memory_space<hbm>>
      %dma_start3A_328 = tpu.memref_squeeze %dma_start3A_327 : memref<1x1x8192xf32, #tpu.memory_space<hbm>> -> memref<8192xf32, #tpu.memory_space<hbm>>
      tpu.enqueue_dma source(%dma_start3A_328 : memref<8192xf32, #tpu.memory_space<hbm>>) target(%dma_start3A_326 : memref<8192xf32, #tpu.memory_space<vmem>>) target_semaphore(%run_scoped3A_319 : memref<!tpu.dma_semaphore, #tpu.memory_space<semaphore_mem>>)
      %dma_wait3A = arith.constant 0 : i32
      %dma_wait3A_329 = tpu.memref_slice %arg6[%run_scoped3A_61, %dma_wait3A] : memref<4x8192xf32, #tpu.memory_space<vmem>> -> memref<1x8192xf32, #tpu.memory_space<vmem>>
      %dma_wait3A_330 = tpu.memref_squeeze %dma_wait3A_329 : memref<1x8192xf32, #tpu.memory_space<vmem>> -> memref<8192xf32, #tpu.memory_space<vmem>>
      %dma_wait3A_331 = tpu.memref_slice %arg2[%add3A, %run_scoped3A_60, %add3A_59] : memref<4x4x262144xf32, #tpu.memory_space<hbm>> -> memref<1x1x8192xf32, #tpu.memory_space<hbm>>
      %dma_wait3A_332 = tpu.memref_squeeze %dma_wait3A_331 : memref<1x1x8192xf32, #tpu.memory_space<hbm>> -> memref<8192xf32, #tpu.memory_space<hbm>>
      %dma_wait3A_333 = arith.constant 0 : i32
      %dma_wait3A_334 = tpu.memref_slice %arg6[%run_scoped3A_61, %dma_wait3A_333] : memref<4x8192xf32, #tpu.memory_space<vmem>> -> memref<1x8192xf32, #tpu.memory_space<vmem>>
      %dma_wait3A_335 = tpu.memref_squeeze %dma_wait3A_334 : memref<1x8192xf32, #tpu.memory_space<vmem>> -> memref<8192xf32, #tpu.memory_space<vmem>>
      %dma_wait3A_336 = tpu.memref_slice %arg2[%add3A, %run_scoped3A_60, %add3A_59] : memref<4x4x262144xf32, #tpu.memory_space<hbm>> -> memref<1x1x8192xf32, #tpu.memory_space<hbm>>
      %dma_wait3A_337 = tpu.memref_squeeze %dma_wait3A_336 : memref<1x1x8192xf32, #tpu.memory_space<hbm>> -> memref<8192xf32, #tpu.memory_space<hbm>>
      tpu.wait_dma2 semaphore(%run_scoped3A_319 : memref<!tpu.dma_semaphore, #tpu.memory_space<semaphore_mem>>) src(%dma_wait3A_337 : memref<8192xf32, #tpu.memory_space<hbm>>) dst(%dma_wait3A_335 : memref<8192xf32, #tpu.memory_space<vmem>>)
      tpu.yield
    }) : () -> ()
    %run_scoped3A_62 = arith.constant 1 : i32
    %run_scoped3A_63 = arith.constant 1 : i32
    "tpu.region"() ({
      %run_scoped3A_319 = tpu.sem_alloc : memref<!tpu.dma_semaphore, #tpu.memory_space<semaphore_mem>>
      %dma_start3A = arith.constant 0 : i32
      %dma_start3A_320 = tpu.memref_slice %arg6[%run_scoped3A_63, %dma_start3A] : memref<4x8192xf32, #tpu.memory_space<vmem>> -> memref<1x8192xf32, #tpu.memory_space<vmem>>
      %dma_start3A_321 = tpu.memref_squeeze %dma_start3A_320 : memref<1x8192xf32, #tpu.memory_space<vmem>> -> memref<8192xf32, #tpu.memory_space<vmem>>
      %dma_start3A_322 = tpu.memref_slice %arg2[%add3A, %run_scoped3A_62, %add3A_59] : memref<4x4x262144xf32, #tpu.memory_space<hbm>> -> memref<1x1x8192xf32, #tpu.memory_space<hbm>>
      %dma_start3A_323 = tpu.memref_squeeze %dma_start3A_322 : memref<1x1x8192xf32, #tpu.memory_space<hbm>> -> memref<8192xf32, #tpu.memory_space<hbm>>
      %dma_start3A_324 = arith.constant 0 : i32
      %dma_start3A_325 = tpu.memref_slice %arg6[%run_scoped3A_63, %dma_start3A_324] : memref<4x8192xf32, #tpu.memory_space<vmem>> -> memref<1x8192xf32, #tpu.memory_space<vmem>>
      %dma_start3A_326 = tpu.memref_squeeze %dma_start3A_325 : memref<1x8192xf32, #tpu.memory_space<vmem>> -> memref<8192xf32, #tpu.memory_space<vmem>>
      %dma_start3A_327 = tpu.memref_slice %arg2[%add3A, %run_scoped3A_62, %add3A_59] : memref<4x4x262144xf32, #tpu.memory_space<hbm>> -> memref<1x1x8192xf32, #tpu.memory_space<hbm>>
      %dma_start3A_328 = tpu.memref_squeeze %dma_start3A_327 : memref<1x1x8192xf32, #tpu.memory_space<hbm>> -> memref<8192xf32, #tpu.memory_space<hbm>>
      tpu.enqueue_dma source(%dma_start3A_328 : memref<8192xf32, #tpu.memory_space<hbm>>) target(%dma_start3A_326 : memref<8192xf32, #tpu.memory_space<vmem>>) target_semaphore(%run_scoped3A_319 : memref<!tpu.dma_semaphore, #tpu.memory_space<semaphore_mem>>)
      %dma_wait3A = arith.constant 0 : i32
      %dma_wait3A_329 = tpu.memref_slice %arg6[%run_scoped3A_63, %dma_wait3A] : memref<4x8192xf32, #tpu.memory_space<vmem>> -> memref<1x8192xf32, #tpu.memory_space<vmem>>
      %dma_wait3A_330 = tpu.memref_squeeze %dma_wait3A_329 : memref<1x8192xf32, #tpu.memory_space<vmem>> -> memref<8192xf32, #tpu.memory_space<vmem>>
      %dma_wait3A_331 = tpu.memref_slice %arg2[%add3A, %run_scoped3A_62, %add3A_59] : memref<4x4x262144xf32, #tpu.memory_space<hbm>> -> memref<1x1x8192xf32, #tpu.memory_space<hbm>>
      %dma_wait3A_332 = tpu.memref_squeeze %dma_wait3A_331 : memref<1x1x8192xf32, #tpu.memory_space<hbm>> -> memref<8192xf32, #tpu.memory_space<hbm>>
      %dma_wait3A_333 = arith.constant 0 : i32
      %dma_wait3A_334 = tpu.memref_slice %arg6[%run_scoped3A_63, %dma_wait3A_333] : memref<4x8192xf32, #tpu.memory_space<vmem>> -> memref<1x8192xf32, #tpu.memory_space<vmem>>
      %dma_wait3A_335 = tpu.memref_squeeze %dma_wait3A_334 : memref<1x8192xf32, #tpu.memory_space<vmem>> -> memref<8192xf32, #tpu.memory_space<vmem>>
      %dma_wait3A_336 = tpu.memref_slice %arg2[%add3A, %run_scoped3A_62, %add3A_59] : memref<4x4x262144xf32, #tpu.memory_space<hbm>> -> memref<1x1x8192xf32, #tpu.memory_space<hbm>>
      %dma_wait3A_337 = tpu.memref_squeeze %dma_wait3A_336 : memref<1x1x8192xf32, #tpu.memory_space<hbm>> -> memref<8192xf32, #tpu.memory_space<hbm>>
      tpu.wait_dma2 semaphore(%run_scoped3A_319 : memref<!tpu.dma_semaphore, #tpu.memory_space<semaphore_mem>>) src(%dma_wait3A_337 : memref<8192xf32, #tpu.memory_space<hbm>>) dst(%dma_wait3A_335 : memref<8192xf32, #tpu.memory_space<vmem>>)
      tpu.yield
    }) : () -> ()
    %run_scoped3A_64 = arith.constant 2 : i32
    %run_scoped3A_65 = arith.constant 2 : i32
    "tpu.region"() ({
      %run_scoped3A_319 = tpu.sem_alloc : memref<!tpu.dma_semaphore, #tpu.memory_space<semaphore_mem>>
      %dma_start3A = arith.constant 0 : i32
      %dma_start3A_320 = tpu.memref_slice %arg6[%run_scoped3A_65, %dma_start3A] : memref<4x8192xf32, #tpu.memory_space<vmem>> -> memref<1x8192xf32, #tpu.memory_space<vmem>>
      %dma_start3A_321 = tpu.memref_squeeze %dma_start3A_320 : memref<1x8192xf32, #tpu.memory_space<vmem>> -> memref<8192xf32, #tpu.memory_space<vmem>>
      %dma_start3A_322 = tpu.memref_slice %arg2[%add3A, %run_scoped3A_64, %add3A_59] : memref<4x4x262144xf32, #tpu.memory_space<hbm>> -> memref<1x1x8192xf32, #tpu.memory_space<hbm>>
      %dma_start3A_323 = tpu.memref_squeeze %dma_start3A_322 : memref<1x1x8192xf32, #tpu.memory_space<hbm>> -> memref<8192xf32, #tpu.memory_space<hbm>>
      %dma_start3A_324 = arith.constant 0 : i32
      %dma_start3A_325 = tpu.memref_slice %arg6[%run_scoped3A_65, %dma_start3A_324] : memref<4x8192xf32, #tpu.memory_space<vmem>> -> memref<1x8192xf32, #tpu.memory_space<vmem>>
      %dma_start3A_326 = tpu.memref_squeeze %dma_start3A_325 : memref<1x8192xf32, #tpu.memory_space<vmem>> -> memref<8192xf32, #tpu.memory_space<vmem>>
      %dma_start3A_327 = tpu.memref_slice %arg2[%add3A, %run_scoped3A_64, %add3A_59] : memref<4x4x262144xf32, #tpu.memory_space<hbm>> -> memref<1x1x8192xf32, #tpu.memory_space<hbm>>
      %dma_start3A_328 = tpu.memref_squeeze %dma_start3A_327 : memref<1x1x8192xf32, #tpu.memory_space<hbm>> -> memref<8192xf32, #tpu.memory_space<hbm>>
      tpu.enqueue_dma source(%dma_start3A_328 : memref<8192xf32, #tpu.memory_space<hbm>>) target(%dma_start3A_326 : memref<8192xf32, #tpu.memory_space<vmem>>) target_semaphore(%run_scoped3A_319 : memref<!tpu.dma_semaphore, #tpu.memory_space<semaphore_mem>>)
      %dma_wait3A = arith.constant 0 : i32
      %dma_wait3A_329 = tpu.memref_slice %arg6[%run_scoped3A_65, %dma_wait3A] : memref<4x8192xf32, #tpu.memory_space<vmem>> -> memref<1x8192xf32, #tpu.memory_space<vmem>>
      %dma_wait3A_330 = tpu.memref_squeeze %dma_wait3A_329 : memref<1x8192xf32, #tpu.memory_space<vmem>> -> memref<8192xf32, #tpu.memory_space<vmem>>
      %dma_wait3A_331 = tpu.memref_slice %arg2[%add3A, %run_scoped3A_64, %add3A_59] : memref<4x4x262144xf32, #tpu.memory_space<hbm>> -> memref<1x1x8192xf32, #tpu.memory_space<hbm>>
      %dma_wait3A_332 = tpu.memref_squeeze %dma_wait3A_331 : memref<1x1x8192xf32, #tpu.memory_space<hbm>> -> memref<8192xf32, #tpu.memory_space<hbm>>
      %dma_wait3A_333 = arith.constant 0 : i32
      %dma_wait3A_334 = tpu.memref_slice %arg6[%run_scoped3A_65, %dma_wait3A_333] : memref<4x8192xf32, #tpu.memory_space<vmem>> -> memref<1x8192xf32, #tpu.memory_space<vmem>>
      %dma_wait3A_335 = tpu.memref_squeeze %dma_wait3A_334 : memref<1x8192xf32, #tpu.memory_space<vmem>> -> memref<8192xf32, #tpu.memory_space<vmem>>
      %dma_wait3A_336 = tpu.memref_slice %arg2[%add3A, %run_scoped3A_64, %add3A_59] : memref<4x4x262144xf32, #tpu.memory_space<hbm>> -> memref<1x1x8192xf32, #tpu.memory_space<hbm>>
      %dma_wait3A_337 = tpu.memref_squeeze %dma_wait3A_336 : memref<1x1x8192xf32, #tpu.memory_space<hbm>> -> memref<8192xf32, #tpu.memory_space<hbm>>
      tpu.wait_dma2 semaphore(%run_scoped3A_319 : memref<!tpu.dma_semaphore, #tpu.memory_space<semaphore_mem>>) src(%dma_wait3A_337 : memref<8192xf32, #tpu.memory_space<hbm>>) dst(%dma_wait3A_335 : memref<8192xf32, #tpu.memory_space<vmem>>)
      tpu.yield
    }) : () -> ()
    %run_scoped3A_66 = arith.constant 3 : i32
    %run_scoped3A_67 = arith.constant 3 : i32
    "tpu.region"() ({
      %run_scoped3A_319 = tpu.sem_alloc : memref<!tpu.dma_semaphore, #tpu.memory_space<semaphore_mem>>
      %dma_start3A = arith.constant 0 : i32
      %dma_start3A_320 = tpu.memref_slice %arg6[%run_scoped3A_67, %dma_start3A] : memref<4x8192xf32, #tpu.memory_space<vmem>> -> memref<1x8192xf32, #tpu.memory_space<vmem>>
      %dma_start3A_321 = tpu.memref_squeeze %dma_start3A_320 : memref<1x8192xf32, #tpu.memory_space<vmem>> -> memref<8192xf32, #tpu.memory_space<vmem>>
      %dma_start3A_322 = tpu.memref_slice %arg2[%add3A, %run_scoped3A_66, %add3A_59] : memref<4x4x262144xf32, #tpu.memory_space<hbm>> -> memref<1x1x8192xf32, #tpu.memory_space<hbm>>
      %dma_start3A_323 = tpu.memref_squeeze %dma_start3A_322 : memref<1x1x8192xf32, #tpu.memory_space<hbm>> -> memref<8192xf32, #tpu.memory_space<hbm>>
      %dma_start3A_324 = arith.constant 0 : i32
      %dma_start3A_325 = tpu.memref_slice %arg6[%run_scoped3A_67, %dma_start3A_324] : memref<4x8192xf32, #tpu.memory_space<vmem>> -> memref<1x8192xf32, #tpu.memory_space<vmem>>
      %dma_start3A_326 = tpu.memref_squeeze %dma_start3A_325 : memref<1x8192xf32, #tpu.memory_space<vmem>> -> memref<8192xf32, #tpu.memory_space<vmem>>
      %dma_start3A_327 = tpu.memref_slice %arg2[%add3A, %run_scoped3A_66, %add3A_59] : memref<4x4x262144xf32, #tpu.memory_space<hbm>> -> memref<1x1x8192xf32, #tpu.memory_space<hbm>>
      %dma_start3A_328 = tpu.memref_squeeze %dma_start3A_327 : memref<1x1x8192xf32, #tpu.memory_space<hbm>> -> memref<8192xf32, #tpu.memory_space<hbm>>
      tpu.enqueue_dma source(%dma_start3A_328 : memref<8192xf32, #tpu.memory_space<hbm>>) target(%dma_start3A_326 : memref<8192xf32, #tpu.memory_space<vmem>>) target_semaphore(%run_scoped3A_319 : memref<!tpu.dma_semaphore, #tpu.memory_space<semaphore_mem>>)
      %dma_wait3A = arith.constant 0 : i32
      %dma_wait3A_329 = tpu.memref_slice %arg6[%run_scoped3A_67, %dma_wait3A] : memref<4x8192xf32, #tpu.memory_space<vmem>> -> memref<1x8192xf32, #tpu.memory_space<vmem>>
      %dma_wait3A_330 = tpu.memref_squeeze %dma_wait3A_329 : memref<1x8192xf32, #tpu.memory_space<vmem>> -> memref<8192xf32, #tpu.memory_space<vmem>>
      %dma_wait3A_331 = tpu.memref_slice %arg2[%add3A, %run_scoped3A_66, %add3A_59] : memref<4x4x262144xf32, #tpu.memory_space<hbm>> -> memref<1x1x8192xf32, #tpu.memory_space<hbm>>
      %dma_wait3A_332 = tpu.memref_squeeze %dma_wait3A_331 : memref<1x1x8192xf32, #tpu.memory_space<hbm>> -> memref<8192xf32, #tpu.memory_space<hbm>>
      %dma_wait3A_333 = arith.constant 0 : i32
      %dma_wait3A_334 = tpu.memref_slice %arg6[%run_scoped3A_67, %dma_wait3A_333] : memref<4x8192xf32, #tpu.memory_space<vmem>> -> memref<1x8192xf32, #tpu.memory_space<vmem>>
      %dma_wait3A_335 = tpu.memref_squeeze %dma_wait3A_334 : memref<1x8192xf32, #tpu.memory_space<vmem>> -> memref<8192xf32, #tpu.memory_space<vmem>>
      %dma_wait3A_336 = tpu.memref_slice %arg2[%add3A, %run_scoped3A_66, %add3A_59] : memref<4x4x262144xf32, #tpu.memory_space<hbm>> -> memref<1x1x8192xf32, #tpu.memory_space<hbm>>
      %dma_wait3A_337 = tpu.memref_squeeze %dma_wait3A_336 : memref<1x1x8192xf32, #tpu.memory_space<hbm>> -> memref<8192xf32, #tpu.memory_space<hbm>>
      tpu.wait_dma2 semaphore(%run_scoped3A_319 : memref<!tpu.dma_semaphore, #tpu.memory_space<semaphore_mem>>) src(%dma_wait3A_337 : memref<8192xf32, #tpu.memory_space<hbm>>) dst(%dma_wait3A_335 : memref<8192xf32, #tpu.memory_space<vmem>>)
      tpu.yield
    }) : () -> ()
    %scan3A_68 = arith.constant 0 : i32
    %scan3A_69 = arith.constant 0 : i32
    %scan3A_70 = arith.constant 512 : i32
    %scan3A_71 = arith.addi %scan3A_69, %scan3A_70 : i32
    %scan3A_72 = arith.constant 1 : i32
    %scan3A_73 = scf.for %scan3A_319 = %scan3A_69 to %scan3A_71 step %scan3A_72 iter_args(%scan3A_320 = %scan3A_68) -> (i32)  : i32 {
      %mul3A_321 = arith.constant 16 : i32
      %mul3A_322 = arith.muli %scan3A_319, %mul3A_321 : i32
      %multiple_of3A = tpu.assume_multiple %mul3A_322, 16 : i32
      %get3A_323 = arith.index_cast %multiple_of3A : i32 to index
      %get3A_324 = tpu.vector_load %arg5[%get3A_323] {strides = array<i32>} : memref<8192xi32, #tpu.memory_space<vmem>>, vector<16xi32>,
      %get3A_325 = arith.constant 0 : i32
      %get3A_326 = arith.index_cast %get3A_325 : i32 to index
      %get3A_327 = arith.index_cast %multiple_of3A : i32 to index
      %get3A_328 = tpu.vector_load %arg6[%get3A_326, %get3A_327] {strides = array<i32>} : memref<4x8192xf32, #tpu.memory_space<vmem>>, vector<16xf32>,
      %get3A_329 = arith.constant 1 : i32
      %get3A_330 = arith.index_cast %get3A_329 : i32 to index
      %get3A_331 = arith.index_cast %multiple_of3A : i32 to index
      %get3A_332 = tpu.vector_load %arg6[%get3A_330, %get3A_331] {strides = array<i32>} : memref<4x8192xf32, #tpu.memory_space<vmem>>, vector<16xf32>,
      %get3A_333 = arith.constant 2 : i32
      %get3A_334 = arith.index_cast %get3A_333 : i32 to index
      %get3A_335 = arith.index_cast %multiple_of3A : i32 to index
      %get3A_336 = tpu.vector_load %arg6[%get3A_334, %get3A_335] {strides = array<i32>} : memref<4x8192xf32, #tpu.memory_space<vmem>>, vector<16xf32>,
      %get3A_337 = arith.constant 3 : i32
      %get3A_338 = arith.index_cast %get3A_337 : i32 to index
      %get3A_339 = arith.index_cast %multiple_of3A : i32 to index
      %get3A_340 = tpu.vector_load %arg6[%get3A_338, %get3A_339] {strides = array<i32>} : memref<4x8192xf32, #tpu.memory_space<vmem>>, vector<16xf32>,
      %mul3A_341 = arith.mulf %get3A_328, %get3A_328 : vector<16xf32>
      %mul3A_342 = arith.mulf %get3A_332, %get3A_332 : vector<16xf32>
      %add3A_343 = arith.addf %mul3A_341, %mul3A_342 : vector<16xf32>
      %mul3A_344 = arith.mulf %get3A_336, %get3A_336 : vector<16xf32>
      %add3A_345 = arith.addf %add3A_343, %mul3A_344 : vector<16xf32>
      %mul3A_346 = arith.mulf %get3A_340, %get3A_340 : vector<16xf32>
      %add3A_347 = arith.addf %add3A_345, %mul3A_346 : vector<16xf32>
      %max3A_348 = arith.constant 1.000000e-30 : f32
      %max3A_349 = vector.broadcast %max3A_348 : f32 to vector<16xf32>
      %max3A_350 = arith.maximumf %add3A_347, %max3A_349 : vector<16xf32>
      %bitcast_convert_type3A = tpu.bitcast %max3A_350 : vector<16xf32> -> vector<16xi32>
      %shift_right_logical3A = arith.constant 1 : i32
      %shift_right_logical3A_351 = vector.broadcast %shift_right_logical3A : i32 to vector<16xi32>
      %shift_right_logical3A_352 = arith.shrui %bitcast_convert_type3A, %shift_right_logical3A_351 : vector<16xi32>
      %sub3A_353 = arith.constant 1597463007 : i32
      %sub3A_354 = vector.broadcast %sub3A_353 : i32 to vector<16xi32>
      %sub3A_355 = arith.subi %sub3A_354, %shift_right_logical3A_352 : vector<16xi32>
      %bitcast_convert_type3A_356 = tpu.bitcast %sub3A_355 : vector<16xi32> -> vector<16xf32>
      %mul3A_357 = arith.constant 5.000000e-01 : f32
      %mul3A_358 = vector.broadcast %mul3A_357 : f32 to vector<16xf32>
      %mul3A_359 = arith.mulf %mul3A_358, %max3A_350 : vector<16xf32>
      %mul3A_360 = arith.mulf %mul3A_359, %bitcast_convert_type3A_356 : vector<16xf32>
      %mul3A_361 = arith.mulf %mul3A_360, %bitcast_convert_type3A_356 : vector<16xf32>
      %sub3A_362 = arith.constant 1.500000e+00 : f32
      %sub3A_363 = vector.broadcast %sub3A_362 : f32 to vector<16xf32>
      %sub3A_364 = arith.subf %sub3A_363, %mul3A_361 : vector<16xf32>
      %mul3A_365 = arith.mulf %bitcast_convert_type3A_356, %sub3A_364 : vector<16xf32>
      %mul3A_366 = arith.constant 5.000000e-01 : f32
      %mul3A_367 = vector.broadcast %mul3A_366 : f32 to vector<16xf32>
      %mul3A_368 = arith.mulf %mul3A_367, %max3A_350 : vector<16xf32>
      %mul3A_369 = arith.mulf %mul3A_368, %mul3A_365 : vector<16xf32>
      %mul3A_370 = arith.mulf %mul3A_369, %mul3A_365 : vector<16xf32>
      %sub3A_371 = arith.constant 1.500000e+00 : f32
      %sub3A_372 = vector.broadcast %sub3A_371 : f32 to vector<16xf32>
      %sub3A_373 = arith.subf %sub3A_372, %mul3A_370 : vector<16xf32>
      %mul3A_374 = arith.mulf %mul3A_365, %sub3A_373 : vector<16xf32>
      %mul3A_375 = arith.constant 5.000000e-01 : f32
      %mul3A_376 = vector.broadcast %mul3A_375 : f32 to vector<16xf32>
      %mul3A_377 = arith.mulf %mul3A_376, %max3A_350 : vector<16xf32>
      %mul3A_378 = arith.mulf %mul3A_377, %mul3A_374 : vector<16xf32>
      %mul3A_379 = arith.mulf %mul3A_378, %mul3A_374 : vector<16xf32>
      %sub3A_380 = arith.constant 1.500000e+00 : f32
      %sub3A_381 = vector.broadcast %sub3A_380 : f32 to vector<16xf32>
      %sub3A_382 = arith.subf %sub3A_381, %mul3A_379 : vector<16xf32>
      %mul3A_383 = arith.mulf %mul3A_374, %sub3A_382 : vector<16xf32>
      %mul3A_384 = arith.mulf %max3A_350, %mul3A_383 : vector<16xf32>
      %add3A_385 = arith.constant 0 : i32
      %add3A_386 = vector.broadcast %add3A_385 : i32 to vector<16xi32>
      %add3A_387 = arith.addi %get3A_324, %add3A_386 : vector<16xi32>
      tpu.vector_store_idx %arg7[%add3A_387], %get3A_328 {add = true} : memref<48xf32, #tpu.memory_space<vmem>>[vector<16xi32>], vector<16xf32>,
      %add3A_388 = arith.constant 8 : i32
      %add3A_389 = vector.broadcast %add3A_388 : i32 to vector<16xi32>
      %add3A_390 = arith.addi %get3A_324, %add3A_389 : vector<16xi32>
      tpu.vector_store_idx %arg7[%add3A_390], %get3A_332 {add = true} : memref<48xf32, #tpu.memory_space<vmem>>[vector<16xi32>], vector<16xf32>,
      %add3A_391 = arith.constant 16 : i32
      %add3A_392 = vector.broadcast %add3A_391 : i32 to vector<16xi32>
      %add3A_393 = arith.addi %get3A_324, %add3A_392 : vector<16xi32>
      tpu.vector_store_idx %arg7[%add3A_393], %get3A_336 {add = true} : memref<48xf32, #tpu.memory_space<vmem>>[vector<16xi32>], vector<16xf32>,
      %add3A_394 = arith.constant 24 : i32
      %add3A_395 = vector.broadcast %add3A_394 : i32 to vector<16xi32>
      %add3A_396 = arith.addi %get3A_324, %add3A_395 : vector<16xi32>
      tpu.vector_store_idx %arg7[%add3A_396], %get3A_340 {add = true} : memref<48xf32, #tpu.memory_space<vmem>>[vector<16xi32>], vector<16xf32>,
      %add3A_397 = arith.constant 32 : i32
      %add3A_398 = vector.broadcast %add3A_397 : i32 to vector<16xi32>
      %add3A_399 = arith.addi %get3A_324, %add3A_398 : vector<16xi32>
      tpu.vector_store_idx %arg7[%add3A_399], %broadcast_in_dim3A_35 {add = true} : memref<48xf32, #tpu.memory_space<vmem>>[vector<16xi32>], vector<16xf32>,
      %add3A_400 = arith.constant 40 : i32
      %add3A_401 = vector.broadcast %add3A_400 : i32 to vector<16xi32>
      %add3A_402 = arith.addi %get3A_324, %add3A_401 : vector<16xi32>
      tpu.vector_store_idx %arg7[%add3A_402], %mul3A_384 {add = true} : memref<48xf32, #tpu.memory_space<vmem>>[vector<16xi32>], vector<16xf32>,
      %scan3A_403 = arith.constant 0 : i32
      scf.yield %scan3A_403 : i32
    }
    %scan3A_74 = arith.constant 512 : i32
    %add3A_75 = arith.constant 16384 : i32
    %add3A_76 = arith.addi %mul3A_32, %add3A_75 : i32
    "tpu.region"() ({
      %run_scoped3A_319 = tpu.sem_alloc : memref<!tpu.dma_semaphore, #tpu.memory_space<semaphore_mem>>
      %dma_start3A = tpu.memref_slice %arg3[%add3A, %add3A_76] : memref<4x262144xi32, #tpu.memory_space<hbm>> -> memref<1x8192xi32, #tpu.memory_space<hbm>>
      %dma_start3A_320 = tpu.memref_squeeze %dma_start3A : memref<1x8192xi32, #tpu.memory_space<hbm>> -> memref<8192xi32, #tpu.memory_space<hbm>>
      %dma_start3A_321 = tpu.memref_slice %arg3[%add3A, %add3A_76] : memref<4x262144xi32, #tpu.memory_space<hbm>> -> memref<1x8192xi32, #tpu.memory_space<hbm>>
      %dma_start3A_322 = tpu.memref_squeeze %dma_start3A_321 : memref<1x8192xi32, #tpu.memory_space<hbm>> -> memref<8192xi32, #tpu.memory_space<hbm>>
      tpu.enqueue_dma source(%dma_start3A_322 : memref<8192xi32, #tpu.memory_space<hbm>>) target(%arg5 : memref<8192xi32, #tpu.memory_space<vmem>>) target_semaphore(%run_scoped3A_319 : memref<!tpu.dma_semaphore, #tpu.memory_space<semaphore_mem>>)
      %dma_wait3A = tpu.memref_slice %arg3[%add3A, %add3A_76] : memref<4x262144xi32, #tpu.memory_space<hbm>> -> memref<1x8192xi32, #tpu.memory_space<hbm>>
      %dma_wait3A_323 = tpu.memref_squeeze %dma_wait3A : memref<1x8192xi32, #tpu.memory_space<hbm>> -> memref<8192xi32, #tpu.memory_space<hbm>>
      %dma_wait3A_324 = tpu.memref_slice %arg3[%add3A, %add3A_76] : memref<4x262144xi32, #tpu.memory_space<hbm>> -> memref<1x8192xi32, #tpu.memory_space<hbm>>
      %dma_wait3A_325 = tpu.memref_squeeze %dma_wait3A_324 : memref<1x8192xi32, #tpu.memory_space<hbm>> -> memref<8192xi32, #tpu.memory_space<hbm>>
      tpu.wait_dma2 semaphore(%run_scoped3A_319 : memref<!tpu.dma_semaphore, #tpu.memory_space<semaphore_mem>>) src(%dma_wait3A_325 : memref<8192xi32, #tpu.memory_space<hbm>>) dst(%arg5 : memref<8192xi32, #tpu.memory_space<vmem>>)
      tpu.yield
    }) : () -> ()
    %run_scoped3A_77 = arith.constant 0 : i32
    %run_scoped3A_78 = arith.constant 0 : i32
    "tpu.region"() ({
      %run_scoped3A_319 = tpu.sem_alloc : memref<!tpu.dma_semaphore, #tpu.memory_space<semaphore_mem>>
      %dma_start3A = arith.constant 0 : i32
      %dma_start3A_320 = tpu.memref_slice %arg6[%run_scoped3A_78, %dma_start3A] : memref<4x8192xf32, #tpu.memory_space<vmem>> -> memref<1x8192xf32, #tpu.memory_space<vmem>>
      %dma_start3A_321 = tpu.memref_squeeze %dma_start3A_320 : memref<1x8192xf32, #tpu.memory_space<vmem>> -> memref<8192xf32, #tpu.memory_space<vmem>>
      %dma_start3A_322 = tpu.memref_slice %arg2[%add3A, %run_scoped3A_77, %add3A_76] : memref<4x4x262144xf32, #tpu.memory_space<hbm>> -> memref<1x1x8192xf32, #tpu.memory_space<hbm>>
      %dma_start3A_323 = tpu.memref_squeeze %dma_start3A_322 : memref<1x1x8192xf32, #tpu.memory_space<hbm>> -> memref<8192xf32, #tpu.memory_space<hbm>>
      %dma_start3A_324 = arith.constant 0 : i32
      %dma_start3A_325 = tpu.memref_slice %arg6[%run_scoped3A_78, %dma_start3A_324] : memref<4x8192xf32, #tpu.memory_space<vmem>> -> memref<1x8192xf32, #tpu.memory_space<vmem>>
      %dma_start3A_326 = tpu.memref_squeeze %dma_start3A_325 : memref<1x8192xf32, #tpu.memory_space<vmem>> -> memref<8192xf32, #tpu.memory_space<vmem>>
      %dma_start3A_327 = tpu.memref_slice %arg2[%add3A, %run_scoped3A_77, %add3A_76] : memref<4x4x262144xf32, #tpu.memory_space<hbm>> -> memref<1x1x8192xf32, #tpu.memory_space<hbm>>
      %dma_start3A_328 = tpu.memref_squeeze %dma_start3A_327 : memref<1x1x8192xf32, #tpu.memory_space<hbm>> -> memref<8192xf32, #tpu.memory_space<hbm>>
      tpu.enqueue_dma source(%dma_start3A_328 : memref<8192xf32, #tpu.memory_space<hbm>>) target(%dma_start3A_326 : memref<8192xf32, #tpu.memory_space<vmem>>) target_semaphore(%run_scoped3A_319 : memref<!tpu.dma_semaphore, #tpu.memory_space<semaphore_mem>>)
      %dma_wait3A = arith.constant 0 : i32
      %dma_wait3A_329 = tpu.memref_slice %arg6[%run_scoped3A_78, %dma_wait3A] : memref<4x8192xf32, #tpu.memory_space<vmem>> -> memref<1x8192xf32, #tpu.memory_space<vmem>>
      %dma_wait3A_330 = tpu.memref_squeeze %dma_wait3A_329 : memref<1x8192xf32, #tpu.memory_space<vmem>> -> memref<8192xf32, #tpu.memory_space<vmem>>
      %dma_wait3A_331 = tpu.memref_slice %arg2[%add3A, %run_scoped3A_77, %add3A_76] : memref<4x4x262144xf32, #tpu.memory_space<hbm>> -> memref<1x1x8192xf32, #tpu.memory_space<hbm>>
      %dma_wait3A_332 = tpu.memref_squeeze %dma_wait3A_331 : memref<1x1x8192xf32, #tpu.memory_space<hbm>> -> memref<8192xf32, #tpu.memory_space<hbm>>
      %dma_wait3A_333 = arith.constant 0 : i32
      %dma_wait3A_334 = tpu.memref_slice %arg6[%run_scoped3A_78, %dma_wait3A_333] : memref<4x8192xf32, #tpu.memory_space<vmem>> -> memref<1x8192xf32, #tpu.memory_space<vmem>>
      %dma_wait3A_335 = tpu.memref_squeeze %dma_wait3A_334 : memref<1x8192xf32, #tpu.memory_space<vmem>> -> memref<8192xf32, #tpu.memory_space<vmem>>
      %dma_wait3A_336 = tpu.memref_slice %arg2[%add3A, %run_scoped3A_77, %add3A_76] : memref<4x4x262144xf32, #tpu.memory_space<hbm>> -> memref<1x1x8192xf32, #tpu.memory_space<hbm>>
      %dma_wait3A_337 = tpu.memref_squeeze %dma_wait3A_336 : memref<1x1x8192xf32, #tpu.memory_space<hbm>> -> memref<8192xf32, #tpu.memory_space<hbm>>
      tpu.wait_dma2 semaphore(%run_scoped3A_319 : memref<!tpu.dma_semaphore, #tpu.memory_space<semaphore_mem>>) src(%dma_wait3A_337 : memref<8192xf32, #tpu.memory_space<hbm>>) dst(%dma_wait3A_335 : memref<8192xf32, #tpu.memory_space<vmem>>)
      tpu.yield
    }) : () -> ()
    %run_scoped3A_79 = arith.constant 1 : i32
    %run_scoped3A_80 = arith.constant 1 : i32
    "tpu.region"() ({
      %run_scoped3A_319 = tpu.sem_alloc : memref<!tpu.dma_semaphore, #tpu.memory_space<semaphore_mem>>
      %dma_start3A = arith.constant 0 : i32
      %dma_start3A_320 = tpu.memref_slice %arg6[%run_scoped3A_80, %dma_start3A] : memref<4x8192xf32, #tpu.memory_space<vmem>> -> memref<1x8192xf32, #tpu.memory_space<vmem>>
      %dma_start3A_321 = tpu.memref_squeeze %dma_start3A_320 : memref<1x8192xf32, #tpu.memory_space<vmem>> -> memref<8192xf32, #tpu.memory_space<vmem>>
      %dma_start3A_322 = tpu.memref_slice %arg2[%add3A, %run_scoped3A_79, %add3A_76] : memref<4x4x262144xf32, #tpu.memory_space<hbm>> -> memref<1x1x8192xf32, #tpu.memory_space<hbm>>
      %dma_start3A_323 = tpu.memref_squeeze %dma_start3A_322 : memref<1x1x8192xf32, #tpu.memory_space<hbm>> -> memref<8192xf32, #tpu.memory_space<hbm>>
      %dma_start3A_324 = arith.constant 0 : i32
      %dma_start3A_325 = tpu.memref_slice %arg6[%run_scoped3A_80, %dma_start3A_324] : memref<4x8192xf32, #tpu.memory_space<vmem>> -> memref<1x8192xf32, #tpu.memory_space<vmem>>
      %dma_start3A_326 = tpu.memref_squeeze %dma_start3A_325 : memref<1x8192xf32, #tpu.memory_space<vmem>> -> memref<8192xf32, #tpu.memory_space<vmem>>
      %dma_start3A_327 = tpu.memref_slice %arg2[%add3A, %run_scoped3A_79, %add3A_76] : memref<4x4x262144xf32, #tpu.memory_space<hbm>> -> memref<1x1x8192xf32, #tpu.memory_space<hbm>>
      %dma_start3A_328 = tpu.memref_squeeze %dma_start3A_327 : memref<1x1x8192xf32, #tpu.memory_space<hbm>> -> memref<8192xf32, #tpu.memory_space<hbm>>
      tpu.enqueue_dma source(%dma_start3A_328 : memref<8192xf32, #tpu.memory_space<hbm>>) target(%dma_start3A_326 : memref<8192xf32, #tpu.memory_space<vmem>>) target_semaphore(%run_scoped3A_319 : memref<!tpu.dma_semaphore, #tpu.memory_space<semaphore_mem>>)
      %dma_wait3A = arith.constant 0 : i32
      %dma_wait3A_329 = tpu.memref_slice %arg6[%run_scoped3A_80, %dma_wait3A] : memref<4x8192xf32, #tpu.memory_space<vmem>> -> memref<1x8192xf32, #tpu.memory_space<vmem>>
      %dma_wait3A_330 = tpu.memref_squeeze %dma_wait3A_329 : memref<1x8192xf32, #tpu.memory_space<vmem>> -> memref<8192xf32, #tpu.memory_space<vmem>>
      %dma_wait3A_331 = tpu.memref_slice %arg2[%add3A, %run_scoped3A_79, %add3A_76] : memref<4x4x262144xf32, #tpu.memory_space<hbm>> -> memref<1x1x8192xf32, #tpu.memory_space<hbm>>
      %dma_wait3A_332 = tpu.memref_squeeze %dma_wait3A_331 : memref<1x1x8192xf32, #tpu.memory_space<hbm>> -> memref<8192xf32, #tpu.memory_space<hbm>>
      %dma_wait3A_333 = arith.constant 0 : i32
      %dma_wait3A_334 = tpu.memref_slice %arg6[%run_scoped3A_80, %dma_wait3A_333] : memref<4x8192xf32, #tpu.memory_space<vmem>> -> memref<1x8192xf32, #tpu.memory_space<vmem>>
      %dma_wait3A_335 = tpu.memref_squeeze %dma_wait3A_334 : memref<1x8192xf32, #tpu.memory_space<vmem>> -> memref<8192xf32, #tpu.memory_space<vmem>>
      %dma_wait3A_336 = tpu.memref_slice %arg2[%add3A, %run_scoped3A_79, %add3A_76] : memref<4x4x262144xf32, #tpu.memory_space<hbm>> -> memref<1x1x8192xf32, #tpu.memory_space<hbm>>
      %dma_wait3A_337 = tpu.memref_squeeze %dma_wait3A_336 : memref<1x1x8192xf32, #tpu.memory_space<hbm>> -> memref<8192xf32, #tpu.memory_space<hbm>>
      tpu.wait_dma2 semaphore(%run_scoped3A_319 : memref<!tpu.dma_semaphore, #tpu.memory_space<semaphore_mem>>) src(%dma_wait3A_337 : memref<8192xf32, #tpu.memory_space<hbm>>) dst(%dma_wait3A_335 : memref<8192xf32, #tpu.memory_space<vmem>>)
      tpu.yield
    }) : () -> ()
    %run_scoped3A_81 = arith.constant 2 : i32
    %run_scoped3A_82 = arith.constant 2 : i32
    "tpu.region"() ({
      %run_scoped3A_319 = tpu.sem_alloc : memref<!tpu.dma_semaphore, #tpu.memory_space<semaphore_mem>>
      %dma_start3A = arith.constant 0 : i32
      %dma_start3A_320 = tpu.memref_slice %arg6[%run_scoped3A_82, %dma_start3A] : memref<4x8192xf32, #tpu.memory_space<vmem>> -> memref<1x8192xf32, #tpu.memory_space<vmem>>
      %dma_start3A_321 = tpu.memref_squeeze %dma_start3A_320 : memref<1x8192xf32, #tpu.memory_space<vmem>> -> memref<8192xf32, #tpu.memory_space<vmem>>
      %dma_start3A_322 = tpu.memref_slice %arg2[%add3A, %run_scoped3A_81, %add3A_76] : memref<4x4x262144xf32, #tpu.memory_space<hbm>> -> memref<1x1x8192xf32, #tpu.memory_space<hbm>>
      %dma_start3A_323 = tpu.memref_squeeze %dma_start3A_322 : memref<1x1x8192xf32, #tpu.memory_space<hbm>> -> memref<8192xf32, #tpu.memory_space<hbm>>
      %dma_start3A_324 = arith.constant 0 : i32
      %dma_start3A_325 = tpu.memref_slice %arg6[%run_scoped3A_82, %dma_start3A_324] : memref<4x8192xf32, #tpu.memory_space<vmem>> -> memref<1x8192xf32, #tpu.memory_space<vmem>>
      %dma_start3A_326 = tpu.memref_squeeze %dma_start3A_325 : memref<1x8192xf32, #tpu.memory_space<vmem>> -> memref<8192xf32, #tpu.memory_space<vmem>>
      %dma_start3A_327 = tpu.memref_slice %arg2[%add3A, %run_scoped3A_81, %add3A_76] : memref<4x4x262144xf32, #tpu.memory_space<hbm>> -> memref<1x1x8192xf32, #tpu.memory_space<hbm>>
      %dma_start3A_328 = tpu.memref_squeeze %dma_start3A_327 : memref<1x1x8192xf32, #tpu.memory_space<hbm>> -> memref<8192xf32, #tpu.memory_space<hbm>>
      tpu.enqueue_dma source(%dma_start3A_328 : memref<8192xf32, #tpu.memory_space<hbm>>) target(%dma_start3A_326 : memref<8192xf32, #tpu.memory_space<vmem>>) target_semaphore(%run_scoped3A_319 : memref<!tpu.dma_semaphore, #tpu.memory_space<semaphore_mem>>)
      %dma_wait3A = arith.constant 0 : i32
      %dma_wait3A_329 = tpu.memref_slice %arg6[%run_scoped3A_82, %dma_wait3A] : memref<4x8192xf32, #tpu.memory_space<vmem>> -> memref<1x8192xf32, #tpu.memory_space<vmem>>
      %dma_wait3A_330 = tpu.memref_squeeze %dma_wait3A_329 : memref<1x8192xf32, #tpu.memory_space<vmem>> -> memref<8192xf32, #tpu.memory_space<vmem>>
      %dma_wait3A_331 = tpu.memref_slice %arg2[%add3A, %run_scoped3A_81, %add3A_76] : memref<4x4x262144xf32, #tpu.memory_space<hbm>> -> memref<1x1x8192xf32, #tpu.memory_space<hbm>>
      %dma_wait3A_332 = tpu.memref_squeeze %dma_wait3A_331 : memref<1x1x8192xf32, #tpu.memory_space<hbm>> -> memref<8192xf32, #tpu.memory_space<hbm>>
      %dma_wait3A_333 = arith.constant 0 : i32
      %dma_wait3A_334 = tpu.memref_slice %arg6[%run_scoped3A_82, %dma_wait3A_333] : memref<4x8192xf32, #tpu.memory_space<vmem>> -> memref<1x8192xf32, #tpu.memory_space<vmem>>
      %dma_wait3A_335 = tpu.memref_squeeze %dma_wait3A_334 : memref<1x8192xf32, #tpu.memory_space<vmem>> -> memref<8192xf32, #tpu.memory_space<vmem>>
      %dma_wait3A_336 = tpu.memref_slice %arg2[%add3A, %run_scoped3A_81, %add3A_76] : memref<4x4x262144xf32, #tpu.memory_space<hbm>> -> memref<1x1x8192xf32, #tpu.memory_space<hbm>>
      %dma_wait3A_337 = tpu.memref_squeeze %dma_wait3A_336 : memref<1x1x8192xf32, #tpu.memory_space<hbm>> -> memref<8192xf32, #tpu.memory_space<hbm>>
      tpu.wait_dma2 semaphore(%run_scoped3A_319 : memref<!tpu.dma_semaphore, #tpu.memory_space<semaphore_mem>>) src(%dma_wait3A_337 : memref<8192xf32, #tpu.memory_space<hbm>>) dst(%dma_wait3A_335 : memref<8192xf32, #tpu.memory_space<vmem>>)
      tpu.yield
    }) : () -> ()
    %run_scoped3A_83 = arith.constant 3 : i32
    %run_scoped3A_84 = arith.constant 3 : i32
    "tpu.region"() ({
      %run_scoped3A_319 = tpu.sem_alloc : memref<!tpu.dma_semaphore, #tpu.memory_space<semaphore_mem>>
      %dma_start3A = arith.constant 0 : i32
      %dma_start3A_320 = tpu.memref_slice %arg6[%run_scoped3A_84, %dma_start3A] : memref<4x8192xf32, #tpu.memory_space<vmem>> -> memref<1x8192xf32, #tpu.memory_space<vmem>>
      %dma_start3A_321 = tpu.memref_squeeze %dma_start3A_320 : memref<1x8192xf32, #tpu.memory_space<vmem>> -> memref<8192xf32, #tpu.memory_space<vmem>>
      %dma_start3A_322 = tpu.memref_slice %arg2[%add3A, %run_scoped3A_83, %add3A_76] : memref<4x4x262144xf32, #tpu.memory_space<hbm>> -> memref<1x1x8192xf32, #tpu.memory_space<hbm>>
      %dma_start3A_323 = tpu.memref_squeeze %dma_start3A_322 : memref<1x1x8192xf32, #tpu.memory_space<hbm>> -> memref<8192xf32, #tpu.memory_space<hbm>>
      %dma_start3A_324 = arith.constant 0 : i32
      %dma_start3A_325 = tpu.memref_slice %arg6[%run_scoped3A_84, %dma_start3A_324] : memref<4x8192xf32, #tpu.memory_space<vmem>> -> memref<1x8192xf32, #tpu.memory_space<vmem>>
      %dma_start3A_326 = tpu.memref_squeeze %dma_start3A_325 : memref<1x8192xf32, #tpu.memory_space<vmem>> -> memref<8192xf32, #tpu.memory_space<vmem>>
      %dma_start3A_327 = tpu.memref_slice %arg2[%add3A, %run_scoped3A_83, %add3A_76] : memref<4x4x262144xf32, #tpu.memory_space<hbm>> -> memref<1x1x8192xf32, #tpu.memory_space<hbm>>
      %dma_start3A_328 = tpu.memref_squeeze %dma_start3A_327 : memref<1x1x8192xf32, #tpu.memory_space<hbm>> -> memref<8192xf32, #tpu.memory_space<hbm>>
      tpu.enqueue_dma source(%dma_start3A_328 : memref<8192xf32, #tpu.memory_space<hbm>>) target(%dma_start3A_326 : memref<8192xf32, #tpu.memory_space<vmem>>) target_semaphore(%run_scoped3A_319 : memref<!tpu.dma_semaphore, #tpu.memory_space<semaphore_mem>>)
      %dma_wait3A = arith.constant 0 : i32
      %dma_wait3A_329 = tpu.memref_slice %arg6[%run_scoped3A_84, %dma_wait3A] : memref<4x8192xf32, #tpu.memory_space<vmem>> -> memref<1x8192xf32, #tpu.memory_space<vmem>>
      %dma_wait3A_330 = tpu.memref_squeeze %dma_wait3A_329 : memref<1x8192xf32, #tpu.memory_space<vmem>> -> memref<8192xf32, #tpu.memory_space<vmem>>
      %dma_wait3A_331 = tpu.memref_slice %arg2[%add3A, %run_scoped3A_83, %add3A_76] : memref<4x4x262144xf32, #tpu.memory_space<hbm>> -> memref<1x1x8192xf32, #tpu.memory_space<hbm>>
      %dma_wait3A_332 = tpu.memref_squeeze %dma_wait3A_331 : memref<1x1x8192xf32, #tpu.memory_space<hbm>> -> memref<8192xf32, #tpu.memory_space<hbm>>
      %dma_wait3A_333 = arith.constant 0 : i32
      %dma_wait3A_334 = tpu.memref_slice %arg6[%run_scoped3A_84, %dma_wait3A_333] : memref<4x8192xf32, #tpu.memory_space<vmem>> -> memref<1x8192xf32, #tpu.memory_space<vmem>>
      %dma_wait3A_335 = tpu.memref_squeeze %dma_wait3A_334 : memref<1x8192xf32, #tpu.memory_space<vmem>> -> memref<8192xf32, #tpu.memory_space<vmem>>
      %dma_wait3A_336 = tpu.memref_slice %arg2[%add3A, %run_scoped3A_83, %add3A_76] : memref<4x4x262144xf32, #tpu.memory_space<hbm>> -> memref<1x1x8192xf32, #tpu.memory_space<hbm>>
      %dma_wait3A_337 = tpu.memref_squeeze %dma_wait3A_336 : memref<1x1x8192xf32, #tpu.memory_space<hbm>> -> memref<8192xf32, #tpu.memory_space<hbm>>
      tpu.wait_dma2 semaphore(%run_scoped3A_319 : memref<!tpu.dma_semaphore, #tpu.memory_space<semaphore_mem>>) src(%dma_wait3A_337 : memref<8192xf32, #tpu.memory_space<hbm>>) dst(%dma_wait3A_335 : memref<8192xf32, #tpu.memory_space<vmem>>)
      tpu.yield
    }) : () -> ()
    %scan3A_85 = arith.constant 0 : i32
    %scan3A_86 = arith.constant 0 : i32
    %scan3A_87 = arith.constant 512 : i32
    %scan3A_88 = arith.addi %scan3A_86, %scan3A_87 : i32
    %scan3A_89 = arith.constant 1 : i32
    %scan3A_90 = scf.for %scan3A_319 = %scan3A_86 to %scan3A_88 step %scan3A_89 iter_args(%scan3A_320 = %scan3A_85) -> (i32)  : i32 {
      %mul3A_321 = arith.constant 16 : i32
      %mul3A_322 = arith.muli %scan3A_319, %mul3A_321 : i32
      %multiple_of3A = tpu.assume_multiple %mul3A_322, 16 : i32
      %get3A_323 = arith.index_cast %multiple_of3A : i32 to index
      %get3A_324 = tpu.vector_load %arg5[%get3A_323] {strides = array<i32>} : memref<8192xi32, #tpu.memory_space<vmem>>, vector<16xi32>,
      %get3A_325 = arith.constant 0 : i32
      %get3A_326 = arith.index_cast %get3A_325 : i32 to index
      %get3A_327 = arith.index_cast %multiple_of3A : i32 to index
      %get3A_328 = tpu.vector_load %arg6[%get3A_326, %get3A_327] {strides = array<i32>} : memref<4x8192xf32, #tpu.memory_space<vmem>>, vector<16xf32>,
      %get3A_329 = arith.constant 1 : i32
      %get3A_330 = arith.index_cast %get3A_329 : i32 to index
      %get3A_331 = arith.index_cast %multiple_of3A : i32 to index
      %get3A_332 = tpu.vector_load %arg6[%get3A_330, %get3A_331] {strides = array<i32>} : memref<4x8192xf32, #tpu.memory_space<vmem>>, vector<16xf32>,
      %get3A_333 = arith.constant 2 : i32
      %get3A_334 = arith.index_cast %get3A_333 : i32 to index
      %get3A_335 = arith.index_cast %multiple_of3A : i32 to index
      %get3A_336 = tpu.vector_load %arg6[%get3A_334, %get3A_335] {strides = array<i32>} : memref<4x8192xf32, #tpu.memory_space<vmem>>, vector<16xf32>,
      %get3A_337 = arith.constant 3 : i32
      %get3A_338 = arith.index_cast %get3A_337 : i32 to index
      %get3A_339 = arith.index_cast %multiple_of3A : i32 to index
      %get3A_340 = tpu.vector_load %arg6[%get3A_338, %get3A_339] {strides = array<i32>} : memref<4x8192xf32, #tpu.memory_space<vmem>>, vector<16xf32>,
      %mul3A_341 = arith.mulf %get3A_328, %get3A_328 : vector<16xf32>
      %mul3A_342 = arith.mulf %get3A_332, %get3A_332 : vector<16xf32>
      %add3A_343 = arith.addf %mul3A_341, %mul3A_342 : vector<16xf32>
      %mul3A_344 = arith.mulf %get3A_336, %get3A_336 : vector<16xf32>
      %add3A_345 = arith.addf %add3A_343, %mul3A_344 : vector<16xf32>
      %mul3A_346 = arith.mulf %get3A_340, %get3A_340 : vector<16xf32>
      %add3A_347 = arith.addf %add3A_345, %mul3A_346 : vector<16xf32>
      %max3A_348 = arith.constant 1.000000e-30 : f32
      %max3A_349 = vector.broadcast %max3A_348 : f32 to vector<16xf32>
      %max3A_350 = arith.maximumf %add3A_347, %max3A_349 : vector<16xf32>
      %bitcast_convert_type3A = tpu.bitcast %max3A_350 : vector<16xf32> -> vector<16xi32>
      %shift_right_logical3A = arith.constant 1 : i32
      %shift_right_logical3A_351 = vector.broadcast %shift_right_logical3A : i32 to vector<16xi32>
      %shift_right_logical3A_352 = arith.shrui %bitcast_convert_type3A, %shift_right_logical3A_351 : vector<16xi32>
      %sub3A_353 = arith.constant 1597463007 : i32
      %sub3A_354 = vector.broadcast %sub3A_353 : i32 to vector<16xi32>
      %sub3A_355 = arith.subi %sub3A_354, %shift_right_logical3A_352 : vector<16xi32>
      %bitcast_convert_type3A_356 = tpu.bitcast %sub3A_355 : vector<16xi32> -> vector<16xf32>
      %mul3A_357 = arith.constant 5.000000e-01 : f32
      %mul3A_358 = vector.broadcast %mul3A_357 : f32 to vector<16xf32>
      %mul3A_359 = arith.mulf %mul3A_358, %max3A_350 : vector<16xf32>
      %mul3A_360 = arith.mulf %mul3A_359, %bitcast_convert_type3A_356 : vector<16xf32>
      %mul3A_361 = arith.mulf %mul3A_360, %bitcast_convert_type3A_356 : vector<16xf32>
      %sub3A_362 = arith.constant 1.500000e+00 : f32
      %sub3A_363 = vector.broadcast %sub3A_362 : f32 to vector<16xf32>
      %sub3A_364 = arith.subf %sub3A_363, %mul3A_361 : vector<16xf32>
      %mul3A_365 = arith.mulf %bitcast_convert_type3A_356, %sub3A_364 : vector<16xf32>
      %mul3A_366 = arith.constant 5.000000e-01 : f32
      %mul3A_367 = vector.broadcast %mul3A_366 : f32 to vector<16xf32>
      %mul3A_368 = arith.mulf %mul3A_367, %max3A_350 : vector<16xf32>
      %mul3A_369 = arith.mulf %mul3A_368, %mul3A_365 : vector<16xf32>
      %mul3A_370 = arith.mulf %mul3A_369, %mul3A_365 : vector<16xf32>
      %sub3A_371 = arith.constant 1.500000e+00 : f32
      %sub3A_372 = vector.broadcast %sub3A_371 : f32 to vector<16xf32>
      %sub3A_373 = arith.subf %sub3A_372, %mul3A_370 : vector<16xf32>
      %mul3A_374 = arith.mulf %mul3A_365, %sub3A_373 : vector<16xf32>
      %mul3A_375 = arith.constant 5.000000e-01 : f32
      %mul3A_376 = vector.broadcast %mul3A_375 : f32 to vector<16xf32>
      %mul3A_377 = arith.mulf %mul3A_376, %max3A_350 : vector<16xf32>
      %mul3A_378 = arith.mulf %mul3A_377, %mul3A_374 : vector<16xf32>
      %mul3A_379 = arith.mulf %mul3A_378, %mul3A_374 : vector<16xf32>
      %sub3A_380 = arith.constant 1.500000e+00 : f32
      %sub3A_381 = vector.broadcast %sub3A_380 : f32 to vector<16xf32>
      %sub3A_382 = arith.subf %sub3A_381, %mul3A_379 : vector<16xf32>
      %mul3A_383 = arith.mulf %mul3A_374, %sub3A_382 : vector<16xf32>
      %mul3A_384 = arith.mulf %max3A_350, %mul3A_383 : vector<16xf32>
      %add3A_385 = arith.constant 0 : i32
      %add3A_386 = vector.broadcast %add3A_385 : i32 to vector<16xi32>
      %add3A_387 = arith.addi %get3A_324, %add3A_386 : vector<16xi32>
      tpu.vector_store_idx %arg7[%add3A_387], %get3A_328 {add = true} : memref<48xf32, #tpu.memory_space<vmem>>[vector<16xi32>], vector<16xf32>,
      %add3A_388 = arith.constant 8 : i32
      %add3A_389 = vector.broadcast %add3A_388 : i32 to vector<16xi32>
      %add3A_390 = arith.addi %get3A_324, %add3A_389 : vector<16xi32>
      tpu.vector_store_idx %arg7[%add3A_390], %get3A_332 {add = true} : memref<48xf32, #tpu.memory_space<vmem>>[vector<16xi32>], vector<16xf32>,
      %add3A_391 = arith.constant 16 : i32
      %add3A_392 = vector.broadcast %add3A_391 : i32 to vector<16xi32>
      %add3A_393 = arith.addi %get3A_324, %add3A_392 : vector<16xi32>
      tpu.vector_store_idx %arg7[%add3A_393], %get3A_336 {add = true} : memref<48xf32, #tpu.memory_space<vmem>>[vector<16xi32>], vector<16xf32>,
      %add3A_394 = arith.constant 24 : i32
      %add3A_395 = vector.broadcast %add3A_394 : i32 to vector<16xi32>
      %add3A_396 = arith.addi %get3A_324, %add3A_395 : vector<16xi32>
      tpu.vector_store_idx %arg7[%add3A_396], %get3A_340 {add = true} : memref<48xf32, #tpu.memory_space<vmem>>[vector<16xi32>], vector<16xf32>,
      %add3A_397 = arith.constant 32 : i32
      %add3A_398 = vector.broadcast %add3A_397 : i32 to vector<16xi32>
      %add3A_399 = arith.addi %get3A_324, %add3A_398 : vector<16xi32>
      tpu.vector_store_idx %arg7[%add3A_399], %broadcast_in_dim3A_35 {add = true} : memref<48xf32, #tpu.memory_space<vmem>>[vector<16xi32>], vector<16xf32>,
      %add3A_400 = arith.constant 40 : i32
      %add3A_401 = vector.broadcast %add3A_400 : i32 to vector<16xi32>
      %add3A_402 = arith.addi %get3A_324, %add3A_401 : vector<16xi32>
      tpu.vector_store_idx %arg7[%add3A_402], %mul3A_384 {add = true} : memref<48xf32, #tpu.memory_space<vmem>>[vector<16xi32>], vector<16xf32>,
      %scan3A_403 = arith.constant 0 : i32
      scf.yield %scan3A_403 : i32
    }
    %scan3A_91 = arith.constant 512 : i32
    %add3A_92 = arith.constant 24576 : i32
    %add3A_93 = arith.addi %mul3A_32, %add3A_92 : i32
    "tpu.region"() ({
      %run_scoped3A_319 = tpu.sem_alloc : memref<!tpu.dma_semaphore, #tpu.memory_space<semaphore_mem>>
      %dma_start3A = tpu.memref_slice %arg3[%add3A, %add3A_93] : memref<4x262144xi32, #tpu.memory_space<hbm>> -> memref<1x8192xi32, #tpu.memory_space<hbm>>
      %dma_start3A_320 = tpu.memref_squeeze %dma_start3A : memref<1x8192xi32, #tpu.memory_space<hbm>> -> memref<8192xi32, #tpu.memory_space<hbm>>
      %dma_start3A_321 = tpu.memref_slice %arg3[%add3A, %add3A_93] : memref<4x262144xi32, #tpu.memory_space<hbm>> -> memref<1x8192xi32, #tpu.memory_space<hbm>>
      %dma_start3A_322 = tpu.memref_squeeze %dma_start3A_321 : memref<1x8192xi32, #tpu.memory_space<hbm>> -> memref<8192xi32, #tpu.memory_space<hbm>>
      tpu.enqueue_dma source(%dma_start3A_322 : memref<8192xi32, #tpu.memory_space<hbm>>) target(%arg5 : memref<8192xi32, #tpu.memory_space<vmem>>) target_semaphore(%run_scoped3A_319 : memref<!tpu.dma_semaphore, #tpu.memory_space<semaphore_mem>>)
      %dma_wait3A = tpu.memref_slice %arg3[%add3A, %add3A_93] : memref<4x262144xi32, #tpu.memory_space<hbm>> -> memref<1x8192xi32, #tpu.memory_space<hbm>>
      %dma_wait3A_323 = tpu.memref_squeeze %dma_wait3A : memref<1x8192xi32, #tpu.memory_space<hbm>> -> memref<8192xi32, #tpu.memory_space<hbm>>
      %dma_wait3A_324 = tpu.memref_slice %arg3[%add3A, %add3A_93] : memref<4x262144xi32, #tpu.memory_space<hbm>> -> memref<1x8192xi32, #tpu.memory_space<hbm>>
      %dma_wait3A_325 = tpu.memref_squeeze %dma_wait3A_324 : memref<1x8192xi32, #tpu.memory_space<hbm>> -> memref<8192xi32, #tpu.memory_space<hbm>>
      tpu.wait_dma2 semaphore(%run_scoped3A_319 : memref<!tpu.dma_semaphore, #tpu.memory_space<semaphore_mem>>) src(%dma_wait3A_325 : memref<8192xi32, #tpu.memory_space<hbm>>) dst(%arg5 : memref<8192xi32, #tpu.memory_space<vmem>>)
      tpu.yield
    }) : () -> ()
    %run_scoped3A_94 = arith.constant 0 : i32
    %run_scoped3A_95 = arith.constant 0 : i32
    "tpu.region"() ({
      %run_scoped3A_319 = tpu.sem_alloc : memref<!tpu.dma_semaphore, #tpu.memory_space<semaphore_mem>>
      %dma_start3A = arith.constant 0 : i32
      %dma_start3A_320 = tpu.memref_slice %arg6[%run_scoped3A_95, %dma_start3A] : memref<4x8192xf32, #tpu.memory_space<vmem>> -> memref<1x8192xf32, #tpu.memory_space<vmem>>
      %dma_start3A_321 = tpu.memref_squeeze %dma_start3A_320 : memref<1x8192xf32, #tpu.memory_space<vmem>> -> memref<8192xf32, #tpu.memory_space<vmem>>
      %dma_start3A_322 = tpu.memref_slice %arg2[%add3A, %run_scoped3A_94, %add3A_93] : memref<4x4x262144xf32, #tpu.memory_space<hbm>> -> memref<1x1x8192xf32, #tpu.memory_space<hbm>>
      %dma_start3A_323 = tpu.memref_squeeze %dma_start3A_322 : memref<1x1x8192xf32, #tpu.memory_space<hbm>> -> memref<8192xf32, #tpu.memory_space<hbm>>
      %dma_start3A_324 = arith.constant 0 : i32
      %dma_start3A_325 = tpu.memref_slice %arg6[%run_scoped3A_95, %dma_start3A_324] : memref<4x8192xf32, #tpu.memory_space<vmem>> -> memref<1x8192xf32, #tpu.memory_space<vmem>>
      %dma_start3A_326 = tpu.memref_squeeze %dma_start3A_325 : memref<1x8192xf32, #tpu.memory_space<vmem>> -> memref<8192xf32, #tpu.memory_space<vmem>>
      %dma_start3A_327 = tpu.memref_slice %arg2[%add3A, %run_scoped3A_94, %add3A_93] : memref<4x4x262144xf32, #tpu.memory_space<hbm>> -> memref<1x1x8192xf32, #tpu.memory_space<hbm>>
      %dma_start3A_328 = tpu.memref_squeeze %dma_start3A_327 : memref<1x1x8192xf32, #tpu.memory_space<hbm>> -> memref<8192xf32, #tpu.memory_space<hbm>>
      tpu.enqueue_dma source(%dma_start3A_328 : memref<8192xf32, #tpu.memory_space<hbm>>) target(%dma_start3A_326 : memref<8192xf32, #tpu.memory_space<vmem>>) target_semaphore(%run_scoped3A_319 : memref<!tpu.dma_semaphore, #tpu.memory_space<semaphore_mem>>)
      %dma_wait3A = arith.constant 0 : i32
      %dma_wait3A_329 = tpu.memref_slice %arg6[%run_scoped3A_95, %dma_wait3A] : memref<4x8192xf32, #tpu.memory_space<vmem>> -> memref<1x8192xf32, #tpu.memory_space<vmem>>
      %dma_wait3A_330 = tpu.memref_squeeze %dma_wait3A_329 : memref<1x8192xf32, #tpu.memory_space<vmem>> -> memref<8192xf32, #tpu.memory_space<vmem>>
      %dma_wait3A_331 = tpu.memref_slice %arg2[%add3A, %run_scoped3A_94, %add3A_93] : memref<4x4x262144xf32, #tpu.memory_space<hbm>> -> memref<1x1x8192xf32, #tpu.memory_space<hbm>>
      %dma_wait3A_332 = tpu.memref_squeeze %dma_wait3A_331 : memref<1x1x8192xf32, #tpu.memory_space<hbm>> -> memref<8192xf32, #tpu.memory_space<hbm>>
      %dma_wait3A_333 = arith.constant 0 : i32
      %dma_wait3A_334 = tpu.memref_slice %arg6[%run_scoped3A_95, %dma_wait3A_333] : memref<4x8192xf32, #tpu.memory_space<vmem>> -> memref<1x8192xf32, #tpu.memory_space<vmem>>
      %dma_wait3A_335 = tpu.memref_squeeze %dma_wait3A_334 : memref<1x8192xf32, #tpu.memory_space<vmem>> -> memref<8192xf32, #tpu.memory_space<vmem>>
      %dma_wait3A_336 = tpu.memref_slice %arg2[%add3A, %run_scoped3A_94, %add3A_93] : memref<4x4x262144xf32, #tpu.memory_space<hbm>> -> memref<1x1x8192xf32, #tpu.memory_space<hbm>>
      %dma_wait3A_337 = tpu.memref_squeeze %dma_wait3A_336 : memref<1x1x8192xf32, #tpu.memory_space<hbm>> -> memref<8192xf32, #tpu.memory_space<hbm>>
      tpu.wait_dma2 semaphore(%run_scoped3A_319 : memref<!tpu.dma_semaphore, #tpu.memory_space<semaphore_mem>>) src(%dma_wait3A_337 : memref<8192xf32, #tpu.memory_space<hbm>>) dst(%dma_wait3A_335 : memref<8192xf32, #tpu.memory_space<vmem>>)
      tpu.yield
    }) : () -> ()
    %run_scoped3A_96 = arith.constant 1 : i32
    %run_scoped3A_97 = arith.constant 1 : i32
    "tpu.region"() ({
      %run_scoped3A_319 = tpu.sem_alloc : memref<!tpu.dma_semaphore, #tpu.memory_space<semaphore_mem>>
      %dma_start3A = arith.constant 0 : i32
      %dma_start3A_320 = tpu.memref_slice %arg6[%run_scoped3A_97, %dma_start3A] : memref<4x8192xf32, #tpu.memory_space<vmem>> -> memref<1x8192xf32, #tpu.memory_space<vmem>>
      %dma_start3A_321 = tpu.memref_squeeze %dma_start3A_320 : memref<1x8192xf32, #tpu.memory_space<vmem>> -> memref<8192xf32, #tpu.memory_space<vmem>>
      %dma_start3A_322 = tpu.memref_slice %arg2[%add3A, %run_scoped3A_96, %add3A_93] : memref<4x4x262144xf32, #tpu.memory_space<hbm>> -> memref<1x1x8192xf32, #tpu.memory_space<hbm>>
      %dma_start3A_323 = tpu.memref_squeeze %dma_start3A_322 : memref<1x1x8192xf32, #tpu.memory_space<hbm>> -> memref<8192xf32, #tpu.memory_space<hbm>>
      %dma_start3A_324 = arith.constant 0 : i32
      %dma_start3A_325 = tpu.memref_slice %arg6[%run_scoped3A_97, %dma_start3A_324] : memref<4x8192xf32, #tpu.memory_space<vmem>> -> memref<1x8192xf32, #tpu.memory_space<vmem>>
      %dma_start3A_326 = tpu.memref_squeeze %dma_start3A_325 : memref<1x8192xf32, #tpu.memory_space<vmem>> -> memref<8192xf32, #tpu.memory_space<vmem>>
      %dma_start3A_327 = tpu.memref_slice %arg2[%add3A, %run_scoped3A_96, %add3A_93] : memref<4x4x262144xf32, #tpu.memory_space<hbm>> -> memref<1x1x8192xf32, #tpu.memory_space<hbm>>
      %dma_start3A_328 = tpu.memref_squeeze %dma_start3A_327 : memref<1x1x8192xf32, #tpu.memory_space<hbm>> -> memref<8192xf32, #tpu.memory_space<hbm>>
      tpu.enqueue_dma source(%dma_start3A_328 : memref<8192xf32, #tpu.memory_space<hbm>>) target(%dma_start3A_326 : memref<8192xf32, #tpu.memory_space<vmem>>) target_semaphore(%run_scoped3A_319 : memref<!tpu.dma_semaphore, #tpu.memory_space<semaphore_mem>>)
      %dma_wait3A = arith.constant 0 : i32
      %dma_wait3A_329 = tpu.memref_slice %arg6[%run_scoped3A_97, %dma_wait3A] : memref<4x8192xf32, #tpu.memory_space<vmem>> -> memref<1x8192xf32, #tpu.memory_space<vmem>>
      %dma_wait3A_330 = tpu.memref_squeeze %dma_wait3A_329 : memref<1x8192xf32, #tpu.memory_space<vmem>> -> memref<8192xf32, #tpu.memory_space<vmem>>
      %dma_wait3A_331 = tpu.memref_slice %arg2[%add3A, %run_scoped3A_96, %add3A_93] : memref<4x4x262144xf32, #tpu.memory_space<hbm>> -> memref<1x1x8192xf32, #tpu.memory_space<hbm>>
      %dma_wait3A_332 = tpu.memref_squeeze %dma_wait3A_331 : memref<1x1x8192xf32, #tpu.memory_space<hbm>> -> memref<8192xf32, #tpu.memory_space<hbm>>
      %dma_wait3A_333 = arith.constant 0 : i32
      %dma_wait3A_334 = tpu.memref_slice %arg6[%run_scoped3A_97, %dma_wait3A_333] : memref<4x8192xf32, #tpu.memory_space<vmem>> -> memref<1x8192xf32, #tpu.memory_space<vmem>>
      %dma_wait3A_335 = tpu.memref_squeeze %dma_wait3A_334 : memref<1x8192xf32, #tpu.memory_space<vmem>> -> memref<8192xf32, #tpu.memory_space<vmem>>
      %dma_wait3A_336 = tpu.memref_slice %arg2[%add3A, %run_scoped3A_96, %add3A_93] : memref<4x4x262144xf32, #tpu.memory_space<hbm>> -> memref<1x1x8192xf32, #tpu.memory_space<hbm>>
      %dma_wait3A_337 = tpu.memref_squeeze %dma_wait3A_336 : memref<1x1x8192xf32, #tpu.memory_space<hbm>> -> memref<8192xf32, #tpu.memory_space<hbm>>
      tpu.wait_dma2 semaphore(%run_scoped3A_319 : memref<!tpu.dma_semaphore, #tpu.memory_space<semaphore_mem>>) src(%dma_wait3A_337 : memref<8192xf32, #tpu.memory_space<hbm>>) dst(%dma_wait3A_335 : memref<8192xf32, #tpu.memory_space<vmem>>)
      tpu.yield
    }) : () -> ()
    %run_scoped3A_98 = arith.constant 2 : i32
    %run_scoped3A_99 = arith.constant 2 : i32
    "tpu.region"() ({
      %run_scoped3A_319 = tpu.sem_alloc : memref<!tpu.dma_semaphore, #tpu.memory_space<semaphore_mem>>
      %dma_start3A = arith.constant 0 : i32
      %dma_start3A_320 = tpu.memref_slice %arg6[%run_scoped3A_99, %dma_start3A] : memref<4x8192xf32, #tpu.memory_space<vmem>> -> memref<1x8192xf32, #tpu.memory_space<vmem>>
      %dma_start3A_321 = tpu.memref_squeeze %dma_start3A_320 : memref<1x8192xf32, #tpu.memory_space<vmem>> -> memref<8192xf32, #tpu.memory_space<vmem>>
      %dma_start3A_322 = tpu.memref_slice %arg2[%add3A, %run_scoped3A_98, %add3A_93] : memref<4x4x262144xf32, #tpu.memory_space<hbm>> -> memref<1x1x8192xf32, #tpu.memory_space<hbm>>
      %dma_start3A_323 = tpu.memref_squeeze %dma_start3A_322 : memref<1x1x8192xf32, #tpu.memory_space<hbm>> -> memref<8192xf32, #tpu.memory_space<hbm>>
      %dma_start3A_324 = arith.constant 0 : i32
      %dma_start3A_325 = tpu.memref_slice %arg6[%run_scoped3A_99, %dma_start3A_324] : memref<4x8192xf32, #tpu.memory_space<vmem>> -> memref<1x8192xf32, #tpu.memory_space<vmem>>
      %dma_start3A_326 = tpu.memref_squeeze %dma_start3A_325 : memref<1x8192xf32, #tpu.memory_space<vmem>> -> memref<8192xf32, #tpu.memory_space<vmem>>
      %dma_start3A_327 = tpu.memref_slice %arg2[%add3A, %run_scoped3A_98, %add3A_93] : memref<4x4x262144xf32, #tpu.memory_space<hbm>> -> memref<1x1x8192xf32, #tpu.memory_space<hbm>>
      %dma_start3A_328 = tpu.memref_squeeze %dma_start3A_327 : memref<1x1x8192xf32, #tpu.memory_space<hbm>> -> memref<8192xf32, #tpu.memory_space<hbm>>
      tpu.enqueue_dma source(%dma_start3A_328 : memref<8192xf32, #tpu.memory_space<hbm>>) target(%dma_start3A_326 : memref<8192xf32, #tpu.memory_space<vmem>>) target_semaphore(%run_scoped3A_319 : memref<!tpu.dma_semaphore, #tpu.memory_space<semaphore_mem>>)
      %dma_wait3A = arith.constant 0 : i32
      %dma_wait3A_329 = tpu.memref_slice %arg6[%run_scoped3A_99, %dma_wait3A] : memref<4x8192xf32, #tpu.memory_space<vmem>> -> memref<1x8192xf32, #tpu.memory_space<vmem>>
      %dma_wait3A_330 = tpu.memref_squeeze %dma_wait3A_329 : memref<1x8192xf32, #tpu.memory_space<vmem>> -> memref<8192xf32, #tpu.memory_space<vmem>>
      %dma_wait3A_331 = tpu.memref_slice %arg2[%add3A, %run_scoped3A_98, %add3A_93] : memref<4x4x262144xf32, #tpu.memory_space<hbm>> -> memref<1x1x8192xf32, #tpu.memory_space<hbm>>
      %dma_wait3A_332 = tpu.memref_squeeze %dma_wait3A_331 : memref<1x1x8192xf32, #tpu.memory_space<hbm>> -> memref<8192xf32, #tpu.memory_space<hbm>>
      %dma_wait3A_333 = arith.constant 0 : i32
      %dma_wait3A_334 = tpu.memref_slice %arg6[%run_scoped3A_99, %dma_wait3A_333] : memref<4x8192xf32, #tpu.memory_space<vmem>> -> memref<1x8192xf32, #tpu.memory_space<vmem>>
      %dma_wait3A_335 = tpu.memref_squeeze %dma_wait3A_334 : memref<1x8192xf32, #tpu.memory_space<vmem>> -> memref<8192xf32, #tpu.memory_space<vmem>>
      %dma_wait3A_336 = tpu.memref_slice %arg2[%add3A, %run_scoped3A_98, %add3A_93] : memref<4x4x262144xf32, #tpu.memory_space<hbm>> -> memref<1x1x8192xf32, #tpu.memory_space<hbm>>
      %dma_wait3A_337 = tpu.memref_squeeze %dma_wait3A_336 : memref<1x1x8192xf32, #tpu.memory_space<hbm>> -> memref<8192xf32, #tpu.memory_space<hbm>>
      tpu.wait_dma2 semaphore(%run_scoped3A_319 : memref<!tpu.dma_semaphore, #tpu.memory_space<semaphore_mem>>) src(%dma_wait3A_337 : memref<8192xf32, #tpu.memory_space<hbm>>) dst(%dma_wait3A_335 : memref<8192xf32, #tpu.memory_space<vmem>>)
      tpu.yield
    }) : () -> ()
    %run_scoped3A_100 = arith.constant 3 : i32
    %run_scoped3A_101 = arith.constant 3 : i32
    "tpu.region"() ({
      %run_scoped3A_319 = tpu.sem_alloc : memref<!tpu.dma_semaphore, #tpu.memory_space<semaphore_mem>>
      %dma_start3A = arith.constant 0 : i32
      %dma_start3A_320 = tpu.memref_slice %arg6[%run_scoped3A_101, %dma_start3A] : memref<4x8192xf32, #tpu.memory_space<vmem>> -> memref<1x8192xf32, #tpu.memory_space<vmem>>
      %dma_start3A_321 = tpu.memref_squeeze %dma_start3A_320 : memref<1x8192xf32, #tpu.memory_space<vmem>> -> memref<8192xf32, #tpu.memory_space<vmem>>
      %dma_start3A_322 = tpu.memref_slice %arg2[%add3A, %run_scoped3A_100, %add3A_93] : memref<4x4x262144xf32, #tpu.memory_space<hbm>> -> memref<1x1x8192xf32, #tpu.memory_space<hbm>>
      %dma_start3A_323 = tpu.memref_squeeze %dma_start3A_322 : memref<1x1x8192xf32, #tpu.memory_space<hbm>> -> memref<8192xf32, #tpu.memory_space<hbm>>
      %dma_start3A_324 = arith.constant 0 : i32
      %dma_start3A_325 = tpu.memref_slice %arg6[%run_scoped3A_101, %dma_start3A_324] : memref<4x8192xf32, #tpu.memory_space<vmem>> -> memref<1x8192xf32, #tpu.memory_space<vmem>>
      %dma_start3A_326 = tpu.memref_squeeze %dma_start3A_325 : memref<1x8192xf32, #tpu.memory_space<vmem>> -> memref<8192xf32, #tpu.memory_space<vmem>>
      %dma_start3A_327 = tpu.memref_slice %arg2[%add3A, %run_scoped3A_100, %add3A_93] : memref<4x4x262144xf32, #tpu.memory_space<hbm>> -> memref<1x1x8192xf32, #tpu.memory_space<hbm>>
      %dma_start3A_328 = tpu.memref_squeeze %dma_start3A_327 : memref<1x1x8192xf32, #tpu.memory_space<hbm>> -> memref<8192xf32, #tpu.memory_space<hbm>>
      tpu.enqueue_dma source(%dma_start3A_328 : memref<8192xf32, #tpu.memory_space<hbm>>) target(%dma_start3A_326 : memref<8192xf32, #tpu.memory_space<vmem>>) target_semaphore(%run_scoped3A_319 : memref<!tpu.dma_semaphore, #tpu.memory_space<semaphore_mem>>)
      %dma_wait3A = arith.constant 0 : i32
      %dma_wait3A_329 = tpu.memref_slice %arg6[%run_scoped3A_101, %dma_wait3A] : memref<4x8192xf32, #tpu.memory_space<vmem>> -> memref<1x8192xf32, #tpu.memory_space<vmem>>
      %dma_wait3A_330 = tpu.memref_squeeze %dma_wait3A_329 : memref<1x8192xf32, #tpu.memory_space<vmem>> -> memref<8192xf32, #tpu.memory_space<vmem>>
      %dma_wait3A_331 = tpu.memref_slice %arg2[%add3A, %run_scoped3A_100, %add3A_93] : memref<4x4x262144xf32, #tpu.memory_space<hbm>> -> memref<1x1x8192xf32, #tpu.memory_space<hbm>>
      %dma_wait3A_332 = tpu.memref_squeeze %dma_wait3A_331 : memref<1x1x8192xf32, #tpu.memory_space<hbm>> -> memref<8192xf32, #tpu.memory_space<hbm>>
      %dma_wait3A_333 = arith.constant 0 : i32
      %dma_wait3A_334 = tpu.memref_slice %arg6[%run_scoped3A_101, %dma_wait3A_333] : memref<4x8192xf32, #tpu.memory_space<vmem>> -> memref<1x8192xf32, #tpu.memory_space<vmem>>
      %dma_wait3A_335 = tpu.memref_squeeze %dma_wait3A_334 : memref<1x8192xf32, #tpu.memory_space<vmem>> -> memref<8192xf32, #tpu.memory_space<vmem>>
      %dma_wait3A_336 = tpu.memref_slice %arg2[%add3A, %run_scoped3A_100, %add3A_93] : memref<4x4x262144xf32, #tpu.memory_space<hbm>> -> memref<1x1x8192xf32, #tpu.memory_space<hbm>>
      %dma_wait3A_337 = tpu.memref_squeeze %dma_wait3A_336 : memref<1x1x8192xf32, #tpu.memory_space<hbm>> -> memref<8192xf32, #tpu.memory_space<hbm>>
      tpu.wait_dma2 semaphore(%run_scoped3A_319 : memref<!tpu.dma_semaphore, #tpu.memory_space<semaphore_mem>>) src(%dma_wait3A_337 : memref<8192xf32, #tpu.memory_space<hbm>>) dst(%dma_wait3A_335 : memref<8192xf32, #tpu.memory_space<vmem>>)
      tpu.yield
    }) : () -> ()
    %scan3A_102 = arith.constant 0 : i32
    %scan3A_103 = arith.constant 0 : i32
    %scan3A_104 = arith.constant 512 : i32
    %scan3A_105 = arith.addi %scan3A_103, %scan3A_104 : i32
    %scan3A_106 = arith.constant 1 : i32
    %scan3A_107 = scf.for %scan3A_319 = %scan3A_103 to %scan3A_105 step %scan3A_106 iter_args(%scan3A_320 = %scan3A_102) -> (i32)  : i32 {
      %mul3A_321 = arith.constant 16 : i32
      %mul3A_322 = arith.muli %scan3A_319, %mul3A_321 : i32
      %multiple_of3A = tpu.assume_multiple %mul3A_322, 16 : i32
      %get3A_323 = arith.index_cast %multiple_of3A : i32 to index
      %get3A_324 = tpu.vector_load %arg5[%get3A_323] {strides = array<i32>} : memref<8192xi32, #tpu.memory_space<vmem>>, vector<16xi32>,
      %get3A_325 = arith.constant 0 : i32
      %get3A_326 = arith.index_cast %get3A_325 : i32 to index
      %get3A_327 = arith.index_cast %multiple_of3A : i32 to index
      %get3A_328 = tpu.vector_load %arg6[%get3A_326, %get3A_327] {strides = array<i32>} : memref<4x8192xf32, #tpu.memory_space<vmem>>, vector<16xf32>,
      %get3A_329 = arith.constant 1 : i32
      %get3A_330 = arith.index_cast %get3A_329 : i32 to index
      %get3A_331 = arith.index_cast %multiple_of3A : i32 to index
      %get3A_332 = tpu.vector_load %arg6[%get3A_330, %get3A_331] {strides = array<i32>} : memref<4x8192xf32, #tpu.memory_space<vmem>>, vector<16xf32>,
      %get3A_333 = arith.constant 2 : i32
      %get3A_334 = arith.index_cast %get3A_333 : i32 to index
      %get3A_335 = arith.index_cast %multiple_of3A : i32 to index
      %get3A_336 = tpu.vector_load %arg6[%get3A_334, %get3A_335] {strides = array<i32>} : memref<4x8192xf32, #tpu.memory_space<vmem>>, vector<16xf32>,
      %get3A_337 = arith.constant 3 : i32
      %get3A_338 = arith.index_cast %get3A_337 : i32 to index
      %get3A_339 = arith.index_cast %multiple_of3A : i32 to index
      %get3A_340 = tpu.vector_load %arg6[%get3A_338, %get3A_339] {strides = array<i32>} : memref<4x8192xf32, #tpu.memory_space<vmem>>, vector<16xf32>,
      %mul3A_341 = arith.mulf %get3A_328, %get3A_328 : vector<16xf32>
      %mul3A_342 = arith.mulf %get3A_332, %get3A_332 : vector<16xf32>
      %add3A_343 = arith.addf %mul3A_341, %mul3A_342 : vector<16xf32>
      %mul3A_344 = arith.mulf %get3A_336, %get3A_336 : vector<16xf32>
      %add3A_345 = arith.addf %add3A_343, %mul3A_344 : vector<16xf32>
      %mul3A_346 = arith.mulf %get3A_340, %get3A_340 : vector<16xf32>
      %add3A_347 = arith.addf %add3A_345, %mul3A_346 : vector<16xf32>
      %max3A_348 = arith.constant 1.000000e-30 : f32
      %max3A_349 = vector.broadcast %max3A_348 : f32 to vector<16xf32>
      %max3A_350 = arith.maximumf %add3A_347, %max3A_349 : vector<16xf32>
      %bitcast_convert_type3A = tpu.bitcast %max3A_350 : vector<16xf32> -> vector<16xi32>
      %shift_right_logical3A = arith.constant 1 : i32
      %shift_right_logical3A_351 = vector.broadcast %shift_right_logical3A : i32 to vector<16xi32>
      %shift_right_logical3A_352 = arith.shrui %bitcast_convert_type3A, %shift_right_logical3A_351 : vector<16xi32>
      %sub3A_353 = arith.constant 1597463007 : i32
      %sub3A_354 = vector.broadcast %sub3A_353 : i32 to vector<16xi32>
      %sub3A_355 = arith.subi %sub3A_354, %shift_right_logical3A_352 : vector<16xi32>
      %bitcast_convert_type3A_356 = tpu.bitcast %sub3A_355 : vector<16xi32> -> vector<16xf32>
      %mul3A_357 = arith.constant 5.000000e-01 : f32
      %mul3A_358 = vector.broadcast %mul3A_357 : f32 to vector<16xf32>
      %mul3A_359 = arith.mulf %mul3A_358, %max3A_350 : vector<16xf32>
      %mul3A_360 = arith.mulf %mul3A_359, %bitcast_convert_type3A_356 : vector<16xf32>
      %mul3A_361 = arith.mulf %mul3A_360, %bitcast_convert_type3A_356 : vector<16xf32>
      %sub3A_362 = arith.constant 1.500000e+00 : f32
      %sub3A_363 = vector.broadcast %sub3A_362 : f32 to vector<16xf32>
      %sub3A_364 = arith.subf %sub3A_363, %mul3A_361 : vector<16xf32>
      %mul3A_365 = arith.mulf %bitcast_convert_type3A_356, %sub3A_364 : vector<16xf32>
      %mul3A_366 = arith.constant 5.000000e-01 : f32
      %mul3A_367 = vector.broadcast %mul3A_366 : f32 to vector<16xf32>
      %mul3A_368 = arith.mulf %mul3A_367, %max3A_350 : vector<16xf32>
      %mul3A_369 = arith.mulf %mul3A_368, %mul3A_365 : vector<16xf32>
      %mul3A_370 = arith.mulf %mul3A_369, %mul3A_365 : vector<16xf32>
      %sub3A_371 = arith.constant 1.500000e+00 : f32
      %sub3A_372 = vector.broadcast %sub3A_371 : f32 to vector<16xf32>
      %sub3A_373 = arith.subf %sub3A_372, %mul3A_370 : vector<16xf32>
      %mul3A_374 = arith.mulf %mul3A_365, %sub3A_373 : vector<16xf32>
      %mul3A_375 = arith.constant 5.000000e-01 : f32
      %mul3A_376 = vector.broadcast %mul3A_375 : f32 to vector<16xf32>
      %mul3A_377 = arith.mulf %mul3A_376, %max3A_350 : vector<16xf32>
      %mul3A_378 = arith.mulf %mul3A_377, %mul3A_374 : vector<16xf32>
      %mul3A_379 = arith.mulf %mul3A_378, %mul3A_374 : vector<16xf32>
      %sub3A_380 = arith.constant 1.500000e+00 : f32
      %sub3A_381 = vector.broadcast %sub3A_380 : f32 to vector<16xf32>
      %sub3A_382 = arith.subf %sub3A_381, %mul3A_379 : vector<16xf32>
      %mul3A_383 = arith.mulf %mul3A_374, %sub3A_382 : vector<16xf32>
      %mul3A_384 = arith.mulf %max3A_350, %mul3A_383 : vector<16xf32>
      %add3A_385 = arith.constant 0 : i32
      %add3A_386 = vector.broadcast %add3A_385 : i32 to vector<16xi32>
      %add3A_387 = arith.addi %get3A_324, %add3A_386 : vector<16xi32>
      tpu.vector_store_idx %arg7[%add3A_387], %get3A_328 {add = true} : memref<48xf32, #tpu.memory_space<vmem>>[vector<16xi32>], vector<16xf32>,
      %add3A_388 = arith.constant 8 : i32
      %add3A_389 = vector.broadcast %add3A_388 : i32 to vector<16xi32>
      %add3A_390 = arith.addi %get3A_324, %add3A_389 : vector<16xi32>
      tpu.vector_store_idx %arg7[%add3A_390], %get3A_332 {add = true} : memref<48xf32, #tpu.memory_space<vmem>>[vector<16xi32>], vector<16xf32>,
      %add3A_391 = arith.constant 16 : i32
      %add3A_392 = vector.broadcast %add3A_391 : i32 to vector<16xi32>
      %add3A_393 = arith.addi %get3A_324, %add3A_392 : vector<16xi32>
      tpu.vector_store_idx %arg7[%add3A_393], %get3A_336 {add = true} : memref<48xf32, #tpu.memory_space<vmem>>[vector<16xi32>], vector<16xf32>,
      %add3A_394 = arith.constant 24 : i32
      %add3A_395 = vector.broadcast %add3A_394 : i32 to vector<16xi32>
      %add3A_396 = arith.addi %get3A_324, %add3A_395 : vector<16xi32>
      tpu.vector_store_idx %arg7[%add3A_396], %get3A_340 {add = true} : memref<48xf32, #tpu.memory_space<vmem>>[vector<16xi32>], vector<16xf32>,
      %add3A_397 = arith.constant 32 : i32
      %add3A_398 = vector.broadcast %add3A_397 : i32 to vector<16xi32>
      %add3A_399 = arith.addi %get3A_324, %add3A_398 : vector<16xi32>
      tpu.vector_store_idx %arg7[%add3A_399], %broadcast_in_dim3A_35 {add = true} : memref<48xf32, #tpu.memory_space<vmem>>[vector<16xi32>], vector<16xf32>,
      %add3A_400 = arith.constant 40 : i32
      %add3A_401 = vector.broadcast %add3A_400 : i32 to vector<16xi32>
      %add3A_402 = arith.addi %get3A_324, %add3A_401 : vector<16xi32>
      tpu.vector_store_idx %arg7[%add3A_402], %mul3A_384 {add = true} : memref<48xf32, #tpu.memory_space<vmem>>[vector<16xi32>], vector<16xf32>,
      %scan3A_403 = arith.constant 0 : i32
      scf.yield %scan3A_403 : i32
    }
    %scan3A_108 = arith.constant 512 : i32
    %get3A = arith.constant 0 : index
    %get3A_109 = tpu.vector_load %arg7[%get3A] {strides = array<i32>} : memref<48xf32, #tpu.memory_space<vmem>>, vector<16xf32>,
    %swap3A_110 = arith.constant 0 : index
    %swap3A_111 = tpu.vector_load %arg11[%swap3A_110] {strides = array<i32>} : memref<128xf32, #tpu.memory_space<vmem>>, vector<16xf32>,
    tpu.vector_store %arg11[%swap3A_110], %get3A_109 {strides = array<i32>} : memref<128xf32, #tpu.memory_space<vmem>>, vector<16xf32>,
    %get3A_112 = arith.constant 16 : index
    %get3A_113 = tpu.vector_load %arg7[%get3A_112] {strides = array<i32>} : memref<48xf32, #tpu.memory_space<vmem>>, vector<16xf32>,
    %swap3A_114 = arith.constant 16 : index
    %swap3A_115 = tpu.vector_load %arg11[%swap3A_114] {strides = array<i32>} : memref<128xf32, #tpu.memory_space<vmem>>, vector<16xf32>,
    tpu.vector_store %arg11[%swap3A_114], %get3A_113 {strides = array<i32>} : memref<128xf32, #tpu.memory_space<vmem>>, vector<16xf32>,
    %get3A_116 = arith.constant 32 : index
    %get3A_117 = tpu.vector_load %arg7[%get3A_116] {strides = array<i32>} : memref<48xf32, #tpu.memory_space<vmem>>, vector<16xf32>,
    %swap3A_118 = arith.constant 32 : index
    %swap3A_119 = tpu.vector_load %arg11[%swap3A_118] {strides = array<i32>} : memref<128xf32, #tpu.memory_space<vmem>>, vector<16xf32>,
    tpu.vector_store %arg11[%swap3A_118], %get3A_117 {strides = array<i32>} : memref<128xf32, #tpu.memory_space<vmem>>, vector<16xf32>,
    %swap3A_120 = arith.constant 48 : index
    %swap3A_121 = tpu.vector_load %arg11[%swap3A_120] {strides = array<i32>} : memref<128xf32, #tpu.memory_space<vmem>>, vector<16xf32>,
    tpu.vector_store %arg11[%swap3A_120], %broadcast_in_dim3A_33 {strides = array<i32>} : memref<128xf32, #tpu.memory_space<vmem>>, vector<16xf32>,
    "tpu.region"() ({
      %run_scoped3A_319 = tpu.sem_alloc : memref<!tpu.dma_semaphore, #tpu.memory_space<semaphore_mem>>
      %dma_start3A = arith.constant 0 : i32
      %dma_start3A_320 = tpu.memref_slice %arg11[%dma_start3A] : memref<128xf32, #tpu.memory_space<vmem>> -> memref<64xf32, #tpu.memory_space<vmem>>
      %dma_start3A_321 = arith.constant 0 : i32
      %dma_start3A_322 = tpu.memref_slice %arg12[%arg1, %dma_start3A_321] : memref<16x64xf32, #tpu.memory_space<vmem_shared>> -> memref<1x64xf32, #tpu.memory_space<vmem_shared>>
      %dma_start3A_323 = tpu.memref_squeeze %dma_start3A_322 : memref<1x64xf32, #tpu.memory_space<vmem_shared>> -> memref<64xf32, #tpu.memory_space<vmem_shared>>
      %dma_start3A_324 = arith.constant 0 : i32
      %dma_start3A_325 = tpu.memref_slice %arg12[%arg1, %dma_start3A_324] : memref<16x64xf32, #tpu.memory_space<vmem_shared>> -> memref<1x64xf32, #tpu.memory_space<vmem_shared>>
      %dma_start3A_326 = tpu.memref_squeeze %dma_start3A_325 : memref<1x64xf32, #tpu.memory_space<vmem_shared>> -> memref<64xf32, #tpu.memory_space<vmem_shared>>
      %dma_start3A_327 = arith.constant 0 : i32
      %dma_start3A_328 = tpu.memref_slice %arg11[%dma_start3A_327] : memref<128xf32, #tpu.memory_space<vmem>> -> memref<64xf32, #tpu.memory_space<vmem>>
      tpu.enqueue_dma source(%dma_start3A_328 : memref<64xf32, #tpu.memory_space<vmem>>) target(%dma_start3A_326 : memref<64xf32, #tpu.memory_space<vmem_shared>>) target_semaphore(%run_scoped3A_319 : memref<!tpu.dma_semaphore, #tpu.memory_space<semaphore_mem>>)
      %dma_wait3A = arith.constant 0 : i32
      %dma_wait3A_329 = tpu.memref_slice %arg11[%dma_wait3A] : memref<128xf32, #tpu.memory_space<vmem>> -> memref<64xf32, #tpu.memory_space<vmem>>
      %dma_wait3A_330 = arith.constant 0 : i32
      %dma_wait3A_331 = tpu.memref_slice %arg12[%arg1, %dma_wait3A_330] : memref<16x64xf32, #tpu.memory_space<vmem_shared>> -> memref<1x64xf32, #tpu.memory_space<vmem_shared>>
      %dma_wait3A_332 = tpu.memref_squeeze %dma_wait3A_331 : memref<1x64xf32, #tpu.memory_space<vmem_shared>> -> memref<64xf32, #tpu.memory_space<vmem_shared>>
      %dma_wait3A_333 = arith.constant 0 : i32
      %dma_wait3A_334 = tpu.memref_slice %arg12[%arg1, %dma_wait3A_333] : memref<16x64xf32, #tpu.memory_space<vmem_shared>> -> memref<1x64xf32, #tpu.memory_space<vmem_shared>>
      %dma_wait3A_335 = tpu.memref_squeeze %dma_wait3A_334 : memref<1x64xf32, #tpu.memory_space<vmem_shared>> -> memref<64xf32, #tpu.memory_space<vmem_shared>>
      %dma_wait3A_336 = arith.constant 0 : i32
      %dma_wait3A_337 = tpu.memref_slice %arg11[%dma_wait3A_336] : memref<128xf32, #tpu.memory_space<vmem>> -> memref<64xf32, #tpu.memory_space<vmem>>
      tpu.wait_dma2 semaphore(%run_scoped3A_319 : memref<!tpu.dma_semaphore, #tpu.memory_space<semaphore_mem>>) src(%dma_wait3A_337 : memref<64xf32, #tpu.memory_space<vmem>>) dst(%dma_wait3A_335 : memref<64xf32, #tpu.memory_space<vmem_shared>>)
      tpu.yield
    }) : () -> ()
    %barrier3A = arith.constant 0 : index
    tpu.barrier barrier_id(%barrier3A)
    %mul3A_122 = arith.constant 8 : i32
    %mul3A_123 = arith.muli %select_n3A, %mul3A_122 : i32
    %add3A_124 = arith.constant 0 : i32
    %add3A_125 = arith.addi %mul3A_123, %add3A_124 : i32
    "tpu.region"() ({
      %run_scoped3A_319 = tpu.sem_alloc : memref<!tpu.dma_semaphore, #tpu.memory_space<semaphore_mem>>
      %dma_start3A = arith.constant 0 : i32
      %dma_start3A_320 = tpu.memref_slice %arg11[%dma_start3A] : memref<128xf32, #tpu.memory_space<vmem>> -> memref<64xf32, #tpu.memory_space<vmem>>
      %dma_start3A_321 = arith.constant 0 : i32
      %dma_start3A_322 = tpu.memref_slice %arg12[%add3A_125, %dma_start3A_321] : memref<16x64xf32, #tpu.memory_space<vmem_shared>> -> memref<1x64xf32, #tpu.memory_space<vmem_shared>>
      %dma_start3A_323 = tpu.memref_squeeze %dma_start3A_322 : memref<1x64xf32, #tpu.memory_space<vmem_shared>> -> memref<64xf32, #tpu.memory_space<vmem_shared>>
      %dma_start3A_324 = arith.constant 0 : i32
      %dma_start3A_325 = tpu.memref_slice %arg11[%dma_start3A_324] : memref<128xf32, #tpu.memory_space<vmem>> -> memref<64xf32, #tpu.memory_space<vmem>>
      %dma_start3A_326 = arith.constant 0 : i32
      %dma_start3A_327 = tpu.memref_slice %arg12[%add3A_125, %dma_start3A_326] : memref<16x64xf32, #tpu.memory_space<vmem_shared>> -> memref<1x64xf32, #tpu.memory_space<vmem_shared>>
      %dma_start3A_328 = tpu.memref_squeeze %dma_start3A_327 : memref<1x64xf32, #tpu.memory_space<vmem_shared>> -> memref<64xf32, #tpu.memory_space<vmem_shared>>
      tpu.enqueue_dma source(%dma_start3A_328 : memref<64xf32, #tpu.memory_space<vmem_shared>>) target(%dma_start3A_325 : memref<64xf32, #tpu.memory_space<vmem>>) target_semaphore(%run_scoped3A_319 : memref<!tpu.dma_semaphore, #tpu.memory_space<semaphore_mem>>)
      %dma_wait3A = arith.constant 0 : i32
      %dma_wait3A_329 = tpu.memref_slice %arg11[%dma_wait3A] : memref<128xf32, #tpu.memory_space<vmem>> -> memref<64xf32, #tpu.memory_space<vmem>>
      %dma_wait3A_330 = arith.constant 0 : i32
      %dma_wait3A_331 = tpu.memref_slice %arg12[%add3A_125, %dma_wait3A_330] : memref<16x64xf32, #tpu.memory_space<vmem_shared>> -> memref<1x64xf32, #tpu.memory_space<vmem_shared>>
      %dma_wait3A_332 = tpu.memref_squeeze %dma_wait3A_331 : memref<1x64xf32, #tpu.memory_space<vmem_shared>> -> memref<64xf32, #tpu.memory_space<vmem_shared>>
      %dma_wait3A_333 = arith.constant 0 : i32
      %dma_wait3A_334 = tpu.memref_slice %arg11[%dma_wait3A_333] : memref<128xf32, #tpu.memory_space<vmem>> -> memref<64xf32, #tpu.memory_space<vmem>>
      %dma_wait3A_335 = arith.constant 0 : i32
      %dma_wait3A_336 = tpu.memref_slice %arg12[%add3A_125, %dma_wait3A_335] : memref<16x64xf32, #tpu.memory_space<vmem_shared>> -> memref<1x64xf32, #tpu.memory_space<vmem_shared>>
      %dma_wait3A_337 = tpu.memref_squeeze %dma_wait3A_336 : memref<1x64xf32, #tpu.memory_space<vmem_shared>> -> memref<64xf32, #tpu.memory_space<vmem_shared>>
      tpu.wait_dma2 semaphore(%run_scoped3A_319 : memref<!tpu.dma_semaphore, #tpu.memory_space<semaphore_mem>>) src(%dma_wait3A_337 : memref<64xf32, #tpu.memory_space<vmem_shared>>) dst(%dma_wait3A_334 : memref<64xf32, #tpu.memory_space<vmem>>)
      tpu.yield
    }) : () -> ()
    %get3A_126 = arith.constant 0 : index
    %get3A_127 = tpu.vector_load %arg11[%get3A_126] {strides = array<i32>} : memref<128xf32, #tpu.memory_space<vmem>>, vector<16xf32>,
    %add3A_128 = arith.addf %broadcast_in_dim3A_33, %get3A_127 : vector<16xf32>
    %get3A_129 = arith.constant 16 : index
    %get3A_130 = tpu.vector_load %arg11[%get3A_129] {strides = array<i32>} : memref<128xf32, #tpu.memory_space<vmem>>, vector<16xf32>,
    %add3A_131 = arith.addf %broadcast_in_dim3A_33, %get3A_130 : vector<16xf32>
    %get3A_132 = arith.constant 32 : index
    %get3A_133 = tpu.vector_load %arg11[%get3A_132] {strides = array<i32>} : memref<128xf32, #tpu.memory_space<vmem>>, vector<16xf32>,
    %add3A_134 = arith.addf %broadcast_in_dim3A_33, %get3A_133 : vector<16xf32>
    %mul3A_135 = arith.constant 8 : i32
    %mul3A_136 = arith.muli %select_n3A, %mul3A_135 : i32
    %add3A_137 = arith.constant 1 : i32
    %add3A_138 = arith.addi %mul3A_136, %add3A_137 : i32
    "tpu.region"() ({
      %run_scoped3A_319 = tpu.sem_alloc : memref<!tpu.dma_semaphore, #tpu.memory_space<semaphore_mem>>
      %dma_start3A = arith.constant 0 : i32
      %dma_start3A_320 = tpu.memref_slice %arg11[%dma_start3A] : memref<128xf32, #tpu.memory_space<vmem>> -> memref<64xf32, #tpu.memory_space<vmem>>
      %dma_start3A_321 = arith.constant 0 : i32
      %dma_start3A_322 = tpu.memref_slice %arg12[%add3A_138, %dma_start3A_321] : memref<16x64xf32, #tpu.memory_space<vmem_shared>> -> memref<1x64xf32, #tpu.memory_space<vmem_shared>>
      %dma_start3A_323 = tpu.memref_squeeze %dma_start3A_322 : memref<1x64xf32, #tpu.memory_space<vmem_shared>> -> memref<64xf32, #tpu.memory_space<vmem_shared>>
      %dma_start3A_324 = arith.constant 0 : i32
      %dma_start3A_325 = tpu.memref_slice %arg11[%dma_start3A_324] : memref<128xf32, #tpu.memory_space<vmem>> -> memref<64xf32, #tpu.memory_space<vmem>>
      %dma_start3A_326 = arith.constant 0 : i32
      %dma_start3A_327 = tpu.memref_slice %arg12[%add3A_138, %dma_start3A_326] : memref<16x64xf32, #tpu.memory_space<vmem_shared>> -> memref<1x64xf32, #tpu.memory_space<vmem_shared>>
      %dma_start3A_328 = tpu.memref_squeeze %dma_start3A_327 : memref<1x64xf32, #tpu.memory_space<vmem_shared>> -> memref<64xf32, #tpu.memory_space<vmem_shared>>
      tpu.enqueue_dma source(%dma_start3A_328 : memref<64xf32, #tpu.memory_space<vmem_shared>>) target(%dma_start3A_325 : memref<64xf32, #tpu.memory_space<vmem>>) target_semaphore(%run_scoped3A_319 : memref<!tpu.dma_semaphore, #tpu.memory_space<semaphore_mem>>)
      %dma_wait3A = arith.constant 0 : i32
      %dma_wait3A_329 = tpu.memref_slice %arg11[%dma_wait3A] : memref<128xf32, #tpu.memory_space<vmem>> -> memref<64xf32, #tpu.memory_space<vmem>>
      %dma_wait3A_330 = arith.constant 0 : i32
      %dma_wait3A_331 = tpu.memref_slice %arg12[%add3A_138, %dma_wait3A_330] : memref<16x64xf32, #tpu.memory_space<vmem_shared>> -> memref<1x64xf32, #tpu.memory_space<vmem_shared>>
      %dma_wait3A_332 = tpu.memref_squeeze %dma_wait3A_331 : memref<1x64xf32, #tpu.memory_space<vmem_shared>> -> memref<64xf32, #tpu.memory_space<vmem_shared>>
      %dma_wait3A_333 = arith.constant 0 : i32
      %dma_wait3A_334 = tpu.memref_slice %arg11[%dma_wait3A_333] : memref<128xf32, #tpu.memory_space<vmem>> -> memref<64xf32, #tpu.memory_space<vmem>>
      %dma_wait3A_335 = arith.constant 0 : i32
      %dma_wait3A_336 = tpu.memref_slice %arg12[%add3A_138, %dma_wait3A_335] : memref<16x64xf32, #tpu.memory_space<vmem_shared>> -> memref<1x64xf32, #tpu.memory_space<vmem_shared>>
      %dma_wait3A_337 = tpu.memref_squeeze %dma_wait3A_336 : memref<1x64xf32, #tpu.memory_space<vmem_shared>> -> memref<64xf32, #tpu.memory_space<vmem_shared>>
      tpu.wait_dma2 semaphore(%run_scoped3A_319 : memref<!tpu.dma_semaphore, #tpu.memory_space<semaphore_mem>>) src(%dma_wait3A_337 : memref<64xf32, #tpu.memory_space<vmem_shared>>) dst(%dma_wait3A_334 : memref<64xf32, #tpu.memory_space<vmem>>)
      tpu.yield
    }) : () -> ()
    %get3A_139 = arith.constant 0 : index
    %get3A_140 = tpu.vector_load %arg11[%get3A_139] {strides = array<i32>} : memref<128xf32, #tpu.memory_space<vmem>>, vector<16xf32>,
    %add3A_141 = arith.addf %add3A_128, %get3A_140 : vector<16xf32>
    %get3A_142 = arith.constant 16 : index
    %get3A_143 = tpu.vector_load %arg11[%get3A_142] {strides = array<i32>} : memref<128xf32, #tpu.memory_space<vmem>>, vector<16xf32>,
    %add3A_144 = arith.addf %add3A_131, %get3A_143 : vector<16xf32>
    %get3A_145 = arith.constant 32 : index
    %get3A_146 = tpu.vector_load %arg11[%get3A_145] {strides = array<i32>} : memref<128xf32, #tpu.memory_space<vmem>>, vector<16xf32>,
    %add3A_147 = arith.addf %add3A_134, %get3A_146 : vector<16xf32>
    %mul3A_148 = arith.constant 8 : i32
    %mul3A_149 = arith.muli %select_n3A, %mul3A_148 : i32
    %add3A_150 = arith.constant 2 : i32
    %add3A_151 = arith.addi %mul3A_149, %add3A_150 : i32
    "tpu.region"() ({
      %run_scoped3A_319 = tpu.sem_alloc : memref<!tpu.dma_semaphore, #tpu.memory_space<semaphore_mem>>
      %dma_start3A = arith.constant 0 : i32
      %dma_start3A_320 = tpu.memref_slice %arg11[%dma_start3A] : memref<128xf32, #tpu.memory_space<vmem>> -> memref<64xf32, #tpu.memory_space<vmem>>
      %dma_start3A_321 = arith.constant 0 : i32
      %dma_start3A_322 = tpu.memref_slice %arg12[%add3A_151, %dma_start3A_321] : memref<16x64xf32, #tpu.memory_space<vmem_shared>> -> memref<1x64xf32, #tpu.memory_space<vmem_shared>>
      %dma_start3A_323 = tpu.memref_squeeze %dma_start3A_322 : memref<1x64xf32, #tpu.memory_space<vmem_shared>> -> memref<64xf32, #tpu.memory_space<vmem_shared>>
      %dma_start3A_324 = arith.constant 0 : i32
      %dma_start3A_325 = tpu.memref_slice %arg11[%dma_start3A_324] : memref<128xf32, #tpu.memory_space<vmem>> -> memref<64xf32, #tpu.memory_space<vmem>>
      %dma_start3A_326 = arith.constant 0 : i32
      %dma_start3A_327 = tpu.memref_slice %arg12[%add3A_151, %dma_start3A_326] : memref<16x64xf32, #tpu.memory_space<vmem_shared>> -> memref<1x64xf32, #tpu.memory_space<vmem_shared>>
      %dma_start3A_328 = tpu.memref_squeeze %dma_start3A_327 : memref<1x64xf32, #tpu.memory_space<vmem_shared>> -> memref<64xf32, #tpu.memory_space<vmem_shared>>
      tpu.enqueue_dma source(%dma_start3A_328 : memref<64xf32, #tpu.memory_space<vmem_shared>>) target(%dma_start3A_325 : memref<64xf32, #tpu.memory_space<vmem>>) target_semaphore(%run_scoped3A_319 : memref<!tpu.dma_semaphore, #tpu.memory_space<semaphore_mem>>)
      %dma_wait3A = arith.constant 0 : i32
      %dma_wait3A_329 = tpu.memref_slice %arg11[%dma_wait3A] : memref<128xf32, #tpu.memory_space<vmem>> -> memref<64xf32, #tpu.memory_space<vmem>>
      %dma_wait3A_330 = arith.constant 0 : i32
      %dma_wait3A_331 = tpu.memref_slice %arg12[%add3A_151, %dma_wait3A_330] : memref<16x64xf32, #tpu.memory_space<vmem_shared>> -> memref<1x64xf32, #tpu.memory_space<vmem_shared>>
      %dma_wait3A_332 = tpu.memref_squeeze %dma_wait3A_331 : memref<1x64xf32, #tpu.memory_space<vmem_shared>> -> memref<64xf32, #tpu.memory_space<vmem_shared>>
      %dma_wait3A_333 = arith.constant 0 : i32
      %dma_wait3A_334 = tpu.memref_slice %arg11[%dma_wait3A_333] : memref<128xf32, #tpu.memory_space<vmem>> -> memref<64xf32, #tpu.memory_space<vmem>>
      %dma_wait3A_335 = arith.constant 0 : i32
      %dma_wait3A_336 = tpu.memref_slice %arg12[%add3A_151, %dma_wait3A_335] : memref<16x64xf32, #tpu.memory_space<vmem_shared>> -> memref<1x64xf32, #tpu.memory_space<vmem_shared>>
      %dma_wait3A_337 = tpu.memref_squeeze %dma_wait3A_336 : memref<1x64xf32, #tpu.memory_space<vmem_shared>> -> memref<64xf32, #tpu.memory_space<vmem_shared>>
      tpu.wait_dma2 semaphore(%run_scoped3A_319 : memref<!tpu.dma_semaphore, #tpu.memory_space<semaphore_mem>>) src(%dma_wait3A_337 : memref<64xf32, #tpu.memory_space<vmem_shared>>) dst(%dma_wait3A_334 : memref<64xf32, #tpu.memory_space<vmem>>)
      tpu.yield
    }) : () -> ()
    %get3A_152 = arith.constant 0 : index
    %get3A_153 = tpu.vector_load %arg11[%get3A_152] {strides = array<i32>} : memref<128xf32, #tpu.memory_space<vmem>>, vector<16xf32>,
    %add3A_154 = arith.addf %add3A_141, %get3A_153 : vector<16xf32>
    %get3A_155 = arith.constant 16 : index
    %get3A_156 = tpu.vector_load %arg11[%get3A_155] {strides = array<i32>} : memref<128xf32, #tpu.memory_space<vmem>>, vector<16xf32>,
    %add3A_157 = arith.addf %add3A_144, %get3A_156 : vector<16xf32>
    %get3A_158 = arith.constant 32 : index
    %get3A_159 = tpu.vector_load %arg11[%get3A_158] {strides = array<i32>} : memref<128xf32, #tpu.memory_space<vmem>>, vector<16xf32>,
    %add3A_160 = arith.addf %add3A_147, %get3A_159 : vector<16xf32>
    %mul3A_161 = arith.constant 8 : i32
    %mul3A_162 = arith.muli %select_n3A, %mul3A_161 : i32
    %add3A_163 = arith.constant 3 : i32
    %add3A_164 = arith.addi %mul3A_162, %add3A_163 : i32
    "tpu.region"() ({
      %run_scoped3A_319 = tpu.sem_alloc : memref<!tpu.dma_semaphore, #tpu.memory_space<semaphore_mem>>
      %dma_start3A = arith.constant 0 : i32
      %dma_start3A_320 = tpu.memref_slice %arg11[%dma_start3A] : memref<128xf32, #tpu.memory_space<vmem>> -> memref<64xf32, #tpu.memory_space<vmem>>
      %dma_start3A_321 = arith.constant 0 : i32
      %dma_start3A_322 = tpu.memref_slice %arg12[%add3A_164, %dma_start3A_321] : memref<16x64xf32, #tpu.memory_space<vmem_shared>> -> memref<1x64xf32, #tpu.memory_space<vmem_shared>>
      %dma_start3A_323 = tpu.memref_squeeze %dma_start3A_322 : memref<1x64xf32, #tpu.memory_space<vmem_shared>> -> memref<64xf32, #tpu.memory_space<vmem_shared>>
      %dma_start3A_324 = arith.constant 0 : i32
      %dma_start3A_325 = tpu.memref_slice %arg11[%dma_start3A_324] : memref<128xf32, #tpu.memory_space<vmem>> -> memref<64xf32, #tpu.memory_space<vmem>>
      %dma_start3A_326 = arith.constant 0 : i32
      %dma_start3A_327 = tpu.memref_slice %arg12[%add3A_164, %dma_start3A_326] : memref<16x64xf32, #tpu.memory_space<vmem_shared>> -> memref<1x64xf32, #tpu.memory_space<vmem_shared>>
      %dma_start3A_328 = tpu.memref_squeeze %dma_start3A_327 : memref<1x64xf32, #tpu.memory_space<vmem_shared>> -> memref<64xf32, #tpu.memory_space<vmem_shared>>
      tpu.enqueue_dma source(%dma_start3A_328 : memref<64xf32, #tpu.memory_space<vmem_shared>>) target(%dma_start3A_325 : memref<64xf32, #tpu.memory_space<vmem>>) target_semaphore(%run_scoped3A_319 : memref<!tpu.dma_semaphore, #tpu.memory_space<semaphore_mem>>)
      %dma_wait3A = arith.constant 0 : i32
      %dma_wait3A_329 = tpu.memref_slice %arg11[%dma_wait3A] : memref<128xf32, #tpu.memory_space<vmem>> -> memref<64xf32, #tpu.memory_space<vmem>>
      %dma_wait3A_330 = arith.constant 0 : i32
      %dma_wait3A_331 = tpu.memref_slice %arg12[%add3A_164, %dma_wait3A_330] : memref<16x64xf32, #tpu.memory_space<vmem_shared>> -> memref<1x64xf32, #tpu.memory_space<vmem_shared>>
      %dma_wait3A_332 = tpu.memref_squeeze %dma_wait3A_331 : memref<1x64xf32, #tpu.memory_space<vmem_shared>> -> memref<64xf32, #tpu.memory_space<vmem_shared>>
      %dma_wait3A_333 = arith.constant 0 : i32
      %dma_wait3A_334 = tpu.memref_slice %arg11[%dma_wait3A_333] : memref<128xf32, #tpu.memory_space<vmem>> -> memref<64xf32, #tpu.memory_space<vmem>>
      %dma_wait3A_335 = arith.constant 0 : i32
      %dma_wait3A_336 = tpu.memref_slice %arg12[%add3A_164, %dma_wait3A_335] : memref<16x64xf32, #tpu.memory_space<vmem_shared>> -> memref<1x64xf32, #tpu.memory_space<vmem_shared>>
      %dma_wait3A_337 = tpu.memref_squeeze %dma_wait3A_336 : memref<1x64xf32, #tpu.memory_space<vmem_shared>> -> memref<64xf32, #tpu.memory_space<vmem_shared>>
      tpu.wait_dma2 semaphore(%run_scoped3A_319 : memref<!tpu.dma_semaphore, #tpu.memory_space<semaphore_mem>>) src(%dma_wait3A_337 : memref<64xf32, #tpu.memory_space<vmem_shared>>) dst(%dma_wait3A_334 : memref<64xf32, #tpu.memory_space<vmem>>)
      tpu.yield
    }) : () -> ()
    %get3A_165 = arith.constant 0 : index
    %get3A_166 = tpu.vector_load %arg11[%get3A_165] {strides = array<i32>} : memref<128xf32, #tpu.memory_space<vmem>>, vector<16xf32>,
    %add3A_167 = arith.addf %add3A_154, %get3A_166 : vector<16xf32>
    %get3A_168 = arith.constant 16 : index
    %get3A_169 = tpu.vector_load %arg11[%get3A_168] {strides = array<i32>} : memref<128xf32, #tpu.memory_space<vmem>>, vector<16xf32>,
    %add3A_170 = arith.addf %add3A_157, %get3A_169 : vector<16xf32>
    %get3A_171 = arith.constant 32 : index
    %get3A_172 = tpu.vector_load %arg11[%get3A_171] {strides = array<i32>} : memref<128xf32, #tpu.memory_space<vmem>>, vector<16xf32>,
    %add3A_173 = arith.addf %add3A_160, %get3A_172 : vector<16xf32>
    %mul3A_174 = arith.constant 8 : i32
    %mul3A_175 = arith.muli %select_n3A, %mul3A_174 : i32
    %add3A_176 = arith.constant 4 : i32
    %add3A_177 = arith.addi %mul3A_175, %add3A_176 : i32
    "tpu.region"() ({
      %run_scoped3A_319 = tpu.sem_alloc : memref<!tpu.dma_semaphore, #tpu.memory_space<semaphore_mem>>
      %dma_start3A = arith.constant 0 : i32
      %dma_start3A_320 = tpu.memref_slice %arg11[%dma_start3A] : memref<128xf32, #tpu.memory_space<vmem>> -> memref<64xf32, #tpu.memory_space<vmem>>
      %dma_start3A_321 = arith.constant 0 : i32
      %dma_start3A_322 = tpu.memref_slice %arg12[%add3A_177, %dma_start3A_321] : memref<16x64xf32, #tpu.memory_space<vmem_shared>> -> memref<1x64xf32, #tpu.memory_space<vmem_shared>>
      %dma_start3A_323 = tpu.memref_squeeze %dma_start3A_322 : memref<1x64xf32, #tpu.memory_space<vmem_shared>> -> memref<64xf32, #tpu.memory_space<vmem_shared>>
      %dma_start3A_324 = arith.constant 0 : i32
      %dma_start3A_325 = tpu.memref_slice %arg11[%dma_start3A_324] : memref<128xf32, #tpu.memory_space<vmem>> -> memref<64xf32, #tpu.memory_space<vmem>>
      %dma_start3A_326 = arith.constant 0 : i32
      %dma_start3A_327 = tpu.memref_slice %arg12[%add3A_177, %dma_start3A_326] : memref<16x64xf32, #tpu.memory_space<vmem_shared>> -> memref<1x64xf32, #tpu.memory_space<vmem_shared>>
      %dma_start3A_328 = tpu.memref_squeeze %dma_start3A_327 : memref<1x64xf32, #tpu.memory_space<vmem_shared>> -> memref<64xf32, #tpu.memory_space<vmem_shared>>
      tpu.enqueue_dma source(%dma_start3A_328 : memref<64xf32, #tpu.memory_space<vmem_shared>>) target(%dma_start3A_325 : memref<64xf32, #tpu.memory_space<vmem>>) target_semaphore(%run_scoped3A_319 : memref<!tpu.dma_semaphore, #tpu.memory_space<semaphore_mem>>)
      %dma_wait3A = arith.constant 0 : i32
      %dma_wait3A_329 = tpu.memref_slice %arg11[%dma_wait3A] : memref<128xf32, #tpu.memory_space<vmem>> -> memref<64xf32, #tpu.memory_space<vmem>>
      %dma_wait3A_330 = arith.constant 0 : i32
      %dma_wait3A_331 = tpu.memref_slice %arg12[%add3A_177, %dma_wait3A_330] : memref<16x64xf32, #tpu.memory_space<vmem_shared>> -> memref<1x64xf32, #tpu.memory_space<vmem_shared>>
      %dma_wait3A_332 = tpu.memref_squeeze %dma_wait3A_331 : memref<1x64xf32, #tpu.memory_space<vmem_shared>> -> memref<64xf32, #tpu.memory_space<vmem_shared>>
      %dma_wait3A_333 = arith.constant 0 : i32
      %dma_wait3A_334 = tpu.memref_slice %arg11[%dma_wait3A_333] : memref<128xf32, #tpu.memory_space<vmem>> -> memref<64xf32, #tpu.memory_space<vmem>>
      %dma_wait3A_335 = arith.constant 0 : i32
      %dma_wait3A_336 = tpu.memref_slice %arg12[%add3A_177, %dma_wait3A_335] : memref<16x64xf32, #tpu.memory_space<vmem_shared>> -> memref<1x64xf32, #tpu.memory_space<vmem_shared>>
      %dma_wait3A_337 = tpu.memref_squeeze %dma_wait3A_336 : memref<1x64xf32, #tpu.memory_space<vmem_shared>> -> memref<64xf32, #tpu.memory_space<vmem_shared>>
      tpu.wait_dma2 semaphore(%run_scoped3A_319 : memref<!tpu.dma_semaphore, #tpu.memory_space<semaphore_mem>>) src(%dma_wait3A_337 : memref<64xf32, #tpu.memory_space<vmem_shared>>) dst(%dma_wait3A_334 : memref<64xf32, #tpu.memory_space<vmem>>)
      tpu.yield
    }) : () -> ()
    %get3A_178 = arith.constant 0 : index
    %get3A_179 = tpu.vector_load %arg11[%get3A_178] {strides = array<i32>} : memref<128xf32, #tpu.memory_space<vmem>>, vector<16xf32>,
    %add3A_180 = arith.addf %add3A_167, %get3A_179 : vector<16xf32>
    %get3A_181 = arith.constant 16 : index
    %get3A_182 = tpu.vector_load %arg11[%get3A_181] {strides = array<i32>} : memref<128xf32, #tpu.memory_space<vmem>>, vector<16xf32>,
    %add3A_183 = arith.addf %add3A_170, %get3A_182 : vector<16xf32>
    %get3A_184 = arith.constant 32 : index
    %get3A_185 = tpu.vector_load %arg11[%get3A_184] {strides = array<i32>} : memref<128xf32, #tpu.memory_space<vmem>>, vector<16xf32>,
    %add3A_186 = arith.addf %add3A_173, %get3A_185 : vector<16xf32>
    %mul3A_187 = arith.constant 8 : i32
    %mul3A_188 = arith.muli %select_n3A, %mul3A_187 : i32
    %add3A_189 = arith.constant 5 : i32
    %add3A_190 = arith.addi %mul3A_188, %add3A_189 : i32
    "tpu.region"() ({
      %run_scoped3A_319 = tpu.sem_alloc : memref<!tpu.dma_semaphore, #tpu.memory_space<semaphore_mem>>
      %dma_start3A = arith.constant 0 : i32
      %dma_start3A_320 = tpu.memref_slice %arg11[%dma_start3A] : memref<128xf32, #tpu.memory_space<vmem>> -> memref<64xf32, #tpu.memory_space<vmem>>
      %dma_start3A_321 = arith.constant 0 : i32
      %dma_start3A_322 = tpu.memref_slice %arg12[%add3A_190, %dma_start3A_321] : memref<16x64xf32, #tpu.memory_space<vmem_shared>> -> memref<1x64xf32, #tpu.memory_space<vmem_shared>>
      %dma_start3A_323 = tpu.memref_squeeze %dma_start3A_322 : memref<1x64xf32, #tpu.memory_space<vmem_shared>> -> memref<64xf32, #tpu.memory_space<vmem_shared>>
      %dma_start3A_324 = arith.constant 0 : i32
      %dma_start3A_325 = tpu.memref_slice %arg11[%dma_start3A_324] : memref<128xf32, #tpu.memory_space<vmem>> -> memref<64xf32, #tpu.memory_space<vmem>>
      %dma_start3A_326 = arith.constant 0 : i32
      %dma_start3A_327 = tpu.memref_slice %arg12[%add3A_190, %dma_start3A_326] : memref<16x64xf32, #tpu.memory_space<vmem_shared>> -> memref<1x64xf32, #tpu.memory_space<vmem_shared>>
      %dma_start3A_328 = tpu.memref_squeeze %dma_start3A_327 : memref<1x64xf32, #tpu.memory_space<vmem_shared>> -> memref<64xf32, #tpu.memory_space<vmem_shared>>
      tpu.enqueue_dma source(%dma_start3A_328 : memref<64xf32, #tpu.memory_space<vmem_shared>>) target(%dma_start3A_325 : memref<64xf32, #tpu.memory_space<vmem>>) target_semaphore(%run_scoped3A_319 : memref<!tpu.dma_semaphore, #tpu.memory_space<semaphore_mem>>)
      %dma_wait3A = arith.constant 0 : i32
      %dma_wait3A_329 = tpu.memref_slice %arg11[%dma_wait3A] : memref<128xf32, #tpu.memory_space<vmem>> -> memref<64xf32, #tpu.memory_space<vmem>>
      %dma_wait3A_330 = arith.constant 0 : i32
      %dma_wait3A_331 = tpu.memref_slice %arg12[%add3A_190, %dma_wait3A_330] : memref<16x64xf32, #tpu.memory_space<vmem_shared>> -> memref<1x64xf32, #tpu.memory_space<vmem_shared>>
      %dma_wait3A_332 = tpu.memref_squeeze %dma_wait3A_331 : memref<1x64xf32, #tpu.memory_space<vmem_shared>> -> memref<64xf32, #tpu.memory_space<vmem_shared>>
      %dma_wait3A_333 = arith.constant 0 : i32
      %dma_wait3A_334 = tpu.memref_slice %arg11[%dma_wait3A_333] : memref<128xf32, #tpu.memory_space<vmem>> -> memref<64xf32, #tpu.memory_space<vmem>>
      %dma_wait3A_335 = arith.constant 0 : i32
      %dma_wait3A_336 = tpu.memref_slice %arg12[%add3A_190, %dma_wait3A_335] : memref<16x64xf32, #tpu.memory_space<vmem_shared>> -> memref<1x64xf32, #tpu.memory_space<vmem_shared>>
      %dma_wait3A_337 = tpu.memref_squeeze %dma_wait3A_336 : memref<1x64xf32, #tpu.memory_space<vmem_shared>> -> memref<64xf32, #tpu.memory_space<vmem_shared>>
      tpu.wait_dma2 semaphore(%run_scoped3A_319 : memref<!tpu.dma_semaphore, #tpu.memory_space<semaphore_mem>>) src(%dma_wait3A_337 : memref<64xf32, #tpu.memory_space<vmem_shared>>) dst(%dma_wait3A_334 : memref<64xf32, #tpu.memory_space<vmem>>)
      tpu.yield
    }) : () -> ()
    %get3A_191 = arith.constant 0 : index
    %get3A_192 = tpu.vector_load %arg11[%get3A_191] {strides = array<i32>} : memref<128xf32, #tpu.memory_space<vmem>>, vector<16xf32>,
    %add3A_193 = arith.addf %add3A_180, %get3A_192 : vector<16xf32>
    %get3A_194 = arith.constant 16 : index
    %get3A_195 = tpu.vector_load %arg11[%get3A_194] {strides = array<i32>} : memref<128xf32, #tpu.memory_space<vmem>>, vector<16xf32>,
    %add3A_196 = arith.addf %add3A_183, %get3A_195 : vector<16xf32>
    %get3A_197 = arith.constant 32 : index
    %get3A_198 = tpu.vector_load %arg11[%get3A_197] {strides = array<i32>} : memref<128xf32, #tpu.memory_space<vmem>>, vector<16xf32>,
    %add3A_199 = arith.addf %add3A_186, %get3A_198 : vector<16xf32>
    %mul3A_200 = arith.constant 8 : i32
    %mul3A_201 = arith.muli %select_n3A, %mul3A_200 : i32
    %add3A_202 = arith.constant 6 : i32
    %add3A_203 = arith.addi %mul3A_201, %add3A_202 : i32
    "tpu.region"() ({
      %run_scoped3A_319 = tpu.sem_alloc : memref<!tpu.dma_semaphore, #tpu.memory_space<semaphore_mem>>
      %dma_start3A = arith.constant 0 : i32
      %dma_start3A_320 = tpu.memref_slice %arg11[%dma_start3A] : memref<128xf32, #tpu.memory_space<vmem>> -> memref<64xf32, #tpu.memory_space<vmem>>
      %dma_start3A_321 = arith.constant 0 : i32
      %dma_start3A_322 = tpu.memref_slice %arg12[%add3A_203, %dma_start3A_321] : memref<16x64xf32, #tpu.memory_space<vmem_shared>> -> memref<1x64xf32, #tpu.memory_space<vmem_shared>>
      %dma_start3A_323 = tpu.memref_squeeze %dma_start3A_322 : memref<1x64xf32, #tpu.memory_space<vmem_shared>> -> memref<64xf32, #tpu.memory_space<vmem_shared>>
      %dma_start3A_324 = arith.constant 0 : i32
      %dma_start3A_325 = tpu.memref_slice %arg11[%dma_start3A_324] : memref<128xf32, #tpu.memory_space<vmem>> -> memref<64xf32, #tpu.memory_space<vmem>>
      %dma_start3A_326 = arith.constant 0 : i32
      %dma_start3A_327 = tpu.memref_slice %arg12[%add3A_203, %dma_start3A_326] : memref<16x64xf32, #tpu.memory_space<vmem_shared>> -> memref<1x64xf32, #tpu.memory_space<vmem_shared>>
      %dma_start3A_328 = tpu.memref_squeeze %dma_start3A_327 : memref<1x64xf32, #tpu.memory_space<vmem_shared>> -> memref<64xf32, #tpu.memory_space<vmem_shared>>
      tpu.enqueue_dma source(%dma_start3A_328 : memref<64xf32, #tpu.memory_space<vmem_shared>>) target(%dma_start3A_325 : memref<64xf32, #tpu.memory_space<vmem>>) target_semaphore(%run_scoped3A_319 : memref<!tpu.dma_semaphore, #tpu.memory_space<semaphore_mem>>)
      %dma_wait3A = arith.constant 0 : i32
      %dma_wait3A_329 = tpu.memref_slice %arg11[%dma_wait3A] : memref<128xf32, #tpu.memory_space<vmem>> -> memref<64xf32, #tpu.memory_space<vmem>>
      %dma_wait3A_330 = arith.constant 0 : i32
      %dma_wait3A_331 = tpu.memref_slice %arg12[%add3A_203, %dma_wait3A_330] : memref<16x64xf32, #tpu.memory_space<vmem_shared>> -> memref<1x64xf32, #tpu.memory_space<vmem_shared>>
      %dma_wait3A_332 = tpu.memref_squeeze %dma_wait3A_331 : memref<1x64xf32, #tpu.memory_space<vmem_shared>> -> memref<64xf32, #tpu.memory_space<vmem_shared>>
      %dma_wait3A_333 = arith.constant 0 : i32
      %dma_wait3A_334 = tpu.memref_slice %arg11[%dma_wait3A_333] : memref<128xf32, #tpu.memory_space<vmem>> -> memref<64xf32, #tpu.memory_space<vmem>>
      %dma_wait3A_335 = arith.constant 0 : i32
      %dma_wait3A_336 = tpu.memref_slice %arg12[%add3A_203, %dma_wait3A_335] : memref<16x64xf32, #tpu.memory_space<vmem_shared>> -> memref<1x64xf32, #tpu.memory_space<vmem_shared>>
      %dma_wait3A_337 = tpu.memref_squeeze %dma_wait3A_336 : memref<1x64xf32, #tpu.memory_space<vmem_shared>> -> memref<64xf32, #tpu.memory_space<vmem_shared>>
      tpu.wait_dma2 semaphore(%run_scoped3A_319 : memref<!tpu.dma_semaphore, #tpu.memory_space<semaphore_mem>>) src(%dma_wait3A_337 : memref<64xf32, #tpu.memory_space<vmem_shared>>) dst(%dma_wait3A_334 : memref<64xf32, #tpu.memory_space<vmem>>)
      tpu.yield
    }) : () -> ()
    %get3A_204 = arith.constant 0 : index
    %get3A_205 = tpu.vector_load %arg11[%get3A_204] {strides = array<i32>} : memref<128xf32, #tpu.memory_space<vmem>>, vector<16xf32>,
    %add3A_206 = arith.addf %add3A_193, %get3A_205 : vector<16xf32>
    %get3A_207 = arith.constant 16 : index
    %get3A_208 = tpu.vector_load %arg11[%get3A_207] {strides = array<i32>} : memref<128xf32, #tpu.memory_space<vmem>>, vector<16xf32>,
    %add3A_209 = arith.addf %add3A_196, %get3A_208 : vector<16xf32>
    %get3A_210 = arith.constant 32 : index
    %get3A_211 = tpu.vector_load %arg11[%get3A_210] {strides = array<i32>} : memref<128xf32, #tpu.memory_space<vmem>>, vector<16xf32>,
    %add3A_212 = arith.addf %add3A_199, %get3A_211 : vector<16xf32>
    %mul3A_213 = arith.constant 8 : i32
    %mul3A_214 = arith.muli %select_n3A, %mul3A_213 : i32
    %add3A_215 = arith.constant 7 : i32
    %add3A_216 = arith.addi %mul3A_214, %add3A_215 : i32
    "tpu.region"() ({
      %run_scoped3A_319 = tpu.sem_alloc : memref<!tpu.dma_semaphore, #tpu.memory_space<semaphore_mem>>
      %dma_start3A = arith.constant 0 : i32
      %dma_start3A_320 = tpu.memref_slice %arg11[%dma_start3A] : memref<128xf32, #tpu.memory_space<vmem>> -> memref<64xf32, #tpu.memory_space<vmem>>
      %dma_start3A_321 = arith.constant 0 : i32
      %dma_start3A_322 = tpu.memref_slice %arg12[%add3A_216, %dma_start3A_321] : memref<16x64xf32, #tpu.memory_space<vmem_shared>> -> memref<1x64xf32, #tpu.memory_space<vmem_shared>>
      %dma_start3A_323 = tpu.memref_squeeze %dma_start3A_322 : memref<1x64xf32, #tpu.memory_space<vmem_shared>> -> memref<64xf32, #tpu.memory_space<vmem_shared>>
      %dma_start3A_324 = arith.constant 0 : i32
      %dma_start3A_325 = tpu.memref_slice %arg11[%dma_start3A_324] : memref<128xf32, #tpu.memory_space<vmem>> -> memref<64xf32, #tpu.memory_space<vmem>>
      %dma_start3A_326 = arith.constant 0 : i32
      %dma_start3A_327 = tpu.memref_slice %arg12[%add3A_216, %dma_start3A_326] : memref<16x64xf32, #tpu.memory_space<vmem_shared>> -> memref<1x64xf32, #tpu.memory_space<vmem_shared>>
      %dma_start3A_328 = tpu.memref_squeeze %dma_start3A_327 : memref<1x64xf32, #tpu.memory_space<vmem_shared>> -> memref<64xf32, #tpu.memory_space<vmem_shared>>
      tpu.enqueue_dma source(%dma_start3A_328 : memref<64xf32, #tpu.memory_space<vmem_shared>>) target(%dma_start3A_325 : memref<64xf32, #tpu.memory_space<vmem>>) target_semaphore(%run_scoped3A_319 : memref<!tpu.dma_semaphore, #tpu.memory_space<semaphore_mem>>)
      %dma_wait3A = arith.constant 0 : i32
      %dma_wait3A_329 = tpu.memref_slice %arg11[%dma_wait3A] : memref<128xf32, #tpu.memory_space<vmem>> -> memref<64xf32, #tpu.memory_space<vmem>>
      %dma_wait3A_330 = arith.constant 0 : i32
      %dma_wait3A_331 = tpu.memref_slice %arg12[%add3A_216, %dma_wait3A_330] : memref<16x64xf32, #tpu.memory_space<vmem_shared>> -> memref<1x64xf32, #tpu.memory_space<vmem_shared>>
      %dma_wait3A_332 = tpu.memref_squeeze %dma_wait3A_331 : memref<1x64xf32, #tpu.memory_space<vmem_shared>> -> memref<64xf32, #tpu.memory_space<vmem_shared>>
      %dma_wait3A_333 = arith.constant 0 : i32
      %dma_wait3A_334 = tpu.memref_slice %arg11[%dma_wait3A_333] : memref<128xf32, #tpu.memory_space<vmem>> -> memref<64xf32, #tpu.memory_space<vmem>>
      %dma_wait3A_335 = arith.constant 0 : i32
      %dma_wait3A_336 = tpu.memref_slice %arg12[%add3A_216, %dma_wait3A_335] : memref<16x64xf32, #tpu.memory_space<vmem_shared>> -> memref<1x64xf32, #tpu.memory_space<vmem_shared>>
      %dma_wait3A_337 = tpu.memref_squeeze %dma_wait3A_336 : memref<1x64xf32, #tpu.memory_space<vmem_shared>> -> memref<64xf32, #tpu.memory_space<vmem_shared>>
      tpu.wait_dma2 semaphore(%run_scoped3A_319 : memref<!tpu.dma_semaphore, #tpu.memory_space<semaphore_mem>>) src(%dma_wait3A_337 : memref<64xf32, #tpu.memory_space<vmem_shared>>) dst(%dma_wait3A_334 : memref<64xf32, #tpu.memory_space<vmem>>)
      tpu.yield
    }) : () -> ()
    %get3A_217 = arith.constant 0 : index
    %get3A_218 = tpu.vector_load %arg11[%get3A_217] {strides = array<i32>} : memref<128xf32, #tpu.memory_space<vmem>>, vector<16xf32>,
    %add3A_219 = arith.addf %add3A_206, %get3A_218 : vector<16xf32>
    %get3A_220 = arith.constant 16 : index
    %get3A_221 = tpu.vector_load %arg11[%get3A_220] {strides = array<i32>} : memref<128xf32, #tpu.memory_space<vmem>>, vector<16xf32>,
    %add3A_222 = arith.addf %add3A_209, %get3A_221 : vector<16xf32>
    %get3A_223 = arith.constant 32 : index
    %get3A_224 = tpu.vector_load %arg11[%get3A_223] {strides = array<i32>} : memref<128xf32, #tpu.memory_space<vmem>>, vector<16xf32>,
    %add3A_225 = arith.addf %add3A_212, %get3A_224 : vector<16xf32>
    %swap3A_226 = arith.constant 0 : index
    %swap3A_227 = tpu.vector_load %arg9[%swap3A_226] {strides = array<i32>} : memref<48xf32, #tpu.memory_space<vmem>>, vector<16xf32>,
    tpu.vector_store %arg9[%swap3A_226], %add3A_219 {strides = array<i32>} : memref<48xf32, #tpu.memory_space<vmem>>, vector<16xf32>,
    %swap3A_228 = arith.constant 16 : index
    %swap3A_229 = tpu.vector_load %arg9[%swap3A_228] {strides = array<i32>} : memref<48xf32, #tpu.memory_space<vmem>>, vector<16xf32>,
    tpu.vector_store %arg9[%swap3A_228], %add3A_222 {strides = array<i32>} : memref<48xf32, #tpu.memory_space<vmem>>, vector<16xf32>,
    %swap3A_230 = arith.constant 32 : index
    %swap3A_231 = tpu.vector_load %arg9[%swap3A_230] {strides = array<i32>} : memref<48xf32, #tpu.memory_space<vmem>>, vector<16xf32>,
    tpu.vector_store %arg9[%swap3A_230], %add3A_225 {strides = array<i32>} : memref<48xf32, #tpu.memory_space<vmem>>, vector<16xf32>,
    %and3A_232 = arith.constant 7 : i32
    %and3A_233 = vector.broadcast %and3A_232 : i32 to vector<16xi32>
    %and3A_234 = arith.andi %iota3A, %and3A_233 : vector<16xi32>
    %add3A_235 = arith.constant 32 : i32
    %add3A_236 = vector.broadcast %add3A_235 : i32 to vector<16xi32>
    %add3A_237 = arith.addi %and3A_234, %add3A_236 : vector<16xi32>
    %gather3A = tpu.vector_load_idx %arg9[%add3A_237] : memref<48xf32, #tpu.memory_space<vmem>>[vector<16xi32>], vector<16xf32>,
    %max3A = arith.constant 1.000000e+00 : f32
    %max3A_238 = vector.broadcast %max3A : f32 to vector<16xf32>
    %max3A_239 = arith.maximumf %gather3A, %max3A_238 : vector<16xf32>
    %div3A_240 = arith.divf %broadcast_in_dim3A_35, %max3A_239 : vector<16xf32>
    %mul3A_241 = arith.mulf %add3A_219, %div3A_240 : vector<16xf32>
    %swap3A_242 = arith.constant 0 : index
    %swap3A_243 = tpu.vector_load %arg10[%swap3A_242] {strides = array<i32>} : memref<32xf32, #tpu.memory_space<vmem>>, vector<16xf32>,
    tpu.vector_store %arg10[%swap3A_242], %mul3A_241 {strides = array<i32>} : memref<32xf32, #tpu.memory_space<vmem>>, vector<16xf32>,
    %mul3A_244 = arith.mulf %add3A_222, %div3A_240 : vector<16xf32>
    %swap3A_245 = arith.constant 16 : index
    %swap3A_246 = tpu.vector_load %arg10[%swap3A_245] {strides = array<i32>} : memref<32xf32, #tpu.memory_space<vmem>>, vector<16xf32>,
    tpu.vector_store %arg10[%swap3A_245], %mul3A_244 {strides = array<i32>} : memref<32xf32, #tpu.memory_space<vmem>>, vector<16xf32>,
    %add3A_247 = arith.constant 0 : i32
    %add3A_248 = arith.addi %mul3A_32, %add3A_247 : i32
    "tpu.region"() ({
      %run_scoped3A_319 = tpu.sem_alloc : memref<!tpu.dma_semaphore, #tpu.memory_space<semaphore_mem>>
      %dma_start3A = tpu.memref_slice %arg3[%add3A, %add3A_248] : memref<4x262144xi32, #tpu.memory_space<hbm>> -> memref<1x8192xi32, #tpu.memory_space<hbm>>
      %dma_start3A_320 = tpu.memref_squeeze %dma_start3A : memref<1x8192xi32, #tpu.memory_space<hbm>> -> memref<8192xi32, #tpu.memory_space<hbm>>
      %dma_start3A_321 = tpu.memref_slice %arg3[%add3A, %add3A_248] : memref<4x262144xi32, #tpu.memory_space<hbm>> -> memref<1x8192xi32, #tpu.memory_space<hbm>>
      %dma_start3A_322 = tpu.memref_squeeze %dma_start3A_321 : memref<1x8192xi32, #tpu.memory_space<hbm>> -> memref<8192xi32, #tpu.memory_space<hbm>>
      tpu.enqueue_dma source(%dma_start3A_322 : memref<8192xi32, #tpu.memory_space<hbm>>) target(%arg5 : memref<8192xi32, #tpu.memory_space<vmem>>) target_semaphore(%run_scoped3A_319 : memref<!tpu.dma_semaphore, #tpu.memory_space<semaphore_mem>>)
      %dma_wait3A = tpu.memref_slice %arg3[%add3A, %add3A_248] : memref<4x262144xi32, #tpu.memory_space<hbm>> -> memref<1x8192xi32, #tpu.memory_space<hbm>>
      %dma_wait3A_323 = tpu.memref_squeeze %dma_wait3A : memref<1x8192xi32, #tpu.memory_space<hbm>> -> memref<8192xi32, #tpu.memory_space<hbm>>
      %dma_wait3A_324 = tpu.memref_slice %arg3[%add3A, %add3A_248] : memref<4x262144xi32, #tpu.memory_space<hbm>> -> memref<1x8192xi32, #tpu.memory_space<hbm>>
      %dma_wait3A_325 = tpu.memref_squeeze %dma_wait3A_324 : memref<1x8192xi32, #tpu.memory_space<hbm>> -> memref<8192xi32, #tpu.memory_space<hbm>>
      tpu.wait_dma2 semaphore(%run_scoped3A_319 : memref<!tpu.dma_semaphore, #tpu.memory_space<semaphore_mem>>) src(%dma_wait3A_325 : memref<8192xi32, #tpu.memory_space<hbm>>) dst(%arg5 : memref<8192xi32, #tpu.memory_space<vmem>>)
      tpu.yield
    }) : () -> ()
    %run_scoped3A_249 = arith.constant 0 : i32
    %run_scoped3A_250 = arith.constant 0 : i32
    "tpu.region"() ({
      %run_scoped3A_319 = tpu.sem_alloc : memref<!tpu.dma_semaphore, #tpu.memory_space<semaphore_mem>>
      %dma_start3A = arith.constant 0 : i32
      %dma_start3A_320 = tpu.memref_slice %arg6[%run_scoped3A_250, %dma_start3A] : memref<4x8192xf32, #tpu.memory_space<vmem>> -> memref<1x8192xf32, #tpu.memory_space<vmem>>
      %dma_start3A_321 = tpu.memref_squeeze %dma_start3A_320 : memref<1x8192xf32, #tpu.memory_space<vmem>> -> memref<8192xf32, #tpu.memory_space<vmem>>
      %dma_start3A_322 = tpu.memref_slice %arg2[%add3A, %run_scoped3A_249, %add3A_248] : memref<4x4x262144xf32, #tpu.memory_space<hbm>> -> memref<1x1x8192xf32, #tpu.memory_space<hbm>>
      %dma_start3A_323 = tpu.memref_squeeze %dma_start3A_322 : memref<1x1x8192xf32, #tpu.memory_space<hbm>> -> memref<8192xf32, #tpu.memory_space<hbm>>
      %dma_start3A_324 = arith.constant 0 : i32
      %dma_start3A_325 = tpu.memref_slice %arg6[%run_scoped3A_250, %dma_start3A_324] : memref<4x8192xf32, #tpu.memory_space<vmem>> -> memref<1x8192xf32, #tpu.memory_space<vmem>>
      %dma_start3A_326 = tpu.memref_squeeze %dma_start3A_325 : memref<1x8192xf32, #tpu.memory_space<vmem>> -> memref<8192xf32, #tpu.memory_space<vmem>>
      %dma_start3A_327 = tpu.memref_slice %arg2[%add3A, %run_scoped3A_249, %add3A_248] : memref<4x4x262144xf32, #tpu.memory_space<hbm>> -> memref<1x1x8192xf32, #tpu.memory_space<hbm>>
      %dma_start3A_328 = tpu.memref_squeeze %dma_start3A_327 : memref<1x1x8192xf32, #tpu.memory_space<hbm>> -> memref<8192xf32, #tpu.memory_space<hbm>>
      tpu.enqueue_dma source(%dma_start3A_328 : memref<8192xf32, #tpu.memory_space<hbm>>) target(%dma_start3A_326 : memref<8192xf32, #tpu.memory_space<vmem>>) target_semaphore(%run_scoped3A_319 : memref<!tpu.dma_semaphore, #tpu.memory_space<semaphore_mem>>)
      %dma_wait3A = arith.constant 0 : i32
      %dma_wait3A_329 = tpu.memref_slice %arg6[%run_scoped3A_250, %dma_wait3A] : memref<4x8192xf32, #tpu.memory_space<vmem>> -> memref<1x8192xf32, #tpu.memory_space<vmem>>
      %dma_wait3A_330 = tpu.memref_squeeze %dma_wait3A_329 : memref<1x8192xf32, #tpu.memory_space<vmem>> -> memref<8192xf32, #tpu.memory_space<vmem>>
      %dma_wait3A_331 = tpu.memref_slice %arg2[%add3A, %run_scoped3A_249, %add3A_248] : memref<4x4x262144xf32, #tpu.memory_space<hbm>> -> memref<1x1x8192xf32, #tpu.memory_space<hbm>>
      %dma_wait3A_332 = tpu.memref_squeeze %dma_wait3A_331 : memref<1x1x8192xf32, #tpu.memory_space<hbm>> -> memref<8192xf32, #tpu.memory_space<hbm>>
      %dma_wait3A_333 = arith.constant 0 : i32
      %dma_wait3A_334 = tpu.memref_slice %arg6[%run_scoped3A_250, %dma_wait3A_333] : memref<4x8192xf32, #tpu.memory_space<vmem>> -> memref<1x8192xf32, #tpu.memory_space<vmem>>
      %dma_wait3A_335 = tpu.memref_squeeze %dma_wait3A_334 : memref<1x8192xf32, #tpu.memory_space<vmem>> -> memref<8192xf32, #tpu.memory_space<vmem>>
      %dma_wait3A_336 = tpu.memref_slice %arg2[%add3A, %run_scoped3A_249, %add3A_248] : memref<4x4x262144xf32, #tpu.memory_space<hbm>> -> memref<1x1x8192xf32, #tpu.memory_space<hbm>>
      %dma_wait3A_337 = tpu.memref_squeeze %dma_wait3A_336 : memref<1x1x8192xf32, #tpu.memory_space<hbm>> -> memref<8192xf32, #tpu.memory_space<hbm>>
      tpu.wait_dma2 semaphore(%run_scoped3A_319 : memref<!tpu.dma_semaphore, #tpu.memory_space<semaphore_mem>>) src(%dma_wait3A_337 : memref<8192xf32, #tpu.memory_space<hbm>>) dst(%dma_wait3A_335 : memref<8192xf32, #tpu.memory_space<vmem>>)
      tpu.yield
    }) : () -> ()
    %run_scoped3A_251 = arith.constant 1 : i32
    %run_scoped3A_252 = arith.constant 1 : i32
    "tpu.region"() ({
      %run_scoped3A_319 = tpu.sem_alloc : memref<!tpu.dma_semaphore, #tpu.memory_space<semaphore_mem>>
      %dma_start3A = arith.constant 0 : i32
      %dma_start3A_320 = tpu.memref_slice %arg6[%run_scoped3A_252, %dma_start3A] : memref<4x8192xf32, #tpu.memory_space<vmem>> -> memref<1x8192xf32, #tpu.memory_space<vmem>>
      %dma_start3A_321 = tpu.memref_squeeze %dma_start3A_320 : memref<1x8192xf32, #tpu.memory_space<vmem>> -> memref<8192xf32, #tpu.memory_space<vmem>>
      %dma_start3A_322 = tpu.memref_slice %arg2[%add3A, %run_scoped3A_251, %add3A_248] : memref<4x4x262144xf32, #tpu.memory_space<hbm>> -> memref<1x1x8192xf32, #tpu.memory_space<hbm>>
      %dma_start3A_323 = tpu.memref_squeeze %dma_start3A_322 : memref<1x1x8192xf32, #tpu.memory_space<hbm>> -> memref<8192xf32, #tpu.memory_space<hbm>>
      %dma_start3A_324 = arith.constant 0 : i32
      %dma_start3A_325 = tpu.memref_slice %arg6[%run_scoped3A_252, %dma_start3A_324] : memref<4x8192xf32, #tpu.memory_space<vmem>> -> memref<1x8192xf32, #tpu.memory_space<vmem>>
      %dma_start3A_326 = tpu.memref_squeeze %dma_start3A_325 : memref<1x8192xf32, #tpu.memory_space<vmem>> -> memref<8192xf32, #tpu.memory_space<vmem>>
      %dma_start3A_327 = tpu.memref_slice %arg2[%add3A, %run_scoped3A_251, %add3A_248] : memref<4x4x262144xf32, #tpu.memory_space<hbm>> -> memref<1x1x8192xf32, #tpu.memory_space<hbm>>
      %dma_start3A_328 = tpu.memref_squeeze %dma_start3A_327 : memref<1x1x8192xf32, #tpu.memory_space<hbm>> -> memref<8192xf32, #tpu.memory_space<hbm>>
      tpu.enqueue_dma source(%dma_start3A_328 : memref<8192xf32, #tpu.memory_space<hbm>>) target(%dma_start3A_326 : memref<8192xf32, #tpu.memory_space<vmem>>) target_semaphore(%run_scoped3A_319 : memref<!tpu.dma_semaphore, #tpu.memory_space<semaphore_mem>>)
      %dma_wait3A = arith.constant 0 : i32
      %dma_wait3A_329 = tpu.memref_slice %arg6[%run_scoped3A_252, %dma_wait3A] : memref<4x8192xf32, #tpu.memory_space<vmem>> -> memref<1x8192xf32, #tpu.memory_space<vmem>>
      %dma_wait3A_330 = tpu.memref_squeeze %dma_wait3A_329 : memref<1x8192xf32, #tpu.memory_space<vmem>> -> memref<8192xf32, #tpu.memory_space<vmem>>
      %dma_wait3A_331 = tpu.memref_slice %arg2[%add3A, %run_scoped3A_251, %add3A_248] : memref<4x4x262144xf32, #tpu.memory_space<hbm>> -> memref<1x1x8192xf32, #tpu.memory_space<hbm>>
      %dma_wait3A_332 = tpu.memref_squeeze %dma_wait3A_331 : memref<1x1x8192xf32, #tpu.memory_space<hbm>> -> memref<8192xf32, #tpu.memory_space<hbm>>
      %dma_wait3A_333 = arith.constant 0 : i32
      %dma_wait3A_334 = tpu.memref_slice %arg6[%run_scoped3A_252, %dma_wait3A_333] : memref<4x8192xf32, #tpu.memory_space<vmem>> -> memref<1x8192xf32, #tpu.memory_space<vmem>>
      %dma_wait3A_335 = tpu.memref_squeeze %dma_wait3A_334 : memref<1x8192xf32, #tpu.memory_space<vmem>> -> memref<8192xf32, #tpu.memory_space<vmem>>
      %dma_wait3A_336 = tpu.memref_slice %arg2[%add3A, %run_scoped3A_251, %add3A_248] : memref<4x4x262144xf32, #tpu.memory_space<hbm>> -> memref<1x1x8192xf32, #tpu.memory_space<hbm>>
      %dma_wait3A_337 = tpu.memref_squeeze %dma_wait3A_336 : memref<1x1x8192xf32, #tpu.memory_space<hbm>> -> memref<8192xf32, #tpu.memory_space<hbm>>
      tpu.wait_dma2 semaphore(%run_scoped3A_319 : memref<!tpu.dma_semaphore, #tpu.memory_space<semaphore_mem>>) src(%dma_wait3A_337 : memref<8192xf32, #tpu.memory_space<hbm>>) dst(%dma_wait3A_335 : memref<8192xf32, #tpu.memory_space<vmem>>)
      tpu.yield
    }) : () -> ()
    %run_scoped3A_253 = arith.constant 2 : i32
    %run_scoped3A_254 = arith.constant 2 : i32
    "tpu.region"() ({
      %run_scoped3A_319 = tpu.sem_alloc : memref<!tpu.dma_semaphore, #tpu.memory_space<semaphore_mem>>
      %dma_start3A = arith.constant 0 : i32
      %dma_start3A_320 = tpu.memref_slice %arg6[%run_scoped3A_254, %dma_start3A] : memref<4x8192xf32, #tpu.memory_space<vmem>> -> memref<1x8192xf32, #tpu.memory_space<vmem>>
      %dma_start3A_321 = tpu.memref_squeeze %dma_start3A_320 : memref<1x8192xf32, #tpu.memory_space<vmem>> -> memref<8192xf32, #tpu.memory_space<vmem>>
      %dma_start3A_322 = tpu.memref_slice %arg2[%add3A, %run_scoped3A_253, %add3A_248] : memref<4x4x262144xf32, #tpu.memory_space<hbm>> -> memref<1x1x8192xf32, #tpu.memory_space<hbm>>
      %dma_start3A_323 = tpu.memref_squeeze %dma_start3A_322 : memref<1x1x8192xf32, #tpu.memory_space<hbm>> -> memref<8192xf32, #tpu.memory_space<hbm>>
      %dma_start3A_324 = arith.constant 0 : i32
      %dma_start3A_325 = tpu.memref_slice %arg6[%run_scoped3A_254, %dma_start3A_324] : memref<4x8192xf32, #tpu.memory_space<vmem>> -> memref<1x8192xf32, #tpu.memory_space<vmem>>
      %dma_start3A_326 = tpu.memref_squeeze %dma_start3A_325 : memref<1x8192xf32, #tpu.memory_space<vmem>> -> memref<8192xf32, #tpu.memory_space<vmem>>
      %dma_start3A_327 = tpu.memref_slice %arg2[%add3A, %run_scoped3A_253, %add3A_248] : memref<4x4x262144xf32, #tpu.memory_space<hbm>> -> memref<1x1x8192xf32, #tpu.memory_space<hbm>>
      %dma_start3A_328 = tpu.memref_squeeze %dma_start3A_327 : memref<1x1x8192xf32, #tpu.memory_space<hbm>> -> memref<8192xf32, #tpu.memory_space<hbm>>
      tpu.enqueue_dma source(%dma_start3A_328 : memref<8192xf32, #tpu.memory_space<hbm>>) target(%dma_start3A_326 : memref<8192xf32, #tpu.memory_space<vmem>>) target_semaphore(%run_scoped3A_319 : memref<!tpu.dma_semaphore, #tpu.memory_space<semaphore_mem>>)
      %dma_wait3A = arith.constant 0 : i32
      %dma_wait3A_329 = tpu.memref_slice %arg6[%run_scoped3A_254, %dma_wait3A] : memref<4x8192xf32, #tpu.memory_space<vmem>> -> memref<1x8192xf32, #tpu.memory_space<vmem>>
      %dma_wait3A_330 = tpu.memref_squeeze %dma_wait3A_329 : memref<1x8192xf32, #tpu.memory_space<vmem>> -> memref<8192xf32, #tpu.memory_space<vmem>>
      %dma_wait3A_331 = tpu.memref_slice %arg2[%add3A, %run_scoped3A_253, %add3A_248] : memref<4x4x262144xf32, #tpu.memory_space<hbm>> -> memref<1x1x8192xf32, #tpu.memory_space<hbm>>
      %dma_wait3A_332 = tpu.memref_squeeze %dma_wait3A_331 : memref<1x1x8192xf32, #tpu.memory_space<hbm>> -> memref<8192xf32, #tpu.memory_space<hbm>>
      %dma_wait3A_333 = arith.constant 0 : i32
      %dma_wait3A_334 = tpu.memref_slice %arg6[%run_scoped3A_254, %dma_wait3A_333] : memref<4x8192xf32, #tpu.memory_space<vmem>> -> memref<1x8192xf32, #tpu.memory_space<vmem>>
      %dma_wait3A_335 = tpu.memref_squeeze %dma_wait3A_334 : memref<1x8192xf32, #tpu.memory_space<vmem>> -> memref<8192xf32, #tpu.memory_space<vmem>>
      %dma_wait3A_336 = tpu.memref_slice %arg2[%add3A, %run_scoped3A_253, %add3A_248] : memref<4x4x262144xf32, #tpu.memory_space<hbm>> -> memref<1x1x8192xf32, #tpu.memory_space<hbm>>
      %dma_wait3A_337 = tpu.memref_squeeze %dma_wait3A_336 : memref<1x1x8192xf32, #tpu.memory_space<hbm>> -> memref<8192xf32, #tpu.memory_space<hbm>>
      tpu.wait_dma2 semaphore(%run_scoped3A_319 : memref<!tpu.dma_semaphore, #tpu.memory_space<semaphore_mem>>) src(%dma_wait3A_337 : memref<8192xf32, #tpu.memory_space<hbm>>) dst(%dma_wait3A_335 : memref<8192xf32, #tpu.memory_space<vmem>>)
      tpu.yield
    }) : () -> ()
    %run_scoped3A_255 = arith.constant 3 : i32
    %run_scoped3A_256 = arith.constant 3 : i32
    "tpu.region"() ({
      %run_scoped3A_319 = tpu.sem_alloc : memref<!tpu.dma_semaphore, #tpu.memory_space<semaphore_mem>>
      %dma_start3A = arith.constant 0 : i32
      %dma_start3A_320 = tpu.memref_slice %arg6[%run_scoped3A_256, %dma_start3A] : memref<4x8192xf32, #tpu.memory_space<vmem>> -> memref<1x8192xf32, #tpu.memory_space<vmem>>
      %dma_start3A_321 = tpu.memref_squeeze %dma_start3A_320 : memref<1x8192xf32, #tpu.memory_space<vmem>> -> memref<8192xf32, #tpu.memory_space<vmem>>
      %dma_start3A_322 = tpu.memref_slice %arg2[%add3A, %run_scoped3A_255, %add3A_248] : memref<4x4x262144xf32, #tpu.memory_space<hbm>> -> memref<1x1x8192xf32, #tpu.memory_space<hbm>>
      %dma_start3A_323 = tpu.memref_squeeze %dma_start3A_322 : memref<1x1x8192xf32, #tpu.memory_space<hbm>> -> memref<8192xf32, #tpu.memory_space<hbm>>
      %dma_start3A_324 = arith.constant 0 : i32
      %dma_start3A_325 = tpu.memref_slice %arg6[%run_scoped3A_256, %dma_start3A_324] : memref<4x8192xf32, #tpu.memory_space<vmem>> -> memref<1x8192xf32, #tpu.memory_space<vmem>>
      %dma_start3A_326 = tpu.memref_squeeze %dma_start3A_325 : memref<1x8192xf32, #tpu.memory_space<vmem>> -> memref<8192xf32, #tpu.memory_space<vmem>>
      %dma_start3A_327 = tpu.memref_slice %arg2[%add3A, %run_scoped3A_255, %add3A_248] : memref<4x4x262144xf32, #tpu.memory_space<hbm>> -> memref<1x1x8192xf32, #tpu.memory_space<hbm>>
      %dma_start3A_328 = tpu.memref_squeeze %dma_start3A_327 : memref<1x1x8192xf32, #tpu.memory_space<hbm>> -> memref<8192xf32, #tpu.memory_space<hbm>>
      tpu.enqueue_dma source(%dma_start3A_328 : memref<8192xf32, #tpu.memory_space<hbm>>) target(%dma_start3A_326 : memref<8192xf32, #tpu.memory_space<vmem>>) target_semaphore(%run_scoped3A_319 : memref<!tpu.dma_semaphore, #tpu.memory_space<semaphore_mem>>)
      %dma_wait3A = arith.constant 0 : i32
      %dma_wait3A_329 = tpu.memref_slice %arg6[%run_scoped3A_256, %dma_wait3A] : memref<4x8192xf32, #tpu.memory_space<vmem>> -> memref<1x8192xf32, #tpu.memory_space<vmem>>
      %dma_wait3A_330 = tpu.memref_squeeze %dma_wait3A_329 : memref<1x8192xf32, #tpu.memory_space<vmem>> -> memref<8192xf32, #tpu.memory_space<vmem>>
      %dma_wait3A_331 = tpu.memref_slice %arg2[%add3A, %run_scoped3A_255, %add3A_248] : memref<4x4x262144xf32, #tpu.memory_space<hbm>> -> memref<1x1x8192xf32, #tpu.memory_space<hbm>>
      %dma_wait3A_332 = tpu.memref_squeeze %dma_wait3A_331 : memref<1x1x8192xf32, #tpu.memory_space<hbm>> -> memref<8192xf32, #tpu.memory_space<hbm>>
      %dma_wait3A_333 = arith.constant 0 : i32
      %dma_wait3A_334 = tpu.memref_slice %arg6[%run_scoped3A_256, %dma_wait3A_333] : memref<4x8192xf32, #tpu.memory_space<vmem>> -> memref<1x8192xf32, #tpu.memory_space<vmem>>
      %dma_wait3A_335 = tpu.memref_squeeze %dma_wait3A_334 : memref<1x8192xf32, #tpu.memory_space<vmem>> -> memref<8192xf32, #tpu.memory_space<vmem>>
      %dma_wait3A_336 = tpu.memref_slice %arg2[%add3A, %run_scoped3A_255, %add3A_248] : memref<4x4x262144xf32, #tpu.memory_space<hbm>> -> memref<1x1x8192xf32, #tpu.memory_space<hbm>>
      %dma_wait3A_337 = tpu.memref_squeeze %dma_wait3A_336 : memref<1x1x8192xf32, #tpu.memory_space<hbm>> -> memref<8192xf32, #tpu.memory_space<hbm>>
      tpu.wait_dma2 semaphore(%run_scoped3A_319 : memref<!tpu.dma_semaphore, #tpu.memory_space<semaphore_mem>>) src(%dma_wait3A_337 : memref<8192xf32, #tpu.memory_space<hbm>>) dst(%dma_wait3A_335 : memref<8192xf32, #tpu.memory_space<vmem>>)
      tpu.yield
    }) : () -> ()
    %scan3A_257 = arith.constant 0 : i32
    %scan3A_258 = arith.constant 0 : i32
    %scan3A_259 = arith.constant 512 : i32
    %scan3A_260 = arith.addi %scan3A_258, %scan3A_259 : i32
    %scan3A_261 = arith.constant 1 : i32
    %scan3A_262 = scf.for %scan3A_319 = %scan3A_258 to %scan3A_260 step %scan3A_261 iter_args(%scan3A_320 = %scan3A_257) -> (i32)  : i32 {
      %mul3A_321 = arith.constant 16 : i32
      %mul3A_322 = arith.muli %scan3A_319, %mul3A_321 : i32
      %multiple_of3A = tpu.assume_multiple %mul3A_322, 16 : i32
      %get3A_323 = arith.index_cast %multiple_of3A : i32 to index
      %get3A_324 = tpu.vector_load %arg5[%get3A_323] {strides = array<i32>} : memref<8192xi32, #tpu.memory_space<vmem>>, vector<16xi32>,
      %get3A_325 = arith.constant 0 : i32
      %get3A_326 = arith.index_cast %get3A_325 : i32 to index
      %get3A_327 = arith.index_cast %multiple_of3A : i32 to index
      %get3A_328 = tpu.vector_load %arg6[%get3A_326, %get3A_327] {strides = array<i32>} : memref<4x8192xf32, #tpu.memory_space<vmem>>, vector<16xf32>,
      %add3A_329 = arith.constant 0 : i32
      %add3A_330 = vector.broadcast %add3A_329 : i32 to vector<16xi32>
      %add3A_331 = arith.addi %get3A_324, %add3A_330 : vector<16xi32>
      %gather3A_332 = tpu.vector_load_idx %arg10[%add3A_331] : memref<32xf32, #tpu.memory_space<vmem>>[vector<16xi32>], vector<16xf32>,
      %sub3A_333 = arith.subf %get3A_328, %gather3A_332 : vector<16xf32>
      %mul3A_334 = arith.mulf %sub3A_333, %sub3A_333 : vector<16xf32>
      %add3A_335 = arith.addf %broadcast_in_dim3A_33, %mul3A_334 : vector<16xf32>
      %get3A_336 = arith.constant 1 : i32
      %get3A_337 = arith.index_cast %get3A_336 : i32 to index
      %get3A_338 = arith.index_cast %multiple_of3A : i32 to index
      %get3A_339 = tpu.vector_load %arg6[%get3A_337, %get3A_338] {strides = array<i32>} : memref<4x8192xf32, #tpu.memory_space<vmem>>, vector<16xf32>,
      %add3A_340 = arith.constant 8 : i32
      %add3A_341 = vector.broadcast %add3A_340 : i32 to vector<16xi32>
      %add3A_342 = arith.addi %get3A_324, %add3A_341 : vector<16xi32>
      %gather3A_343 = tpu.vector_load_idx %arg10[%add3A_342] : memref<32xf32, #tpu.memory_space<vmem>>[vector<16xi32>], vector<16xf32>,
      %sub3A_344 = arith.subf %get3A_339, %gather3A_343 : vector<16xf32>
      %mul3A_345 = arith.mulf %sub3A_344, %sub3A_344 : vector<16xf32>
      %add3A_346 = arith.addf %add3A_335, %mul3A_345 : vector<16xf32>
      %get3A_347 = arith.constant 2 : i32
      %get3A_348 = arith.index_cast %get3A_347 : i32 to index
      %get3A_349 = arith.index_cast %multiple_of3A : i32 to index
      %get3A_350 = tpu.vector_load %arg6[%get3A_348, %get3A_349] {strides = array<i32>} : memref<4x8192xf32, #tpu.memory_space<vmem>>, vector<16xf32>,
      %add3A_351 = arith.constant 16 : i32
      %add3A_352 = vector.broadcast %add3A_351 : i32 to vector<16xi32>
      %add3A_353 = arith.addi %get3A_324, %add3A_352 : vector<16xi32>
      %gather3A_354 = tpu.vector_load_idx %arg10[%add3A_353] : memref<32xf32, #tpu.memory_space<vmem>>[vector<16xi32>], vector<16xf32>,
      %sub3A_355 = arith.subf %get3A_350, %gather3A_354 : vector<16xf32>
      %mul3A_356 = arith.mulf %sub3A_355, %sub3A_355 : vector<16xf32>
      %add3A_357 = arith.addf %add3A_346, %mul3A_356 : vector<16xf32>
      %get3A_358 = arith.constant 3 : i32
      %get3A_359 = arith.index_cast %get3A_358 : i32 to index
      %get3A_360 = arith.index_cast %multiple_of3A : i32 to index
      %get3A_361 = tpu.vector_load %arg6[%get3A_359, %get3A_360] {strides = array<i32>} : memref<4x8192xf32, #tpu.memory_space<vmem>>, vector<16xf32>,
      %add3A_362 = arith.constant 24 : i32
      %add3A_363 = vector.broadcast %add3A_362 : i32 to vector<16xi32>
      %add3A_364 = arith.addi %get3A_324, %add3A_363 : vector<16xi32>
      %gather3A_365 = tpu.vector_load_idx %arg10[%add3A_364] : memref<32xf32, #tpu.memory_space<vmem>>[vector<16xi32>], vector<16xf32>,
      %sub3A_366 = arith.subf %get3A_361, %gather3A_365 : vector<16xf32>
      %mul3A_367 = arith.mulf %sub3A_366, %sub3A_366 : vector<16xf32>
      %add3A_368 = arith.addf %add3A_357, %mul3A_367 : vector<16xf32>
      %max3A_369 = arith.constant 1.000000e-30 : f32
      %max3A_370 = vector.broadcast %max3A_369 : f32 to vector<16xf32>
      %max3A_371 = arith.maximumf %add3A_368, %max3A_370 : vector<16xf32>
      %bitcast_convert_type3A = tpu.bitcast %max3A_371 : vector<16xf32> -> vector<16xi32>
      %shift_right_logical3A = arith.constant 1 : i32
      %shift_right_logical3A_372 = vector.broadcast %shift_right_logical3A : i32 to vector<16xi32>
      %shift_right_logical3A_373 = arith.shrui %bitcast_convert_type3A, %shift_right_logical3A_372 : vector<16xi32>
      %sub3A_374 = arith.constant 1597463007 : i32
      %sub3A_375 = vector.broadcast %sub3A_374 : i32 to vector<16xi32>
      %sub3A_376 = arith.subi %sub3A_375, %shift_right_logical3A_373 : vector<16xi32>
      %bitcast_convert_type3A_377 = tpu.bitcast %sub3A_376 : vector<16xi32> -> vector<16xf32>
      %mul3A_378 = arith.constant 5.000000e-01 : f32
      %mul3A_379 = vector.broadcast %mul3A_378 : f32 to vector<16xf32>
      %mul3A_380 = arith.mulf %mul3A_379, %max3A_371 : vector<16xf32>
      %mul3A_381 = arith.mulf %mul3A_380, %bitcast_convert_type3A_377 : vector<16xf32>
      %mul3A_382 = arith.mulf %mul3A_381, %bitcast_convert_type3A_377 : vector<16xf32>
      %sub3A_383 = arith.constant 1.500000e+00 : f32
      %sub3A_384 = vector.broadcast %sub3A_383 : f32 to vector<16xf32>
      %sub3A_385 = arith.subf %sub3A_384, %mul3A_382 : vector<16xf32>
      %mul3A_386 = arith.mulf %bitcast_convert_type3A_377, %sub3A_385 : vector<16xf32>
      %mul3A_387 = arith.constant 5.000000e-01 : f32
      %mul3A_388 = vector.broadcast %mul3A_387 : f32 to vector<16xf32>
      %mul3A_389 = arith.mulf %mul3A_388, %max3A_371 : vector<16xf32>
      %mul3A_390 = arith.mulf %mul3A_389, %mul3A_386 : vector<16xf32>
      %mul3A_391 = arith.mulf %mul3A_390, %mul3A_386 : vector<16xf32>
      %sub3A_392 = arith.constant 1.500000e+00 : f32
      %sub3A_393 = vector.broadcast %sub3A_392 : f32 to vector<16xf32>
      %sub3A_394 = arith.subf %sub3A_393, %mul3A_391 : vector<16xf32>
      %mul3A_395 = arith.mulf %mul3A_386, %sub3A_394 : vector<16xf32>
      %mul3A_396 = arith.constant 5.000000e-01 : f32
      %mul3A_397 = vector.broadcast %mul3A_396 : f32 to vector<16xf32>
      %mul3A_398 = arith.mulf %mul3A_397, %max3A_371 : vector<16xf32>
      %mul3A_399 = arith.mulf %mul3A_398, %mul3A_395 : vector<16xf32>
      %mul3A_400 = arith.mulf %mul3A_399, %mul3A_395 : vector<16xf32>
      %sub3A_401 = arith.constant 1.500000e+00 : f32
      %sub3A_402 = vector.broadcast %sub3A_401 : f32 to vector<16xf32>
      %sub3A_403 = arith.subf %sub3A_402, %mul3A_400 : vector<16xf32>
      %mul3A_404 = arith.mulf %mul3A_395, %sub3A_403 : vector<16xf32>
      %mul3A_405 = arith.mulf %max3A_371, %mul3A_404 : vector<16xf32>
      tpu.vector_store_idx %arg8[%get3A_324], %mul3A_405 {add = true} : memref<16xf32, #tpu.memory_space<vmem>>[vector<16xi32>], vector<16xf32>,
      %scan3A_406 = arith.constant 0 : i32
      scf.yield %scan3A_406 : i32
    }
    %scan3A_263 = arith.constant 512 : i32
    %add3A_264 = arith.constant 8192 : i32
    %add3A_265 = arith.addi %mul3A_32, %add3A_264 : i32
    "tpu.region"() ({
      %run_scoped3A_319 = tpu.sem_alloc : memref<!tpu.dma_semaphore, #tpu.memory_space<semaphore_mem>>
      %dma_start3A = tpu.memref_slice %arg3[%add3A, %add3A_265] : memref<4x262144xi32, #tpu.memory_space<hbm>> -> memref<1x8192xi32, #tpu.memory_space<hbm>>
      %dma_start3A_320 = tpu.memref_squeeze %dma_start3A : memref<1x8192xi32, #tpu.memory_space<hbm>> -> memref<8192xi32, #tpu.memory_space<hbm>>
      %dma_start3A_321 = tpu.memref_slice %arg3[%add3A, %add3A_265] : memref<4x262144xi32, #tpu.memory_space<hbm>> -> memref<1x8192xi32, #tpu.memory_space<hbm>>
      %dma_start3A_322 = tpu.memref_squeeze %dma_start3A_321 : memref<1x8192xi32, #tpu.memory_space<hbm>> -> memref<8192xi32, #tpu.memory_space<hbm>>
      tpu.enqueue_dma source(%dma_start3A_322 : memref<8192xi32, #tpu.memory_space<hbm>>) target(%arg5 : memref<8192xi32, #tpu.memory_space<vmem>>) target_semaphore(%run_scoped3A_319 : memref<!tpu.dma_semaphore, #tpu.memory_space<semaphore_mem>>)
      %dma_wait3A = tpu.memref_slice %arg3[%add3A, %add3A_265] : memref<4x262144xi32, #tpu.memory_space<hbm>> -> memref<1x8192xi32, #tpu.memory_space<hbm>>
      %dma_wait3A_323 = tpu.memref_squeeze %dma_wait3A : memref<1x8192xi32, #tpu.memory_space<hbm>> -> memref<8192xi32, #tpu.memory_space<hbm>>
      %dma_wait3A_324 = tpu.memref_slice %arg3[%add3A, %add3A_265] : memref<4x262144xi32, #tpu.memory_space<hbm>> -> memref<1x8192xi32, #tpu.memory_space<hbm>>
      %dma_wait3A_325 = tpu.memref_squeeze %dma_wait3A_324 : memref<1x8192xi32, #tpu.memory_space<hbm>> -> memref<8192xi32, #tpu.memory_space<hbm>>
      tpu.wait_dma2 semaphore(%run_scoped3A_319 : memref<!tpu.dma_semaphore, #tpu.memory_space<semaphore_mem>>) src(%dma_wait3A_325 : memref<8192xi32, #tpu.memory_space<hbm>>) dst(%arg5 : memref<8192xi32, #tpu.memory_space<vmem>>)
      tpu.yield
    }) : () -> ()
    %run_scoped3A_266 = arith.constant 0 : i32
    %run_scoped3A_267 = arith.constant 0 : i32
    "tpu.region"() ({
      %run_scoped3A_319 = tpu.sem_alloc : memref<!tpu.dma_semaphore, #tpu.memory_space<semaphore_mem>>
      %dma_start3A = arith.constant 0 : i32
      %dma_start3A_320 = tpu.memref_slice %arg6[%run_scoped3A_267, %dma_start3A] : memref<4x8192xf32, #tpu.memory_space<vmem>> -> memref<1x8192xf32, #tpu.memory_space<vmem>>
      %dma_start3A_321 = tpu.memref_squeeze %dma_start3A_320 : memref<1x8192xf32, #tpu.memory_space<vmem>> -> memref<8192xf32, #tpu.memory_space<vmem>>
      %dma_start3A_322 = tpu.memref_slice %arg2[%add3A, %run_scoped3A_266, %add3A_265] : memref<4x4x262144xf32, #tpu.memory_space<hbm>> -> memref<1x1x8192xf32, #tpu.memory_space<hbm>>
      %dma_start3A_323 = tpu.memref_squeeze %dma_start3A_322 : memref<1x1x8192xf32, #tpu.memory_space<hbm>> -> memref<8192xf32, #tpu.memory_space<hbm>>
      %dma_start3A_324 = arith.constant 0 : i32
      %dma_start3A_325 = tpu.memref_slice %arg6[%run_scoped3A_267, %dma_start3A_324] : memref<4x8192xf32, #tpu.memory_space<vmem>> -> memref<1x8192xf32, #tpu.memory_space<vmem>>
      %dma_start3A_326 = tpu.memref_squeeze %dma_start3A_325 : memref<1x8192xf32, #tpu.memory_space<vmem>> -> memref<8192xf32, #tpu.memory_space<vmem>>
      %dma_start3A_327 = tpu.memref_slice %arg2[%add3A, %run_scoped3A_266, %add3A_265] : memref<4x4x262144xf32, #tpu.memory_space<hbm>> -> memref<1x1x8192xf32, #tpu.memory_space<hbm>>
      %dma_start3A_328 = tpu.memref_squeeze %dma_start3A_327 : memref<1x1x8192xf32, #tpu.memory_space<hbm>> -> memref<8192xf32, #tpu.memory_space<hbm>>
      tpu.enqueue_dma source(%dma_start3A_328 : memref<8192xf32, #tpu.memory_space<hbm>>) target(%dma_start3A_326 : memref<8192xf32, #tpu.memory_space<vmem>>) target_semaphore(%run_scoped3A_319 : memref<!tpu.dma_semaphore, #tpu.memory_space<semaphore_mem>>)
      %dma_wait3A = arith.constant 0 : i32
      %dma_wait3A_329 = tpu.memref_slice %arg6[%run_scoped3A_267, %dma_wait3A] : memref<4x8192xf32, #tpu.memory_space<vmem>> -> memref<1x8192xf32, #tpu.memory_space<vmem>>
      %dma_wait3A_330 = tpu.memref_squeeze %dma_wait3A_329 : memref<1x8192xf32, #tpu.memory_space<vmem>> -> memref<8192xf32, #tpu.memory_space<vmem>>
      %dma_wait3A_331 = tpu.memref_slice %arg2[%add3A, %run_scoped3A_266, %add3A_265] : memref<4x4x262144xf32, #tpu.memory_space<hbm>> -> memref<1x1x8192xf32, #tpu.memory_space<hbm>>
      %dma_wait3A_332 = tpu.memref_squeeze %dma_wait3A_331 : memref<1x1x8192xf32, #tpu.memory_space<hbm>> -> memref<8192xf32, #tpu.memory_space<hbm>>
      %dma_wait3A_333 = arith.constant 0 : i32
      %dma_wait3A_334 = tpu.memref_slice %arg6[%run_scoped3A_267, %dma_wait3A_333] : memref<4x8192xf32, #tpu.memory_space<vmem>> -> memref<1x8192xf32, #tpu.memory_space<vmem>>
      %dma_wait3A_335 = tpu.memref_squeeze %dma_wait3A_334 : memref<1x8192xf32, #tpu.memory_space<vmem>> -> memref<8192xf32, #tpu.memory_space<vmem>>
      %dma_wait3A_336 = tpu.memref_slice %arg2[%add3A, %run_scoped3A_266, %add3A_265] : memref<4x4x262144xf32, #tpu.memory_space<hbm>> -> memref<1x1x8192xf32, #tpu.memory_space<hbm>>
      %dma_wait3A_337 = tpu.memref_squeeze %dma_wait3A_336 : memref<1x1x8192xf32, #tpu.memory_space<hbm>> -> memref<8192xf32, #tpu.memory_space<hbm>>
      tpu.wait_dma2 semaphore(%run_scoped3A_319 : memref<!tpu.dma_semaphore, #tpu.memory_space<semaphore_mem>>) src(%dma_wait3A_337 : memref<8192xf32, #tpu.memory_space<hbm>>) dst(%dma_wait3A_335 : memref<8192xf32, #tpu.memory_space<vmem>>)
      tpu.yield
    }) : () -> ()
    %run_scoped3A_268 = arith.constant 1 : i32
    %run_scoped3A_269 = arith.constant 1 : i32
    "tpu.region"() ({
      %run_scoped3A_319 = tpu.sem_alloc : memref<!tpu.dma_semaphore, #tpu.memory_space<semaphore_mem>>
      %dma_start3A = arith.constant 0 : i32
      %dma_start3A_320 = tpu.memref_slice %arg6[%run_scoped3A_269, %dma_start3A] : memref<4x8192xf32, #tpu.memory_space<vmem>> -> memref<1x8192xf32, #tpu.memory_space<vmem>>
      %dma_start3A_321 = tpu.memref_squeeze %dma_start3A_320 : memref<1x8192xf32, #tpu.memory_space<vmem>> -> memref<8192xf32, #tpu.memory_space<vmem>>
      %dma_start3A_322 = tpu.memref_slice %arg2[%add3A, %run_scoped3A_268, %add3A_265] : memref<4x4x262144xf32, #tpu.memory_space<hbm>> -> memref<1x1x8192xf32, #tpu.memory_space<hbm>>
      %dma_start3A_323 = tpu.memref_squeeze %dma_start3A_322 : memref<1x1x8192xf32, #tpu.memory_space<hbm>> -> memref<8192xf32, #tpu.memory_space<hbm>>
      %dma_start3A_324 = arith.constant 0 : i32
      %dma_start3A_325 = tpu.memref_slice %arg6[%run_scoped3A_269, %dma_start3A_324] : memref<4x8192xf32, #tpu.memory_space<vmem>> -> memref<1x8192xf32, #tpu.memory_space<vmem>>
      %dma_start3A_326 = tpu.memref_squeeze %dma_start3A_325 : memref<1x8192xf32, #tpu.memory_space<vmem>> -> memref<8192xf32, #tpu.memory_space<vmem>>
      %dma_start3A_327 = tpu.memref_slice %arg2[%add3A, %run_scoped3A_268, %add3A_265] : memref<4x4x262144xf32, #tpu.memory_space<hbm>> -> memref<1x1x8192xf32, #tpu.memory_space<hbm>>
      %dma_start3A_328 = tpu.memref_squeeze %dma_start3A_327 : memref<1x1x8192xf32, #tpu.memory_space<hbm>> -> memref<8192xf32, #tpu.memory_space<hbm>>
      tpu.enqueue_dma source(%dma_start3A_328 : memref<8192xf32, #tpu.memory_space<hbm>>) target(%dma_start3A_326 : memref<8192xf32, #tpu.memory_space<vmem>>) target_semaphore(%run_scoped3A_319 : memref<!tpu.dma_semaphore, #tpu.memory_space<semaphore_mem>>)
      %dma_wait3A = arith.constant 0 : i32
      %dma_wait3A_329 = tpu.memref_slice %arg6[%run_scoped3A_269, %dma_wait3A] : memref<4x8192xf32, #tpu.memory_space<vmem>> -> memref<1x8192xf32, #tpu.memory_space<vmem>>
      %dma_wait3A_330 = tpu.memref_squeeze %dma_wait3A_329 : memref<1x8192xf32, #tpu.memory_space<vmem>> -> memref<8192xf32, #tpu.memory_space<vmem>>
      %dma_wait3A_331 = tpu.memref_slice %arg2[%add3A, %run_scoped3A_268, %add3A_265] : memref<4x4x262144xf32, #tpu.memory_space<hbm>> -> memref<1x1x8192xf32, #tpu.memory_space<hbm>>
      %dma_wait3A_332 = tpu.memref_squeeze %dma_wait3A_331 : memref<1x1x8192xf32, #tpu.memory_space<hbm>> -> memref<8192xf32, #tpu.memory_space<hbm>>
      %dma_wait3A_333 = arith.constant 0 : i32
      %dma_wait3A_334 = tpu.memref_slice %arg6[%run_scoped3A_269, %dma_wait3A_333] : memref<4x8192xf32, #tpu.memory_space<vmem>> -> memref<1x8192xf32, #tpu.memory_space<vmem>>
      %dma_wait3A_335 = tpu.memref_squeeze %dma_wait3A_334 : memref<1x8192xf32, #tpu.memory_space<vmem>> -> memref<8192xf32, #tpu.memory_space<vmem>>
      %dma_wait3A_336 = tpu.memref_slice %arg2[%add3A, %run_scoped3A_268, %add3A_265] : memref<4x4x262144xf32, #tpu.memory_space<hbm>> -> memref<1x1x8192xf32, #tpu.memory_space<hbm>>
      %dma_wait3A_337 = tpu.memref_squeeze %dma_wait3A_336 : memref<1x1x8192xf32, #tpu.memory_space<hbm>> -> memref<8192xf32, #tpu.memory_space<hbm>>
      tpu.wait_dma2 semaphore(%run_scoped3A_319 : memref<!tpu.dma_semaphore, #tpu.memory_space<semaphore_mem>>) src(%dma_wait3A_337 : memref<8192xf32, #tpu.memory_space<hbm>>) dst(%dma_wait3A_335 : memref<8192xf32, #tpu.memory_space<vmem>>)
      tpu.yield
    }) : () -> ()
    %run_scoped3A_270 = arith.constant 2 : i32
    %run_scoped3A_271 = arith.constant 2 : i32
    "tpu.region"() ({
      %run_scoped3A_319 = tpu.sem_alloc : memref<!tpu.dma_semaphore, #tpu.memory_space<semaphore_mem>>
      %dma_start3A = arith.constant 0 : i32
      %dma_start3A_320 = tpu.memref_slice %arg6[%run_scoped3A_271, %dma_start3A] : memref<4x8192xf32, #tpu.memory_space<vmem>> -> memref<1x8192xf32, #tpu.memory_space<vmem>>
      %dma_start3A_321 = tpu.memref_squeeze %dma_start3A_320 : memref<1x8192xf32, #tpu.memory_space<vmem>> -> memref<8192xf32, #tpu.memory_space<vmem>>
      %dma_start3A_322 = tpu.memref_slice %arg2[%add3A, %run_scoped3A_270, %add3A_265] : memref<4x4x262144xf32, #tpu.memory_space<hbm>> -> memref<1x1x8192xf32, #tpu.memory_space<hbm>>
      %dma_start3A_323 = tpu.memref_squeeze %dma_start3A_322 : memref<1x1x8192xf32, #tpu.memory_space<hbm>> -> memref<8192xf32, #tpu.memory_space<hbm>>
      %dma_start3A_324 = arith.constant 0 : i32
      %dma_start3A_325 = tpu.memref_slice %arg6[%run_scoped3A_271, %dma_start3A_324] : memref<4x8192xf32, #tpu.memory_space<vmem>> -> memref<1x8192xf32, #tpu.memory_space<vmem>>
      %dma_start3A_326 = tpu.memref_squeeze %dma_start3A_325 : memref<1x8192xf32, #tpu.memory_space<vmem>> -> memref<8192xf32, #tpu.memory_space<vmem>>
      %dma_start3A_327 = tpu.memref_slice %arg2[%add3A, %run_scoped3A_270, %add3A_265] : memref<4x4x262144xf32, #tpu.memory_space<hbm>> -> memref<1x1x8192xf32, #tpu.memory_space<hbm>>
      %dma_start3A_328 = tpu.memref_squeeze %dma_start3A_327 : memref<1x1x8192xf32, #tpu.memory_space<hbm>> -> memref<8192xf32, #tpu.memory_space<hbm>>
      tpu.enqueue_dma source(%dma_start3A_328 : memref<8192xf32, #tpu.memory_space<hbm>>) target(%dma_start3A_326 : memref<8192xf32, #tpu.memory_space<vmem>>) target_semaphore(%run_scoped3A_319 : memref<!tpu.dma_semaphore, #tpu.memory_space<semaphore_mem>>)
      %dma_wait3A = arith.constant 0 : i32
      %dma_wait3A_329 = tpu.memref_slice %arg6[%run_scoped3A_271, %dma_wait3A] : memref<4x8192xf32, #tpu.memory_space<vmem>> -> memref<1x8192xf32, #tpu.memory_space<vmem>>
      %dma_wait3A_330 = tpu.memref_squeeze %dma_wait3A_329 : memref<1x8192xf32, #tpu.memory_space<vmem>> -> memref<8192xf32, #tpu.memory_space<vmem>>
      %dma_wait3A_331 = tpu.memref_slice %arg2[%add3A, %run_scoped3A_270, %add3A_265] : memref<4x4x262144xf32, #tpu.memory_space<hbm>> -> memref<1x1x8192xf32, #tpu.memory_space<hbm>>
      %dma_wait3A_332 = tpu.memref_squeeze %dma_wait3A_331 : memref<1x1x8192xf32, #tpu.memory_space<hbm>> -> memref<8192xf32, #tpu.memory_space<hbm>>
      %dma_wait3A_333 = arith.constant 0 : i32
      %dma_wait3A_334 = tpu.memref_slice %arg6[%run_scoped3A_271, %dma_wait3A_333] : memref<4x8192xf32, #tpu.memory_space<vmem>> -> memref<1x8192xf32, #tpu.memory_space<vmem>>
      %dma_wait3A_335 = tpu.memref_squeeze %dma_wait3A_334 : memref<1x8192xf32, #tpu.memory_space<vmem>> -> memref<8192xf32, #tpu.memory_space<vmem>>
      %dma_wait3A_336 = tpu.memref_slice %arg2[%add3A, %run_scoped3A_270, %add3A_265] : memref<4x4x262144xf32, #tpu.memory_space<hbm>> -> memref<1x1x8192xf32, #tpu.memory_space<hbm>>
      %dma_wait3A_337 = tpu.memref_squeeze %dma_wait3A_336 : memref<1x1x8192xf32, #tpu.memory_space<hbm>> -> memref<8192xf32, #tpu.memory_space<hbm>>
      tpu.wait_dma2 semaphore(%run_scoped3A_319 : memref<!tpu.dma_semaphore, #tpu.memory_space<semaphore_mem>>) src(%dma_wait3A_337 : memref<8192xf32, #tpu.memory_space<hbm>>) dst(%dma_wait3A_335 : memref<8192xf32, #tpu.memory_space<vmem>>)
      tpu.yield
    }) : () -> ()
    %run_scoped3A_272 = arith.constant 3 : i32
    %run_scoped3A_273 = arith.constant 3 : i32
    "tpu.region"() ({
      %run_scoped3A_319 = tpu.sem_alloc : memref<!tpu.dma_semaphore, #tpu.memory_space<semaphore_mem>>
      %dma_start3A = arith.constant 0 : i32
      %dma_start3A_320 = tpu.memref_slice %arg6[%run_scoped3A_273, %dma_start3A] : memref<4x8192xf32, #tpu.memory_space<vmem>> -> memref<1x8192xf32, #tpu.memory_space<vmem>>
      %dma_start3A_321 = tpu.memref_squeeze %dma_start3A_320 : memref<1x8192xf32, #tpu.memory_space<vmem>> -> memref<8192xf32, #tpu.memory_space<vmem>>
      %dma_start3A_322 = tpu.memref_slice %arg2[%add3A, %run_scoped3A_272, %add3A_265] : memref<4x4x262144xf32, #tpu.memory_space<hbm>> -> memref<1x1x8192xf32, #tpu.memory_space<hbm>>
      %dma_start3A_323 = tpu.memref_squeeze %dma_start3A_322 : memref<1x1x8192xf32, #tpu.memory_space<hbm>> -> memref<8192xf32, #tpu.memory_space<hbm>>
      %dma_start3A_324 = arith.constant 0 : i32
      %dma_start3A_325 = tpu.memref_slice %arg6[%run_scoped3A_273, %dma_start3A_324] : memref<4x8192xf32, #tpu.memory_space<vmem>> -> memref<1x8192xf32, #tpu.memory_space<vmem>>
      %dma_start3A_326 = tpu.memref_squeeze %dma_start3A_325 : memref<1x8192xf32, #tpu.memory_space<vmem>> -> memref<8192xf32, #tpu.memory_space<vmem>>
      %dma_start3A_327 = tpu.memref_slice %arg2[%add3A, %run_scoped3A_272, %add3A_265] : memref<4x4x262144xf32, #tpu.memory_space<hbm>> -> memref<1x1x8192xf32, #tpu.memory_space<hbm>>
      %dma_start3A_328 = tpu.memref_squeeze %dma_start3A_327 : memref<1x1x8192xf32, #tpu.memory_space<hbm>> -> memref<8192xf32, #tpu.memory_space<hbm>>
      tpu.enqueue_dma source(%dma_start3A_328 : memref<8192xf32, #tpu.memory_space<hbm>>) target(%dma_start3A_326 : memref<8192xf32, #tpu.memory_space<vmem>>) target_semaphore(%run_scoped3A_319 : memref<!tpu.dma_semaphore, #tpu.memory_space<semaphore_mem>>)
      %dma_wait3A = arith.constant 0 : i32
      %dma_wait3A_329 = tpu.memref_slice %arg6[%run_scoped3A_273, %dma_wait3A] : memref<4x8192xf32, #tpu.memory_space<vmem>> -> memref<1x8192xf32, #tpu.memory_space<vmem>>
      %dma_wait3A_330 = tpu.memref_squeeze %dma_wait3A_329 : memref<1x8192xf32, #tpu.memory_space<vmem>> -> memref<8192xf32, #tpu.memory_space<vmem>>
      %dma_wait3A_331 = tpu.memref_slice %arg2[%add3A, %run_scoped3A_272, %add3A_265] : memref<4x4x262144xf32, #tpu.memory_space<hbm>> -> memref<1x1x8192xf32, #tpu.memory_space<hbm>>
      %dma_wait3A_332 = tpu.memref_squeeze %dma_wait3A_331 : memref<1x1x8192xf32, #tpu.memory_space<hbm>> -> memref<8192xf32, #tpu.memory_space<hbm>>
      %dma_wait3A_333 = arith.constant 0 : i32
      %dma_wait3A_334 = tpu.memref_slice %arg6[%run_scoped3A_273, %dma_wait3A_333] : memref<4x8192xf32, #tpu.memory_space<vmem>> -> memref<1x8192xf32, #tpu.memory_space<vmem>>
      %dma_wait3A_335 = tpu.memref_squeeze %dma_wait3A_334 : memref<1x8192xf32, #tpu.memory_space<vmem>> -> memref<8192xf32, #tpu.memory_space<vmem>>
      %dma_wait3A_336 = tpu.memref_slice %arg2[%add3A, %run_scoped3A_272, %add3A_265] : memref<4x4x262144xf32, #tpu.memory_space<hbm>> -> memref<1x1x8192xf32, #tpu.memory_space<hbm>>
      %dma_wait3A_337 = tpu.memref_squeeze %dma_wait3A_336 : memref<1x1x8192xf32, #tpu.memory_space<hbm>> -> memref<8192xf32, #tpu.memory_space<hbm>>
      tpu.wait_dma2 semaphore(%run_scoped3A_319 : memref<!tpu.dma_semaphore, #tpu.memory_space<semaphore_mem>>) src(%dma_wait3A_337 : memref<8192xf32, #tpu.memory_space<hbm>>) dst(%dma_wait3A_335 : memref<8192xf32, #tpu.memory_space<vmem>>)
      tpu.yield
    }) : () -> ()
    %scan3A_274 = arith.constant 0 : i32
    %scan3A_275 = arith.constant 0 : i32
    %scan3A_276 = arith.constant 512 : i32
    %scan3A_277 = arith.addi %scan3A_275, %scan3A_276 : i32
    %scan3A_278 = arith.constant 1 : i32
    %scan3A_279 = scf.for %scan3A_319 = %scan3A_275 to %scan3A_277 step %scan3A_278 iter_args(%scan3A_320 = %scan3A_274) -> (i32)  : i32 {
      %mul3A_321 = arith.constant 16 : i32
      %mul3A_322 = arith.muli %scan3A_319, %mul3A_321 : i32
      %multiple_of3A = tpu.assume_multiple %mul3A_322, 16 : i32
      %get3A_323 = arith.index_cast %multiple_of3A : i32 to index
      %get3A_324 = tpu.vector_load %arg5[%get3A_323] {strides = array<i32>} : memref<8192xi32, #tpu.memory_space<vmem>>, vector<16xi32>,
      %get3A_325 = arith.constant 0 : i32
      %get3A_326 = arith.index_cast %get3A_325 : i32 to index
      %get3A_327 = arith.index_cast %multiple_of3A : i32 to index
      %get3A_328 = tpu.vector_load %arg6[%get3A_326, %get3A_327] {strides = array<i32>} : memref<4x8192xf32, #tpu.memory_space<vmem>>, vector<16xf32>,
      %add3A_329 = arith.constant 0 : i32
      %add3A_330 = vector.broadcast %add3A_329 : i32 to vector<16xi32>
      %add3A_331 = arith.addi %get3A_324, %add3A_330 : vector<16xi32>
      %gather3A_332 = tpu.vector_load_idx %arg10[%add3A_331] : memref<32xf32, #tpu.memory_space<vmem>>[vector<16xi32>], vector<16xf32>,
      %sub3A_333 = arith.subf %get3A_328, %gather3A_332 : vector<16xf32>
      %mul3A_334 = arith.mulf %sub3A_333, %sub3A_333 : vector<16xf32>
      %add3A_335 = arith.addf %broadcast_in_dim3A_33, %mul3A_334 : vector<16xf32>
      %get3A_336 = arith.constant 1 : i32
      %get3A_337 = arith.index_cast %get3A_336 : i32 to index
      %get3A_338 = arith.index_cast %multiple_of3A : i32 to index
      %get3A_339 = tpu.vector_load %arg6[%get3A_337, %get3A_338] {strides = array<i32>} : memref<4x8192xf32, #tpu.memory_space<vmem>>, vector<16xf32>,
      %add3A_340 = arith.constant 8 : i32
      %add3A_341 = vector.broadcast %add3A_340 : i32 to vector<16xi32>
      %add3A_342 = arith.addi %get3A_324, %add3A_341 : vector<16xi32>
      %gather3A_343 = tpu.vector_load_idx %arg10[%add3A_342] : memref<32xf32, #tpu.memory_space<vmem>>[vector<16xi32>], vector<16xf32>,
      %sub3A_344 = arith.subf %get3A_339, %gather3A_343 : vector<16xf32>
      %mul3A_345 = arith.mulf %sub3A_344, %sub3A_344 : vector<16xf32>
      %add3A_346 = arith.addf %add3A_335, %mul3A_345 : vector<16xf32>
      %get3A_347 = arith.constant 2 : i32
      %get3A_348 = arith.index_cast %get3A_347 : i32 to index
      %get3A_349 = arith.index_cast %multiple_of3A : i32 to index
      %get3A_350 = tpu.vector_load %arg6[%get3A_348, %get3A_349] {strides = array<i32>} : memref<4x8192xf32, #tpu.memory_space<vmem>>, vector<16xf32>,
      %add3A_351 = arith.constant 16 : i32
      %add3A_352 = vector.broadcast %add3A_351 : i32 to vector<16xi32>
      %add3A_353 = arith.addi %get3A_324, %add3A_352 : vector<16xi32>
      %gather3A_354 = tpu.vector_load_idx %arg10[%add3A_353] : memref<32xf32, #tpu.memory_space<vmem>>[vector<16xi32>], vector<16xf32>,
      %sub3A_355 = arith.subf %get3A_350, %gather3A_354 : vector<16xf32>
      %mul3A_356 = arith.mulf %sub3A_355, %sub3A_355 : vector<16xf32>
      %add3A_357 = arith.addf %add3A_346, %mul3A_356 : vector<16xf32>
      %get3A_358 = arith.constant 3 : i32
      %get3A_359 = arith.index_cast %get3A_358 : i32 to index
      %get3A_360 = arith.index_cast %multiple_of3A : i32 to index
      %get3A_361 = tpu.vector_load %arg6[%get3A_359, %get3A_360] {strides = array<i32>} : memref<4x8192xf32, #tpu.memory_space<vmem>>, vector<16xf32>,
      %add3A_362 = arith.constant 24 : i32
      %add3A_363 = vector.broadcast %add3A_362 : i32 to vector<16xi32>
      %add3A_364 = arith.addi %get3A_324, %add3A_363 : vector<16xi32>
      %gather3A_365 = tpu.vector_load_idx %arg10[%add3A_364] : memref<32xf32, #tpu.memory_space<vmem>>[vector<16xi32>], vector<16xf32>,
      %sub3A_366 = arith.subf %get3A_361, %gather3A_365 : vector<16xf32>
      %mul3A_367 = arith.mulf %sub3A_366, %sub3A_366 : vector<16xf32>
      %add3A_368 = arith.addf %add3A_357, %mul3A_367 : vector<16xf32>
      %max3A_369 = arith.constant 1.000000e-30 : f32
      %max3A_370 = vector.broadcast %max3A_369 : f32 to vector<16xf32>
      %max3A_371 = arith.maximumf %add3A_368, %max3A_370 : vector<16xf32>
      %bitcast_convert_type3A = tpu.bitcast %max3A_371 : vector<16xf32> -> vector<16xi32>
      %shift_right_logical3A = arith.constant 1 : i32
      %shift_right_logical3A_372 = vector.broadcast %shift_right_logical3A : i32 to vector<16xi32>
      %shift_right_logical3A_373 = arith.shrui %bitcast_convert_type3A, %shift_right_logical3A_372 : vector<16xi32>
      %sub3A_374 = arith.constant 1597463007 : i32
      %sub3A_375 = vector.broadcast %sub3A_374 : i32 to vector<16xi32>
      %sub3A_376 = arith.subi %sub3A_375, %shift_right_logical3A_373 : vector<16xi32>
      %bitcast_convert_type3A_377 = tpu.bitcast %sub3A_376 : vector<16xi32> -> vector<16xf32>
      %mul3A_378 = arith.constant 5.000000e-01 : f32
      %mul3A_379 = vector.broadcast %mul3A_378 : f32 to vector<16xf32>
      %mul3A_380 = arith.mulf %mul3A_379, %max3A_371 : vector<16xf32>
      %mul3A_381 = arith.mulf %mul3A_380, %bitcast_convert_type3A_377 : vector<16xf32>
      %mul3A_382 = arith.mulf %mul3A_381, %bitcast_convert_type3A_377 : vector<16xf32>
      %sub3A_383 = arith.constant 1.500000e+00 : f32
      %sub3A_384 = vector.broadcast %sub3A_383 : f32 to vector<16xf32>
      %sub3A_385 = arith.subf %sub3A_384, %mul3A_382 : vector<16xf32>
      %mul3A_386 = arith.mulf %bitcast_convert_type3A_377, %sub3A_385 : vector<16xf32>
      %mul3A_387 = arith.constant 5.000000e-01 : f32
      %mul3A_388 = vector.broadcast %mul3A_387 : f32 to vector<16xf32>
      %mul3A_389 = arith.mulf %mul3A_388, %max3A_371 : vector<16xf32>
      %mul3A_390 = arith.mulf %mul3A_389, %mul3A_386 : vector<16xf32>
      %mul3A_391 = arith.mulf %mul3A_390, %mul3A_386 : vector<16xf32>
      %sub3A_392 = arith.constant 1.500000e+00 : f32
      %sub3A_393 = vector.broadcast %sub3A_392 : f32 to vector<16xf32>
      %sub3A_394 = arith.subf %sub3A_393, %mul3A_391 : vector<16xf32>
      %mul3A_395 = arith.mulf %mul3A_386, %sub3A_394 : vector<16xf32>
      %mul3A_396 = arith.constant 5.000000e-01 : f32
      %mul3A_397 = vector.broadcast %mul3A_396 : f32 to vector<16xf32>
      %mul3A_398 = arith.mulf %mul3A_397, %max3A_371 : vector<16xf32>
      %mul3A_399 = arith.mulf %mul3A_398, %mul3A_395 : vector<16xf32>
      %mul3A_400 = arith.mulf %mul3A_399, %mul3A_395 : vector<16xf32>
      %sub3A_401 = arith.constant 1.500000e+00 : f32
      %sub3A_402 = vector.broadcast %sub3A_401 : f32 to vector<16xf32>
      %sub3A_403 = arith.subf %sub3A_402, %mul3A_400 : vector<16xf32>
      %mul3A_404 = arith.mulf %mul3A_395, %sub3A_403 : vector<16xf32>
      %mul3A_405 = arith.mulf %max3A_371, %mul3A_404 : vector<16xf32>
      tpu.vector_store_idx %arg8[%get3A_324], %mul3A_405 {add = true} : memref<16xf32, #tpu.memory_space<vmem>>[vector<16xi32>], vector<16xf32>,
      %scan3A_406 = arith.constant 0 : i32
      scf.yield %scan3A_406 : i32
    }
    %scan3A_280 = arith.constant 512 : i32
    %add3A_281 = arith.constant 16384 : i32
    %add3A_282 = arith.addi %mul3A_32, %add3A_281 : i32
    "tpu.region"() ({
      %run_scoped3A_319 = tpu.sem_alloc : memref<!tpu.dma_semaphore, #tpu.memory_space<semaphore_mem>>
      %dma_start3A = tpu.memref_slice %arg3[%add3A, %add3A_282] : memref<4x262144xi32, #tpu.memory_space<hbm>> -> memref<1x8192xi32, #tpu.memory_space<hbm>>
      %dma_start3A_320 = tpu.memref_squeeze %dma_start3A : memref<1x8192xi32, #tpu.memory_space<hbm>> -> memref<8192xi32, #tpu.memory_space<hbm>>
      %dma_start3A_321 = tpu.memref_slice %arg3[%add3A, %add3A_282] : memref<4x262144xi32, #tpu.memory_space<hbm>> -> memref<1x8192xi32, #tpu.memory_space<hbm>>
      %dma_start3A_322 = tpu.memref_squeeze %dma_start3A_321 : memref<1x8192xi32, #tpu.memory_space<hbm>> -> memref<8192xi32, #tpu.memory_space<hbm>>
      tpu.enqueue_dma source(%dma_start3A_322 : memref<8192xi32, #tpu.memory_space<hbm>>) target(%arg5 : memref<8192xi32, #tpu.memory_space<vmem>>) target_semaphore(%run_scoped3A_319 : memref<!tpu.dma_semaphore, #tpu.memory_space<semaphore_mem>>)
      %dma_wait3A = tpu.memref_slice %arg3[%add3A, %add3A_282] : memref<4x262144xi32, #tpu.memory_space<hbm>> -> memref<1x8192xi32, #tpu.memory_space<hbm>>
      %dma_wait3A_323 = tpu.memref_squeeze %dma_wait3A : memref<1x8192xi32, #tpu.memory_space<hbm>> -> memref<8192xi32, #tpu.memory_space<hbm>>
      %dma_wait3A_324 = tpu.memref_slice %arg3[%add3A, %add3A_282] : memref<4x262144xi32, #tpu.memory_space<hbm>> -> memref<1x8192xi32, #tpu.memory_space<hbm>>
      %dma_wait3A_325 = tpu.memref_squeeze %dma_wait3A_324 : memref<1x8192xi32, #tpu.memory_space<hbm>> -> memref<8192xi32, #tpu.memory_space<hbm>>
      tpu.wait_dma2 semaphore(%run_scoped3A_319 : memref<!tpu.dma_semaphore, #tpu.memory_space<semaphore_mem>>) src(%dma_wait3A_325 : memref<8192xi32, #tpu.memory_space<hbm>>) dst(%arg5 : memref<8192xi32, #tpu.memory_space<vmem>>)
      tpu.yield
    }) : () -> ()
    %run_scoped3A_283 = arith.constant 0 : i32
    %run_scoped3A_284 = arith.constant 0 : i32
    "tpu.region"() ({
      %run_scoped3A_319 = tpu.sem_alloc : memref<!tpu.dma_semaphore, #tpu.memory_space<semaphore_mem>>
      %dma_start3A = arith.constant 0 : i32
      %dma_start3A_320 = tpu.memref_slice %arg6[%run_scoped3A_284, %dma_start3A] : memref<4x8192xf32, #tpu.memory_space<vmem>> -> memref<1x8192xf32, #tpu.memory_space<vmem>>
      %dma_start3A_321 = tpu.memref_squeeze %dma_start3A_320 : memref<1x8192xf32, #tpu.memory_space<vmem>> -> memref<8192xf32, #tpu.memory_space<vmem>>
      %dma_start3A_322 = tpu.memref_slice %arg2[%add3A, %run_scoped3A_283, %add3A_282] : memref<4x4x262144xf32, #tpu.memory_space<hbm>> -> memref<1x1x8192xf32, #tpu.memory_space<hbm>>
      %dma_start3A_323 = tpu.memref_squeeze %dma_start3A_322 : memref<1x1x8192xf32, #tpu.memory_space<hbm>> -> memref<8192xf32, #tpu.memory_space<hbm>>
      %dma_start3A_324 = arith.constant 0 : i32
      %dma_start3A_325 = tpu.memref_slice %arg6[%run_scoped3A_284, %dma_start3A_324] : memref<4x8192xf32, #tpu.memory_space<vmem>> -> memref<1x8192xf32, #tpu.memory_space<vmem>>
      %dma_start3A_326 = tpu.memref_squeeze %dma_start3A_325 : memref<1x8192xf32, #tpu.memory_space<vmem>> -> memref<8192xf32, #tpu.memory_space<vmem>>
      %dma_start3A_327 = tpu.memref_slice %arg2[%add3A, %run_scoped3A_283, %add3A_282] : memref<4x4x262144xf32, #tpu.memory_space<hbm>> -> memref<1x1x8192xf32, #tpu.memory_space<hbm>>
      %dma_start3A_328 = tpu.memref_squeeze %dma_start3A_327 : memref<1x1x8192xf32, #tpu.memory_space<hbm>> -> memref<8192xf32, #tpu.memory_space<hbm>>
      tpu.enqueue_dma source(%dma_start3A_328 : memref<8192xf32, #tpu.memory_space<hbm>>) target(%dma_start3A_326 : memref<8192xf32, #tpu.memory_space<vmem>>) target_semaphore(%run_scoped3A_319 : memref<!tpu.dma_semaphore, #tpu.memory_space<semaphore_mem>>)
      %dma_wait3A = arith.constant 0 : i32
      %dma_wait3A_329 = tpu.memref_slice %arg6[%run_scoped3A_284, %dma_wait3A] : memref<4x8192xf32, #tpu.memory_space<vmem>> -> memref<1x8192xf32, #tpu.memory_space<vmem>>
      %dma_wait3A_330 = tpu.memref_squeeze %dma_wait3A_329 : memref<1x8192xf32, #tpu.memory_space<vmem>> -> memref<8192xf32, #tpu.memory_space<vmem>>
      %dma_wait3A_331 = tpu.memref_slice %arg2[%add3A, %run_scoped3A_283, %add3A_282] : memref<4x4x262144xf32, #tpu.memory_space<hbm>> -> memref<1x1x8192xf32, #tpu.memory_space<hbm>>
      %dma_wait3A_332 = tpu.memref_squeeze %dma_wait3A_331 : memref<1x1x8192xf32, #tpu.memory_space<hbm>> -> memref<8192xf32, #tpu.memory_space<hbm>>
      %dma_wait3A_333 = arith.constant 0 : i32
      %dma_wait3A_334 = tpu.memref_slice %arg6[%run_scoped3A_284, %dma_wait3A_333] : memref<4x8192xf32, #tpu.memory_space<vmem>> -> memref<1x8192xf32, #tpu.memory_space<vmem>>
      %dma_wait3A_335 = tpu.memref_squeeze %dma_wait3A_334 : memref<1x8192xf32, #tpu.memory_space<vmem>> -> memref<8192xf32, #tpu.memory_space<vmem>>
      %dma_wait3A_336 = tpu.memref_slice %arg2[%add3A, %run_scoped3A_283, %add3A_282] : memref<4x4x262144xf32, #tpu.memory_space<hbm>> -> memref<1x1x8192xf32, #tpu.memory_space<hbm>>
      %dma_wait3A_337 = tpu.memref_squeeze %dma_wait3A_336 : memref<1x1x8192xf32, #tpu.memory_space<hbm>> -> memref<8192xf32, #tpu.memory_space<hbm>>
      tpu.wait_dma2 semaphore(%run_scoped3A_319 : memref<!tpu.dma_semaphore, #tpu.memory_space<semaphore_mem>>) src(%dma_wait3A_337 : memref<8192xf32, #tpu.memory_space<hbm>>) dst(%dma_wait3A_335 : memref<8192xf32, #tpu.memory_space<vmem>>)
      tpu.yield
    }) : () -> ()
    %run_scoped3A_285 = arith.constant 1 : i32
    %run_scoped3A_286 = arith.constant 1 : i32
    "tpu.region"() ({
      %run_scoped3A_319 = tpu.sem_alloc : memref<!tpu.dma_semaphore, #tpu.memory_space<semaphore_mem>>
      %dma_start3A = arith.constant 0 : i32
      %dma_start3A_320 = tpu.memref_slice %arg6[%run_scoped3A_286, %dma_start3A] : memref<4x8192xf32, #tpu.memory_space<vmem>> -> memref<1x8192xf32, #tpu.memory_space<vmem>>
      %dma_start3A_321 = tpu.memref_squeeze %dma_start3A_320 : memref<1x8192xf32, #tpu.memory_space<vmem>> -> memref<8192xf32, #tpu.memory_space<vmem>>
      %dma_start3A_322 = tpu.memref_slice %arg2[%add3A, %run_scoped3A_285, %add3A_282] : memref<4x4x262144xf32, #tpu.memory_space<hbm>> -> memref<1x1x8192xf32, #tpu.memory_space<hbm>>
      %dma_start3A_323 = tpu.memref_squeeze %dma_start3A_322 : memref<1x1x8192xf32, #tpu.memory_space<hbm>> -> memref<8192xf32, #tpu.memory_space<hbm>>
      %dma_start3A_324 = arith.constant 0 : i32
      %dma_start3A_325 = tpu.memref_slice %arg6[%run_scoped3A_286, %dma_start3A_324] : memref<4x8192xf32, #tpu.memory_space<vmem>> -> memref<1x8192xf32, #tpu.memory_space<vmem>>
      %dma_start3A_326 = tpu.memref_squeeze %dma_start3A_325 : memref<1x8192xf32, #tpu.memory_space<vmem>> -> memref<8192xf32, #tpu.memory_space<vmem>>
      %dma_start3A_327 = tpu.memref_slice %arg2[%add3A, %run_scoped3A_285, %add3A_282] : memref<4x4x262144xf32, #tpu.memory_space<hbm>> -> memref<1x1x8192xf32, #tpu.memory_space<hbm>>
      %dma_start3A_328 = tpu.memref_squeeze %dma_start3A_327 : memref<1x1x8192xf32, #tpu.memory_space<hbm>> -> memref<8192xf32, #tpu.memory_space<hbm>>
      tpu.enqueue_dma source(%dma_start3A_328 : memref<8192xf32, #tpu.memory_space<hbm>>) target(%dma_start3A_326 : memref<8192xf32, #tpu.memory_space<vmem>>) target_semaphore(%run_scoped3A_319 : memref<!tpu.dma_semaphore, #tpu.memory_space<semaphore_mem>>)
      %dma_wait3A = arith.constant 0 : i32
      %dma_wait3A_329 = tpu.memref_slice %arg6[%run_scoped3A_286, %dma_wait3A] : memref<4x8192xf32, #tpu.memory_space<vmem>> -> memref<1x8192xf32, #tpu.memory_space<vmem>>
      %dma_wait3A_330 = tpu.memref_squeeze %dma_wait3A_329 : memref<1x8192xf32, #tpu.memory_space<vmem>> -> memref<8192xf32, #tpu.memory_space<vmem>>
      %dma_wait3A_331 = tpu.memref_slice %arg2[%add3A, %run_scoped3A_285, %add3A_282] : memref<4x4x262144xf32, #tpu.memory_space<hbm>> -> memref<1x1x8192xf32, #tpu.memory_space<hbm>>
      %dma_wait3A_332 = tpu.memref_squeeze %dma_wait3A_331 : memref<1x1x8192xf32, #tpu.memory_space<hbm>> -> memref<8192xf32, #tpu.memory_space<hbm>>
      %dma_wait3A_333 = arith.constant 0 : i32
      %dma_wait3A_334 = tpu.memref_slice %arg6[%run_scoped3A_286, %dma_wait3A_333] : memref<4x8192xf32, #tpu.memory_space<vmem>> -> memref<1x8192xf32, #tpu.memory_space<vmem>>
      %dma_wait3A_335 = tpu.memref_squeeze %dma_wait3A_334 : memref<1x8192xf32, #tpu.memory_space<vmem>> -> memref<8192xf32, #tpu.memory_space<vmem>>
      %dma_wait3A_336 = tpu.memref_slice %arg2[%add3A, %run_scoped3A_285, %add3A_282] : memref<4x4x262144xf32, #tpu.memory_space<hbm>> -> memref<1x1x8192xf32, #tpu.memory_space<hbm>>
      %dma_wait3A_337 = tpu.memref_squeeze %dma_wait3A_336 : memref<1x1x8192xf32, #tpu.memory_space<hbm>> -> memref<8192xf32, #tpu.memory_space<hbm>>
      tpu.wait_dma2 semaphore(%run_scoped3A_319 : memref<!tpu.dma_semaphore, #tpu.memory_space<semaphore_mem>>) src(%dma_wait3A_337 : memref<8192xf32, #tpu.memory_space<hbm>>) dst(%dma_wait3A_335 : memref<8192xf32, #tpu.memory_space<vmem>>)
      tpu.yield
    }) : () -> ()
    %run_scoped3A_287 = arith.constant 2 : i32
    %run_scoped3A_288 = arith.constant 2 : i32
    "tpu.region"() ({
      %run_scoped3A_319 = tpu.sem_alloc : memref<!tpu.dma_semaphore, #tpu.memory_space<semaphore_mem>>
      %dma_start3A = arith.constant 0 : i32
      %dma_start3A_320 = tpu.memref_slice %arg6[%run_scoped3A_288, %dma_start3A] : memref<4x8192xf32, #tpu.memory_space<vmem>> -> memref<1x8192xf32, #tpu.memory_space<vmem>>
      %dma_start3A_321 = tpu.memref_squeeze %dma_start3A_320 : memref<1x8192xf32, #tpu.memory_space<vmem>> -> memref<8192xf32, #tpu.memory_space<vmem>>
      %dma_start3A_322 = tpu.memref_slice %arg2[%add3A, %run_scoped3A_287, %add3A_282] : memref<4x4x262144xf32, #tpu.memory_space<hbm>> -> memref<1x1x8192xf32, #tpu.memory_space<hbm>>
      %dma_start3A_323 = tpu.memref_squeeze %dma_start3A_322 : memref<1x1x8192xf32, #tpu.memory_space<hbm>> -> memref<8192xf32, #tpu.memory_space<hbm>>
      %dma_start3A_324 = arith.constant 0 : i32
      %dma_start3A_325 = tpu.memref_slice %arg6[%run_scoped3A_288, %dma_start3A_324] : memref<4x8192xf32, #tpu.memory_space<vmem>> -> memref<1x8192xf32, #tpu.memory_space<vmem>>
      %dma_start3A_326 = tpu.memref_squeeze %dma_start3A_325 : memref<1x8192xf32, #tpu.memory_space<vmem>> -> memref<8192xf32, #tpu.memory_space<vmem>>
      %dma_start3A_327 = tpu.memref_slice %arg2[%add3A, %run_scoped3A_287, %add3A_282] : memref<4x4x262144xf32, #tpu.memory_space<hbm>> -> memref<1x1x8192xf32, #tpu.memory_space<hbm>>
      %dma_start3A_328 = tpu.memref_squeeze %dma_start3A_327 : memref<1x1x8192xf32, #tpu.memory_space<hbm>> -> memref<8192xf32, #tpu.memory_space<hbm>>
      tpu.enqueue_dma source(%dma_start3A_328 : memref<8192xf32, #tpu.memory_space<hbm>>) target(%dma_start3A_326 : memref<8192xf32, #tpu.memory_space<vmem>>) target_semaphore(%run_scoped3A_319 : memref<!tpu.dma_semaphore, #tpu.memory_space<semaphore_mem>>)
      %dma_wait3A = arith.constant 0 : i32
      %dma_wait3A_329 = tpu.memref_slice %arg6[%run_scoped3A_288, %dma_wait3A] : memref<4x8192xf32, #tpu.memory_space<vmem>> -> memref<1x8192xf32, #tpu.memory_space<vmem>>
      %dma_wait3A_330 = tpu.memref_squeeze %dma_wait3A_329 : memref<1x8192xf32, #tpu.memory_space<vmem>> -> memref<8192xf32, #tpu.memory_space<vmem>>
      %dma_wait3A_331 = tpu.memref_slice %arg2[%add3A, %run_scoped3A_287, %add3A_282] : memref<4x4x262144xf32, #tpu.memory_space<hbm>> -> memref<1x1x8192xf32, #tpu.memory_space<hbm>>
      %dma_wait3A_332 = tpu.memref_squeeze %dma_wait3A_331 : memref<1x1x8192xf32, #tpu.memory_space<hbm>> -> memref<8192xf32, #tpu.memory_space<hbm>>
      %dma_wait3A_333 = arith.constant 0 : i32
      %dma_wait3A_334 = tpu.memref_slice %arg6[%run_scoped3A_288, %dma_wait3A_333] : memref<4x8192xf32, #tpu.memory_space<vmem>> -> memref<1x8192xf32, #tpu.memory_space<vmem>>
      %dma_wait3A_335 = tpu.memref_squeeze %dma_wait3A_334 : memref<1x8192xf32, #tpu.memory_space<vmem>> -> memref<8192xf32, #tpu.memory_space<vmem>>
      %dma_wait3A_336 = tpu.memref_slice %arg2[%add3A, %run_scoped3A_287, %add3A_282] : memref<4x4x262144xf32, #tpu.memory_space<hbm>> -> memref<1x1x8192xf32, #tpu.memory_space<hbm>>
      %dma_wait3A_337 = tpu.memref_squeeze %dma_wait3A_336 : memref<1x1x8192xf32, #tpu.memory_space<hbm>> -> memref<8192xf32, #tpu.memory_space<hbm>>
      tpu.wait_dma2 semaphore(%run_scoped3A_319 : memref<!tpu.dma_semaphore, #tpu.memory_space<semaphore_mem>>) src(%dma_wait3A_337 : memref<8192xf32, #tpu.memory_space<hbm>>) dst(%dma_wait3A_335 : memref<8192xf32, #tpu.memory_space<vmem>>)
      tpu.yield
    }) : () -> ()
    %run_scoped3A_289 = arith.constant 3 : i32
    %run_scoped3A_290 = arith.constant 3 : i32
    "tpu.region"() ({
      %run_scoped3A_319 = tpu.sem_alloc : memref<!tpu.dma_semaphore, #tpu.memory_space<semaphore_mem>>
      %dma_start3A = arith.constant 0 : i32
      %dma_start3A_320 = tpu.memref_slice %arg6[%run_scoped3A_290, %dma_start3A] : memref<4x8192xf32, #tpu.memory_space<vmem>> -> memref<1x8192xf32, #tpu.memory_space<vmem>>
      %dma_start3A_321 = tpu.memref_squeeze %dma_start3A_320 : memref<1x8192xf32, #tpu.memory_space<vmem>> -> memref<8192xf32, #tpu.memory_space<vmem>>
      %dma_start3A_322 = tpu.memref_slice %arg2[%add3A, %run_scoped3A_289, %add3A_282] : memref<4x4x262144xf32, #tpu.memory_space<hbm>> -> memref<1x1x8192xf32, #tpu.memory_space<hbm>>
      %dma_start3A_323 = tpu.memref_squeeze %dma_start3A_322 : memref<1x1x8192xf32, #tpu.memory_space<hbm>> -> memref<8192xf32, #tpu.memory_space<hbm>>
      %dma_start3A_324 = arith.constant 0 : i32
      %dma_start3A_325 = tpu.memref_slice %arg6[%run_scoped3A_290, %dma_start3A_324] : memref<4x8192xf32, #tpu.memory_space<vmem>> -> memref<1x8192xf32, #tpu.memory_space<vmem>>
      %dma_start3A_326 = tpu.memref_squeeze %dma_start3A_325 : memref<1x8192xf32, #tpu.memory_space<vmem>> -> memref<8192xf32, #tpu.memory_space<vmem>>
      %dma_start3A_327 = tpu.memref_slice %arg2[%add3A, %run_scoped3A_289, %add3A_282] : memref<4x4x262144xf32, #tpu.memory_space<hbm>> -> memref<1x1x8192xf32, #tpu.memory_space<hbm>>
      %dma_start3A_328 = tpu.memref_squeeze %dma_start3A_327 : memref<1x1x8192xf32, #tpu.memory_space<hbm>> -> memref<8192xf32, #tpu.memory_space<hbm>>
      tpu.enqueue_dma source(%dma_start3A_328 : memref<8192xf32, #tpu.memory_space<hbm>>) target(%dma_start3A_326 : memref<8192xf32, #tpu.memory_space<vmem>>) target_semaphore(%run_scoped3A_319 : memref<!tpu.dma_semaphore, #tpu.memory_space<semaphore_mem>>)
      %dma_wait3A = arith.constant 0 : i32
      %dma_wait3A_329 = tpu.memref_slice %arg6[%run_scoped3A_290, %dma_wait3A] : memref<4x8192xf32, #tpu.memory_space<vmem>> -> memref<1x8192xf32, #tpu.memory_space<vmem>>
      %dma_wait3A_330 = tpu.memref_squeeze %dma_wait3A_329 : memref<1x8192xf32, #tpu.memory_space<vmem>> -> memref<8192xf32, #tpu.memory_space<vmem>>
      %dma_wait3A_331 = tpu.memref_slice %arg2[%add3A, %run_scoped3A_289, %add3A_282] : memref<4x4x262144xf32, #tpu.memory_space<hbm>> -> memref<1x1x8192xf32, #tpu.memory_space<hbm>>
      %dma_wait3A_332 = tpu.memref_squeeze %dma_wait3A_331 : memref<1x1x8192xf32, #tpu.memory_space<hbm>> -> memref<8192xf32, #tpu.memory_space<hbm>>
      %dma_wait3A_333 = arith.constant 0 : i32
      %dma_wait3A_334 = tpu.memref_slice %arg6[%run_scoped3A_290, %dma_wait3A_333] : memref<4x8192xf32, #tpu.memory_space<vmem>> -> memref<1x8192xf32, #tpu.memory_space<vmem>>
      %dma_wait3A_335 = tpu.memref_squeeze %dma_wait3A_334 : memref<1x8192xf32, #tpu.memory_space<vmem>> -> memref<8192xf32, #tpu.memory_space<vmem>>
      %dma_wait3A_336 = tpu.memref_slice %arg2[%add3A, %run_scoped3A_289, %add3A_282] : memref<4x4x262144xf32, #tpu.memory_space<hbm>> -> memref<1x1x8192xf32, #tpu.memory_space<hbm>>
      %dma_wait3A_337 = tpu.memref_squeeze %dma_wait3A_336 : memref<1x1x8192xf32, #tpu.memory_space<hbm>> -> memref<8192xf32, #tpu.memory_space<hbm>>
      tpu.wait_dma2 semaphore(%run_scoped3A_319 : memref<!tpu.dma_semaphore, #tpu.memory_space<semaphore_mem>>) src(%dma_wait3A_337 : memref<8192xf32, #tpu.memory_space<hbm>>) dst(%dma_wait3A_335 : memref<8192xf32, #tpu.memory_space<vmem>>)
      tpu.yield
    }) : () -> ()
    %scan3A_291 = arith.constant 0 : i32
    %scan3A_292 = arith.constant 0 : i32
    %scan3A_293 = arith.constant 512 : i32
    %scan3A_294 = arith.addi %scan3A_292, %scan3A_293 : i32
    %scan3A_295 = arith.constant 1 : i32
    %scan3A_296 = scf.for %scan3A_319 = %scan3A_292 to %scan3A_294 step %scan3A_295 iter_args(%scan3A_320 = %scan3A_291) -> (i32)  : i32 {
      %mul3A_321 = arith.constant 16 : i32
      %mul3A_322 = arith.muli %scan3A_319, %mul3A_321 : i32
      %multiple_of3A = tpu.assume_multiple %mul3A_322, 16 : i32
      %get3A_323 = arith.index_cast %multiple_of3A : i32 to index
      %get3A_324 = tpu.vector_load %arg5[%get3A_323] {strides = array<i32>} : memref<8192xi32, #tpu.memory_space<vmem>>, vector<16xi32>,
      %get3A_325 = arith.constant 0 : i32
      %get3A_326 = arith.index_cast %get3A_325 : i32 to index
      %get3A_327 = arith.index_cast %multiple_of3A : i32 to index
      %get3A_328 = tpu.vector_load %arg6[%get3A_326, %get3A_327] {strides = array<i32>} : memref<4x8192xf32, #tpu.memory_space<vmem>>, vector<16xf32>,
      %add3A_329 = arith.constant 0 : i32
      %add3A_330 = vector.broadcast %add3A_329 : i32 to vector<16xi32>
      %add3A_331 = arith.addi %get3A_324, %add3A_330 : vector<16xi32>
      %gather3A_332 = tpu.vector_load_idx %arg10[%add3A_331] : memref<32xf32, #tpu.memory_space<vmem>>[vector<16xi32>], vector<16xf32>,
      %sub3A_333 = arith.subf %get3A_328, %gather3A_332 : vector<16xf32>
      %mul3A_334 = arith.mulf %sub3A_333, %sub3A_333 : vector<16xf32>
      %add3A_335 = arith.addf %broadcast_in_dim3A_33, %mul3A_334 : vector<16xf32>
      %get3A_336 = arith.constant 1 : i32
      %get3A_337 = arith.index_cast %get3A_336 : i32 to index
      %get3A_338 = arith.index_cast %multiple_of3A : i32 to index
      %get3A_339 = tpu.vector_load %arg6[%get3A_337, %get3A_338] {strides = array<i32>} : memref<4x8192xf32, #tpu.memory_space<vmem>>, vector<16xf32>,
      %add3A_340 = arith.constant 8 : i32
      %add3A_341 = vector.broadcast %add3A_340 : i32 to vector<16xi32>
      %add3A_342 = arith.addi %get3A_324, %add3A_341 : vector<16xi32>
      %gather3A_343 = tpu.vector_load_idx %arg10[%add3A_342] : memref<32xf32, #tpu.memory_space<vmem>>[vector<16xi32>], vector<16xf32>,
      %sub3A_344 = arith.subf %get3A_339, %gather3A_343 : vector<16xf32>
      %mul3A_345 = arith.mulf %sub3A_344, %sub3A_344 : vector<16xf32>
      %add3A_346 = arith.addf %add3A_335, %mul3A_345 : vector<16xf32>
      %get3A_347 = arith.constant 2 : i32
      %get3A_348 = arith.index_cast %get3A_347 : i32 to index
      %get3A_349 = arith.index_cast %multiple_of3A : i32 to index
      %get3A_350 = tpu.vector_load %arg6[%get3A_348, %get3A_349] {strides = array<i32>} : memref<4x8192xf32, #tpu.memory_space<vmem>>, vector<16xf32>,
      %add3A_351 = arith.constant 16 : i32
      %add3A_352 = vector.broadcast %add3A_351 : i32 to vector<16xi32>
      %add3A_353 = arith.addi %get3A_324, %add3A_352 : vector<16xi32>
      %gather3A_354 = tpu.vector_load_idx %arg10[%add3A_353] : memref<32xf32, #tpu.memory_space<vmem>>[vector<16xi32>], vector<16xf32>,
      %sub3A_355 = arith.subf %get3A_350, %gather3A_354 : vector<16xf32>
      %mul3A_356 = arith.mulf %sub3A_355, %sub3A_355 : vector<16xf32>
      %add3A_357 = arith.addf %add3A_346, %mul3A_356 : vector<16xf32>
      %get3A_358 = arith.constant 3 : i32
      %get3A_359 = arith.index_cast %get3A_358 : i32 to index
      %get3A_360 = arith.index_cast %multiple_of3A : i32 to index
      %get3A_361 = tpu.vector_load %arg6[%get3A_359, %get3A_360] {strides = array<i32>} : memref<4x8192xf32, #tpu.memory_space<vmem>>, vector<16xf32>,
      %add3A_362 = arith.constant 24 : i32
      %add3A_363 = vector.broadcast %add3A_362 : i32 to vector<16xi32>
      %add3A_364 = arith.addi %get3A_324, %add3A_363 : vector<16xi32>
      %gather3A_365 = tpu.vector_load_idx %arg10[%add3A_364] : memref<32xf32, #tpu.memory_space<vmem>>[vector<16xi32>], vector<16xf32>,
      %sub3A_366 = arith.subf %get3A_361, %gather3A_365 : vector<16xf32>
      %mul3A_367 = arith.mulf %sub3A_366, %sub3A_366 : vector<16xf32>
      %add3A_368 = arith.addf %add3A_357, %mul3A_367 : vector<16xf32>
      %max3A_369 = arith.constant 1.000000e-30 : f32
      %max3A_370 = vector.broadcast %max3A_369 : f32 to vector<16xf32>
      %max3A_371 = arith.maximumf %add3A_368, %max3A_370 : vector<16xf32>
      %bitcast_convert_type3A = tpu.bitcast %max3A_371 : vector<16xf32> -> vector<16xi32>
      %shift_right_logical3A = arith.constant 1 : i32
      %shift_right_logical3A_372 = vector.broadcast %shift_right_logical3A : i32 to vector<16xi32>
      %shift_right_logical3A_373 = arith.shrui %bitcast_convert_type3A, %shift_right_logical3A_372 : vector<16xi32>
      %sub3A_374 = arith.constant 1597463007 : i32
      %sub3A_375 = vector.broadcast %sub3A_374 : i32 to vector<16xi32>
      %sub3A_376 = arith.subi %sub3A_375, %shift_right_logical3A_373 : vector<16xi32>
      %bitcast_convert_type3A_377 = tpu.bitcast %sub3A_376 : vector<16xi32> -> vector<16xf32>
      %mul3A_378 = arith.constant 5.000000e-01 : f32
      %mul3A_379 = vector.broadcast %mul3A_378 : f32 to vector<16xf32>
      %mul3A_380 = arith.mulf %mul3A_379, %max3A_371 : vector<16xf32>
      %mul3A_381 = arith.mulf %mul3A_380, %bitcast_convert_type3A_377 : vector<16xf32>
      %mul3A_382 = arith.mulf %mul3A_381, %bitcast_convert_type3A_377 : vector<16xf32>
      %sub3A_383 = arith.constant 1.500000e+00 : f32
      %sub3A_384 = vector.broadcast %sub3A_383 : f32 to vector<16xf32>
      %sub3A_385 = arith.subf %sub3A_384, %mul3A_382 : vector<16xf32>
      %mul3A_386 = arith.mulf %bitcast_convert_type3A_377, %sub3A_385 : vector<16xf32>
      %mul3A_387 = arith.constant 5.000000e-01 : f32
      %mul3A_388 = vector.broadcast %mul3A_387 : f32 to vector<16xf32>
      %mul3A_389 = arith.mulf %mul3A_388, %max3A_371 : vector<16xf32>
      %mul3A_390 = arith.mulf %mul3A_389, %mul3A_386 : vector<16xf32>
      %mul3A_391 = arith.mulf %mul3A_390, %mul3A_386 : vector<16xf32>
      %sub3A_392 = arith.constant 1.500000e+00 : f32
      %sub3A_393 = vector.broadcast %sub3A_392 : f32 to vector<16xf32>
      %sub3A_394 = arith.subf %sub3A_393, %mul3A_391 : vector<16xf32>
      %mul3A_395 = arith.mulf %mul3A_386, %sub3A_394 : vector<16xf32>
      %mul3A_396 = arith.constant 5.000000e-01 : f32
      %mul3A_397 = vector.broadcast %mul3A_396 : f32 to vector<16xf32>
      %mul3A_398 = arith.mulf %mul3A_397, %max3A_371 : vector<16xf32>
      %mul3A_399 = arith.mulf %mul3A_398, %mul3A_395 : vector<16xf32>
      %mul3A_400 = arith.mulf %mul3A_399, %mul3A_395 : vector<16xf32>
      %sub3A_401 = arith.constant 1.500000e+00 : f32
      %sub3A_402 = vector.broadcast %sub3A_401 : f32 to vector<16xf32>
      %sub3A_403 = arith.subf %sub3A_402, %mul3A_400 : vector<16xf32>
      %mul3A_404 = arith.mulf %mul3A_395, %sub3A_403 : vector<16xf32>
      %mul3A_405 = arith.mulf %max3A_371, %mul3A_404 : vector<16xf32>
      tpu.vector_store_idx %arg8[%get3A_324], %mul3A_405 {add = true} : memref<16xf32, #tpu.memory_space<vmem>>[vector<16xi32>], vector<16xf32>,
      %scan3A_406 = arith.constant 0 : i32
      scf.yield %scan3A_406 : i32
    }
    %scan3A_297 = arith.constant 512 : i32
    %add3A_298 = arith.constant 24576 : i32
    %add3A_299 = arith.addi %mul3A_32, %add3A_298 : i32
    "tpu.region"() ({
      %run_scoped3A_319 = tpu.sem_alloc : memref<!tpu.dma_semaphore, #tpu.memory_space<semaphore_mem>>
      %dma_start3A = tpu.memref_slice %arg3[%add3A, %add3A_299] : memref<4x262144xi32, #tpu.memory_space<hbm>> -> memref<1x8192xi32, #tpu.memory_space<hbm>>
      %dma_start3A_320 = tpu.memref_squeeze %dma_start3A : memref<1x8192xi32, #tpu.memory_space<hbm>> -> memref<8192xi32, #tpu.memory_space<hbm>>
      %dma_start3A_321 = tpu.memref_slice %arg3[%add3A, %add3A_299] : memref<4x262144xi32, #tpu.memory_space<hbm>> -> memref<1x8192xi32, #tpu.memory_space<hbm>>
      %dma_start3A_322 = tpu.memref_squeeze %dma_start3A_321 : memref<1x8192xi32, #tpu.memory_space<hbm>> -> memref<8192xi32, #tpu.memory_space<hbm>>
      tpu.enqueue_dma source(%dma_start3A_322 : memref<8192xi32, #tpu.memory_space<hbm>>) target(%arg5 : memref<8192xi32, #tpu.memory_space<vmem>>) target_semaphore(%run_scoped3A_319 : memref<!tpu.dma_semaphore, #tpu.memory_space<semaphore_mem>>)
      %dma_wait3A = tpu.memref_slice %arg3[%add3A, %add3A_299] : memref<4x262144xi32, #tpu.memory_space<hbm>> -> memref<1x8192xi32, #tpu.memory_space<hbm>>
      %dma_wait3A_323 = tpu.memref_squeeze %dma_wait3A : memref<1x8192xi32, #tpu.memory_space<hbm>> -> memref<8192xi32, #tpu.memory_space<hbm>>
      %dma_wait3A_324 = tpu.memref_slice %arg3[%add3A, %add3A_299] : memref<4x262144xi32, #tpu.memory_space<hbm>> -> memref<1x8192xi32, #tpu.memory_space<hbm>>
      %dma_wait3A_325 = tpu.memref_squeeze %dma_wait3A_324 : memref<1x8192xi32, #tpu.memory_space<hbm>> -> memref<8192xi32, #tpu.memory_space<hbm>>
      tpu.wait_dma2 semaphore(%run_scoped3A_319 : memref<!tpu.dma_semaphore, #tpu.memory_space<semaphore_mem>>) src(%dma_wait3A_325 : memref<8192xi32, #tpu.memory_space<hbm>>) dst(%arg5 : memref<8192xi32, #tpu.memory_space<vmem>>)
      tpu.yield
    }) : () -> ()
    %run_scoped3A_300 = arith.constant 0 : i32
    %run_scoped3A_301 = arith.constant 0 : i32
    "tpu.region"() ({
      %run_scoped3A_319 = tpu.sem_alloc : memref<!tpu.dma_semaphore, #tpu.memory_space<semaphore_mem>>
      %dma_start3A = arith.constant 0 : i32
      %dma_start3A_320 = tpu.memref_slice %arg6[%run_scoped3A_301, %dma_start3A] : memref<4x8192xf32, #tpu.memory_space<vmem>> -> memref<1x8192xf32, #tpu.memory_space<vmem>>
      %dma_start3A_321 = tpu.memref_squeeze %dma_start3A_320 : memref<1x8192xf32, #tpu.memory_space<vmem>> -> memref<8192xf32, #tpu.memory_space<vmem>>
      %dma_start3A_322 = tpu.memref_slice %arg2[%add3A, %run_scoped3A_300, %add3A_299] : memref<4x4x262144xf32, #tpu.memory_space<hbm>> -> memref<1x1x8192xf32, #tpu.memory_space<hbm>>
      %dma_start3A_323 = tpu.memref_squeeze %dma_start3A_322 : memref<1x1x8192xf32, #tpu.memory_space<hbm>> -> memref<8192xf32, #tpu.memory_space<hbm>>
      %dma_start3A_324 = arith.constant 0 : i32
      %dma_start3A_325 = tpu.memref_slice %arg6[%run_scoped3A_301, %dma_start3A_324] : memref<4x8192xf32, #tpu.memory_space<vmem>> -> memref<1x8192xf32, #tpu.memory_space<vmem>>
      %dma_start3A_326 = tpu.memref_squeeze %dma_start3A_325 : memref<1x8192xf32, #tpu.memory_space<vmem>> -> memref<8192xf32, #tpu.memory_space<vmem>>
      %dma_start3A_327 = tpu.memref_slice %arg2[%add3A, %run_scoped3A_300, %add3A_299] : memref<4x4x262144xf32, #tpu.memory_space<hbm>> -> memref<1x1x8192xf32, #tpu.memory_space<hbm>>
      %dma_start3A_328 = tpu.memref_squeeze %dma_start3A_327 : memref<1x1x8192xf32, #tpu.memory_space<hbm>> -> memref<8192xf32, #tpu.memory_space<hbm>>
      tpu.enqueue_dma source(%dma_start3A_328 : memref<8192xf32, #tpu.memory_space<hbm>>) target(%dma_start3A_326 : memref<8192xf32, #tpu.memory_space<vmem>>) target_semaphore(%run_scoped3A_319 : memref<!tpu.dma_semaphore, #tpu.memory_space<semaphore_mem>>)
      %dma_wait3A = arith.constant 0 : i32
      %dma_wait3A_329 = tpu.memref_slice %arg6[%run_scoped3A_301, %dma_wait3A] : memref<4x8192xf32, #tpu.memory_space<vmem>> -> memref<1x8192xf32, #tpu.memory_space<vmem>>
      %dma_wait3A_330 = tpu.memref_squeeze %dma_wait3A_329 : memref<1x8192xf32, #tpu.memory_space<vmem>> -> memref<8192xf32, #tpu.memory_space<vmem>>
      %dma_wait3A_331 = tpu.memref_slice %arg2[%add3A, %run_scoped3A_300, %add3A_299] : memref<4x4x262144xf32, #tpu.memory_space<hbm>> -> memref<1x1x8192xf32, #tpu.memory_space<hbm>>
      %dma_wait3A_332 = tpu.memref_squeeze %dma_wait3A_331 : memref<1x1x8192xf32, #tpu.memory_space<hbm>> -> memref<8192xf32, #tpu.memory_space<hbm>>
      %dma_wait3A_333 = arith.constant 0 : i32
      %dma_wait3A_334 = tpu.memref_slice %arg6[%run_scoped3A_301, %dma_wait3A_333] : memref<4x8192xf32, #tpu.memory_space<vmem>> -> memref<1x8192xf32, #tpu.memory_space<vmem>>
      %dma_wait3A_335 = tpu.memref_squeeze %dma_wait3A_334 : memref<1x8192xf32, #tpu.memory_space<vmem>> -> memref<8192xf32, #tpu.memory_space<vmem>>
      %dma_wait3A_336 = tpu.memref_slice %arg2[%add3A, %run_scoped3A_300, %add3A_299] : memref<4x4x262144xf32, #tpu.memory_space<hbm>> -> memref<1x1x8192xf32, #tpu.memory_space<hbm>>
      %dma_wait3A_337 = tpu.memref_squeeze %dma_wait3A_336 : memref<1x1x8192xf32, #tpu.memory_space<hbm>> -> memref<8192xf32, #tpu.memory_space<hbm>>
      tpu.wait_dma2 semaphore(%run_scoped3A_319 : memref<!tpu.dma_semaphore, #tpu.memory_space<semaphore_mem>>) src(%dma_wait3A_337 : memref<8192xf32, #tpu.memory_space<hbm>>) dst(%dma_wait3A_335 : memref<8192xf32, #tpu.memory_space<vmem>>)
      tpu.yield
    }) : () -> ()
    %run_scoped3A_302 = arith.constant 1 : i32
    %run_scoped3A_303 = arith.constant 1 : i32
    "tpu.region"() ({
      %run_scoped3A_319 = tpu.sem_alloc : memref<!tpu.dma_semaphore, #tpu.memory_space<semaphore_mem>>
      %dma_start3A = arith.constant 0 : i32
      %dma_start3A_320 = tpu.memref_slice %arg6[%run_scoped3A_303, %dma_start3A] : memref<4x8192xf32, #tpu.memory_space<vmem>> -> memref<1x8192xf32, #tpu.memory_space<vmem>>
      %dma_start3A_321 = tpu.memref_squeeze %dma_start3A_320 : memref<1x8192xf32, #tpu.memory_space<vmem>> -> memref<8192xf32, #tpu.memory_space<vmem>>
      %dma_start3A_322 = tpu.memref_slice %arg2[%add3A, %run_scoped3A_302, %add3A_299] : memref<4x4x262144xf32, #tpu.memory_space<hbm>> -> memref<1x1x8192xf32, #tpu.memory_space<hbm>>
      %dma_start3A_323 = tpu.memref_squeeze %dma_start3A_322 : memref<1x1x8192xf32, #tpu.memory_space<hbm>> -> memref<8192xf32, #tpu.memory_space<hbm>>
      %dma_start3A_324 = arith.constant 0 : i32
      %dma_start3A_325 = tpu.memref_slice %arg6[%run_scoped3A_303, %dma_start3A_324] : memref<4x8192xf32, #tpu.memory_space<vmem>> -> memref<1x8192xf32, #tpu.memory_space<vmem>>
      %dma_start3A_326 = tpu.memref_squeeze %dma_start3A_325 : memref<1x8192xf32, #tpu.memory_space<vmem>> -> memref<8192xf32, #tpu.memory_space<vmem>>
      %dma_start3A_327 = tpu.memref_slice %arg2[%add3A, %run_scoped3A_302, %add3A_299] : memref<4x4x262144xf32, #tpu.memory_space<hbm>> -> memref<1x1x8192xf32, #tpu.memory_space<hbm>>
      %dma_start3A_328 = tpu.memref_squeeze %dma_start3A_327 : memref<1x1x8192xf32, #tpu.memory_space<hbm>> -> memref<8192xf32, #tpu.memory_space<hbm>>
      tpu.enqueue_dma source(%dma_start3A_328 : memref<8192xf32, #tpu.memory_space<hbm>>) target(%dma_start3A_326 : memref<8192xf32, #tpu.memory_space<vmem>>) target_semaphore(%run_scoped3A_319 : memref<!tpu.dma_semaphore, #tpu.memory_space<semaphore_mem>>)
      %dma_wait3A = arith.constant 0 : i32
      %dma_wait3A_329 = tpu.memref_slice %arg6[%run_scoped3A_303, %dma_wait3A] : memref<4x8192xf32, #tpu.memory_space<vmem>> -> memref<1x8192xf32, #tpu.memory_space<vmem>>
      %dma_wait3A_330 = tpu.memref_squeeze %dma_wait3A_329 : memref<1x8192xf32, #tpu.memory_space<vmem>> -> memref<8192xf32, #tpu.memory_space<vmem>>
      %dma_wait3A_331 = tpu.memref_slice %arg2[%add3A, %run_scoped3A_302, %add3A_299] : memref<4x4x262144xf32, #tpu.memory_space<hbm>> -> memref<1x1x8192xf32, #tpu.memory_space<hbm>>
      %dma_wait3A_332 = tpu.memref_squeeze %dma_wait3A_331 : memref<1x1x8192xf32, #tpu.memory_space<hbm>> -> memref<8192xf32, #tpu.memory_space<hbm>>
      %dma_wait3A_333 = arith.constant 0 : i32
      %dma_wait3A_334 = tpu.memref_slice %arg6[%run_scoped3A_303, %dma_wait3A_333] : memref<4x8192xf32, #tpu.memory_space<vmem>> -> memref<1x8192xf32, #tpu.memory_space<vmem>>
      %dma_wait3A_335 = tpu.memref_squeeze %dma_wait3A_334 : memref<1x8192xf32, #tpu.memory_space<vmem>> -> memref<8192xf32, #tpu.memory_space<vmem>>
      %dma_wait3A_336 = tpu.memref_slice %arg2[%add3A, %run_scoped3A_302, %add3A_299] : memref<4x4x262144xf32, #tpu.memory_space<hbm>> -> memref<1x1x8192xf32, #tpu.memory_space<hbm>>
      %dma_wait3A_337 = tpu.memref_squeeze %dma_wait3A_336 : memref<1x1x8192xf32, #tpu.memory_space<hbm>> -> memref<8192xf32, #tpu.memory_space<hbm>>
      tpu.wait_dma2 semaphore(%run_scoped3A_319 : memref<!tpu.dma_semaphore, #tpu.memory_space<semaphore_mem>>) src(%dma_wait3A_337 : memref<8192xf32, #tpu.memory_space<hbm>>) dst(%dma_wait3A_335 : memref<8192xf32, #tpu.memory_space<vmem>>)
      tpu.yield
    }) : () -> ()
    %run_scoped3A_304 = arith.constant 2 : i32
    %run_scoped3A_305 = arith.constant 2 : i32
    "tpu.region"() ({
      %run_scoped3A_319 = tpu.sem_alloc : memref<!tpu.dma_semaphore, #tpu.memory_space<semaphore_mem>>
      %dma_start3A = arith.constant 0 : i32
      %dma_start3A_320 = tpu.memref_slice %arg6[%run_scoped3A_305, %dma_start3A] : memref<4x8192xf32, #tpu.memory_space<vmem>> -> memref<1x8192xf32, #tpu.memory_space<vmem>>
      %dma_start3A_321 = tpu.memref_squeeze %dma_start3A_320 : memref<1x8192xf32, #tpu.memory_space<vmem>> -> memref<8192xf32, #tpu.memory_space<vmem>>
      %dma_start3A_322 = tpu.memref_slice %arg2[%add3A, %run_scoped3A_304, %add3A_299] : memref<4x4x262144xf32, #tpu.memory_space<hbm>> -> memref<1x1x8192xf32, #tpu.memory_space<hbm>>
      %dma_start3A_323 = tpu.memref_squeeze %dma_start3A_322 : memref<1x1x8192xf32, #tpu.memory_space<hbm>> -> memref<8192xf32, #tpu.memory_space<hbm>>
      %dma_start3A_324 = arith.constant 0 : i32
      %dma_start3A_325 = tpu.memref_slice %arg6[%run_scoped3A_305, %dma_start3A_324] : memref<4x8192xf32, #tpu.memory_space<vmem>> -> memref<1x8192xf32, #tpu.memory_space<vmem>>
      %dma_start3A_326 = tpu.memref_squeeze %dma_start3A_325 : memref<1x8192xf32, #tpu.memory_space<vmem>> -> memref<8192xf32, #tpu.memory_space<vmem>>
      %dma_start3A_327 = tpu.memref_slice %arg2[%add3A, %run_scoped3A_304, %add3A_299] : memref<4x4x262144xf32, #tpu.memory_space<hbm>> -> memref<1x1x8192xf32, #tpu.memory_space<hbm>>
      %dma_start3A_328 = tpu.memref_squeeze %dma_start3A_327 : memref<1x1x8192xf32, #tpu.memory_space<hbm>> -> memref<8192xf32, #tpu.memory_space<hbm>>
      tpu.enqueue_dma source(%dma_start3A_328 : memref<8192xf32, #tpu.memory_space<hbm>>) target(%dma_start3A_326 : memref<8192xf32, #tpu.memory_space<vmem>>) target_semaphore(%run_scoped3A_319 : memref<!tpu.dma_semaphore, #tpu.memory_space<semaphore_mem>>)
      %dma_wait3A = arith.constant 0 : i32
      %dma_wait3A_329 = tpu.memref_slice %arg6[%run_scoped3A_305, %dma_wait3A] : memref<4x8192xf32, #tpu.memory_space<vmem>> -> memref<1x8192xf32, #tpu.memory_space<vmem>>
      %dma_wait3A_330 = tpu.memref_squeeze %dma_wait3A_329 : memref<1x8192xf32, #tpu.memory_space<vmem>> -> memref<8192xf32, #tpu.memory_space<vmem>>
      %dma_wait3A_331 = tpu.memref_slice %arg2[%add3A, %run_scoped3A_304, %add3A_299] : memref<4x4x262144xf32, #tpu.memory_space<hbm>> -> memref<1x1x8192xf32, #tpu.memory_space<hbm>>
      %dma_wait3A_332 = tpu.memref_squeeze %dma_wait3A_331 : memref<1x1x8192xf32, #tpu.memory_space<hbm>> -> memref<8192xf32, #tpu.memory_space<hbm>>
      %dma_wait3A_333 = arith.constant 0 : i32
      %dma_wait3A_334 = tpu.memref_slice %arg6[%run_scoped3A_305, %dma_wait3A_333] : memref<4x8192xf32, #tpu.memory_space<vmem>> -> memref<1x8192xf32, #tpu.memory_space<vmem>>
      %dma_wait3A_335 = tpu.memref_squeeze %dma_wait3A_334 : memref<1x8192xf32, #tpu.memory_space<vmem>> -> memref<8192xf32, #tpu.memory_space<vmem>>
      %dma_wait3A_336 = tpu.memref_slice %arg2[%add3A, %run_scoped3A_304, %add3A_299] : memref<4x4x262144xf32, #tpu.memory_space<hbm>> -> memref<1x1x8192xf32, #tpu.memory_space<hbm>>
      %dma_wait3A_337 = tpu.memref_squeeze %dma_wait3A_336 : memref<1x1x8192xf32, #tpu.memory_space<hbm>> -> memref<8192xf32, #tpu.memory_space<hbm>>
      tpu.wait_dma2 semaphore(%run_scoped3A_319 : memref<!tpu.dma_semaphore, #tpu.memory_space<semaphore_mem>>) src(%dma_wait3A_337 : memref<8192xf32, #tpu.memory_space<hbm>>) dst(%dma_wait3A_335 : memref<8192xf32, #tpu.memory_space<vmem>>)
      tpu.yield
    }) : () -> ()
    %run_scoped3A_306 = arith.constant 3 : i32
    %run_scoped3A_307 = arith.constant 3 : i32
    "tpu.region"() ({
      %run_scoped3A_319 = tpu.sem_alloc : memref<!tpu.dma_semaphore, #tpu.memory_space<semaphore_mem>>
      %dma_start3A = arith.constant 0 : i32
      %dma_start3A_320 = tpu.memref_slice %arg6[%run_scoped3A_307, %dma_start3A] : memref<4x8192xf32, #tpu.memory_space<vmem>> -> memref<1x8192xf32, #tpu.memory_space<vmem>>
      %dma_start3A_321 = tpu.memref_squeeze %dma_start3A_320 : memref<1x8192xf32, #tpu.memory_space<vmem>> -> memref<8192xf32, #tpu.memory_space<vmem>>
      %dma_start3A_322 = tpu.memref_slice %arg2[%add3A, %run_scoped3A_306, %add3A_299] : memref<4x4x262144xf32, #tpu.memory_space<hbm>> -> memref<1x1x8192xf32, #tpu.memory_space<hbm>>
      %dma_start3A_323 = tpu.memref_squeeze %dma_start3A_322 : memref<1x1x8192xf32, #tpu.memory_space<hbm>> -> memref<8192xf32, #tpu.memory_space<hbm>>
      %dma_start3A_324 = arith.constant 0 : i32
      %dma_start3A_325 = tpu.memref_slice %arg6[%run_scoped3A_307, %dma_start3A_324] : memref<4x8192xf32, #tpu.memory_space<vmem>> -> memref<1x8192xf32, #tpu.memory_space<vmem>>
      %dma_start3A_326 = tpu.memref_squeeze %dma_start3A_325 : memref<1x8192xf32, #tpu.memory_space<vmem>> -> memref<8192xf32, #tpu.memory_space<vmem>>
      %dma_start3A_327 = tpu.memref_slice %arg2[%add3A, %run_scoped3A_306, %add3A_299] : memref<4x4x262144xf32, #tpu.memory_space<hbm>> -> memref<1x1x8192xf32, #tpu.memory_space<hbm>>
      %dma_start3A_328 = tpu.memref_squeeze %dma_start3A_327 : memref<1x1x8192xf32, #tpu.memory_space<hbm>> -> memref<8192xf32, #tpu.memory_space<hbm>>
      tpu.enqueue_dma source(%dma_start3A_328 : memref<8192xf32, #tpu.memory_space<hbm>>) target(%dma_start3A_326 : memref<8192xf32, #tpu.memory_space<vmem>>) target_semaphore(%run_scoped3A_319 : memref<!tpu.dma_semaphore, #tpu.memory_space<semaphore_mem>>)
      %dma_wait3A = arith.constant 0 : i32
      %dma_wait3A_329 = tpu.memref_slice %arg6[%run_scoped3A_307, %dma_wait3A] : memref<4x8192xf32, #tpu.memory_space<vmem>> -> memref<1x8192xf32, #tpu.memory_space<vmem>>
      %dma_wait3A_330 = tpu.memref_squeeze %dma_wait3A_329 : memref<1x8192xf32, #tpu.memory_space<vmem>> -> memref<8192xf32, #tpu.memory_space<vmem>>
      %dma_wait3A_331 = tpu.memref_slice %arg2[%add3A, %run_scoped3A_306, %add3A_299] : memref<4x4x262144xf32, #tpu.memory_space<hbm>> -> memref<1x1x8192xf32, #tpu.memory_space<hbm>>
      %dma_wait3A_332 = tpu.memref_squeeze %dma_wait3A_331 : memref<1x1x8192xf32, #tpu.memory_space<hbm>> -> memref<8192xf32, #tpu.memory_space<hbm>>
      %dma_wait3A_333 = arith.constant 0 : i32
      %dma_wait3A_334 = tpu.memref_slice %arg6[%run_scoped3A_307, %dma_wait3A_333] : memref<4x8192xf32, #tpu.memory_space<vmem>> -> memref<1x8192xf32, #tpu.memory_space<vmem>>
      %dma_wait3A_335 = tpu.memref_squeeze %dma_wait3A_334 : memref<1x8192xf32, #tpu.memory_space<vmem>> -> memref<8192xf32, #tpu.memory_space<vmem>>
      %dma_wait3A_336 = tpu.memref_slice %arg2[%add3A, %run_scoped3A_306, %add3A_299] : memref<4x4x262144xf32, #tpu.memory_space<hbm>> -> memref<1x1x8192xf32, #tpu.memory_space<hbm>>
      %dma_wait3A_337 = tpu.memref_squeeze %dma_wait3A_336 : memref<1x1x8192xf32, #tpu.memory_space<hbm>> -> memref<8192xf32, #tpu.memory_space<hbm>>
      tpu.wait_dma2 semaphore(%run_scoped3A_319 : memref<!tpu.dma_semaphore, #tpu.memory_space<semaphore_mem>>) src(%dma_wait3A_337 : memref<8192xf32, #tpu.memory_space<hbm>>) dst(%dma_wait3A_335 : memref<8192xf32, #tpu.memory_space<vmem>>)
      tpu.yield
    }) : () -> ()
    %scan3A_308 = arith.constant 0 : i32
    %scan3A_309 = arith.constant 0 : i32
    %scan3A_310 = arith.constant 512 : i32
    %scan3A_311 = arith.addi %scan3A_309, %scan3A_310 : i32
    %scan3A_312 = arith.constant 1 : i32
    %scan3A_313 = scf.for %scan3A_319 = %scan3A_309 to %scan3A_311 step %scan3A_312 iter_args(%scan3A_320 = %scan3A_308) -> (i32)  : i32 {
      %mul3A_321 = arith.constant 16 : i32
      %mul3A_322 = arith.muli %scan3A_319, %mul3A_321 : i32
      %multiple_of3A = tpu.assume_multiple %mul3A_322, 16 : i32
      %get3A_323 = arith.index_cast %multiple_of3A : i32 to index
      %get3A_324 = tpu.vector_load %arg5[%get3A_323] {strides = array<i32>} : memref<8192xi32, #tpu.memory_space<vmem>>, vector<16xi32>,
      %get3A_325 = arith.constant 0 : i32
      %get3A_326 = arith.index_cast %get3A_325 : i32 to index
      %get3A_327 = arith.index_cast %multiple_of3A : i32 to index
      %get3A_328 = tpu.vector_load %arg6[%get3A_326, %get3A_327] {strides = array<i32>} : memref<4x8192xf32, #tpu.memory_space<vmem>>, vector<16xf32>,
      %add3A_329 = arith.constant 0 : i32
      %add3A_330 = vector.broadcast %add3A_329 : i32 to vector<16xi32>
      %add3A_331 = arith.addi %get3A_324, %add3A_330 : vector<16xi32>
      %gather3A_332 = tpu.vector_load_idx %arg10[%add3A_331] : memref<32xf32, #tpu.memory_space<vmem>>[vector<16xi32>], vector<16xf32>,
      %sub3A_333 = arith.subf %get3A_328, %gather3A_332 : vector<16xf32>
      %mul3A_334 = arith.mulf %sub3A_333, %sub3A_333 : vector<16xf32>
      %add3A_335 = arith.addf %broadcast_in_dim3A_33, %mul3A_334 : vector<16xf32>
      %get3A_336 = arith.constant 1 : i32
      %get3A_337 = arith.index_cast %get3A_336 : i32 to index
      %get3A_338 = arith.index_cast %multiple_of3A : i32 to index
      %get3A_339 = tpu.vector_load %arg6[%get3A_337, %get3A_338] {strides = array<i32>} : memref<4x8192xf32, #tpu.memory_space<vmem>>, vector<16xf32>,
      %add3A_340 = arith.constant 8 : i32
      %add3A_341 = vector.broadcast %add3A_340 : i32 to vector<16xi32>
      %add3A_342 = arith.addi %get3A_324, %add3A_341 : vector<16xi32>
      %gather3A_343 = tpu.vector_load_idx %arg10[%add3A_342] : memref<32xf32, #tpu.memory_space<vmem>>[vector<16xi32>], vector<16xf32>,
      %sub3A_344 = arith.subf %get3A_339, %gather3A_343 : vector<16xf32>
      %mul3A_345 = arith.mulf %sub3A_344, %sub3A_344 : vector<16xf32>
      %add3A_346 = arith.addf %add3A_335, %mul3A_345 : vector<16xf32>
      %get3A_347 = arith.constant 2 : i32
      %get3A_348 = arith.index_cast %get3A_347 : i32 to index
      %get3A_349 = arith.index_cast %multiple_of3A : i32 to index
      %get3A_350 = tpu.vector_load %arg6[%get3A_348, %get3A_349] {strides = array<i32>} : memref<4x8192xf32, #tpu.memory_space<vmem>>, vector<16xf32>,
      %add3A_351 = arith.constant 16 : i32
      %add3A_352 = vector.broadcast %add3A_351 : i32 to vector<16xi32>
      %add3A_353 = arith.addi %get3A_324, %add3A_352 : vector<16xi32>
      %gather3A_354 = tpu.vector_load_idx %arg10[%add3A_353] : memref<32xf32, #tpu.memory_space<vmem>>[vector<16xi32>], vector<16xf32>,
      %sub3A_355 = arith.subf %get3A_350, %gather3A_354 : vector<16xf32>
      %mul3A_356 = arith.mulf %sub3A_355, %sub3A_355 : vector<16xf32>
      %add3A_357 = arith.addf %add3A_346, %mul3A_356 : vector<16xf32>
      %get3A_358 = arith.constant 3 : i32
      %get3A_359 = arith.index_cast %get3A_358 : i32 to index
      %get3A_360 = arith.index_cast %multiple_of3A : i32 to index
      %get3A_361 = tpu.vector_load %arg6[%get3A_359, %get3A_360] {strides = array<i32>} : memref<4x8192xf32, #tpu.memory_space<vmem>>, vector<16xf32>,
      %add3A_362 = arith.constant 24 : i32
      %add3A_363 = vector.broadcast %add3A_362 : i32 to vector<16xi32>
      %add3A_364 = arith.addi %get3A_324, %add3A_363 : vector<16xi32>
      %gather3A_365 = tpu.vector_load_idx %arg10[%add3A_364] : memref<32xf32, #tpu.memory_space<vmem>>[vector<16xi32>], vector<16xf32>,
      %sub3A_366 = arith.subf %get3A_361, %gather3A_365 : vector<16xf32>
      %mul3A_367 = arith.mulf %sub3A_366, %sub3A_366 : vector<16xf32>
      %add3A_368 = arith.addf %add3A_357, %mul3A_367 : vector<16xf32>
      %max3A_369 = arith.constant 1.000000e-30 : f32
      %max3A_370 = vector.broadcast %max3A_369 : f32 to vector<16xf32>
      %max3A_371 = arith.maximumf %add3A_368, %max3A_370 : vector<16xf32>
      %bitcast_convert_type3A = tpu.bitcast %max3A_371 : vector<16xf32> -> vector<16xi32>
      %shift_right_logical3A = arith.constant 1 : i32
      %shift_right_logical3A_372 = vector.broadcast %shift_right_logical3A : i32 to vector<16xi32>
      %shift_right_logical3A_373 = arith.shrui %bitcast_convert_type3A, %shift_right_logical3A_372 : vector<16xi32>
      %sub3A_374 = arith.constant 1597463007 : i32
      %sub3A_375 = vector.broadcast %sub3A_374 : i32 to vector<16xi32>
      %sub3A_376 = arith.subi %sub3A_375, %shift_right_logical3A_373 : vector<16xi32>
      %bitcast_convert_type3A_377 = tpu.bitcast %sub3A_376 : vector<16xi32> -> vector<16xf32>
      %mul3A_378 = arith.constant 5.000000e-01 : f32
      %mul3A_379 = vector.broadcast %mul3A_378 : f32 to vector<16xf32>
      %mul3A_380 = arith.mulf %mul3A_379, %max3A_371 : vector<16xf32>
      %mul3A_381 = arith.mulf %mul3A_380, %bitcast_convert_type3A_377 : vector<16xf32>
      %mul3A_382 = arith.mulf %mul3A_381, %bitcast_convert_type3A_377 : vector<16xf32>
      %sub3A_383 = arith.constant 1.500000e+00 : f32
      %sub3A_384 = vector.broadcast %sub3A_383 : f32 to vector<16xf32>
      %sub3A_385 = arith.subf %sub3A_384, %mul3A_382 : vector<16xf32>
      %mul3A_386 = arith.mulf %bitcast_convert_type3A_377, %sub3A_385 : vector<16xf32>
      %mul3A_387 = arith.constant 5.000000e-01 : f32
      %mul3A_388 = vector.broadcast %mul3A_387 : f32 to vector<16xf32>
      %mul3A_389 = arith.mulf %mul3A_388, %max3A_371 : vector<16xf32>
      %mul3A_390 = arith.mulf %mul3A_389, %mul3A_386 : vector<16xf32>
      %mul3A_391 = arith.mulf %mul3A_390, %mul3A_386 : vector<16xf32>
      %sub3A_392 = arith.constant 1.500000e+00 : f32
      %sub3A_393 = vector.broadcast %sub3A_392 : f32 to vector<16xf32>
      %sub3A_394 = arith.subf %sub3A_393, %mul3A_391 : vector<16xf32>
      %mul3A_395 = arith.mulf %mul3A_386, %sub3A_394 : vector<16xf32>
      %mul3A_396 = arith.constant 5.000000e-01 : f32
      %mul3A_397 = vector.broadcast %mul3A_396 : f32 to vector<16xf32>
      %mul3A_398 = arith.mulf %mul3A_397, %max3A_371 : vector<16xf32>
      %mul3A_399 = arith.mulf %mul3A_398, %mul3A_395 : vector<16xf32>
      %mul3A_400 = arith.mulf %mul3A_399, %mul3A_395 : vector<16xf32>
      %sub3A_401 = arith.constant 1.500000e+00 : f32
      %sub3A_402 = vector.broadcast %sub3A_401 : f32 to vector<16xf32>
      %sub3A_403 = arith.subf %sub3A_402, %mul3A_400 : vector<16xf32>
      %mul3A_404 = arith.mulf %mul3A_395, %sub3A_403 : vector<16xf32>
      %mul3A_405 = arith.mulf %max3A_371, %mul3A_404 : vector<16xf32>
      tpu.vector_store_idx %arg8[%get3A_324], %mul3A_405 {add = true} : memref<16xf32, #tpu.memory_space<vmem>>[vector<16xi32>], vector<16xf32>,
      %scan3A_406 = arith.constant 0 : i32
      scf.yield %scan3A_406 : i32
    }
    %scan3A_314 = arith.constant 512 : i32
    "tpu.region"() ({
      %run_scoped3A_319 = tpu.sem_alloc : memref<!tpu.dma_semaphore, #tpu.memory_space<semaphore_mem>>
      %dma_start3A = arith.constant 0 : i32
      %dma_start3A_320 = tpu.memref_slice %arg13[%arg1, %dma_start3A] : memref<16x16xf32, #tpu.memory_space<vmem_shared>> -> memref<1x16xf32, #tpu.memory_space<vmem_shared>>
      %dma_start3A_321 = tpu.memref_squeeze %dma_start3A_320 : memref<1x16xf32, #tpu.memory_space<vmem_shared>> -> memref<16xf32, #tpu.memory_space<vmem_shared>>
      %dma_start3A_322 = arith.constant 0 : i32
      %dma_start3A_323 = tpu.memref_slice %arg13[%arg1, %dma_start3A_322] : memref<16x16xf32, #tpu.memory_space<vmem_shared>> -> memref<1x16xf32, #tpu.memory_space<vmem_shared>>
      %dma_start3A_324 = tpu.memref_squeeze %dma_start3A_323 : memref<1x16xf32, #tpu.memory_space<vmem_shared>> -> memref<16xf32, #tpu.memory_space<vmem_shared>>
      tpu.enqueue_dma source(%arg8 : memref<16xf32, #tpu.memory_space<vmem>>) target(%dma_start3A_324 : memref<16xf32, #tpu.memory_space<vmem_shared>>) target_semaphore(%run_scoped3A_319 : memref<!tpu.dma_semaphore, #tpu.memory_space<semaphore_mem>>)
      %dma_wait3A = arith.constant 0 : i32
      %dma_wait3A_325 = tpu.memref_slice %arg13[%arg1, %dma_wait3A] : memref<16x16xf32, #tpu.memory_space<vmem_shared>> -> memref<1x16xf32, #tpu.memory_space<vmem_shared>>
      %dma_wait3A_326 = tpu.memref_squeeze %dma_wait3A_325 : memref<1x16xf32, #tpu.memory_space<vmem_shared>> -> memref<16xf32, #tpu.memory_space<vmem_shared>>
      %dma_wait3A_327 = arith.constant 0 : i32
      %dma_wait3A_328 = tpu.memref_slice %arg13[%arg1, %dma_wait3A_327] : memref<16x16xf32, #tpu.memory_space<vmem_shared>> -> memref<1x16xf32, #tpu.memory_space<vmem_shared>>
      %dma_wait3A_329 = tpu.memref_squeeze %dma_wait3A_328 : memref<1x16xf32, #tpu.memory_space<vmem_shared>> -> memref<16xf32, #tpu.memory_space<vmem_shared>>
      tpu.wait_dma2 semaphore(%run_scoped3A_319 : memref<!tpu.dma_semaphore, #tpu.memory_space<semaphore_mem>>) src(%arg8 : memref<16xf32, #tpu.memory_space<vmem>>) dst(%dma_wait3A_329 : memref<16xf32, #tpu.memory_space<vmem_shared>>)
      tpu.yield
    }) : () -> ()
    %barrier3A_315 = arith.constant 0 : index
    tpu.barrier barrier_id(%barrier3A_315)
    %eq3A_316 = arith.constant 0 : i32
    %eq3A_317 = arith.cmpi eq, %select_n3A_30, %eq3A_316 : i32
    %convert_element_type3A = arith.extui %eq3A_317 : i1 to i32
    %cond3A = arith.constant 0 : i32
    %cond3A_318 = arith.cmpi ne, %convert_element_type3A, %cond3A : i32
    scf.if %cond3A_318 {
      %mul3A_319 = arith.constant 8 : i32
      %mul3A_320 = arith.muli %select_n3A, %mul3A_319 : i32
      %add3A_321 = arith.constant 0 : i32
      %add3A_322 = arith.addi %mul3A_320, %add3A_321 : i32
      "tpu.region"() ({
        %run_scoped3A_1294 = tpu.sem_alloc : memref<!tpu.dma_semaphore, #tpu.memory_space<semaphore_mem>>
        %dma_start3A = arith.constant 0 : i32
        %dma_start3A_1295 = tpu.memref_slice %arg13[%add3A_322, %dma_start3A] : memref<16x16xf32, #tpu.memory_space<vmem_shared>> -> memref<1x16xf32, #tpu.memory_space<vmem_shared>>
        %dma_start3A_1296 = tpu.memref_squeeze %dma_start3A_1295 : memref<1x16xf32, #tpu.memory_space<vmem_shared>> -> memref<16xf32, #tpu.memory_space<vmem_shared>>
        %dma_start3A_1297 = arith.constant 0 : i32
        %dma_start3A_1298 = tpu.memref_slice %arg13[%add3A_322, %dma_start3A_1297] : memref<16x16xf32, #tpu.memory_space<vmem_shared>> -> memref<1x16xf32, #tpu.memory_space<vmem_shared>>
        %dma_start3A_1299 = tpu.memref_squeeze %dma_start3A_1298 : memref<1x16xf32, #tpu.memory_space<vmem_shared>> -> memref<16xf32, #tpu.memory_space<vmem_shared>>
        tpu.enqueue_dma source(%dma_start3A_1299 : memref<16xf32, #tpu.memory_space<vmem_shared>>) target(%arg8 : memref<16xf32, #tpu.memory_space<vmem>>) target_semaphore(%run_scoped3A_1294 : memref<!tpu.dma_semaphore, #tpu.memory_space<semaphore_mem>>)
        %dma_wait3A = arith.constant 0 : i32
        %dma_wait3A_1300 = tpu.memref_slice %arg13[%add3A_322, %dma_wait3A] : memref<16x16xf32, #tpu.memory_space<vmem_shared>> -> memref<1x16xf32, #tpu.memory_space<vmem_shared>>
        %dma_wait3A_1301 = tpu.memref_squeeze %dma_wait3A_1300 : memref<1x16xf32, #tpu.memory_space<vmem_shared>> -> memref<16xf32, #tpu.memory_space<vmem_shared>>
        %dma_wait3A_1302 = arith.constant 0 : i32
        %dma_wait3A_1303 = tpu.memref_slice %arg13[%add3A_322, %dma_wait3A_1302] : memref<16x16xf32, #tpu.memory_space<vmem_shared>> -> memref<1x16xf32, #tpu.memory_space<vmem_shared>>
        %dma_wait3A_1304 = tpu.memref_squeeze %dma_wait3A_1303 : memref<1x16xf32, #tpu.memory_space<vmem_shared>> -> memref<16xf32, #tpu.memory_space<vmem_shared>>
        tpu.wait_dma2 semaphore(%run_scoped3A_1294 : memref<!tpu.dma_semaphore, #tpu.memory_space<semaphore_mem>>) src(%dma_wait3A_1304 : memref<16xf32, #tpu.memory_space<vmem_shared>>) dst(%arg8 : memref<16xf32, #tpu.memory_space<vmem>>)
        tpu.yield
      }) : () -> ()
      %get3A_323 = arith.constant 0 : index
      %get3A_324 = tpu.vector_load %arg8[%get3A_323] {strides = array<i32>} : memref<16xf32, #tpu.memory_space<vmem>>, vector<16xf32>,
      %add3A_325 = arith.addf %broadcast_in_dim3A_33, %get3A_324 : vector<16xf32>
      %mul3A_326 = arith.constant 8 : i32
      %mul3A_327 = arith.muli %select_n3A, %mul3A_326 : i32
      %add3A_328 = arith.constant 1 : i32
      %add3A_329 = arith.addi %mul3A_327, %add3A_328 : i32
      "tpu.region"() ({
        %run_scoped3A_1294 = tpu.sem_alloc : memref<!tpu.dma_semaphore, #tpu.memory_space<semaphore_mem>>
        %dma_start3A = arith.constant 0 : i32
        %dma_start3A_1295 = tpu.memref_slice %arg13[%add3A_329, %dma_start3A] : memref<16x16xf32, #tpu.memory_space<vmem_shared>> -> memref<1x16xf32, #tpu.memory_space<vmem_shared>>
        %dma_start3A_1296 = tpu.memref_squeeze %dma_start3A_1295 : memref<1x16xf32, #tpu.memory_space<vmem_shared>> -> memref<16xf32, #tpu.memory_space<vmem_shared>>
        %dma_start3A_1297 = arith.constant 0 : i32
        %dma_start3A_1298 = tpu.memref_slice %arg13[%add3A_329, %dma_start3A_1297] : memref<16x16xf32, #tpu.memory_space<vmem_shared>> -> memref<1x16xf32, #tpu.memory_space<vmem_shared>>
        %dma_start3A_1299 = tpu.memref_squeeze %dma_start3A_1298 : memref<1x16xf32, #tpu.memory_space<vmem_shared>> -> memref<16xf32, #tpu.memory_space<vmem_shared>>
        tpu.enqueue_dma source(%dma_start3A_1299 : memref<16xf32, #tpu.memory_space<vmem_shared>>) target(%arg8 : memref<16xf32, #tpu.memory_space<vmem>>) target_semaphore(%run_scoped3A_1294 : memref<!tpu.dma_semaphore, #tpu.memory_space<semaphore_mem>>)
        %dma_wait3A = arith.constant 0 : i32
        %dma_wait3A_1300 = tpu.memref_slice %arg13[%add3A_329, %dma_wait3A] : memref<16x16xf32, #tpu.memory_space<vmem_shared>> -> memref<1x16xf32, #tpu.memory_space<vmem_shared>>
        %dma_wait3A_1301 = tpu.memref_squeeze %dma_wait3A_1300 : memref<1x16xf32, #tpu.memory_space<vmem_shared>> -> memref<16xf32, #tpu.memory_space<vmem_shared>>
        %dma_wait3A_1302 = arith.constant 0 : i32
        %dma_wait3A_1303 = tpu.memref_slice %arg13[%add3A_329, %dma_wait3A_1302] : memref<16x16xf32, #tpu.memory_space<vmem_shared>> -> memref<1x16xf32, #tpu.memory_space<vmem_shared>>
        %dma_wait3A_1304 = tpu.memref_squeeze %dma_wait3A_1303 : memref<1x16xf32, #tpu.memory_space<vmem_shared>> -> memref<16xf32, #tpu.memory_space<vmem_shared>>
        tpu.wait_dma2 semaphore(%run_scoped3A_1294 : memref<!tpu.dma_semaphore, #tpu.memory_space<semaphore_mem>>) src(%dma_wait3A_1304 : memref<16xf32, #tpu.memory_space<vmem_shared>>) dst(%arg8 : memref<16xf32, #tpu.memory_space<vmem>>)
        tpu.yield
      }) : () -> ()
      %get3A_330 = arith.constant 0 : index
      %get3A_331 = tpu.vector_load %arg8[%get3A_330] {strides = array<i32>} : memref<16xf32, #tpu.memory_space<vmem>>, vector<16xf32>,
      %add3A_332 = arith.addf %add3A_325, %get3A_331 : vector<16xf32>
      %mul3A_333 = arith.constant 8 : i32
      %mul3A_334 = arith.muli %select_n3A, %mul3A_333 : i32
      %add3A_335 = arith.constant 2 : i32
      %add3A_336 = arith.addi %mul3A_334, %add3A_335 : i32
      "tpu.region"() ({
        %run_scoped3A_1294 = tpu.sem_alloc : memref<!tpu.dma_semaphore, #tpu.memory_space<semaphore_mem>>
        %dma_start3A = arith.constant 0 : i32
        %dma_start3A_1295 = tpu.memref_slice %arg13[%add3A_336, %dma_start3A] : memref<16x16xf32, #tpu.memory_space<vmem_shared>> -> memref<1x16xf32, #tpu.memory_space<vmem_shared>>
        %dma_start3A_1296 = tpu.memref_squeeze %dma_start3A_1295 : memref<1x16xf32, #tpu.memory_space<vmem_shared>> -> memref<16xf32, #tpu.memory_space<vmem_shared>>
        %dma_start3A_1297 = arith.constant 0 : i32
        %dma_start3A_1298 = tpu.memref_slice %arg13[%add3A_336, %dma_start3A_1297] : memref<16x16xf32, #tpu.memory_space<vmem_shared>> -> memref<1x16xf32, #tpu.memory_space<vmem_shared>>
        %dma_start3A_1299 = tpu.memref_squeeze %dma_start3A_1298 : memref<1x16xf32, #tpu.memory_space<vmem_shared>> -> memref<16xf32, #tpu.memory_space<vmem_shared>>
        tpu.enqueue_dma source(%dma_start3A_1299 : memref<16xf32, #tpu.memory_space<vmem_shared>>) target(%arg8 : memref<16xf32, #tpu.memory_space<vmem>>) target_semaphore(%run_scoped3A_1294 : memref<!tpu.dma_semaphore, #tpu.memory_space<semaphore_mem>>)
        %dma_wait3A = arith.constant 0 : i32
        %dma_wait3A_1300 = tpu.memref_slice %arg13[%add3A_336, %dma_wait3A] : memref<16x16xf32, #tpu.memory_space<vmem_shared>> -> memref<1x16xf32, #tpu.memory_space<vmem_shared>>
        %dma_wait3A_1301 = tpu.memref_squeeze %dma_wait3A_1300 : memref<1x16xf32, #tpu.memory_space<vmem_shared>> -> memref<16xf32, #tpu.memory_space<vmem_shared>>
        %dma_wait3A_1302 = arith.constant 0 : i32
        %dma_wait3A_1303 = tpu.memref_slice %arg13[%add3A_336, %dma_wait3A_1302] : memref<16x16xf32, #tpu.memory_space<vmem_shared>> -> memref<1x16xf32, #tpu.memory_space<vmem_shared>>
        %dma_wait3A_1304 = tpu.memref_squeeze %dma_wait3A_1303 : memref<1x16xf32, #tpu.memory_space<vmem_shared>> -> memref<16xf32, #tpu.memory_space<vmem_shared>>
        tpu.wait_dma2 semaphore(%run_scoped3A_1294 : memref<!tpu.dma_semaphore, #tpu.memory_space<semaphore_mem>>) src(%dma_wait3A_1304 : memref<16xf32, #tpu.memory_space<vmem_shared>>) dst(%arg8 : memref<16xf32, #tpu.memory_space<vmem>>)
        tpu.yield
      }) : () -> ()
      %get3A_337 = arith.constant 0 : index
      %get3A_338 = tpu.vector_load %arg8[%get3A_337] {strides = array<i32>} : memref<16xf32, #tpu.memory_space<vmem>>, vector<16xf32>,
      %add3A_339 = arith.addf %add3A_332, %get3A_338 : vector<16xf32>
      %mul3A_340 = arith.constant 8 : i32
      %mul3A_341 = arith.muli %select_n3A, %mul3A_340 : i32
      %add3A_342 = arith.constant 3 : i32
      %add3A_343 = arith.addi %mul3A_341, %add3A_342 : i32
      "tpu.region"() ({
        %run_scoped3A_1294 = tpu.sem_alloc : memref<!tpu.dma_semaphore, #tpu.memory_space<semaphore_mem>>
        %dma_start3A = arith.constant 0 : i32
        %dma_start3A_1295 = tpu.memref_slice %arg13[%add3A_343, %dma_start3A] : memref<16x16xf32, #tpu.memory_space<vmem_shared>> -> memref<1x16xf32, #tpu.memory_space<vmem_shared>>
        %dma_start3A_1296 = tpu.memref_squeeze %dma_start3A_1295 : memref<1x16xf32, #tpu.memory_space<vmem_shared>> -> memref<16xf32, #tpu.memory_space<vmem_shared>>
        %dma_start3A_1297 = arith.constant 0 : i32
        %dma_start3A_1298 = tpu.memref_slice %arg13[%add3A_343, %dma_start3A_1297] : memref<16x16xf32, #tpu.memory_space<vmem_shared>> -> memref<1x16xf32, #tpu.memory_space<vmem_shared>>
        %dma_start3A_1299 = tpu.memref_squeeze %dma_start3A_1298 : memref<1x16xf32, #tpu.memory_space<vmem_shared>> -> memref<16xf32, #tpu.memory_space<vmem_shared>>
        tpu.enqueue_dma source(%dma_start3A_1299 : memref<16xf32, #tpu.memory_space<vmem_shared>>) target(%arg8 : memref<16xf32, #tpu.memory_space<vmem>>) target_semaphore(%run_scoped3A_1294 : memref<!tpu.dma_semaphore, #tpu.memory_space<semaphore_mem>>)
        %dma_wait3A = arith.constant 0 : i32
        %dma_wait3A_1300 = tpu.memref_slice %arg13[%add3A_343, %dma_wait3A] : memref<16x16xf32, #tpu.memory_space<vmem_shared>> -> memref<1x16xf32, #tpu.memory_space<vmem_shared>>
        %dma_wait3A_1301 = tpu.memref_squeeze %dma_wait3A_1300 : memref<1x16xf32, #tpu.memory_space<vmem_shared>> -> memref<16xf32, #tpu.memory_space<vmem_shared>>
        %dma_wait3A_1302 = arith.constant 0 : i32
        %dma_wait3A_1303 = tpu.memref_slice %arg13[%add3A_343, %dma_wait3A_1302] : memref<16x16xf32, #tpu.memory_space<vmem_shared>> -> memref<1x16xf32, #tpu.memory_space<vmem_shared>>
        %dma_wait3A_1304 = tpu.memref_squeeze %dma_wait3A_1303 : memref<1x16xf32, #tpu.memory_space<vmem_shared>> -> memref<16xf32, #tpu.memory_space<vmem_shared>>
        tpu.wait_dma2 semaphore(%run_scoped3A_1294 : memref<!tpu.dma_semaphore, #tpu.memory_space<semaphore_mem>>) src(%dma_wait3A_1304 : memref<16xf32, #tpu.memory_space<vmem_shared>>) dst(%arg8 : memref<16xf32, #tpu.memory_space<vmem>>)
        tpu.yield
      }) : () -> ()
      %get3A_344 = arith.constant 0 : index
      %get3A_345 = tpu.vector_load %arg8[%get3A_344] {strides = array<i32>} : memref<16xf32, #tpu.memory_space<vmem>>, vector<16xf32>,
      %add3A_346 = arith.addf %add3A_339, %get3A_345 : vector<16xf32>
      %mul3A_347 = arith.constant 8 : i32
      %mul3A_348 = arith.muli %select_n3A, %mul3A_347 : i32
      %add3A_349 = arith.constant 4 : i32
      %add3A_350 = arith.addi %mul3A_348, %add3A_349 : i32
      "tpu.region"() ({
        %run_scoped3A_1294 = tpu.sem_alloc : memref<!tpu.dma_semaphore, #tpu.memory_space<semaphore_mem>>
        %dma_start3A = arith.constant 0 : i32
        %dma_start3A_1295 = tpu.memref_slice %arg13[%add3A_350, %dma_start3A] : memref<16x16xf32, #tpu.memory_space<vmem_shared>> -> memref<1x16xf32, #tpu.memory_space<vmem_shared>>
        %dma_start3A_1296 = tpu.memref_squeeze %dma_start3A_1295 : memref<1x16xf32, #tpu.memory_space<vmem_shared>> -> memref<16xf32, #tpu.memory_space<vmem_shared>>
        %dma_start3A_1297 = arith.constant 0 : i32
        %dma_start3A_1298 = tpu.memref_slice %arg13[%add3A_350, %dma_start3A_1297] : memref<16x16xf32, #tpu.memory_space<vmem_shared>> -> memref<1x16xf32, #tpu.memory_space<vmem_shared>>
        %dma_start3A_1299 = tpu.memref_squeeze %dma_start3A_1298 : memref<1x16xf32, #tpu.memory_space<vmem_shared>> -> memref<16xf32, #tpu.memory_space<vmem_shared>>
        tpu.enqueue_dma source(%dma_start3A_1299 : memref<16xf32, #tpu.memory_space<vmem_shared>>) target(%arg8 : memref<16xf32, #tpu.memory_space<vmem>>) target_semaphore(%run_scoped3A_1294 : memref<!tpu.dma_semaphore, #tpu.memory_space<semaphore_mem>>)
        %dma_wait3A = arith.constant 0 : i32
        %dma_wait3A_1300 = tpu.memref_slice %arg13[%add3A_350, %dma_wait3A] : memref<16x16xf32, #tpu.memory_space<vmem_shared>> -> memref<1x16xf32, #tpu.memory_space<vmem_shared>>
        %dma_wait3A_1301 = tpu.memref_squeeze %dma_wait3A_1300 : memref<1x16xf32, #tpu.memory_space<vmem_shared>> -> memref<16xf32, #tpu.memory_space<vmem_shared>>
        %dma_wait3A_1302 = arith.constant 0 : i32
        %dma_wait3A_1303 = tpu.memref_slice %arg13[%add3A_350, %dma_wait3A_1302] : memref<16x16xf32, #tpu.memory_space<vmem_shared>> -> memref<1x16xf32, #tpu.memory_space<vmem_shared>>
        %dma_wait3A_1304 = tpu.memref_squeeze %dma_wait3A_1303 : memref<1x16xf32, #tpu.memory_space<vmem_shared>> -> memref<16xf32, #tpu.memory_space<vmem_shared>>
        tpu.wait_dma2 semaphore(%run_scoped3A_1294 : memref<!tpu.dma_semaphore, #tpu.memory_space<semaphore_mem>>) src(%dma_wait3A_1304 : memref<16xf32, #tpu.memory_space<vmem_shared>>) dst(%arg8 : memref<16xf32, #tpu.memory_space<vmem>>)
        tpu.yield
      }) : () -> ()
      %get3A_351 = arith.constant 0 : index
      %get3A_352 = tpu.vector_load %arg8[%get3A_351] {strides = array<i32>} : memref<16xf32, #tpu.memory_space<vmem>>, vector<16xf32>,
      %add3A_353 = arith.addf %add3A_346, %get3A_352 : vector<16xf32>
      %mul3A_354 = arith.constant 8 : i32
      %mul3A_355 = arith.muli %select_n3A, %mul3A_354 : i32
      %add3A_356 = arith.constant 5 : i32
      %add3A_357 = arith.addi %mul3A_355, %add3A_356 : i32
      "tpu.region"() ({
        %run_scoped3A_1294 = tpu.sem_alloc : memref<!tpu.dma_semaphore, #tpu.memory_space<semaphore_mem>>
        %dma_start3A = arith.constant 0 : i32
        %dma_start3A_1295 = tpu.memref_slice %arg13[%add3A_357, %dma_start3A] : memref<16x16xf32, #tpu.memory_space<vmem_shared>> -> memref<1x16xf32, #tpu.memory_space<vmem_shared>>
        %dma_start3A_1296 = tpu.memref_squeeze %dma_start3A_1295 : memref<1x16xf32, #tpu.memory_space<vmem_shared>> -> memref<16xf32, #tpu.memory_space<vmem_shared>>
        %dma_start3A_1297 = arith.constant 0 : i32
        %dma_start3A_1298 = tpu.memref_slice %arg13[%add3A_357, %dma_start3A_1297] : memref<16x16xf32, #tpu.memory_space<vmem_shared>> -> memref<1x16xf32, #tpu.memory_space<vmem_shared>>
        %dma_start3A_1299 = tpu.memref_squeeze %dma_start3A_1298 : memref<1x16xf32, #tpu.memory_space<vmem_shared>> -> memref<16xf32, #tpu.memory_space<vmem_shared>>
        tpu.enqueue_dma source(%dma_start3A_1299 : memref<16xf32, #tpu.memory_space<vmem_shared>>) target(%arg8 : memref<16xf32, #tpu.memory_space<vmem>>) target_semaphore(%run_scoped3A_1294 : memref<!tpu.dma_semaphore, #tpu.memory_space<semaphore_mem>>)
        %dma_wait3A = arith.constant 0 : i32
        %dma_wait3A_1300 = tpu.memref_slice %arg13[%add3A_357, %dma_wait3A] : memref<16x16xf32, #tpu.memory_space<vmem_shared>> -> memref<1x16xf32, #tpu.memory_space<vmem_shared>>
        %dma_wait3A_1301 = tpu.memref_squeeze %dma_wait3A_1300 : memref<1x16xf32, #tpu.memory_space<vmem_shared>> -> memref<16xf32, #tpu.memory_space<vmem_shared>>
        %dma_wait3A_1302 = arith.constant 0 : i32
        %dma_wait3A_1303 = tpu.memref_slice %arg13[%add3A_357, %dma_wait3A_1302] : memref<16x16xf32, #tpu.memory_space<vmem_shared>> -> memref<1x16xf32, #tpu.memory_space<vmem_shared>>
        %dma_wait3A_1304 = tpu.memref_squeeze %dma_wait3A_1303 : memref<1x16xf32, #tpu.memory_space<vmem_shared>> -> memref<16xf32, #tpu.memory_space<vmem_shared>>
        tpu.wait_dma2 semaphore(%run_scoped3A_1294 : memref<!tpu.dma_semaphore, #tpu.memory_space<semaphore_mem>>) src(%dma_wait3A_1304 : memref<16xf32, #tpu.memory_space<vmem_shared>>) dst(%arg8 : memref<16xf32, #tpu.memory_space<vmem>>)
        tpu.yield
      }) : () -> ()
      %get3A_358 = arith.constant 0 : index
      %get3A_359 = tpu.vector_load %arg8[%get3A_358] {strides = array<i32>} : memref<16xf32, #tpu.memory_space<vmem>>, vector<16xf32>,
      %add3A_360 = arith.addf %add3A_353, %get3A_359 : vector<16xf32>
      %mul3A_361 = arith.constant 8 : i32
      %mul3A_362 = arith.muli %select_n3A, %mul3A_361 : i32
      %add3A_363 = arith.constant 6 : i32
      %add3A_364 = arith.addi %mul3A_362, %add3A_363 : i32
      "tpu.region"() ({
        %run_scoped3A_1294 = tpu.sem_alloc : memref<!tpu.dma_semaphore, #tpu.memory_space<semaphore_mem>>
        %dma_start3A = arith.constant 0 : i32
        %dma_start3A_1295 = tpu.memref_slice %arg13[%add3A_364, %dma_start3A] : memref<16x16xf32, #tpu.memory_space<vmem_shared>> -> memref<1x16xf32, #tpu.memory_space<vmem_shared>>
        %dma_start3A_1296 = tpu.memref_squeeze %dma_start3A_1295 : memref<1x16xf32, #tpu.memory_space<vmem_shared>> -> memref<16xf32, #tpu.memory_space<vmem_shared>>
        %dma_start3A_1297 = arith.constant 0 : i32
        %dma_start3A_1298 = tpu.memref_slice %arg13[%add3A_364, %dma_start3A_1297] : memref<16x16xf32, #tpu.memory_space<vmem_shared>> -> memref<1x16xf32, #tpu.memory_space<vmem_shared>>
        %dma_start3A_1299 = tpu.memref_squeeze %dma_start3A_1298 : memref<1x16xf32, #tpu.memory_space<vmem_shared>> -> memref<16xf32, #tpu.memory_space<vmem_shared>>
        tpu.enqueue_dma source(%dma_start3A_1299 : memref<16xf32, #tpu.memory_space<vmem_shared>>) target(%arg8 : memref<16xf32, #tpu.memory_space<vmem>>) target_semaphore(%run_scoped3A_1294 : memref<!tpu.dma_semaphore, #tpu.memory_space<semaphore_mem>>)
        %dma_wait3A = arith.constant 0 : i32
        %dma_wait3A_1300 = tpu.memref_slice %arg13[%add3A_364, %dma_wait3A] : memref<16x16xf32, #tpu.memory_space<vmem_shared>> -> memref<1x16xf32, #tpu.memory_space<vmem_shared>>
        %dma_wait3A_1301 = tpu.memref_squeeze %dma_wait3A_1300 : memref<1x16xf32, #tpu.memory_space<vmem_shared>> -> memref<16xf32, #tpu.memory_space<vmem_shared>>
        %dma_wait3A_1302 = arith.constant 0 : i32
        %dma_wait3A_1303 = tpu.memref_slice %arg13[%add3A_364, %dma_wait3A_1302] : memref<16x16xf32, #tpu.memory_space<vmem_shared>> -> memref<1x16xf32, #tpu.memory_space<vmem_shared>>
        %dma_wait3A_1304 = tpu.memref_squeeze %dma_wait3A_1303 : memref<1x16xf32, #tpu.memory_space<vmem_shared>> -> memref<16xf32, #tpu.memory_space<vmem_shared>>
        tpu.wait_dma2 semaphore(%run_scoped3A_1294 : memref<!tpu.dma_semaphore, #tpu.memory_space<semaphore_mem>>) src(%dma_wait3A_1304 : memref<16xf32, #tpu.memory_space<vmem_shared>>) dst(%arg8 : memref<16xf32, #tpu.memory_space<vmem>>)
        tpu.yield
      }) : () -> ()
      %get3A_365 = arith.constant 0 : index
      %get3A_366 = tpu.vector_load %arg8[%get3A_365] {strides = array<i32>} : memref<16xf32, #tpu.memory_space<vmem>>, vector<16xf32>,
      %add3A_367 = arith.addf %add3A_360, %get3A_366 : vector<16xf32>
      %mul3A_368 = arith.constant 8 : i32
      %mul3A_369 = arith.muli %select_n3A, %mul3A_368 : i32
      %add3A_370 = arith.constant 7 : i32
      %add3A_371 = arith.addi %mul3A_369, %add3A_370 : i32
      "tpu.region"() ({
        %run_scoped3A_1294 = tpu.sem_alloc : memref<!tpu.dma_semaphore, #tpu.memory_space<semaphore_mem>>
        %dma_start3A = arith.constant 0 : i32
        %dma_start3A_1295 = tpu.memref_slice %arg13[%add3A_371, %dma_start3A] : memref<16x16xf32, #tpu.memory_space<vmem_shared>> -> memref<1x16xf32, #tpu.memory_space<vmem_shared>>
        %dma_start3A_1296 = tpu.memref_squeeze %dma_start3A_1295 : memref<1x16xf32, #tpu.memory_space<vmem_shared>> -> memref<16xf32, #tpu.memory_space<vmem_shared>>
        %dma_start3A_1297 = arith.constant 0 : i32
        %dma_start3A_1298 = tpu.memref_slice %arg13[%add3A_371, %dma_start3A_1297] : memref<16x16xf32, #tpu.memory_space<vmem_shared>> -> memref<1x16xf32, #tpu.memory_space<vmem_shared>>
        %dma_start3A_1299 = tpu.memref_squeeze %dma_start3A_1298 : memref<1x16xf32, #tpu.memory_space<vmem_shared>> -> memref<16xf32, #tpu.memory_space<vmem_shared>>
        tpu.enqueue_dma source(%dma_start3A_1299 : memref<16xf32, #tpu.memory_space<vmem_shared>>) target(%arg8 : memref<16xf32, #tpu.memory_space<vmem>>) target_semaphore(%run_scoped3A_1294 : memref<!tpu.dma_semaphore, #tpu.memory_space<semaphore_mem>>)
        %dma_wait3A = arith.constant 0 : i32
        %dma_wait3A_1300 = tpu.memref_slice %arg13[%add3A_371, %dma_wait3A] : memref<16x16xf32, #tpu.memory_space<vmem_shared>> -> memref<1x16xf32, #tpu.memory_space<vmem_shared>>
        %dma_wait3A_1301 = tpu.memref_squeeze %dma_wait3A_1300 : memref<1x16xf32, #tpu.memory_space<vmem_shared>> -> memref<16xf32, #tpu.memory_space<vmem_shared>>
        %dma_wait3A_1302 = arith.constant 0 : i32
        %dma_wait3A_1303 = tpu.memref_slice %arg13[%add3A_371, %dma_wait3A_1302] : memref<16x16xf32, #tpu.memory_space<vmem_shared>> -> memref<1x16xf32, #tpu.memory_space<vmem_shared>>
        %dma_wait3A_1304 = tpu.memref_squeeze %dma_wait3A_1303 : memref<1x16xf32, #tpu.memory_space<vmem_shared>> -> memref<16xf32, #tpu.memory_space<vmem_shared>>
        tpu.wait_dma2 semaphore(%run_scoped3A_1294 : memref<!tpu.dma_semaphore, #tpu.memory_space<semaphore_mem>>) src(%dma_wait3A_1304 : memref<16xf32, #tpu.memory_space<vmem_shared>>) dst(%arg8 : memref<16xf32, #tpu.memory_space<vmem>>)
        tpu.yield
      }) : () -> ()
      %get3A_372 = arith.constant 0 : index
      %get3A_373 = tpu.vector_load %arg8[%get3A_372] {strides = array<i32>} : memref<16xf32, #tpu.memory_space<vmem>>, vector<16xf32>,
      %add3A_374 = arith.addf %add3A_367, %get3A_373 : vector<16xf32>
      %add3A_375 = arith.constant 32 : i32
      %add3A_376 = vector.broadcast %add3A_375 : i32 to vector<16xi32>
      %add3A_377 = arith.addi %and3A_234, %add3A_376 : vector<16xi32>
      %gather3A_378 = tpu.vector_load_idx %arg9[%add3A_377] : memref<48xf32, #tpu.memory_space<vmem>>[vector<16xi32>], vector<16xf32>,
      %add3A_379 = arith.constant 40 : i32
      %add3A_380 = vector.broadcast %add3A_379 : i32 to vector<16xi32>
      %add3A_381 = arith.addi %and3A_234, %add3A_380 : vector<16xi32>
      %gather3A_382 = tpu.vector_load_idx %arg9[%add3A_381] : memref<48xf32, #tpu.memory_space<vmem>>[vector<16xi32>], vector<16xf32>,
      %ge3A = arith.constant 1 : i32
      %ge3A_383 = vector.broadcast %ge3A : i32 to vector<16xi32>
      %ge3A_384 = arith.cmpi sge, %iota3A, %ge3A_383 : vector<16xi32>
      %lt3A_385 = arith.constant 8 : i32
      %lt3A_386 = vector.broadcast %lt3A_385 : i32 to vector<16xi32>
      %lt3A_387 = arith.cmpi slt, %iota3A, %lt3A_386 : vector<16xi32>
      %and3A_388 = arith.andi %ge3A_384, %lt3A_387 : vector<16xi1>
      %gt3A = arith.constant 0.000000e+00 : f32
      %gt3A_389 = vector.broadcast %gt3A : f32 to vector<16xf32>
      %gt3A_390 = arith.cmpf ogt, %gather3A_378, %gt3A_389 : vector<16xf32>
      %and3A_391 = arith.andi %gt3A_390, %and3A_388 : vector<16xi1>
      %select_n3A_392 = arith.select %and3A_391, %broadcast_in_dim3A_35, %broadcast_in_dim3A_33 : vector<16xi1>, vector<16xf32>
      %reduce_sum3A = arith.constant true
      %reduce_sum3A_393 = vector.broadcast %reduce_sum3A : i1 to vector<16xi1>
      %reduce_sum3A_394 = tpu.scan <sum>, %select_n3A_392 masked %reduce_sum3A_393 : vector<16xf32>, vector<16xi1> -> vector<16xf32>
      %reduce_sum3A_395 = vector.extract %reduce_sum3A_394[15] : f32 from vector<16xf32>
      %broadcast_in_dim3A_396 = vector.broadcast %reduce_sum3A_395 : f32 to vector<16xf32>
      %max3A_397 = arith.constant 1.000000e+00 : f32
      %max3A_398 = vector.broadcast %max3A_397 : f32 to vector<16xf32>
      %max3A_399 = arith.maximumf %gather3A_378, %max3A_398 : vector<16xf32>
      %div3A_400 = arith.divf %add3A_374, %max3A_399 : vector<16xf32>
      %sub3A_401 = arith.constant 5.000000e-01 : f32
      %sub3A_402 = vector.broadcast %sub3A_401 : f32 to vector<16xf32>
      %sub3A_403 = arith.subf %div3A_400, %sub3A_402 : vector<16xf32>
      %max3A_404 = arith.constant 0.000000e+00 : f32
      %max3A_405 = vector.broadcast %max3A_404 : f32 to vector<16xf32>
      %max3A_406 = arith.maximumf %sub3A_403, %max3A_405 : vector<16xf32>
      %mul3A_407 = arith.mulf %max3A_406, %max3A_406 : vector<16xf32>
      %select_n3A_408 = arith.select %and3A_391, %mul3A_407, %broadcast_in_dim3A_33 : vector<16xi1>, vector<16xf32>
      %reduce_sum3A_409 = arith.constant true
      %reduce_sum3A_410 = vector.broadcast %reduce_sum3A_409 : i1 to vector<16xi1>
      %reduce_sum3A_411 = tpu.scan <sum>, %select_n3A_408 masked %reduce_sum3A_410 : vector<16xf32>, vector<16xi1> -> vector<16xf32>
      %reduce_sum3A_412 = vector.extract %reduce_sum3A_411[15] : f32 from vector<16xf32>
      %broadcast_in_dim3A_413 = vector.broadcast %reduce_sum3A_412 : f32 to vector<16xf32>
      %max3A_414 = arith.constant 1.000000e+00 : f32
      %max3A_415 = vector.broadcast %max3A_414 : f32 to vector<16xf32>
      %max3A_416 = arith.maximumf %broadcast_in_dim3A_396, %max3A_415 : vector<16xf32>
      %div3A_417 = arith.divf %broadcast_in_dim3A_413, %max3A_416 : vector<16xf32>
      %select_n3A_418 = arith.select %and3A_388, %gather3A_378, %broadcast_in_dim3A_33 : vector<16xi1>, vector<16xf32>
      %reduce_sum3A_419 = arith.constant true
      %reduce_sum3A_420 = vector.broadcast %reduce_sum3A_419 : i1 to vector<16xi1>
      %reduce_sum3A_421 = tpu.scan <sum>, %select_n3A_418 masked %reduce_sum3A_420 : vector<16xf32>, vector<16xi1> -> vector<16xf32>
      %reduce_sum3A_422 = vector.extract %reduce_sum3A_421[15] : f32 from vector<16xf32>
      %broadcast_in_dim3A_423 = vector.broadcast %reduce_sum3A_422 : f32 to vector<16xf32>
      %select_n3A_424 = arith.select %and3A_388, %gather3A_382, %broadcast_in_dim3A_33 : vector<16xi1>, vector<16xf32>
      %reduce_sum3A_425 = arith.constant true
      %reduce_sum3A_426 = vector.broadcast %reduce_sum3A_425 : i1 to vector<16xi1>
      %reduce_sum3A_427 = tpu.scan <sum>, %select_n3A_424 masked %reduce_sum3A_426 : vector<16xf32>, vector<16xi1> -> vector<16xf32>
      %reduce_sum3A_428 = vector.extract %reduce_sum3A_427[15] : f32 from vector<16xf32>
      %broadcast_in_dim3A_429 = vector.broadcast %reduce_sum3A_428 : f32 to vector<16xf32>
      %max3A_430 = arith.constant 1.000000e+00 : f32
      %max3A_431 = vector.broadcast %max3A_430 : f32 to vector<16xf32>
      %max3A_432 = arith.maximumf %broadcast_in_dim3A_423, %max3A_431 : vector<16xf32>
      %div3A_433 = arith.divf %broadcast_in_dim3A_429, %max3A_432 : vector<16xf32>
      %add3A_434 = arith.constant 1.500000e+00 : f32
      %add3A_435 = arith.constant 1.000000e+06 : f32
      %add3A_436 = arith.addf %add3A_434, %add3A_435 : f32
      %mul3A_437 = arith.mulf %add3A_436, %add3A_436 : f32
      %mul3A_438 = vector.broadcast %mul3A_437 : f32 to vector<16xf32>
      %mul3A_439 = arith.mulf %broadcast_in_dim3A_396, %mul3A_438 : vector<16xf32>
      %add3A_440 = arith.constant 1 : i32
      %add3A_441 = vector.broadcast %add3A_440 : i32 to vector<16xi32>
      %add3A_442 = arith.addi %and3A_234, %add3A_441 : vector<16xi32>
      %and3A_443 = arith.constant 7 : i32
      %and3A_444 = vector.broadcast %and3A_443 : i32 to vector<16xi32>
      %and3A_445 = arith.andi %add3A_442, %and3A_444 : vector<16xi32>
      %add3A_446 = arith.constant 0 : i32
      %add3A_447 = vector.broadcast %add3A_446 : i32 to vector<16xi32>
      %add3A_448 = arith.addi %and3A_234, %add3A_447 : vector<16xi32>
      %gather3A_449 = tpu.vector_load_idx %arg10[%add3A_448] : memref<32xf32, #tpu.memory_space<vmem>>[vector<16xi32>], vector<16xf32>,
      %add3A_450 = arith.constant 0 : i32
      %add3A_451 = vector.broadcast %add3A_450 : i32 to vector<16xi32>
      %add3A_452 = arith.addi %and3A_445, %add3A_451 : vector<16xi32>
      %gather3A_453 = tpu.vector_load_idx %arg10[%add3A_452] : memref<32xf32, #tpu.memory_space<vmem>>[vector<16xi32>], vector<16xf32>,
      %sub3A_454 = arith.subf %gather3A_449, %gather3A_453 : vector<16xf32>
      %mul3A_455 = arith.mulf %sub3A_454, %sub3A_454 : vector<16xf32>
      %add3A_456 = arith.addf %broadcast_in_dim3A_33, %mul3A_455 : vector<16xf32>
      %add3A_457 = arith.constant 8 : i32
      %add3A_458 = vector.broadcast %add3A_457 : i32 to vector<16xi32>
      %add3A_459 = arith.addi %and3A_234, %add3A_458 : vector<16xi32>
      %gather3A_460 = tpu.vector_load_idx %arg10[%add3A_459] : memref<32xf32, #tpu.memory_space<vmem>>[vector<16xi32>], vector<16xf32>,
      %add3A_461 = arith.constant 8 : i32
      %add3A_462 = vector.broadcast %add3A_461 : i32 to vector<16xi32>
      %add3A_463 = arith.addi %and3A_445, %add3A_462 : vector<16xi32>
      %gather3A_464 = tpu.vector_load_idx %arg10[%add3A_463] : memref<32xf32, #tpu.memory_space<vmem>>[vector<16xi32>], vector<16xf32>,
      %sub3A_465 = arith.subf %gather3A_460, %gather3A_464 : vector<16xf32>
      %mul3A_466 = arith.mulf %sub3A_465, %sub3A_465 : vector<16xf32>
      %add3A_467 = arith.addf %add3A_456, %mul3A_466 : vector<16xf32>
      %add3A_468 = arith.constant 16 : i32
      %add3A_469 = vector.broadcast %add3A_468 : i32 to vector<16xi32>
      %add3A_470 = arith.addi %and3A_234, %add3A_469 : vector<16xi32>
      %gather3A_471 = tpu.vector_load_idx %arg10[%add3A_470] : memref<32xf32, #tpu.memory_space<vmem>>[vector<16xi32>], vector<16xf32>,
      %add3A_472 = arith.constant 16 : i32
      %add3A_473 = vector.broadcast %add3A_472 : i32 to vector<16xi32>
      %add3A_474 = arith.addi %and3A_445, %add3A_473 : vector<16xi32>
      %gather3A_475 = tpu.vector_load_idx %arg10[%add3A_474] : memref<32xf32, #tpu.memory_space<vmem>>[vector<16xi32>], vector<16xf32>,
      %sub3A_476 = arith.subf %gather3A_471, %gather3A_475 : vector<16xf32>
      %mul3A_477 = arith.mulf %sub3A_476, %sub3A_476 : vector<16xf32>
      %add3A_478 = arith.addf %add3A_467, %mul3A_477 : vector<16xf32>
      %add3A_479 = arith.constant 24 : i32
      %add3A_480 = vector.broadcast %add3A_479 : i32 to vector<16xi32>
      %add3A_481 = arith.addi %and3A_234, %add3A_480 : vector<16xi32>
      %gather3A_482 = tpu.vector_load_idx %arg10[%add3A_481] : memref<32xf32, #tpu.memory_space<vmem>>[vector<16xi32>], vector<16xf32>,
      %add3A_483 = arith.constant 24 : i32
      %add3A_484 = vector.broadcast %add3A_483 : i32 to vector<16xi32>
      %add3A_485 = arith.addi %and3A_445, %add3A_484 : vector<16xi32>
      %gather3A_486 = tpu.vector_load_idx %arg10[%add3A_485] : memref<32xf32, #tpu.memory_space<vmem>>[vector<16xi32>], vector<16xf32>,
      %sub3A_487 = arith.subf %gather3A_482, %gather3A_486 : vector<16xf32>
      %mul3A_488 = arith.mulf %sub3A_487, %sub3A_487 : vector<16xf32>
      %add3A_489 = arith.addf %add3A_478, %mul3A_488 : vector<16xf32>
      %max3A_490 = arith.constant 1.000000e-30 : f32
      %max3A_491 = vector.broadcast %max3A_490 : f32 to vector<16xf32>
      %max3A_492 = arith.maximumf %add3A_489, %max3A_491 : vector<16xf32>
      %bitcast_convert_type3A = tpu.bitcast %max3A_492 : vector<16xf32> -> vector<16xi32>
      %shift_right_logical3A = arith.constant 1 : i32
      %shift_right_logical3A_493 = vector.broadcast %shift_right_logical3A : i32 to vector<16xi32>
      %shift_right_logical3A_494 = arith.shrui %bitcast_convert_type3A, %shift_right_logical3A_493 : vector<16xi32>
      %sub3A_495 = arith.constant 1597463007 : i32
      %sub3A_496 = vector.broadcast %sub3A_495 : i32 to vector<16xi32>
      %sub3A_497 = arith.subi %sub3A_496, %shift_right_logical3A_494 : vector<16xi32>
      %bitcast_convert_type3A_498 = tpu.bitcast %sub3A_497 : vector<16xi32> -> vector<16xf32>
      %mul3A_499 = arith.constant 5.000000e-01 : f32
      %mul3A_500 = vector.broadcast %mul3A_499 : f32 to vector<16xf32>
      %mul3A_501 = arith.mulf %mul3A_500, %max3A_492 : vector<16xf32>
      %mul3A_502 = arith.mulf %mul3A_501, %bitcast_convert_type3A_498 : vector<16xf32>
      %mul3A_503 = arith.mulf %mul3A_502, %bitcast_convert_type3A_498 : vector<16xf32>
      %sub3A_504 = arith.constant 1.500000e+00 : f32
      %sub3A_505 = vector.broadcast %sub3A_504 : f32 to vector<16xf32>
      %sub3A_506 = arith.subf %sub3A_505, %mul3A_503 : vector<16xf32>
      %mul3A_507 = arith.mulf %bitcast_convert_type3A_498, %sub3A_506 : vector<16xf32>
      %mul3A_508 = arith.constant 5.000000e-01 : f32
      %mul3A_509 = vector.broadcast %mul3A_508 : f32 to vector<16xf32>
      %mul3A_510 = arith.mulf %mul3A_509, %max3A_492 : vector<16xf32>
      %mul3A_511 = arith.mulf %mul3A_510, %mul3A_507 : vector<16xf32>
      %mul3A_512 = arith.mulf %mul3A_511, %mul3A_507 : vector<16xf32>
      %sub3A_513 = arith.constant 1.500000e+00 : f32
      %sub3A_514 = vector.broadcast %sub3A_513 : f32 to vector<16xf32>
      %sub3A_515 = arith.subf %sub3A_514, %mul3A_512 : vector<16xf32>
      %mul3A_516 = arith.mulf %mul3A_507, %sub3A_515 : vector<16xf32>
      %mul3A_517 = arith.constant 5.000000e-01 : f32
      %mul3A_518 = vector.broadcast %mul3A_517 : f32 to vector<16xf32>
      %mul3A_519 = arith.mulf %mul3A_518, %max3A_492 : vector<16xf32>
      %mul3A_520 = arith.mulf %mul3A_519, %mul3A_516 : vector<16xf32>
      %mul3A_521 = arith.mulf %mul3A_520, %mul3A_516 : vector<16xf32>
      %sub3A_522 = arith.constant 1.500000e+00 : f32
      %sub3A_523 = vector.broadcast %sub3A_522 : f32 to vector<16xf32>
      %sub3A_524 = arith.subf %sub3A_523, %mul3A_521 : vector<16xf32>
      %mul3A_525 = arith.mulf %mul3A_516, %sub3A_524 : vector<16xf32>
      %mul3A_526 = arith.mulf %max3A_492, %mul3A_525 : vector<16xf32>
      %sub3A_527 = arith.constant 1.500000e+00 : f32
      %sub3A_528 = vector.broadcast %sub3A_527 : f32 to vector<16xf32>
      %sub3A_529 = arith.subf %sub3A_528, %mul3A_526 : vector<16xf32>
      %max3A_530 = arith.constant 0.000000e+00 : f32
      %max3A_531 = vector.broadcast %max3A_530 : f32 to vector<16xf32>
      %max3A_532 = arith.maximumf %sub3A_529, %max3A_531 : vector<16xf32>
      %mul3A_533 = arith.mulf %max3A_532, %max3A_532 : vector<16xf32>
      %add3A_534 = arith.constant 32 : i32
      %add3A_535 = vector.broadcast %add3A_534 : i32 to vector<16xi32>
      %add3A_536 = arith.addi %and3A_445, %add3A_535 : vector<16xi32>
      %gather3A_537 = tpu.vector_load_idx %arg9[%add3A_536] : memref<48xf32, #tpu.memory_space<vmem>>[vector<16xi32>], vector<16xf32>,
      %gt3A_538 = arith.constant 0.000000e+00 : f32
      %gt3A_539 = vector.broadcast %gt3A_538 : f32 to vector<16xf32>
      %gt3A_540 = arith.cmpf ogt, %gather3A_537, %gt3A_539 : vector<16xf32>
      %and3A_541 = arith.andi %and3A_391, %gt3A_540 : vector<16xi1>
      %ne3A_542 = arith.constant 0 : i32
      %ne3A_543 = vector.broadcast %ne3A_542 : i32 to vector<16xi32>
      %ne3A_544 = arith.cmpi ne, %and3A_445, %ne3A_543 : vector<16xi32>
      %and3A_545 = arith.andi %and3A_541, %ne3A_544 : vector<16xi1>
      %select_n3A_546 = arith.select %and3A_545, %mul3A_533, %broadcast_in_dim3A_33 : vector<16xi1>, vector<16xf32>
      %reduce_sum3A_547 = arith.constant true
      %reduce_sum3A_548 = vector.broadcast %reduce_sum3A_547 : i1 to vector<16xi1>
      %reduce_sum3A_549 = tpu.scan <sum>, %select_n3A_546 masked %reduce_sum3A_548 : vector<16xf32>, vector<16xi1> -> vector<16xf32>
      %reduce_sum3A_550 = vector.extract %reduce_sum3A_549[15] : f32 from vector<16xf32>
      %broadcast_in_dim3A_551 = vector.broadcast %reduce_sum3A_550 : f32 to vector<16xf32>
      %add3A_552 = arith.addf %mul3A_439, %broadcast_in_dim3A_551 : vector<16xf32>
      %add3A_553 = arith.constant 2 : i32
      %add3A_554 = vector.broadcast %add3A_553 : i32 to vector<16xi32>
      %add3A_555 = arith.addi %and3A_234, %add3A_554 : vector<16xi32>
      %and3A_556 = arith.constant 7 : i32
      %and3A_557 = vector.broadcast %and3A_556 : i32 to vector<16xi32>
      %and3A_558 = arith.andi %add3A_555, %and3A_557 : vector<16xi32>
      %add3A_559 = arith.constant 0 : i32
      %add3A_560 = vector.broadcast %add3A_559 : i32 to vector<16xi32>
      %add3A_561 = arith.addi %and3A_234, %add3A_560 : vector<16xi32>
      %gather3A_562 = tpu.vector_load_idx %arg10[%add3A_561] : memref<32xf32, #tpu.memory_space<vmem>>[vector<16xi32>], vector<16xf32>,
      %add3A_563 = arith.constant 0 : i32
      %add3A_564 = vector.broadcast %add3A_563 : i32 to vector<16xi32>
      %add3A_565 = arith.addi %and3A_558, %add3A_564 : vector<16xi32>
      %gather3A_566 = tpu.vector_load_idx %arg10[%add3A_565] : memref<32xf32, #tpu.memory_space<vmem>>[vector<16xi32>], vector<16xf32>,
      %sub3A_567 = arith.subf %gather3A_562, %gather3A_566 : vector<16xf32>
      %mul3A_568 = arith.mulf %sub3A_567, %sub3A_567 : vector<16xf32>
      %add3A_569 = arith.addf %broadcast_in_dim3A_33, %mul3A_568 : vector<16xf32>
      %add3A_570 = arith.constant 8 : i32
      %add3A_571 = vector.broadcast %add3A_570 : i32 to vector<16xi32>
      %add3A_572 = arith.addi %and3A_234, %add3A_571 : vector<16xi32>
      %gather3A_573 = tpu.vector_load_idx %arg10[%add3A_572] : memref<32xf32, #tpu.memory_space<vmem>>[vector<16xi32>], vector<16xf32>,
      %add3A_574 = arith.constant 8 : i32
      %add3A_575 = vector.broadcast %add3A_574 : i32 to vector<16xi32>
      %add3A_576 = arith.addi %and3A_558, %add3A_575 : vector<16xi32>
      %gather3A_577 = tpu.vector_load_idx %arg10[%add3A_576] : memref<32xf32, #tpu.memory_space<vmem>>[vector<16xi32>], vector<16xf32>,
      %sub3A_578 = arith.subf %gather3A_573, %gather3A_577 : vector<16xf32>
      %mul3A_579 = arith.mulf %sub3A_578, %sub3A_578 : vector<16xf32>
      %add3A_580 = arith.addf %add3A_569, %mul3A_579 : vector<16xf32>
      %add3A_581 = arith.constant 16 : i32
      %add3A_582 = vector.broadcast %add3A_581 : i32 to vector<16xi32>
      %add3A_583 = arith.addi %and3A_234, %add3A_582 : vector<16xi32>
      %gather3A_584 = tpu.vector_load_idx %arg10[%add3A_583] : memref<32xf32, #tpu.memory_space<vmem>>[vector<16xi32>], vector<16xf32>,
      %add3A_585 = arith.constant 16 : i32
      %add3A_586 = vector.broadcast %add3A_585 : i32 to vector<16xi32>
      %add3A_587 = arith.addi %and3A_558, %add3A_586 : vector<16xi32>
      %gather3A_588 = tpu.vector_load_idx %arg10[%add3A_587] : memref<32xf32, #tpu.memory_space<vmem>>[vector<16xi32>], vector<16xf32>,
      %sub3A_589 = arith.subf %gather3A_584, %gather3A_588 : vector<16xf32>
      %mul3A_590 = arith.mulf %sub3A_589, %sub3A_589 : vector<16xf32>
      %add3A_591 = arith.addf %add3A_580, %mul3A_590 : vector<16xf32>
      %add3A_592 = arith.constant 24 : i32
      %add3A_593 = vector.broadcast %add3A_592 : i32 to vector<16xi32>
      %add3A_594 = arith.addi %and3A_234, %add3A_593 : vector<16xi32>
      %gather3A_595 = tpu.vector_load_idx %arg10[%add3A_594] : memref<32xf32, #tpu.memory_space<vmem>>[vector<16xi32>], vector<16xf32>,
      %add3A_596 = arith.constant 24 : i32
      %add3A_597 = vector.broadcast %add3A_596 : i32 to vector<16xi32>
      %add3A_598 = arith.addi %and3A_558, %add3A_597 : vector<16xi32>
      %gather3A_599 = tpu.vector_load_idx %arg10[%add3A_598] : memref<32xf32, #tpu.memory_space<vmem>>[vector<16xi32>], vector<16xf32>,
      %sub3A_600 = arith.subf %gather3A_595, %gather3A_599 : vector<16xf32>
      %mul3A_601 = arith.mulf %sub3A_600, %sub3A_600 : vector<16xf32>
      %add3A_602 = arith.addf %add3A_591, %mul3A_601 : vector<16xf32>
      %max3A_603 = arith.constant 1.000000e-30 : f32
      %max3A_604 = vector.broadcast %max3A_603 : f32 to vector<16xf32>
      %max3A_605 = arith.maximumf %add3A_602, %max3A_604 : vector<16xf32>
      %bitcast_convert_type3A_606 = tpu.bitcast %max3A_605 : vector<16xf32> -> vector<16xi32>
      %shift_right_logical3A_607 = arith.constant 1 : i32
      %shift_right_logical3A_608 = vector.broadcast %shift_right_logical3A_607 : i32 to vector<16xi32>
      %shift_right_logical3A_609 = arith.shrui %bitcast_convert_type3A_606, %shift_right_logical3A_608 : vector<16xi32>
      %sub3A_610 = arith.constant 1597463007 : i32
      %sub3A_611 = vector.broadcast %sub3A_610 : i32 to vector<16xi32>
      %sub3A_612 = arith.subi %sub3A_611, %shift_right_logical3A_609 : vector<16xi32>
      %bitcast_convert_type3A_613 = tpu.bitcast %sub3A_612 : vector<16xi32> -> vector<16xf32>
      %mul3A_614 = arith.constant 5.000000e-01 : f32
      %mul3A_615 = vector.broadcast %mul3A_614 : f32 to vector<16xf32>
      %mul3A_616 = arith.mulf %mul3A_615, %max3A_605 : vector<16xf32>
      %mul3A_617 = arith.mulf %mul3A_616, %bitcast_convert_type3A_613 : vector<16xf32>
      %mul3A_618 = arith.mulf %mul3A_617, %bitcast_convert_type3A_613 : vector<16xf32>
      %sub3A_619 = arith.constant 1.500000e+00 : f32
      %sub3A_620 = vector.broadcast %sub3A_619 : f32 to vector<16xf32>
      %sub3A_621 = arith.subf %sub3A_620, %mul3A_618 : vector<16xf32>
      %mul3A_622 = arith.mulf %bitcast_convert_type3A_613, %sub3A_621 : vector<16xf32>
      %mul3A_623 = arith.constant 5.000000e-01 : f32
      %mul3A_624 = vector.broadcast %mul3A_623 : f32 to vector<16xf32>
      %mul3A_625 = arith.mulf %mul3A_624, %max3A_605 : vector<16xf32>
      %mul3A_626 = arith.mulf %mul3A_625, %mul3A_622 : vector<16xf32>
      %mul3A_627 = arith.mulf %mul3A_626, %mul3A_622 : vector<16xf32>
      %sub3A_628 = arith.constant 1.500000e+00 : f32
      %sub3A_629 = vector.broadcast %sub3A_628 : f32 to vector<16xf32>
      %sub3A_630 = arith.subf %sub3A_629, %mul3A_627 : vector<16xf32>
      %mul3A_631 = arith.mulf %mul3A_622, %sub3A_630 : vector<16xf32>
      %mul3A_632 = arith.constant 5.000000e-01 : f32
      %mul3A_633 = vector.broadcast %mul3A_632 : f32 to vector<16xf32>
      %mul3A_634 = arith.mulf %mul3A_633, %max3A_605 : vector<16xf32>
      %mul3A_635 = arith.mulf %mul3A_634, %mul3A_631 : vector<16xf32>
      %mul3A_636 = arith.mulf %mul3A_635, %mul3A_631 : vector<16xf32>
      %sub3A_637 = arith.constant 1.500000e+00 : f32
      %sub3A_638 = vector.broadcast %sub3A_637 : f32 to vector<16xf32>
      %sub3A_639 = arith.subf %sub3A_638, %mul3A_636 : vector<16xf32>
      %mul3A_640 = arith.mulf %mul3A_631, %sub3A_639 : vector<16xf32>
      %mul3A_641 = arith.mulf %max3A_605, %mul3A_640 : vector<16xf32>
      %sub3A_642 = arith.constant 1.500000e+00 : f32
      %sub3A_643 = vector.broadcast %sub3A_642 : f32 to vector<16xf32>
      %sub3A_644 = arith.subf %sub3A_643, %mul3A_641 : vector<16xf32>
      %max3A_645 = arith.constant 0.000000e+00 : f32
      %max3A_646 = vector.broadcast %max3A_645 : f32 to vector<16xf32>
      %max3A_647 = arith.maximumf %sub3A_644, %max3A_646 : vector<16xf32>
      %mul3A_648 = arith.mulf %max3A_647, %max3A_647 : vector<16xf32>
      %add3A_649 = arith.constant 32 : i32
      %add3A_650 = vector.broadcast %add3A_649 : i32 to vector<16xi32>
      %add3A_651 = arith.addi %and3A_558, %add3A_650 : vector<16xi32>
      %gather3A_652 = tpu.vector_load_idx %arg9[%add3A_651] : memref<48xf32, #tpu.memory_space<vmem>>[vector<16xi32>], vector<16xf32>,
      %gt3A_653 = arith.constant 0.000000e+00 : f32
      %gt3A_654 = vector.broadcast %gt3A_653 : f32 to vector<16xf32>
      %gt3A_655 = arith.cmpf ogt, %gather3A_652, %gt3A_654 : vector<16xf32>
      %and3A_656 = arith.andi %and3A_391, %gt3A_655 : vector<16xi1>
      %ne3A_657 = arith.constant 0 : i32
      %ne3A_658 = vector.broadcast %ne3A_657 : i32 to vector<16xi32>
      %ne3A_659 = arith.cmpi ne, %and3A_558, %ne3A_658 : vector<16xi32>
      %and3A_660 = arith.andi %and3A_656, %ne3A_659 : vector<16xi1>
      %select_n3A_661 = arith.select %and3A_660, %mul3A_648, %broadcast_in_dim3A_33 : vector<16xi1>, vector<16xf32>
      %reduce_sum3A_662 = arith.constant true
      %reduce_sum3A_663 = vector.broadcast %reduce_sum3A_662 : i1 to vector<16xi1>
      %reduce_sum3A_664 = tpu.scan <sum>, %select_n3A_661 masked %reduce_sum3A_663 : vector<16xf32>, vector<16xi1> -> vector<16xf32>
      %reduce_sum3A_665 = vector.extract %reduce_sum3A_664[15] : f32 from vector<16xf32>
      %broadcast_in_dim3A_666 = vector.broadcast %reduce_sum3A_665 : f32 to vector<16xf32>
      %add3A_667 = arith.addf %add3A_552, %broadcast_in_dim3A_666 : vector<16xf32>
      %add3A_668 = arith.constant 3 : i32
      %add3A_669 = vector.broadcast %add3A_668 : i32 to vector<16xi32>
      %add3A_670 = arith.addi %and3A_234, %add3A_669 : vector<16xi32>
      %and3A_671 = arith.constant 7 : i32
      %and3A_672 = vector.broadcast %and3A_671 : i32 to vector<16xi32>
      %and3A_673 = arith.andi %add3A_670, %and3A_672 : vector<16xi32>
      %add3A_674 = arith.constant 0 : i32
      %add3A_675 = vector.broadcast %add3A_674 : i32 to vector<16xi32>
      %add3A_676 = arith.addi %and3A_234, %add3A_675 : vector<16xi32>
      %gather3A_677 = tpu.vector_load_idx %arg10[%add3A_676] : memref<32xf32, #tpu.memory_space<vmem>>[vector<16xi32>], vector<16xf32>,
      %add3A_678 = arith.constant 0 : i32
      %add3A_679 = vector.broadcast %add3A_678 : i32 to vector<16xi32>
      %add3A_680 = arith.addi %and3A_673, %add3A_679 : vector<16xi32>
      %gather3A_681 = tpu.vector_load_idx %arg10[%add3A_680] : memref<32xf32, #tpu.memory_space<vmem>>[vector<16xi32>], vector<16xf32>,
      %sub3A_682 = arith.subf %gather3A_677, %gather3A_681 : vector<16xf32>
      %mul3A_683 = arith.mulf %sub3A_682, %sub3A_682 : vector<16xf32>
      %add3A_684 = arith.addf %broadcast_in_dim3A_33, %mul3A_683 : vector<16xf32>
      %add3A_685 = arith.constant 8 : i32
      %add3A_686 = vector.broadcast %add3A_685 : i32 to vector<16xi32>
      %add3A_687 = arith.addi %and3A_234, %add3A_686 : vector<16xi32>
      %gather3A_688 = tpu.vector_load_idx %arg10[%add3A_687] : memref<32xf32, #tpu.memory_space<vmem>>[vector<16xi32>], vector<16xf32>,
      %add3A_689 = arith.constant 8 : i32
      %add3A_690 = vector.broadcast %add3A_689 : i32 to vector<16xi32>
      %add3A_691 = arith.addi %and3A_673, %add3A_690 : vector<16xi32>
      %gather3A_692 = tpu.vector_load_idx %arg10[%add3A_691] : memref<32xf32, #tpu.memory_space<vmem>>[vector<16xi32>], vector<16xf32>,
      %sub3A_693 = arith.subf %gather3A_688, %gather3A_692 : vector<16xf32>
      %mul3A_694 = arith.mulf %sub3A_693, %sub3A_693 : vector<16xf32>
      %add3A_695 = arith.addf %add3A_684, %mul3A_694 : vector<16xf32>
      %add3A_696 = arith.constant 16 : i32
      %add3A_697 = vector.broadcast %add3A_696 : i32 to vector<16xi32>
      %add3A_698 = arith.addi %and3A_234, %add3A_697 : vector<16xi32>
      %gather3A_699 = tpu.vector_load_idx %arg10[%add3A_698] : memref<32xf32, #tpu.memory_space<vmem>>[vector<16xi32>], vector<16xf32>,
      %add3A_700 = arith.constant 16 : i32
      %add3A_701 = vector.broadcast %add3A_700 : i32 to vector<16xi32>
      %add3A_702 = arith.addi %and3A_673, %add3A_701 : vector<16xi32>
      %gather3A_703 = tpu.vector_load_idx %arg10[%add3A_702] : memref<32xf32, #tpu.memory_space<vmem>>[vector<16xi32>], vector<16xf32>,
      %sub3A_704 = arith.subf %gather3A_699, %gather3A_703 : vector<16xf32>
      %mul3A_705 = arith.mulf %sub3A_704, %sub3A_704 : vector<16xf32>
      %add3A_706 = arith.addf %add3A_695, %mul3A_705 : vector<16xf32>
      %add3A_707 = arith.constant 24 : i32
      %add3A_708 = vector.broadcast %add3A_707 : i32 to vector<16xi32>
      %add3A_709 = arith.addi %and3A_234, %add3A_708 : vector<16xi32>
      %gather3A_710 = tpu.vector_load_idx %arg10[%add3A_709] : memref<32xf32, #tpu.memory_space<vmem>>[vector<16xi32>], vector<16xf32>,
      %add3A_711 = arith.constant 24 : i32
      %add3A_712 = vector.broadcast %add3A_711 : i32 to vector<16xi32>
      %add3A_713 = arith.addi %and3A_673, %add3A_712 : vector<16xi32>
      %gather3A_714 = tpu.vector_load_idx %arg10[%add3A_713] : memref<32xf32, #tpu.memory_space<vmem>>[vector<16xi32>], vector<16xf32>,
      %sub3A_715 = arith.subf %gather3A_710, %gather3A_714 : vector<16xf32>
      %mul3A_716 = arith.mulf %sub3A_715, %sub3A_715 : vector<16xf32>
      %add3A_717 = arith.addf %add3A_706, %mul3A_716 : vector<16xf32>
      %max3A_718 = arith.constant 1.000000e-30 : f32
      %max3A_719 = vector.broadcast %max3A_718 : f32 to vector<16xf32>
      %max3A_720 = arith.maximumf %add3A_717, %max3A_719 : vector<16xf32>
      %bitcast_convert_type3A_721 = tpu.bitcast %max3A_720 : vector<16xf32> -> vector<16xi32>
      %shift_right_logical3A_722 = arith.constant 1 : i32
      %shift_right_logical3A_723 = vector.broadcast %shift_right_logical3A_722 : i32 to vector<16xi32>
      %shift_right_logical3A_724 = arith.shrui %bitcast_convert_type3A_721, %shift_right_logical3A_723 : vector<16xi32>
      %sub3A_725 = arith.constant 1597463007 : i32
      %sub3A_726 = vector.broadcast %sub3A_725 : i32 to vector<16xi32>
      %sub3A_727 = arith.subi %sub3A_726, %shift_right_logical3A_724 : vector<16xi32>
      %bitcast_convert_type3A_728 = tpu.bitcast %sub3A_727 : vector<16xi32> -> vector<16xf32>
      %mul3A_729 = arith.constant 5.000000e-01 : f32
      %mul3A_730 = vector.broadcast %mul3A_729 : f32 to vector<16xf32>
      %mul3A_731 = arith.mulf %mul3A_730, %max3A_720 : vector<16xf32>
      %mul3A_732 = arith.mulf %mul3A_731, %bitcast_convert_type3A_728 : vector<16xf32>
      %mul3A_733 = arith.mulf %mul3A_732, %bitcast_convert_type3A_728 : vector<16xf32>
      %sub3A_734 = arith.constant 1.500000e+00 : f32
      %sub3A_735 = vector.broadcast %sub3A_734 : f32 to vector<16xf32>
      %sub3A_736 = arith.subf %sub3A_735, %mul3A_733 : vector<16xf32>
      %mul3A_737 = arith.mulf %bitcast_convert_type3A_728, %sub3A_736 : vector<16xf32>
      %mul3A_738 = arith.constant 5.000000e-01 : f32
      %mul3A_739 = vector.broadcast %mul3A_738 : f32 to vector<16xf32>
      %mul3A_740 = arith.mulf %mul3A_739, %max3A_720 : vector<16xf32>
      %mul3A_741 = arith.mulf %mul3A_740, %mul3A_737 : vector<16xf32>
      %mul3A_742 = arith.mulf %mul3A_741, %mul3A_737 : vector<16xf32>
      %sub3A_743 = arith.constant 1.500000e+00 : f32
      %sub3A_744 = vector.broadcast %sub3A_743 : f32 to vector<16xf32>
      %sub3A_745 = arith.subf %sub3A_744, %mul3A_742 : vector<16xf32>
      %mul3A_746 = arith.mulf %mul3A_737, %sub3A_745 : vector<16xf32>
      %mul3A_747 = arith.constant 5.000000e-01 : f32
      %mul3A_748 = vector.broadcast %mul3A_747 : f32 to vector<16xf32>
      %mul3A_749 = arith.mulf %mul3A_748, %max3A_720 : vector<16xf32>
      %mul3A_750 = arith.mulf %mul3A_749, %mul3A_746 : vector<16xf32>
      %mul3A_751 = arith.mulf %mul3A_750, %mul3A_746 : vector<16xf32>
      %sub3A_752 = arith.constant 1.500000e+00 : f32
      %sub3A_753 = vector.broadcast %sub3A_752 : f32 to vector<16xf32>
      %sub3A_754 = arith.subf %sub3A_753, %mul3A_751 : vector<16xf32>
      %mul3A_755 = arith.mulf %mul3A_746, %sub3A_754 : vector<16xf32>
      %mul3A_756 = arith.mulf %max3A_720, %mul3A_755 : vector<16xf32>
      %sub3A_757 = arith.constant 1.500000e+00 : f32
      %sub3A_758 = vector.broadcast %sub3A_757 : f32 to vector<16xf32>
      %sub3A_759 = arith.subf %sub3A_758, %mul3A_756 : vector<16xf32>
      %max3A_760 = arith.constant 0.000000e+00 : f32
      %max3A_761 = vector.broadcast %max3A_760 : f32 to vector<16xf32>
      %max3A_762 = arith.maximumf %sub3A_759, %max3A_761 : vector<16xf32>
      %mul3A_763 = arith.mulf %max3A_762, %max3A_762 : vector<16xf32>
      %add3A_764 = arith.constant 32 : i32
      %add3A_765 = vector.broadcast %add3A_764 : i32 to vector<16xi32>
      %add3A_766 = arith.addi %and3A_673, %add3A_765 : vector<16xi32>
      %gather3A_767 = tpu.vector_load_idx %arg9[%add3A_766] : memref<48xf32, #tpu.memory_space<vmem>>[vector<16xi32>], vector<16xf32>,
      %gt3A_768 = arith.constant 0.000000e+00 : f32
      %gt3A_769 = vector.broadcast %gt3A_768 : f32 to vector<16xf32>
      %gt3A_770 = arith.cmpf ogt, %gather3A_767, %gt3A_769 : vector<16xf32>
      %and3A_771 = arith.andi %and3A_391, %gt3A_770 : vector<16xi1>
      %ne3A_772 = arith.constant 0 : i32
      %ne3A_773 = vector.broadcast %ne3A_772 : i32 to vector<16xi32>
      %ne3A_774 = arith.cmpi ne, %and3A_673, %ne3A_773 : vector<16xi32>
      %and3A_775 = arith.andi %and3A_771, %ne3A_774 : vector<16xi1>
      %select_n3A_776 = arith.select %and3A_775, %mul3A_763, %broadcast_in_dim3A_33 : vector<16xi1>, vector<16xf32>
      %reduce_sum3A_777 = arith.constant true
      %reduce_sum3A_778 = vector.broadcast %reduce_sum3A_777 : i1 to vector<16xi1>
      %reduce_sum3A_779 = tpu.scan <sum>, %select_n3A_776 masked %reduce_sum3A_778 : vector<16xf32>, vector<16xi1> -> vector<16xf32>
      %reduce_sum3A_780 = vector.extract %reduce_sum3A_779[15] : f32 from vector<16xf32>
      %broadcast_in_dim3A_781 = vector.broadcast %reduce_sum3A_780 : f32 to vector<16xf32>
      %add3A_782 = arith.addf %add3A_667, %broadcast_in_dim3A_781 : vector<16xf32>
      %add3A_783 = arith.constant 4 : i32
      %add3A_784 = vector.broadcast %add3A_783 : i32 to vector<16xi32>
      %add3A_785 = arith.addi %and3A_234, %add3A_784 : vector<16xi32>
      %and3A_786 = arith.constant 7 : i32
      %and3A_787 = vector.broadcast %and3A_786 : i32 to vector<16xi32>
      %and3A_788 = arith.andi %add3A_785, %and3A_787 : vector<16xi32>
      %add3A_789 = arith.constant 0 : i32
      %add3A_790 = vector.broadcast %add3A_789 : i32 to vector<16xi32>
      %add3A_791 = arith.addi %and3A_234, %add3A_790 : vector<16xi32>
      %gather3A_792 = tpu.vector_load_idx %arg10[%add3A_791] : memref<32xf32, #tpu.memory_space<vmem>>[vector<16xi32>], vector<16xf32>,
      %add3A_793 = arith.constant 0 : i32
      %add3A_794 = vector.broadcast %add3A_793 : i32 to vector<16xi32>
      %add3A_795 = arith.addi %and3A_788, %add3A_794 : vector<16xi32>
      %gather3A_796 = tpu.vector_load_idx %arg10[%add3A_795] : memref<32xf32, #tpu.memory_space<vmem>>[vector<16xi32>], vector<16xf32>,
      %sub3A_797 = arith.subf %gather3A_792, %gather3A_796 : vector<16xf32>
      %mul3A_798 = arith.mulf %sub3A_797, %sub3A_797 : vector<16xf32>
      %add3A_799 = arith.addf %broadcast_in_dim3A_33, %mul3A_798 : vector<16xf32>
      %add3A_800 = arith.constant 8 : i32
      %add3A_801 = vector.broadcast %add3A_800 : i32 to vector<16xi32>
      %add3A_802 = arith.addi %and3A_234, %add3A_801 : vector<16xi32>
      %gather3A_803 = tpu.vector_load_idx %arg10[%add3A_802] : memref<32xf32, #tpu.memory_space<vmem>>[vector<16xi32>], vector<16xf32>,
      %add3A_804 = arith.constant 8 : i32
      %add3A_805 = vector.broadcast %add3A_804 : i32 to vector<16xi32>
      %add3A_806 = arith.addi %and3A_788, %add3A_805 : vector<16xi32>
      %gather3A_807 = tpu.vector_load_idx %arg10[%add3A_806] : memref<32xf32, #tpu.memory_space<vmem>>[vector<16xi32>], vector<16xf32>,
      %sub3A_808 = arith.subf %gather3A_803, %gather3A_807 : vector<16xf32>
      %mul3A_809 = arith.mulf %sub3A_808, %sub3A_808 : vector<16xf32>
      %add3A_810 = arith.addf %add3A_799, %mul3A_809 : vector<16xf32>
      %add3A_811 = arith.constant 16 : i32
      %add3A_812 = vector.broadcast %add3A_811 : i32 to vector<16xi32>
      %add3A_813 = arith.addi %and3A_234, %add3A_812 : vector<16xi32>
      %gather3A_814 = tpu.vector_load_idx %arg10[%add3A_813] : memref<32xf32, #tpu.memory_space<vmem>>[vector<16xi32>], vector<16xf32>,
      %add3A_815 = arith.constant 16 : i32
      %add3A_816 = vector.broadcast %add3A_815 : i32 to vector<16xi32>
      %add3A_817 = arith.addi %and3A_788, %add3A_816 : vector<16xi32>
      %gather3A_818 = tpu.vector_load_idx %arg10[%add3A_817] : memref<32xf32, #tpu.memory_space<vmem>>[vector<16xi32>], vector<16xf32>,
      %sub3A_819 = arith.subf %gather3A_814, %gather3A_818 : vector<16xf32>
      %mul3A_820 = arith.mulf %sub3A_819, %sub3A_819 : vector<16xf32>
      %add3A_821 = arith.addf %add3A_810, %mul3A_820 : vector<16xf32>
      %add3A_822 = arith.constant 24 : i32
      %add3A_823 = vector.broadcast %add3A_822 : i32 to vector<16xi32>
      %add3A_824 = arith.addi %and3A_234, %add3A_823 : vector<16xi32>
      %gather3A_825 = tpu.vector_load_idx %arg10[%add3A_824] : memref<32xf32, #tpu.memory_space<vmem>>[vector<16xi32>], vector<16xf32>,
      %add3A_826 = arith.constant 24 : i32
      %add3A_827 = vector.broadcast %add3A_826 : i32 to vector<16xi32>
      %add3A_828 = arith.addi %and3A_788, %add3A_827 : vector<16xi32>
      %gather3A_829 = tpu.vector_load_idx %arg10[%add3A_828] : memref<32xf32, #tpu.memory_space<vmem>>[vector<16xi32>], vector<16xf32>,
      %sub3A_830 = arith.subf %gather3A_825, %gather3A_829 : vector<16xf32>
      %mul3A_831 = arith.mulf %sub3A_830, %sub3A_830 : vector<16xf32>
      %add3A_832 = arith.addf %add3A_821, %mul3A_831 : vector<16xf32>
      %max3A_833 = arith.constant 1.000000e-30 : f32
      %max3A_834 = vector.broadcast %max3A_833 : f32 to vector<16xf32>
      %max3A_835 = arith.maximumf %add3A_832, %max3A_834 : vector<16xf32>
      %bitcast_convert_type3A_836 = tpu.bitcast %max3A_835 : vector<16xf32> -> vector<16xi32>
      %shift_right_logical3A_837 = arith.constant 1 : i32
      %shift_right_logical3A_838 = vector.broadcast %shift_right_logical3A_837 : i32 to vector<16xi32>
      %shift_right_logical3A_839 = arith.shrui %bitcast_convert_type3A_836, %shift_right_logical3A_838 : vector<16xi32>
      %sub3A_840 = arith.constant 1597463007 : i32
      %sub3A_841 = vector.broadcast %sub3A_840 : i32 to vector<16xi32>
      %sub3A_842 = arith.subi %sub3A_841, %shift_right_logical3A_839 : vector<16xi32>
      %bitcast_convert_type3A_843 = tpu.bitcast %sub3A_842 : vector<16xi32> -> vector<16xf32>
      %mul3A_844 = arith.constant 5.000000e-01 : f32
      %mul3A_845 = vector.broadcast %mul3A_844 : f32 to vector<16xf32>
      %mul3A_846 = arith.mulf %mul3A_845, %max3A_835 : vector<16xf32>
      %mul3A_847 = arith.mulf %mul3A_846, %bitcast_convert_type3A_843 : vector<16xf32>
      %mul3A_848 = arith.mulf %mul3A_847, %bitcast_convert_type3A_843 : vector<16xf32>
      %sub3A_849 = arith.constant 1.500000e+00 : f32
      %sub3A_850 = vector.broadcast %sub3A_849 : f32 to vector<16xf32>
      %sub3A_851 = arith.subf %sub3A_850, %mul3A_848 : vector<16xf32>
      %mul3A_852 = arith.mulf %bitcast_convert_type3A_843, %sub3A_851 : vector<16xf32>
      %mul3A_853 = arith.constant 5.000000e-01 : f32
      %mul3A_854 = vector.broadcast %mul3A_853 : f32 to vector<16xf32>
      %mul3A_855 = arith.mulf %mul3A_854, %max3A_835 : vector<16xf32>
      %mul3A_856 = arith.mulf %mul3A_855, %mul3A_852 : vector<16xf32>
      %mul3A_857 = arith.mulf %mul3A_856, %mul3A_852 : vector<16xf32>
      %sub3A_858 = arith.constant 1.500000e+00 : f32
      %sub3A_859 = vector.broadcast %sub3A_858 : f32 to vector<16xf32>
      %sub3A_860 = arith.subf %sub3A_859, %mul3A_857 : vector<16xf32>
      %mul3A_861 = arith.mulf %mul3A_852, %sub3A_860 : vector<16xf32>
      %mul3A_862 = arith.constant 5.000000e-01 : f32
      %mul3A_863 = vector.broadcast %mul3A_862 : f32 to vector<16xf32>
      %mul3A_864 = arith.mulf %mul3A_863, %max3A_835 : vector<16xf32>
      %mul3A_865 = arith.mulf %mul3A_864, %mul3A_861 : vector<16xf32>
      %mul3A_866 = arith.mulf %mul3A_865, %mul3A_861 : vector<16xf32>
      %sub3A_867 = arith.constant 1.500000e+00 : f32
      %sub3A_868 = vector.broadcast %sub3A_867 : f32 to vector<16xf32>
      %sub3A_869 = arith.subf %sub3A_868, %mul3A_866 : vector<16xf32>
      %mul3A_870 = arith.mulf %mul3A_861, %sub3A_869 : vector<16xf32>
      %mul3A_871 = arith.mulf %max3A_835, %mul3A_870 : vector<16xf32>
      %sub3A_872 = arith.constant 1.500000e+00 : f32
      %sub3A_873 = vector.broadcast %sub3A_872 : f32 to vector<16xf32>
      %sub3A_874 = arith.subf %sub3A_873, %mul3A_871 : vector<16xf32>
      %max3A_875 = arith.constant 0.000000e+00 : f32
      %max3A_876 = vector.broadcast %max3A_875 : f32 to vector<16xf32>
      %max3A_877 = arith.maximumf %sub3A_874, %max3A_876 : vector<16xf32>
      %mul3A_878 = arith.mulf %max3A_877, %max3A_877 : vector<16xf32>
      %add3A_879 = arith.constant 32 : i32
      %add3A_880 = vector.broadcast %add3A_879 : i32 to vector<16xi32>
      %add3A_881 = arith.addi %and3A_788, %add3A_880 : vector<16xi32>
      %gather3A_882 = tpu.vector_load_idx %arg9[%add3A_881] : memref<48xf32, #tpu.memory_space<vmem>>[vector<16xi32>], vector<16xf32>,
      %gt3A_883 = arith.constant 0.000000e+00 : f32
      %gt3A_884 = vector.broadcast %gt3A_883 : f32 to vector<16xf32>
      %gt3A_885 = arith.cmpf ogt, %gather3A_882, %gt3A_884 : vector<16xf32>
      %and3A_886 = arith.andi %and3A_391, %gt3A_885 : vector<16xi1>
      %ne3A_887 = arith.constant 0 : i32
      %ne3A_888 = vector.broadcast %ne3A_887 : i32 to vector<16xi32>
      %ne3A_889 = arith.cmpi ne, %and3A_788, %ne3A_888 : vector<16xi32>
      %and3A_890 = arith.andi %and3A_886, %ne3A_889 : vector<16xi1>
      %select_n3A_891 = arith.select %and3A_890, %mul3A_878, %broadcast_in_dim3A_33 : vector<16xi1>, vector<16xf32>
      %reduce_sum3A_892 = arith.constant true
      %reduce_sum3A_893 = vector.broadcast %reduce_sum3A_892 : i1 to vector<16xi1>
      %reduce_sum3A_894 = tpu.scan <sum>, %select_n3A_891 masked %reduce_sum3A_893 : vector<16xf32>, vector<16xi1> -> vector<16xf32>
      %reduce_sum3A_895 = vector.extract %reduce_sum3A_894[15] : f32 from vector<16xf32>
      %broadcast_in_dim3A_896 = vector.broadcast %reduce_sum3A_895 : f32 to vector<16xf32>
      %add3A_897 = arith.addf %add3A_782, %broadcast_in_dim3A_896 : vector<16xf32>
      %add3A_898 = arith.constant 5 : i32
      %add3A_899 = vector.broadcast %add3A_898 : i32 to vector<16xi32>
      %add3A_900 = arith.addi %and3A_234, %add3A_899 : vector<16xi32>
      %and3A_901 = arith.constant 7 : i32
      %and3A_902 = vector.broadcast %and3A_901 : i32 to vector<16xi32>
      %and3A_903 = arith.andi %add3A_900, %and3A_902 : vector<16xi32>
      %add3A_904 = arith.constant 0 : i32
      %add3A_905 = vector.broadcast %add3A_904 : i32 to vector<16xi32>
      %add3A_906 = arith.addi %and3A_234, %add3A_905 : vector<16xi32>
      %gather3A_907 = tpu.vector_load_idx %arg10[%add3A_906] : memref<32xf32, #tpu.memory_space<vmem>>[vector<16xi32>], vector<16xf32>,
      %add3A_908 = arith.constant 0 : i32
      %add3A_909 = vector.broadcast %add3A_908 : i32 to vector<16xi32>
      %add3A_910 = arith.addi %and3A_903, %add3A_909 : vector<16xi32>
      %gather3A_911 = tpu.vector_load_idx %arg10[%add3A_910] : memref<32xf32, #tpu.memory_space<vmem>>[vector<16xi32>], vector<16xf32>,
      %sub3A_912 = arith.subf %gather3A_907, %gather3A_911 : vector<16xf32>
      %mul3A_913 = arith.mulf %sub3A_912, %sub3A_912 : vector<16xf32>
      %add3A_914 = arith.addf %broadcast_in_dim3A_33, %mul3A_913 : vector<16xf32>
      %add3A_915 = arith.constant 8 : i32
      %add3A_916 = vector.broadcast %add3A_915 : i32 to vector<16xi32>
      %add3A_917 = arith.addi %and3A_234, %add3A_916 : vector<16xi32>
      %gather3A_918 = tpu.vector_load_idx %arg10[%add3A_917] : memref<32xf32, #tpu.memory_space<vmem>>[vector<16xi32>], vector<16xf32>,
      %add3A_919 = arith.constant 8 : i32
      %add3A_920 = vector.broadcast %add3A_919 : i32 to vector<16xi32>
      %add3A_921 = arith.addi %and3A_903, %add3A_920 : vector<16xi32>
      %gather3A_922 = tpu.vector_load_idx %arg10[%add3A_921] : memref<32xf32, #tpu.memory_space<vmem>>[vector<16xi32>], vector<16xf32>,
      %sub3A_923 = arith.subf %gather3A_918, %gather3A_922 : vector<16xf32>
      %mul3A_924 = arith.mulf %sub3A_923, %sub3A_923 : vector<16xf32>
      %add3A_925 = arith.addf %add3A_914, %mul3A_924 : vector<16xf32>
      %add3A_926 = arith.constant 16 : i32
      %add3A_927 = vector.broadcast %add3A_926 : i32 to vector<16xi32>
      %add3A_928 = arith.addi %and3A_234, %add3A_927 : vector<16xi32>
      %gather3A_929 = tpu.vector_load_idx %arg10[%add3A_928] : memref<32xf32, #tpu.memory_space<vmem>>[vector<16xi32>], vector<16xf32>,
      %add3A_930 = arith.constant 16 : i32
      %add3A_931 = vector.broadcast %add3A_930 : i32 to vector<16xi32>
      %add3A_932 = arith.addi %and3A_903, %add3A_931 : vector<16xi32>
      %gather3A_933 = tpu.vector_load_idx %arg10[%add3A_932] : memref<32xf32, #tpu.memory_space<vmem>>[vector<16xi32>], vector<16xf32>,
      %sub3A_934 = arith.subf %gather3A_929, %gather3A_933 : vector<16xf32>
      %mul3A_935 = arith.mulf %sub3A_934, %sub3A_934 : vector<16xf32>
      %add3A_936 = arith.addf %add3A_925, %mul3A_935 : vector<16xf32>
      %add3A_937 = arith.constant 24 : i32
      %add3A_938 = vector.broadcast %add3A_937 : i32 to vector<16xi32>
      %add3A_939 = arith.addi %and3A_234, %add3A_938 : vector<16xi32>
      %gather3A_940 = tpu.vector_load_idx %arg10[%add3A_939] : memref<32xf32, #tpu.memory_space<vmem>>[vector<16xi32>], vector<16xf32>,
      %add3A_941 = arith.constant 24 : i32
      %add3A_942 = vector.broadcast %add3A_941 : i32 to vector<16xi32>
      %add3A_943 = arith.addi %and3A_903, %add3A_942 : vector<16xi32>
      %gather3A_944 = tpu.vector_load_idx %arg10[%add3A_943] : memref<32xf32, #tpu.memory_space<vmem>>[vector<16xi32>], vector<16xf32>,
      %sub3A_945 = arith.subf %gather3A_940, %gather3A_944 : vector<16xf32>
      %mul3A_946 = arith.mulf %sub3A_945, %sub3A_945 : vector<16xf32>
      %add3A_947 = arith.addf %add3A_936, %mul3A_946 : vector<16xf32>
      %max3A_948 = arith.constant 1.000000e-30 : f32
      %max3A_949 = vector.broadcast %max3A_948 : f32 to vector<16xf32>
      %max3A_950 = arith.maximumf %add3A_947, %max3A_949 : vector<16xf32>
      %bitcast_convert_type3A_951 = tpu.bitcast %max3A_950 : vector<16xf32> -> vector<16xi32>
      %shift_right_logical3A_952 = arith.constant 1 : i32
      %shift_right_logical3A_953 = vector.broadcast %shift_right_logical3A_952 : i32 to vector<16xi32>
      %shift_right_logical3A_954 = arith.shrui %bitcast_convert_type3A_951, %shift_right_logical3A_953 : vector<16xi32>
      %sub3A_955 = arith.constant 1597463007 : i32
      %sub3A_956 = vector.broadcast %sub3A_955 : i32 to vector<16xi32>
      %sub3A_957 = arith.subi %sub3A_956, %shift_right_logical3A_954 : vector<16xi32>
      %bitcast_convert_type3A_958 = tpu.bitcast %sub3A_957 : vector<16xi32> -> vector<16xf32>
      %mul3A_959 = arith.constant 5.000000e-01 : f32
      %mul3A_960 = vector.broadcast %mul3A_959 : f32 to vector<16xf32>
      %mul3A_961 = arith.mulf %mul3A_960, %max3A_950 : vector<16xf32>
      %mul3A_962 = arith.mulf %mul3A_961, %bitcast_convert_type3A_958 : vector<16xf32>
      %mul3A_963 = arith.mulf %mul3A_962, %bitcast_convert_type3A_958 : vector<16xf32>
      %sub3A_964 = arith.constant 1.500000e+00 : f32
      %sub3A_965 = vector.broadcast %sub3A_964 : f32 to vector<16xf32>
      %sub3A_966 = arith.subf %sub3A_965, %mul3A_963 : vector<16xf32>
      %mul3A_967 = arith.mulf %bitcast_convert_type3A_958, %sub3A_966 : vector<16xf32>
      %mul3A_968 = arith.constant 5.000000e-01 : f32
      %mul3A_969 = vector.broadcast %mul3A_968 : f32 to vector<16xf32>
      %mul3A_970 = arith.mulf %mul3A_969, %max3A_950 : vector<16xf32>
      %mul3A_971 = arith.mulf %mul3A_970, %mul3A_967 : vector<16xf32>
      %mul3A_972 = arith.mulf %mul3A_971, %mul3A_967 : vector<16xf32>
      %sub3A_973 = arith.constant 1.500000e+00 : f32
      %sub3A_974 = vector.broadcast %sub3A_973 : f32 to vector<16xf32>
      %sub3A_975 = arith.subf %sub3A_974, %mul3A_972 : vector<16xf32>
      %mul3A_976 = arith.mulf %mul3A_967, %sub3A_975 : vector<16xf32>
      %mul3A_977 = arith.constant 5.000000e-01 : f32
      %mul3A_978 = vector.broadcast %mul3A_977 : f32 to vector<16xf32>
      %mul3A_979 = arith.mulf %mul3A_978, %max3A_950 : vector<16xf32>
      %mul3A_980 = arith.mulf %mul3A_979, %mul3A_976 : vector<16xf32>
      %mul3A_981 = arith.mulf %mul3A_980, %mul3A_976 : vector<16xf32>
      %sub3A_982 = arith.constant 1.500000e+00 : f32
      %sub3A_983 = vector.broadcast %sub3A_982 : f32 to vector<16xf32>
      %sub3A_984 = arith.subf %sub3A_983, %mul3A_981 : vector<16xf32>
      %mul3A_985 = arith.mulf %mul3A_976, %sub3A_984 : vector<16xf32>
      %mul3A_986 = arith.mulf %max3A_950, %mul3A_985 : vector<16xf32>
      %sub3A_987 = arith.constant 1.500000e+00 : f32
      %sub3A_988 = vector.broadcast %sub3A_987 : f32 to vector<16xf32>
      %sub3A_989 = arith.subf %sub3A_988, %mul3A_986 : vector<16xf32>
      %max3A_990 = arith.constant 0.000000e+00 : f32
      %max3A_991 = vector.broadcast %max3A_990 : f32 to vector<16xf32>
      %max3A_992 = arith.maximumf %sub3A_989, %max3A_991 : vector<16xf32>
      %mul3A_993 = arith.mulf %max3A_992, %max3A_992 : vector<16xf32>
      %add3A_994 = arith.constant 32 : i32
      %add3A_995 = vector.broadcast %add3A_994 : i32 to vector<16xi32>
      %add3A_996 = arith.addi %and3A_903, %add3A_995 : vector<16xi32>
      %gather3A_997 = tpu.vector_load_idx %arg9[%add3A_996] : memref<48xf32, #tpu.memory_space<vmem>>[vector<16xi32>], vector<16xf32>,
      %gt3A_998 = arith.constant 0.000000e+00 : f32
      %gt3A_999 = vector.broadcast %gt3A_998 : f32 to vector<16xf32>
      %gt3A_1000 = arith.cmpf ogt, %gather3A_997, %gt3A_999 : vector<16xf32>
      %and3A_1001 = arith.andi %and3A_391, %gt3A_1000 : vector<16xi1>
      %ne3A_1002 = arith.constant 0 : i32
      %ne3A_1003 = vector.broadcast %ne3A_1002 : i32 to vector<16xi32>
      %ne3A_1004 = arith.cmpi ne, %and3A_903, %ne3A_1003 : vector<16xi32>
      %and3A_1005 = arith.andi %and3A_1001, %ne3A_1004 : vector<16xi1>
      %select_n3A_1006 = arith.select %and3A_1005, %mul3A_993, %broadcast_in_dim3A_33 : vector<16xi1>, vector<16xf32>
      %reduce_sum3A_1007 = arith.constant true
      %reduce_sum3A_1008 = vector.broadcast %reduce_sum3A_1007 : i1 to vector<16xi1>
      %reduce_sum3A_1009 = tpu.scan <sum>, %select_n3A_1006 masked %reduce_sum3A_1008 : vector<16xf32>, vector<16xi1> -> vector<16xf32>
      %reduce_sum3A_1010 = vector.extract %reduce_sum3A_1009[15] : f32 from vector<16xf32>
      %broadcast_in_dim3A_1011 = vector.broadcast %reduce_sum3A_1010 : f32 to vector<16xf32>
      %add3A_1012 = arith.addf %add3A_897, %broadcast_in_dim3A_1011 : vector<16xf32>
      %add3A_1013 = arith.constant 6 : i32
      %add3A_1014 = vector.broadcast %add3A_1013 : i32 to vector<16xi32>
      %add3A_1015 = arith.addi %and3A_234, %add3A_1014 : vector<16xi32>
      %and3A_1016 = arith.constant 7 : i32
      %and3A_1017 = vector.broadcast %and3A_1016 : i32 to vector<16xi32>
      %and3A_1018 = arith.andi %add3A_1015, %and3A_1017 : vector<16xi32>
      %add3A_1019 = arith.constant 0 : i32
      %add3A_1020 = vector.broadcast %add3A_1019 : i32 to vector<16xi32>
      %add3A_1021 = arith.addi %and3A_234, %add3A_1020 : vector<16xi32>
      %gather3A_1022 = tpu.vector_load_idx %arg10[%add3A_1021] : memref<32xf32, #tpu.memory_space<vmem>>[vector<16xi32>], vector<16xf32>,
      %add3A_1023 = arith.constant 0 : i32
      %add3A_1024 = vector.broadcast %add3A_1023 : i32 to vector<16xi32>
      %add3A_1025 = arith.addi %and3A_1018, %add3A_1024 : vector<16xi32>
      %gather3A_1026 = tpu.vector_load_idx %arg10[%add3A_1025] : memref<32xf32, #tpu.memory_space<vmem>>[vector<16xi32>], vector<16xf32>,
      %sub3A_1027 = arith.subf %gather3A_1022, %gather3A_1026 : vector<16xf32>
      %mul3A_1028 = arith.mulf %sub3A_1027, %sub3A_1027 : vector<16xf32>
      %add3A_1029 = arith.addf %broadcast_in_dim3A_33, %mul3A_1028 : vector<16xf32>
      %add3A_1030 = arith.constant 8 : i32
      %add3A_1031 = vector.broadcast %add3A_1030 : i32 to vector<16xi32>
      %add3A_1032 = arith.addi %and3A_234, %add3A_1031 : vector<16xi32>
      %gather3A_1033 = tpu.vector_load_idx %arg10[%add3A_1032] : memref<32xf32, #tpu.memory_space<vmem>>[vector<16xi32>], vector<16xf32>,
      %add3A_1034 = arith.constant 8 : i32
      %add3A_1035 = vector.broadcast %add3A_1034 : i32 to vector<16xi32>
      %add3A_1036 = arith.addi %and3A_1018, %add3A_1035 : vector<16xi32>
      %gather3A_1037 = tpu.vector_load_idx %arg10[%add3A_1036] : memref<32xf32, #tpu.memory_space<vmem>>[vector<16xi32>], vector<16xf32>,
      %sub3A_1038 = arith.subf %gather3A_1033, %gather3A_1037 : vector<16xf32>
      %mul3A_1039 = arith.mulf %sub3A_1038, %sub3A_1038 : vector<16xf32>
      %add3A_1040 = arith.addf %add3A_1029, %mul3A_1039 : vector<16xf32>
      %add3A_1041 = arith.constant 16 : i32
      %add3A_1042 = vector.broadcast %add3A_1041 : i32 to vector<16xi32>
      %add3A_1043 = arith.addi %and3A_234, %add3A_1042 : vector<16xi32>
      %gather3A_1044 = tpu.vector_load_idx %arg10[%add3A_1043] : memref<32xf32, #tpu.memory_space<vmem>>[vector<16xi32>], vector<16xf32>,
      %add3A_1045 = arith.constant 16 : i32
      %add3A_1046 = vector.broadcast %add3A_1045 : i32 to vector<16xi32>
      %add3A_1047 = arith.addi %and3A_1018, %add3A_1046 : vector<16xi32>
      %gather3A_1048 = tpu.vector_load_idx %arg10[%add3A_1047] : memref<32xf32, #tpu.memory_space<vmem>>[vector<16xi32>], vector<16xf32>,
      %sub3A_1049 = arith.subf %gather3A_1044, %gather3A_1048 : vector<16xf32>
      %mul3A_1050 = arith.mulf %sub3A_1049, %sub3A_1049 : vector<16xf32>
      %add3A_1051 = arith.addf %add3A_1040, %mul3A_1050 : vector<16xf32>
      %add3A_1052 = arith.constant 24 : i32
      %add3A_1053 = vector.broadcast %add3A_1052 : i32 to vector<16xi32>
      %add3A_1054 = arith.addi %and3A_234, %add3A_1053 : vector<16xi32>
      %gather3A_1055 = tpu.vector_load_idx %arg10[%add3A_1054] : memref<32xf32, #tpu.memory_space<vmem>>[vector<16xi32>], vector<16xf32>,
      %add3A_1056 = arith.constant 24 : i32
      %add3A_1057 = vector.broadcast %add3A_1056 : i32 to vector<16xi32>
      %add3A_1058 = arith.addi %and3A_1018, %add3A_1057 : vector<16xi32>
      %gather3A_1059 = tpu.vector_load_idx %arg10[%add3A_1058] : memref<32xf32, #tpu.memory_space<vmem>>[vector<16xi32>], vector<16xf32>,
      %sub3A_1060 = arith.subf %gather3A_1055, %gather3A_1059 : vector<16xf32>
      %mul3A_1061 = arith.mulf %sub3A_1060, %sub3A_1060 : vector<16xf32>
      %add3A_1062 = arith.addf %add3A_1051, %mul3A_1061 : vector<16xf32>
      %max3A_1063 = arith.constant 1.000000e-30 : f32
      %max3A_1064 = vector.broadcast %max3A_1063 : f32 to vector<16xf32>
      %max3A_1065 = arith.maximumf %add3A_1062, %max3A_1064 : vector<16xf32>
      %bitcast_convert_type3A_1066 = tpu.bitcast %max3A_1065 : vector<16xf32> -> vector<16xi32>
      %shift_right_logical3A_1067 = arith.constant 1 : i32
      %shift_right_logical3A_1068 = vector.broadcast %shift_right_logical3A_1067 : i32 to vector<16xi32>
      %shift_right_logical3A_1069 = arith.shrui %bitcast_convert_type3A_1066, %shift_right_logical3A_1068 : vector<16xi32>
      %sub3A_1070 = arith.constant 1597463007 : i32
      %sub3A_1071 = vector.broadcast %sub3A_1070 : i32 to vector<16xi32>
      %sub3A_1072 = arith.subi %sub3A_1071, %shift_right_logical3A_1069 : vector<16xi32>
      %bitcast_convert_type3A_1073 = tpu.bitcast %sub3A_1072 : vector<16xi32> -> vector<16xf32>
      %mul3A_1074 = arith.constant 5.000000e-01 : f32
      %mul3A_1075 = vector.broadcast %mul3A_1074 : f32 to vector<16xf32>
      %mul3A_1076 = arith.mulf %mul3A_1075, %max3A_1065 : vector<16xf32>
      %mul3A_1077 = arith.mulf %mul3A_1076, %bitcast_convert_type3A_1073 : vector<16xf32>
      %mul3A_1078 = arith.mulf %mul3A_1077, %bitcast_convert_type3A_1073 : vector<16xf32>
      %sub3A_1079 = arith.constant 1.500000e+00 : f32
      %sub3A_1080 = vector.broadcast %sub3A_1079 : f32 to vector<16xf32>
      %sub3A_1081 = arith.subf %sub3A_1080, %mul3A_1078 : vector<16xf32>
      %mul3A_1082 = arith.mulf %bitcast_convert_type3A_1073, %sub3A_1081 : vector<16xf32>
      %mul3A_1083 = arith.constant 5.000000e-01 : f32
      %mul3A_1084 = vector.broadcast %mul3A_1083 : f32 to vector<16xf32>
      %mul3A_1085 = arith.mulf %mul3A_1084, %max3A_1065 : vector<16xf32>
      %mul3A_1086 = arith.mulf %mul3A_1085, %mul3A_1082 : vector<16xf32>
      %mul3A_1087 = arith.mulf %mul3A_1086, %mul3A_1082 : vector<16xf32>
      %sub3A_1088 = arith.constant 1.500000e+00 : f32
      %sub3A_1089 = vector.broadcast %sub3A_1088 : f32 to vector<16xf32>
      %sub3A_1090 = arith.subf %sub3A_1089, %mul3A_1087 : vector<16xf32>
      %mul3A_1091 = arith.mulf %mul3A_1082, %sub3A_1090 : vector<16xf32>
      %mul3A_1092 = arith.constant 5.000000e-01 : f32
      %mul3A_1093 = vector.broadcast %mul3A_1092 : f32 to vector<16xf32>
      %mul3A_1094 = arith.mulf %mul3A_1093, %max3A_1065 : vector<16xf32>
      %mul3A_1095 = arith.mulf %mul3A_1094, %mul3A_1091 : vector<16xf32>
      %mul3A_1096 = arith.mulf %mul3A_1095, %mul3A_1091 : vector<16xf32>
      %sub3A_1097 = arith.constant 1.500000e+00 : f32
      %sub3A_1098 = vector.broadcast %sub3A_1097 : f32 to vector<16xf32>
      %sub3A_1099 = arith.subf %sub3A_1098, %mul3A_1096 : vector<16xf32>
      %mul3A_1100 = arith.mulf %mul3A_1091, %sub3A_1099 : vector<16xf32>
      %mul3A_1101 = arith.mulf %max3A_1065, %mul3A_1100 : vector<16xf32>
      %sub3A_1102 = arith.constant 1.500000e+00 : f32
      %sub3A_1103 = vector.broadcast %sub3A_1102 : f32 to vector<16xf32>
      %sub3A_1104 = arith.subf %sub3A_1103, %mul3A_1101 : vector<16xf32>
      %max3A_1105 = arith.constant 0.000000e+00 : f32
      %max3A_1106 = vector.broadcast %max3A_1105 : f32 to vector<16xf32>
      %max3A_1107 = arith.maximumf %sub3A_1104, %max3A_1106 : vector<16xf32>
      %mul3A_1108 = arith.mulf %max3A_1107, %max3A_1107 : vector<16xf32>
      %add3A_1109 = arith.constant 32 : i32
      %add3A_1110 = vector.broadcast %add3A_1109 : i32 to vector<16xi32>
      %add3A_1111 = arith.addi %and3A_1018, %add3A_1110 : vector<16xi32>
      %gather3A_1112 = tpu.vector_load_idx %arg9[%add3A_1111] : memref<48xf32, #tpu.memory_space<vmem>>[vector<16xi32>], vector<16xf32>,
      %gt3A_1113 = arith.constant 0.000000e+00 : f32
      %gt3A_1114 = vector.broadcast %gt3A_1113 : f32 to vector<16xf32>
      %gt3A_1115 = arith.cmpf ogt, %gather3A_1112, %gt3A_1114 : vector<16xf32>
      %and3A_1116 = arith.andi %and3A_391, %gt3A_1115 : vector<16xi1>
      %ne3A_1117 = arith.constant 0 : i32
      %ne3A_1118 = vector.broadcast %ne3A_1117 : i32 to vector<16xi32>
      %ne3A_1119 = arith.cmpi ne, %and3A_1018, %ne3A_1118 : vector<16xi32>
      %and3A_1120 = arith.andi %and3A_1116, %ne3A_1119 : vector<16xi1>
      %select_n3A_1121 = arith.select %and3A_1120, %mul3A_1108, %broadcast_in_dim3A_33 : vector<16xi1>, vector<16xf32>
      %reduce_sum3A_1122 = arith.constant true
      %reduce_sum3A_1123 = vector.broadcast %reduce_sum3A_1122 : i1 to vector<16xi1>
      %reduce_sum3A_1124 = tpu.scan <sum>, %select_n3A_1121 masked %reduce_sum3A_1123 : vector<16xf32>, vector<16xi1> -> vector<16xf32>
      %reduce_sum3A_1125 = vector.extract %reduce_sum3A_1124[15] : f32 from vector<16xf32>
      %broadcast_in_dim3A_1126 = vector.broadcast %reduce_sum3A_1125 : f32 to vector<16xf32>
      %add3A_1127 = arith.addf %add3A_1012, %broadcast_in_dim3A_1126 : vector<16xf32>
      %add3A_1128 = arith.constant 7 : i32
      %add3A_1129 = vector.broadcast %add3A_1128 : i32 to vector<16xi32>
      %add3A_1130 = arith.addi %and3A_234, %add3A_1129 : vector<16xi32>
      %and3A_1131 = arith.constant 7 : i32
      %and3A_1132 = vector.broadcast %and3A_1131 : i32 to vector<16xi32>
      %and3A_1133 = arith.andi %add3A_1130, %and3A_1132 : vector<16xi32>
      %add3A_1134 = arith.constant 0 : i32
      %add3A_1135 = vector.broadcast %add3A_1134 : i32 to vector<16xi32>
      %add3A_1136 = arith.addi %and3A_234, %add3A_1135 : vector<16xi32>
      %gather3A_1137 = tpu.vector_load_idx %arg10[%add3A_1136] : memref<32xf32, #tpu.memory_space<vmem>>[vector<16xi32>], vector<16xf32>,
      %add3A_1138 = arith.constant 0 : i32
      %add3A_1139 = vector.broadcast %add3A_1138 : i32 to vector<16xi32>
      %add3A_1140 = arith.addi %and3A_1133, %add3A_1139 : vector<16xi32>
      %gather3A_1141 = tpu.vector_load_idx %arg10[%add3A_1140] : memref<32xf32, #tpu.memory_space<vmem>>[vector<16xi32>], vector<16xf32>,
      %sub3A_1142 = arith.subf %gather3A_1137, %gather3A_1141 : vector<16xf32>
      %mul3A_1143 = arith.mulf %sub3A_1142, %sub3A_1142 : vector<16xf32>
      %add3A_1144 = arith.addf %broadcast_in_dim3A_33, %mul3A_1143 : vector<16xf32>
      %add3A_1145 = arith.constant 8 : i32
      %add3A_1146 = vector.broadcast %add3A_1145 : i32 to vector<16xi32>
      %add3A_1147 = arith.addi %and3A_234, %add3A_1146 : vector<16xi32>
      %gather3A_1148 = tpu.vector_load_idx %arg10[%add3A_1147] : memref<32xf32, #tpu.memory_space<vmem>>[vector<16xi32>], vector<16xf32>,
      %add3A_1149 = arith.constant 8 : i32
      %add3A_1150 = vector.broadcast %add3A_1149 : i32 to vector<16xi32>
      %add3A_1151 = arith.addi %and3A_1133, %add3A_1150 : vector<16xi32>
      %gather3A_1152 = tpu.vector_load_idx %arg10[%add3A_1151] : memref<32xf32, #tpu.memory_space<vmem>>[vector<16xi32>], vector<16xf32>,
      %sub3A_1153 = arith.subf %gather3A_1148, %gather3A_1152 : vector<16xf32>
      %mul3A_1154 = arith.mulf %sub3A_1153, %sub3A_1153 : vector<16xf32>
      %add3A_1155 = arith.addf %add3A_1144, %mul3A_1154 : vector<16xf32>
      %add3A_1156 = arith.constant 16 : i32
      %add3A_1157 = vector.broadcast %add3A_1156 : i32 to vector<16xi32>
      %add3A_1158 = arith.addi %and3A_234, %add3A_1157 : vector<16xi32>
      %gather3A_1159 = tpu.vector_load_idx %arg10[%add3A_1158] : memref<32xf32, #tpu.memory_space<vmem>>[vector<16xi32>], vector<16xf32>,
      %add3A_1160 = arith.constant 16 : i32
      %add3A_1161 = vector.broadcast %add3A_1160 : i32 to vector<16xi32>
      %add3A_1162 = arith.addi %and3A_1133, %add3A_1161 : vector<16xi32>
      %gather3A_1163 = tpu.vector_load_idx %arg10[%add3A_1162] : memref<32xf32, #tpu.memory_space<vmem>>[vector<16xi32>], vector<16xf32>,
      %sub3A_1164 = arith.subf %gather3A_1159, %gather3A_1163 : vector<16xf32>
      %mul3A_1165 = arith.mulf %sub3A_1164, %sub3A_1164 : vector<16xf32>
      %add3A_1166 = arith.addf %add3A_1155, %mul3A_1165 : vector<16xf32>
      %add3A_1167 = arith.constant 24 : i32
      %add3A_1168 = vector.broadcast %add3A_1167 : i32 to vector<16xi32>
      %add3A_1169 = arith.addi %and3A_234, %add3A_1168 : vector<16xi32>
      %gather3A_1170 = tpu.vector_load_idx %arg10[%add3A_1169] : memref<32xf32, #tpu.memory_space<vmem>>[vector<16xi32>], vector<16xf32>,
      %add3A_1171 = arith.constant 24 : i32
      %add3A_1172 = vector.broadcast %add3A_1171 : i32 to vector<16xi32>
      %add3A_1173 = arith.addi %and3A_1133, %add3A_1172 : vector<16xi32>
      %gather3A_1174 = tpu.vector_load_idx %arg10[%add3A_1173] : memref<32xf32, #tpu.memory_space<vmem>>[vector<16xi32>], vector<16xf32>,
      %sub3A_1175 = arith.subf %gather3A_1170, %gather3A_1174 : vector<16xf32>
      %mul3A_1176 = arith.mulf %sub3A_1175, %sub3A_1175 : vector<16xf32>
      %add3A_1177 = arith.addf %add3A_1166, %mul3A_1176 : vector<16xf32>
      %max3A_1178 = arith.constant 1.000000e-30 : f32
      %max3A_1179 = vector.broadcast %max3A_1178 : f32 to vector<16xf32>
      %max3A_1180 = arith.maximumf %add3A_1177, %max3A_1179 : vector<16xf32>
      %bitcast_convert_type3A_1181 = tpu.bitcast %max3A_1180 : vector<16xf32> -> vector<16xi32>
      %shift_right_logical3A_1182 = arith.constant 1 : i32
      %shift_right_logical3A_1183 = vector.broadcast %shift_right_logical3A_1182 : i32 to vector<16xi32>
      %shift_right_logical3A_1184 = arith.shrui %bitcast_convert_type3A_1181, %shift_right_logical3A_1183 : vector<16xi32>
      %sub3A_1185 = arith.constant 1597463007 : i32
      %sub3A_1186 = vector.broadcast %sub3A_1185 : i32 to vector<16xi32>
      %sub3A_1187 = arith.subi %sub3A_1186, %shift_right_logical3A_1184 : vector<16xi32>
      %bitcast_convert_type3A_1188 = tpu.bitcast %sub3A_1187 : vector<16xi32> -> vector<16xf32>
      %mul3A_1189 = arith.constant 5.000000e-01 : f32
      %mul3A_1190 = vector.broadcast %mul3A_1189 : f32 to vector<16xf32>
      %mul3A_1191 = arith.mulf %mul3A_1190, %max3A_1180 : vector<16xf32>
      %mul3A_1192 = arith.mulf %mul3A_1191, %bitcast_convert_type3A_1188 : vector<16xf32>
      %mul3A_1193 = arith.mulf %mul3A_1192, %bitcast_convert_type3A_1188 : vector<16xf32>
      %sub3A_1194 = arith.constant 1.500000e+00 : f32
      %sub3A_1195 = vector.broadcast %sub3A_1194 : f32 to vector<16xf32>
      %sub3A_1196 = arith.subf %sub3A_1195, %mul3A_1193 : vector<16xf32>
      %mul3A_1197 = arith.mulf %bitcast_convert_type3A_1188, %sub3A_1196 : vector<16xf32>
      %mul3A_1198 = arith.constant 5.000000e-01 : f32
      %mul3A_1199 = vector.broadcast %mul3A_1198 : f32 to vector<16xf32>
      %mul3A_1200 = arith.mulf %mul3A_1199, %max3A_1180 : vector<16xf32>
      %mul3A_1201 = arith.mulf %mul3A_1200, %mul3A_1197 : vector<16xf32>
      %mul3A_1202 = arith.mulf %mul3A_1201, %mul3A_1197 : vector<16xf32>
      %sub3A_1203 = arith.constant 1.500000e+00 : f32
      %sub3A_1204 = vector.broadcast %sub3A_1203 : f32 to vector<16xf32>
      %sub3A_1205 = arith.subf %sub3A_1204, %mul3A_1202 : vector<16xf32>
      %mul3A_1206 = arith.mulf %mul3A_1197, %sub3A_1205 : vector<16xf32>
      %mul3A_1207 = arith.constant 5.000000e-01 : f32
      %mul3A_1208 = vector.broadcast %mul3A_1207 : f32 to vector<16xf32>
      %mul3A_1209 = arith.mulf %mul3A_1208, %max3A_1180 : vector<16xf32>
      %mul3A_1210 = arith.mulf %mul3A_1209, %mul3A_1206 : vector<16xf32>
      %mul3A_1211 = arith.mulf %mul3A_1210, %mul3A_1206 : vector<16xf32>
      %sub3A_1212 = arith.constant 1.500000e+00 : f32
      %sub3A_1213 = vector.broadcast %sub3A_1212 : f32 to vector<16xf32>
      %sub3A_1214 = arith.subf %sub3A_1213, %mul3A_1211 : vector<16xf32>
      %mul3A_1215 = arith.mulf %mul3A_1206, %sub3A_1214 : vector<16xf32>
      %mul3A_1216 = arith.mulf %max3A_1180, %mul3A_1215 : vector<16xf32>
      %sub3A_1217 = arith.constant 1.500000e+00 : f32
      %sub3A_1218 = vector.broadcast %sub3A_1217 : f32 to vector<16xf32>
      %sub3A_1219 = arith.subf %sub3A_1218, %mul3A_1216 : vector<16xf32>
      %max3A_1220 = arith.constant 0.000000e+00 : f32
      %max3A_1221 = vector.broadcast %max3A_1220 : f32 to vector<16xf32>
      %max3A_1222 = arith.maximumf %sub3A_1219, %max3A_1221 : vector<16xf32>
      %mul3A_1223 = arith.mulf %max3A_1222, %max3A_1222 : vector<16xf32>
      %add3A_1224 = arith.constant 32 : i32
      %add3A_1225 = vector.broadcast %add3A_1224 : i32 to vector<16xi32>
      %add3A_1226 = arith.addi %and3A_1133, %add3A_1225 : vector<16xi32>
      %gather3A_1227 = tpu.vector_load_idx %arg9[%add3A_1226] : memref<48xf32, #tpu.memory_space<vmem>>[vector<16xi32>], vector<16xf32>,
      %gt3A_1228 = arith.constant 0.000000e+00 : f32
      %gt3A_1229 = vector.broadcast %gt3A_1228 : f32 to vector<16xf32>
      %gt3A_1230 = arith.cmpf ogt, %gather3A_1227, %gt3A_1229 : vector<16xf32>
      %and3A_1231 = arith.andi %and3A_391, %gt3A_1230 : vector<16xi1>
      %ne3A_1232 = arith.constant 0 : i32
      %ne3A_1233 = vector.broadcast %ne3A_1232 : i32 to vector<16xi32>
      %ne3A_1234 = arith.cmpi ne, %and3A_1133, %ne3A_1233 : vector<16xi32>
      %and3A_1235 = arith.andi %and3A_1231, %ne3A_1234 : vector<16xi1>
      %select_n3A_1236 = arith.select %and3A_1235, %mul3A_1223, %broadcast_in_dim3A_33 : vector<16xi1>, vector<16xf32>
      %reduce_sum3A_1237 = arith.constant true
      %reduce_sum3A_1238 = vector.broadcast %reduce_sum3A_1237 : i1 to vector<16xi1>
      %reduce_sum3A_1239 = tpu.scan <sum>, %select_n3A_1236 masked %reduce_sum3A_1238 : vector<16xf32>, vector<16xi1> -> vector<16xf32>
      %reduce_sum3A_1240 = vector.extract %reduce_sum3A_1239[15] : f32 from vector<16xf32>
      %broadcast_in_dim3A_1241 = vector.broadcast %reduce_sum3A_1240 : f32 to vector<16xf32>
      %add3A_1242 = arith.addf %add3A_1127, %broadcast_in_dim3A_1241 : vector<16xf32>
      %sub3A_1243 = arith.constant 1.000000e+00 : f32
      %sub3A_1244 = vector.broadcast %sub3A_1243 : f32 to vector<16xf32>
      %sub3A_1245 = arith.subf %broadcast_in_dim3A_396, %sub3A_1244 : vector<16xf32>
      %mul3A_1246 = arith.mulf %broadcast_in_dim3A_396, %sub3A_1245 : vector<16xf32>
      %gt3A_1247 = arith.constant 1.000000e+00 : f32
      %gt3A_1248 = vector.broadcast %gt3A_1247 : f32 to vector<16xf32>
      %gt3A_1249 = arith.cmpf ogt, %broadcast_in_dim3A_396, %gt3A_1248 : vector<16xf32>
      %max3A_1250 = arith.constant 1.000000e+00 : f32
      %max3A_1251 = vector.broadcast %max3A_1250 : f32 to vector<16xf32>
      %max3A_1252 = arith.maximumf %mul3A_1246, %max3A_1251 : vector<16xf32>
      %div3A_1253 = arith.divf %add3A_1242, %max3A_1252 : vector<16xf32>
      %select_n3A_1254 = arith.select %gt3A_1249, %div3A_1253, %broadcast_in_dim3A_33 : vector<16xi1>, vector<16xf32>
      %mul3A_1255 = arith.constant 1.000000e+00 : f32
      %mul3A_1256 = vector.broadcast %mul3A_1255 : f32 to vector<16xf32>
      %mul3A_1257 = arith.mulf %mul3A_1256, %div3A_417 : vector<16xf32>
      %mul3A_1258 = arith.constant 1.000000e+00 : f32
      %mul3A_1259 = vector.broadcast %mul3A_1258 : f32 to vector<16xf32>
      %mul3A_1260 = arith.mulf %mul3A_1259, %select_n3A_1254 : vector<16xf32>
      %add3A_1261 = arith.addf %mul3A_1257, %mul3A_1260 : vector<16xf32>
      %mul3A_1262 = arith.constant 1.000000e-01 : f32
      %mul3A_1263 = vector.broadcast %mul3A_1262 : f32 to vector<16xf32>
      %mul3A_1264 = arith.mulf %mul3A_1263, %div3A_433 : vector<16xf32>
      %add3A_1265 = arith.addf %add3A_1261, %mul3A_1264 : vector<16xf32>
      %gt3A_1266 = arith.constant 0.000000e+00 : f32
      %gt3A_1267 = vector.broadcast %gt3A_1266 : f32 to vector<16xf32>
      %gt3A_1268 = arith.cmpf ogt, %broadcast_in_dim3A_423, %gt3A_1267 : vector<16xf32>
      %select_n3A_1269 = arith.select %gt3A_1268, %broadcast_in_dim3A_35, %broadcast_in_dim3A_33 : vector<16xi1>, vector<16xf32>
      %eq3A_1270 = arith.constant 0 : i32
      %eq3A_1271 = vector.broadcast %eq3A_1270 : i32 to vector<16xi32>
      %eq3A_1272 = arith.cmpi eq, %iota3A, %eq3A_1271 : vector<16xi32>
      %eq3A_1273 = arith.constant 1 : i32
      %eq3A_1274 = vector.broadcast %eq3A_1273 : i32 to vector<16xi32>
      %eq3A_1275 = arith.cmpi eq, %iota3A, %eq3A_1274 : vector<16xi32>
      %select_n3A_1276 = arith.select %eq3A_1275, %select_n3A_1269, %broadcast_in_dim3A_33 : vector<16xi1>, vector<16xf32>
      %select_n3A_1277 = arith.select %eq3A_1272, %add3A_1265, %select_n3A_1276 : vector<16xi1>, vector<16xf32>
      %swap3A_1278 = arith.constant 0 : index
      %swap3A_1279 = tpu.vector_load %arg11[%swap3A_1278] {strides = array<i32>} : memref<128xf32, #tpu.memory_space<vmem>>, vector<16xf32>,
      tpu.vector_store %arg11[%swap3A_1278], %select_n3A_1277 {strides = array<i32>} : memref<128xf32, #tpu.memory_space<vmem>>, vector<16xf32>,
      %swap3A_1280 = arith.constant 16 : index
      %swap3A_1281 = tpu.vector_load %arg11[%swap3A_1280] {strides = array<i32>} : memref<128xf32, #tpu.memory_space<vmem>>, vector<16xf32>,
      tpu.vector_store %arg11[%swap3A_1280], %broadcast_in_dim3A_33 {strides = array<i32>} : memref<128xf32, #tpu.memory_space<vmem>>, vector<16xf32>,
      %swap3A_1282 = arith.constant 32 : index
      %swap3A_1283 = tpu.vector_load %arg11[%swap3A_1282] {strides = array<i32>} : memref<128xf32, #tpu.memory_space<vmem>>, vector<16xf32>,
      tpu.vector_store %arg11[%swap3A_1282], %broadcast_in_dim3A_33 {strides = array<i32>} : memref<128xf32, #tpu.memory_space<vmem>>, vector<16xf32>,
      %swap3A_1284 = arith.constant 48 : index
      %swap3A_1285 = tpu.vector_load %arg11[%swap3A_1284] {strides = array<i32>} : memref<128xf32, #tpu.memory_space<vmem>>, vector<16xf32>,
      tpu.vector_store %arg11[%swap3A_1284], %broadcast_in_dim3A_33 {strides = array<i32>} : memref<128xf32, #tpu.memory_space<vmem>>, vector<16xf32>,
      %swap3A_1286 = arith.constant 64 : index
      %swap3A_1287 = tpu.vector_load %arg11[%swap3A_1286] {strides = array<i32>} : memref<128xf32, #tpu.memory_space<vmem>>, vector<16xf32>,
      tpu.vector_store %arg11[%swap3A_1286], %broadcast_in_dim3A_33 {strides = array<i32>} : memref<128xf32, #tpu.memory_space<vmem>>, vector<16xf32>,
      %swap3A_1288 = arith.constant 80 : index
      %swap3A_1289 = tpu.vector_load %arg11[%swap3A_1288] {strides = array<i32>} : memref<128xf32, #tpu.memory_space<vmem>>, vector<16xf32>,
      tpu.vector_store %arg11[%swap3A_1288], %broadcast_in_dim3A_33 {strides = array<i32>} : memref<128xf32, #tpu.memory_space<vmem>>, vector<16xf32>,
      %swap3A_1290 = arith.constant 96 : index
      %swap3A_1291 = tpu.vector_load %arg11[%swap3A_1290] {strides = array<i32>} : memref<128xf32, #tpu.memory_space<vmem>>, vector<16xf32>,
      tpu.vector_store %arg11[%swap3A_1290], %broadcast_in_dim3A_33 {strides = array<i32>} : memref<128xf32, #tpu.memory_space<vmem>>, vector<16xf32>,
      %swap3A_1292 = arith.constant 112 : index
      %swap3A_1293 = tpu.vector_load %arg11[%swap3A_1292] {strides = array<i32>} : memref<128xf32, #tpu.memory_space<vmem>>, vector<16xf32>,
      tpu.vector_store %arg11[%swap3A_1292], %broadcast_in_dim3A_33 {strides = array<i32>} : memref<128xf32, #tpu.memory_space<vmem>>, vector<16xf32>,
      "tpu.region"() ({
        %run_scoped3A_1294 = tpu.sem_alloc : memref<!tpu.dma_semaphore, #tpu.memory_space<semaphore_mem>>
        %dma_start3A = arith.constant 0 : i32
        %dma_start3A_1295 = tpu.memref_slice %arg4[%add3A, %dma_start3A] : memref<4x128xf32, #tpu.memory_space<hbm>> -> memref<1x128xf32, #tpu.memory_space<hbm>>
        %dma_start3A_1296 = tpu.memref_squeeze %dma_start3A_1295 : memref<1x128xf32, #tpu.memory_space<hbm>> -> memref<128xf32, #tpu.memory_space<hbm>>
        %dma_start3A_1297 = arith.constant 0 : i32
        %dma_start3A_1298 = tpu.memref_slice %arg4[%add3A, %dma_start3A_1297] : memref<4x128xf32, #tpu.memory_space<hbm>> -> memref<1x128xf32, #tpu.memory_space<hbm>>
        %dma_start3A_1299 = tpu.memref_squeeze %dma_start3A_1298 : memref<1x128xf32, #tpu.memory_space<hbm>> -> memref<128xf32, #tpu.memory_space<hbm>>
        tpu.enqueue_dma source(%arg11 : memref<128xf32, #tpu.memory_space<vmem>>) target(%dma_start3A_1299 : memref<128xf32, #tpu.memory_space<hbm>>) target_semaphore(%run_scoped3A_1294 : memref<!tpu.dma_semaphore, #tpu.memory_space<semaphore_mem>>)
        %dma_wait3A = arith.constant 0 : i32
        %dma_wait3A_1300 = tpu.memref_slice %arg4[%add3A, %dma_wait3A] : memref<4x128xf32, #tpu.memory_space<hbm>> -> memref<1x128xf32, #tpu.memory_space<hbm>>
        %dma_wait3A_1301 = tpu.memref_squeeze %dma_wait3A_1300 : memref<1x128xf32, #tpu.memory_space<hbm>> -> memref<128xf32, #tpu.memory_space<hbm>>
        %dma_wait3A_1302 = arith.constant 0 : i32
        %dma_wait3A_1303 = tpu.memref_slice %arg4[%add3A, %dma_wait3A_1302] : memref<4x128xf32, #tpu.memory_space<hbm>> -> memref<1x128xf32, #tpu.memory_space<hbm>>
        %dma_wait3A_1304 = tpu.memref_squeeze %dma_wait3A_1303 : memref<1x128xf32, #tpu.memory_space<hbm>> -> memref<128xf32, #tpu.memory_space<hbm>>
        tpu.wait_dma2 semaphore(%run_scoped3A_1294 : memref<!tpu.dma_semaphore, #tpu.memory_space<semaphore_mem>>) src(%arg11 : memref<128xf32, #tpu.memory_space<vmem>>) dst(%dma_wait3A_1304 : memref<128xf32, #tpu.memory_space<hbm>>)
        tpu.yield
      }) : () -> ()
    } else {
    }
    return
  }
}

</mosaic_0001>

<sc_bundles>
// kernel: kernel.3.cloned.1.call-start
scs
__scs_entry_jumppad:
0x0: {  	(pc) =	sbr.rel $0x88, $3  }
0x1: {  	(tag) =	ssettag $0x0;
	lr =	simm.s32 $0x1  }
0x2: {  	[smem:$0x3F9F] =	sst lr;
	_ =	strace $0xD0000000  }
0x3: {  	_ = 	snop  }
0x4: {  	_ = 	snop  }
0x5: {  	_ = 	snop  }
0x6: {  	_ = 	snop  }
0x7: {  	_ = 	snop  }
__scs_overlays_trampoline_lowered:
0x8: {  	[smem:$0x3FAE] =	sst s0  }
0x9: {  	[smem:$0x3FAF] =	sst s1  }
0xa: {  	[smem:$0x3FB0] =	sst s2  }
0xb: {  	[smem:$0x3FB1] =	sst s3  }
0xc: {  	[smem:$0x3FB2] =	sst s4  }
0xd: {  	[smem:$0x3FB3] =	sst s5  }
0xe: {  	[smem:$0x3FB4] =	sst s6  }
0xf: {  	[smem:$0x3FB5] =	sst s7  }
0x10: {  	[smem:$0x3FB6] =	sst s8  }
0x11: {  	[smem:$0x3FB7] =	sst s9;
	s0 =	simm.s32 @!p0 $0x0  }
0x12: {  	s1 =	sld [smem:$0x3F9D];
	s0 =	simm.s32 @p0 $0x1  }
0x13: {  	[smem:$0x3FB8] =	sst s0;
	s0 =	simm.s32 @!p1 $0x0  }
0x14: {  	s2 =	sld [smem:$0x3F9C];
	s0 =	simm.s32 @p1 $0x1  }
0x15: {  	[smem:$0x3FB9] =	sst s0;
	s0 =	simm.s32 @!p2 $0x0  }
0x16: {  	s3 =	sld [smem:$0x3FDB];
	s0 =	simm.s32 @p2 $0x1  }
0x17: {  	s4 =	simm.s32 $0x1BF5;
	[smem:$0x3FBB] =	sst s0  }
0x18: {  	s0 =	sld [smem:$0x3F9E];
	_ =	swait.ge [sflag:s4], $0x0  }
0x19: {  	s7 =	sld [smem:$0x3F9F]  }
0x1a: {  	s8 =	sadd.s32 $0xFFFFE003, lr  }
0x1b: {  	s9 =	sadd.s32 $0xFFFFFEF7, lr;
	s5 =	simm.s32 $0xFFFFFFFF;
	p2 =	slt.u32 s8, $0xFFFFF086  }
0x1c: {  	p1 =	slt.u32 s9, $0xF7A;
	s5 =	simm.s32 @!p2 $0x0  }
0x1d: {  	s5 =	simm.s32 @p1 $0x1;
	p0 =	seq.s32 s7, s2  }
0x1e: {  	s7 =	smul.u32 @!p0 $0xF7A, s2;
	p2 =	seq.s32 @!p0 s5, $0x0  }
0x1f: {  	s9 =	smul.u32 $0xF7A, s1;
	s8 =	simm.s32 @!p0 $0x1BF5;
	p2 =	por !p2, p0  }
0x20: {  	[sflag:s8] =	ssyncset.s32 @!p0 $0xFFFFF086;
	s6 =	sadd.s32 @!p0 s3, s7;
	s7 =	simm.s32 @!p0 $0x108  }
0x21: {  	s3 =	sadd.s32 s3, s9;
	s6 =	sadd.s32 @!p0 $0x88, s6;
	s7 =	simm.s32 @p2 $0x1082  }
0x22: {  	[simem:s7], [sflag:s8] =	dma.local @!p0 [hbm:s6], $0xF7A  }
0x23: {  	s9 =	sor.u32 $0xD0000000, s2;
	s6 =	simm.s32 $0x108;
	_ =	swait.ge @!p0 [sflag:s8], $0x0  }
0x24: {  	s3 =	sadd.s32 $0x88, s3;
	s6 =	simm.s32 @!p1 $0x1082;
	[sflag:s4] =	ssyncset.s32 $0xFFFFF086  }
0x25: {  	[simem:s6], [sflag:s4] =	dma.local [hbm:s3], $0xF7A  }
0x26: {  	[smem:$0x3F9F] =	sst s1;
	(tag) =	ssettag s2;
	_ =	strace s9  }
0x27: {  	s1 =	sld [smem:$0x3FAF]  }
0x28: {  	s2 =	sld [smem:$0x3FB0]  }
0x29: {  	s4 =	sld [smem:$0x3FB2]  }
0x2a: {  	p0 =	seq.s32 s5, $0x0;
	s5 =	sld [smem:$0x3FB3]  }
0x2b: {  	s6 =	sld [smem:$0x3FB4]  }
0x2c: {  	s7 =	sld [smem:$0x3FB5]  }
0x2d: {  	s3 =	simm.s32 $0x108;
	s8 =	sld [smem:$0x3FB6]  }
0x2e: {  	s3 =	simm.s32 @!p0 $0x1082;
	s9 =	sld [smem:$0x3FB7]  }
0x2f: {  	lr =	sadd.s32 s0, s3;
	s0 =	sld [smem:$0x3FAE]  }
0x30: {  	s3 =	sld [smem:$0x3FB1]  }
0x31: {  	[smem:$0x3FBA] =	sst s10  }
0x32: {  	s10 =	sld [smem:$0x3FB8];
	_ =	sdelay $0x3  }
0x33: {  	p0 =	seq.s32 s10, $0x1;
	s10 =	sld [smem:$0x3FBA];
	_ =	sdelay $0x3  }
0x34: {  	[smem:$0x3FBA] =	sst s10  }
0x35: {  	s10 =	sld [smem:$0x3FB9];
	_ =	sdelay $0x3  }
0x36: {  	p1 =	seq.s32 s10, $0x1;
	s10 =	sld [smem:$0x3FBA];
	_ =	sdelay $0x3  }
0x37: {  	[smem:$0x3FBA] =	sst s10  }
0x38: {  	s10 =	sld [smem:$0x3FBB]  }
0x39: {  	_ = 	snop;
	(pc) =	sbr.ind lr, $3  }
0x3a: {  	_ = 	snop  }
0x3b: {  	_ = 	snop  }
0x3c: {  	p2 =	seq.s32 s10, $0x1;
	s10 =	sld [smem:$0x3FBA]  }
0x3d: {  	_ =	shalt  }
0x3e: {  	_ =	shalt  }
0x3f: {  	_ =	shalt  }
0x40: {  	_ =	shalt  }
0x41: {  	_ =	shalt  }
0x42: {  	_ =	shalt  }
0x43: {  	_ =	shalt  }
0x44: {  	_ =	shalt  }
0x45: {  	_ =	shalt  }
0x46: {  	_ =	shalt  }
0x47: {  	_ =	shalt  }
0x48: {  	_ =	shalt  }
0x49: {  	_ =	shalt  }
0x4a: {  	_ =	shalt  }
0x4b: {  	_ =	shalt  }
0x4c: {  	_ =	shalt  }
0x4d: {  	_ =	shalt  }
0x4e: {  	_ =	shalt  }
0x4f: {  	_ =	shalt  }
0x50: {  	_ =	shalt  }
0x51: {  	_ =	shalt  }
0x52: {  	_ =	shalt  }
0x53: {  	_ =	shalt  }
0x54: {  	_ =	shalt  }
0x55: {  	_ =	shalt  }
0x56: {  	_ =	shalt  }
0x57: {  	_ =	shalt  }
0x58: {  	_ =	shalt  }
0x59: {  	_ =	shalt  }
0x5a: {  	_ =	shalt  }
0x5b: {  	_ =	shalt  }
0x5c: {  	_ =	shalt  }
0x5d: {  	_ =	shalt  }
0x5e: {  	_ =	shalt  }
0x5f: {  	_ =	shalt  }
0x60: {  	_ =	shalt  }
0x61: {  	_ =	shalt  }
0x62: {  	_ =	shalt  }
0x63: {  	_ =	shalt  }
0x64: {  	_ =	shalt  }
0x65: {  	_ =	shalt  }
0x66: {  	_ =	shalt  }
0x67: {  	_ =	shalt  }
0x68: {  	_ =	shalt  }
0x69: {  	_ =	shalt  }
0x6a: {  	_ =	shalt  }
0x6b: {  	_ =	shalt  }
0x6c: {  	_ =	shalt  }
0x6d: {  	_ =	shalt  }
0x6e: {  	_ =	shalt  }
0x6f: {  	_ =	shalt  }
0x70: {  	_ =	shalt  }
0x71: {  	_ =	shalt  }
0x72: {  	_ =	shalt  }
0x73: {  	_ =	shalt  }
0x74: {  	_ =	shalt  }
0x75: {  	_ =	shalt  }
0x76: {  	_ =	shalt  }
0x77: {  	_ =	shalt  }
0x78: {  	_ =	shalt  }
0x79: {  	_ =	shalt  }
0x7a: {  	_ =	shalt  }
0x7b: {  	_ =	shalt  }
0x7c: {  	_ =	shalt  }
0x7d: {  	_ =	shalt  }
0x7e: {  	_ =	shalt  }
0x7f: {  	_ =	shalt  }
0x80: {  	_ =	shalt  }
0x81: {  	_ =	shalt  }
0x82: {  	_ =	shalt  }
0x83: {  	_ =	shalt  }
0x84: {  	_ =	shalt  }
0x85: {  	_ =	shalt  }
0x86: {  	_ =	shalt  }
0x87: {  	_ =	shalt  }
.Lfunc_end0:
.L_simem_size_0:
called_computation_lowered:
.L_overlay_start_0:
0x88: {  	s2 =	sld [smem:$0x3FD9]  }
0x89: {  	s3 =	sld [smem:$0x3FFE];
	_ =	sdelay $0x1  }
0x8a: {  	s1 =	srdreg.scid  }
0x8b: {  	s0 =	sand.u32 $0x1, s1  }
0x8c: {  	s16 =	sshll.u32 s0, $0xA;
	s2 =	sadd.s32 s3, s2  }
0x8d: {  	s2 =	sadd.s32 s2, s16  }
0x8e: {  	[smem:$0x3FC6] =	sst s2  }
0x8f: {  	_ = 	snop  }
0x90: {  	(tm) =	ssettm $0x1  }
0x91: {  	s17 =	sld [smem:$0x3FFB];
	_ =	sdelay $0x3  }
0x92: {  	_ =	strace s17  }
0x93: {  	s2 =	sld [smem:$0x3FFC];
	_ =	sdelay $0x3  }
0x94: {  	_ =	strace s2  }
0x95: {  	s2 =	sld [smem:$0x3FFD];
	_ =	sdelay $0x3  }
0x96: {  	_ =	strace s2  }
0x97: {  	_ =	strace $0x8FFFFFFF  }
0x98: {  	s18 =	sld [smem:$0x3FDB];
	_ =	sdelay $0x1  }
0x99: {  	s19 =	simm.s32 $_scs_section_size  }
0x9a: {  	s4 =	simm.s32 $_size__tile_overlayer_lowered;
	s5 =	simm.s32 $_tile_overlayer_lowered  }
0x9b: {  	s22 =	simm.s32 $0x1BFF;
	s21 =	sshll.u32 s5, $0x1;
	s2 =	sadd.s32 s19, s18  }
0x9c: {  	s6 =	simm.s32 $0x0;
	s20 =	sshll.u32 s4, $0x1;
	s4 =	sadd.s32 s21, s2  }
0x9d: {  	[timem:s6], [sflag:s22] =	dma.local [hbm:s4], s20  }
0x9e: {  	_ =	swait.ge [sflag:s22], s20  }
0x9f: {  	s3 =	ssub.s32 $0x0, s20;
	[sflag:s22] =	ssyncset.done $0x0  }
0xa0: {  	[sflag:s22] =	ssyncadd.s32 s3;
	_ =	sdelay $0x1  }
0xa1: {  	s23 =	simm.s32 $0x1B8B  }
0xa2: {  	_ =	swait.ge [sflag:s23], $0x1  }
0xa3: {  	[sflag:s23] =	ssyncset.done $0x0  }
0xa4: {  	s25 =	simm.s32 $0x1B8E;
	s24 =	sld [smem:$0x3FFE];
	[sflag:s23] =	ssyncadd.s32 $0xFFFFFFFF  }
0xa5: {  	s26 =	simm.s32 $execute0_lowered;
	[smem:$0x3FD2] =	sst s25  }
0xa6: {  	s4 =	sshll.u32 s26, $0x1;
	_ =	strace $0x80000046;
	[dreg:$0x1] =	wrdreg $0xFFFFFFFF  }
0xa7: {  	s28 =	simm.s32 $_size_execute0_lowered;
	s2 =	sadd.s32 s2, s4;
	[dreg:$0x0] =	wrdreg $0x0  }
0xa8: {  	s4 =	sshll.u32 s28, $0x1;
	[dreg:$0x2] =	wrdreg s2  }
0xa9: {  	[dreg:$0x3] =	wrdreg s4  }
0xaa: {  	[dreg:$0x4] =	wrdreg $0xC0  }
0xab: {  	_ =	task [dreg:s6], $0x5FFFF  }
0xac: {  	[dreg:$0x1] =	wrdreg $0xFFFFFFFF  }
0xad: {  	[dreg:$0x0] =	wrdreg $0x60  }
0xae: {  	[dreg:$0x2] =	wrdreg s24  }
0xaf: {  	[dreg:$0x3] =	wrdreg $0xA2800  }
0xb0: {  	[dreg:$0x4] =	wrdreg $0xA2C00  }
0xb1: {  	[dreg:$0x5] =	wrdreg $0x9  }
0xb2: {  	_ =	task.clear_ibuf [dreg:s6], $0x6FFFF;
	_ =	strace $0x90000046  }
0xb3: {  	s29 =	simm.s32 $0x9;
	_ =	strace $0x80000048  }
0xb4: {  	_ =	swait.ge [sflag:s29], $0x1  }
0xb5: {  	[sflag:s29] =	ssyncadd.s32 $0xFFFFFFFF  }
0xb6: {  	_ =	strace $0x90000048  }
0xb7: {  	_ =	sfence  }
0xb8: {  	s30 =	sld [smem:$0x0];
	_ =	sdelay $0x2  }
0xb9: {  	s31 =	sshll.u32 s1, $0xD;
	s1 =	sshrl.u32 s1, $0x2  }
0xba: {  	s3 =	sand.u32 $0x4000, s31;
	s1 =	sadd.s32 s1, s30  }
0xbb: {  	s0 =	sor.u32 s3, s0;
	s1 =	sshll.u32 s1, $0x11  }
0xbc: {  	s0 =	sor.u32 s1, s0  }
0xbd: {  	s0 =	sadd.s32 $0x8F2B, s0  }
0xbe: {  	[sflag:s0] =	ssyncadd.remote.s32 $0x1  }
0xbf: {  	_ =	sfence.sel $0xFFFF  }
0xc0: {  	[dreg:$0x0] =	wrdreg $0xFFFFFFFF;
	(pc) =	sbr.abs _section_cstart, $3  }
0xc1: {  	[dreg:$0x1] =	wrdreg $0xFFFFFFFF  }
0xc2: {  	_ =	task.clear_ibuf [dreg:s6], $0x2FFFF;
	_ =	strace $0x9FFFFFFF  }
0xc3: {  	(tm) =	ssettm $0x7FFFFFFF  }
tec
execute0_lowered:
.L_overlay_start_1:
0x0: {  	(tag) =	ssettag $0x1  }
0x1: {  	s0 =	srdreg.scid  }
0x2: {  	s25 =	stileid.u32;
	s7 =	rddreg [dreg:$0x0]  }
0x3: {  	s1 =	simm.s32 $0x0;
	s3 =	sand.u32 $0x1, s0;
	s24 =	sshrl.u32 s25, $0x3  }
0x4: {  	v1 =	vimm.s32 $0x8FEDCBA9;
	[smem:$0x7FF] =	sst s1;
	s2 =	sadd.s32 $0x20000, s7;
	s22 =	sand.u32 $0x7, s25  }
0x5: {  	v3 =	vimm.s32 $0x7654321;
	vm0 =	vcmask $0x1F04;
	v8 =	vimm.s32 $0x10171615;
	s0 =	sshll.u32 s3, $0x1;
	s3 =	ssub.s32 $0x2, s3;
	s12 =	sshll.u32 s22, $0x11  }
0x6: {  	vm1 =	vcmask $0x320;
	v9 =	vimm.s32 $0x1C1B1A19;
	v10 =	vimm.s32 $0x181F1E1D;
	s4 =	sor.u32 s24, s0;
	s19 =	sshrl.u32 s3, $0x1;
	s8 =	sor.u32 $0x8000, s12  }
0x7: {  	vm2 =	vcmask $0x1F10;
	v11 =	vimm.s32 $0x24232221;
	v12 =	vimm.s32 $0x98FEDCBA;
	s14 =	sor.u32 $0x10000, s12;
	s0 =	sshll.u32 s4, $0x4;
	s13 =	sshll.u32 s4, $0x7  }
0x8: {  	v0 =	vlaneseq.u32;
	v13 =	vimm.s32 $0x20272625;
	v14 =	vimm.s32 $0x10765432;
	s15 =	sshll.u32 s4, $0x14;
	s23 =	ssub.s32 s3, s19;
	s19 =	sadd.s32 $0x20010, s7  }
0x9: {  	vm3 =	vcmask $0x3B20;
	v16 =	vimm.s32 $0x11101716;
	v17 =	vimm.s32 $0x1D1C1B1A;
	s0 =	sadd.s32 s0, s7;
	s5 =	sor.u32 s12, s13;
	s6 =	sor.u32 s12, s15  }
0xa: {  	v18 =	vimm.s32 $0x19181F1E;
	v19 =	vimm.s32 $0xA98FEDCB;
	v20 =	vimm.s32 $0x25242322;
	s9 =	sor.u32 s13, s8;
	s8 =	sor.u32 s8, s15;
	s16 =	sor.u32 s13, s14  }
0xb: {  	vm4 =	vcmask $0x1B00;
	v21 =	vimm.s32 $0x21076543;
	vm5 =	vcmask $0x173C;
	s12 =	sor.u32 $0x18000, s12;
	s14 =	sor.u32 s14, s15;
	[dreg:$0x1c] =	wrdreg s0  }
0xc: {  	v23 =	vimm.s32 $0x16151413;
	v24 =	vimm.s32 $0x12111017;
	v25 =	vimm.s32 $0x1E1D1C1B;
	s20 =	sshrl.u32 s5, $0x3;
	s6 =	sshrl.u32 s6, $0x3;
	s9 =	sshrl.u32 s9, $0x3  }
0xd: {  	v26 =	vimm.s32 $0x1A19181F;
	v27 =	vimm.s32 $0xBA98FEDC;
	v28 =	vimm.s32 $0x26252423;
	s11 =	sshrl.u32 s8, $0x3;
	s16 =	sshrl.u32 s16, $0x3;
	s13 =	sor.u32 s13, s12  }
0xe: {  	v29 =	vimm.s32 $0x22212027;
	v30 =	vimm.s32 $0x32107654;
	v32 =	vimm.s32 $0x13121110;
	s17 =	sshrl.u32 s14, $0x3;
	s18 =	sor.u32 s12, s15;
	s12 =	rddreg [dreg:$0x2]  }
0xf: {  	v33 =	vimm.s32 $0x1F1E1D1C;
	v34 =	vimm.s32 $0x1B1A1918;
	v35 =	vimm.s32 $0x27262524;
	s21 =	sadd.s32 s7, s20;
	s3 =	sadd.s32 s2, s6;
	s4 =	sadd.s32 s6, s19  }
0x10: {  	vm6 =	vcmask $0x1338;
	v36 =	vimm.s32 $0x23222120;
	v37 =	vimm.s32 $0xCBA98FED;
	s20 =	sadd.s32 $0x20020, s7;
	s26 =	sadd.s32 s7, s9;
	s8 =	sadd.s32 s2, s11  }
0x11: {  	v38 =	vimm.s32 $0x43210765;
	vm7 =	vcmask $0xF34;
	v61 =	vimm.s32 $0x54321076;
	s9 =	sadd.s32 s11, s19;
	s29 =	sadd.s32 s7, s16;
	s13 =	sshrl.u32 s13, $0x3  }
0x12: {  	v62 =	vimm.s32 $0xDCBA98FE;
	vm8 =	vcmask $0xB30;
	v63 =	vimm.s32 $0xEDCBA98F;
	s14 =	sadd.s32 s2, s17;
	s15 =	sadd.s32 s17, s19;
	[dreg:$0x4] =	wrdreg s21  }
0x13: {  	v39 =	vimm.s32 $0x65432107;
	vm9 =	vcmask $0x72C;
	vm10 =	vcmask $0x328;
	s5 =	sadd.s32 s6, s20;
	s21 =	sadd.s32 $0x20030, s7;
	[dreg:$0x5] =	wrdreg s26  }
0x14: {  	v5 =	vunpack.c.l.s4.s8 v1;
	v1 =	vimm.f32 $0.0e+00;
	v2 =	vand.u32 $0x7, v0;
	s10 =	sadd.s32 s11, s20;
	s16 =	sadd.s32 s7, s13;
	s7 =	sshrl.u32 s18, $0x3  }
0x15: {  	v6 =	vunpack.c.l.s4.s8 v3;
	v3 =	vimm.f32 $1.000000000e+00;
	v8 =	vunpack.c.0.s8.s32 v8;
	s6 =	sadd.s32 s6, s21;
	s11 =	sadd.s32 s11, s21;
	[dreg:$0x7] =	wrdreg s16  }
0x16: {  	v9 =	vunpack.c.0.s8.s32 v9;
	v10 =	vunpack.c.0.s8.s32 v10;
	v15 =	vunpack.c.l.s4.s8 v12;
	s16 =	sadd.s32 s17, s20;
	s17 =	sadd.s32 s17, s21;
	s18 =	sadd.s32 s2, s7  }
0x17: {  	v11 =	vunpack.c.0.s8.s32 v11;
	v12 =	vunpack.c.0.s8.s32 v13;
	v13 =	vunpack.c.l.s4.s8 v14;
	s19 =	sadd.s32 s7, s19;
	s20 =	sadd.s32 s7, s20;
	s21 =	sadd.s32 s7, s21  }
0x18: {  	vm3 =	vmor vm4, vm3;
	v16 =	vunpack.c.0.s8.s32 v16;
	v17 =	vunpack.c.0.s8.s32 v17;
	s2 =	rddreg [dreg:$0x1];
	s7 =	sshll.u32 s24, $0xA;
	s24 =	sshll.u32 s25, $0x7  }
0x19: {  	v18 =	vunpack.c.0.s8.s32 v18;
	v22 =	vunpack.c.l.s4.s8 v19;
	v19 =	vunpack.c.0.s8.s32 v20;
	[dreg:$0x6] =	wrdreg s29;
	s25 =	sadd.s32 s24, s2  }
0x1a: {  	v20 =	vimm.s32 $0x21202726;
	v21 =	vunpack.c.l.s4.s8 v21;
	vm4 =	vcmask $0x371C;
	s26 =	sadd.s32 s7, s2;
	[dreg:$0x8] =	wrdreg s25;
	s25 =	sor.u32 $0x80, s7  }
0x1b: {  	v23 =	vunpack.c.0.s8.s32 v23;
	v24 =	vunpack.c.0.s8.s32 v24;
	v25 =	vunpack.c.0.s8.s32 v25;
	[dreg:$0x9] =	wrdreg s26;
	s26 =	sor.u32 $0x100, s7;
	s29 =	sadd.s32 s25, s2  }
0x1c: {  	v26 =	vunpack.c.0.s8.s32 v26;
	v27 =	vunpack.c.l.s4.s8 v27;
	v30 =	vunpack.c.l.s4.s8 v30;
	s13 =	sadd.s32 s26, s2;
	[dreg:$0xa] =	wrdreg s29  }
0x1d: {  	v32 =	vunpack.c.0.s8.s32 v32;
	v33 =	vunpack.c.0.s8.s32 v33;
	v34 =	vunpack.c.0.s8.s32 v34;
	s25 =	sadd.s32 s25, s12;
	[dreg:$0xb] =	wrdreg s13  }
0x1e: {  	v35 =	vunpack.c.0.s8.s32 v35;
	v36 =	vunpack.c.0.s8.s32 v36;
	v37 =	vunpack.c.l.s4.s8 v37;
	s28 =	sor.u32 $0x180, s7;
	s26 =	sadd.s32 s26, s12;
	[dreg:$0x13] =	wrdreg s25  }
0x1f: {  	v59 =	vunpack.c.l.s4.s8 v38;
	v38 =	vunpack.c.l.s4.s8 v63;
	v39 =	vunpack.c.l.s4.s8 v39;
	s31 =	sor.u32 $0x300, s7;
	s29 =	sadd.s32 s28, s2;
	[dreg:$0x14] =	wrdreg s26  }
0x20: {  	v4 =	vor.u32 $0x20, v2;
	v20 =	vunpack.c.0.s8.s32 v20;
	vm4 =	vmor vm5, vm4;
	s25 =	sadd.s32 s31, s12;
	[dreg:$0xc] =	wrdreg s29;
	s29 =	sor.u32 $0x200, s7  }
0x21: {  	vm5 =	vcmask $0x3318;
	v7 =	vunpack.c.0.s8.s32 v5;
	v0 =	vunpack.c.0.s8.s32 v6;
	s30 =	sor.u32 $0x280, s7;
	[dreg:$0x18] =	wrdreg s25;
	s13 =	sadd.s32 s29, s2  }
0x22: {  	v14 =	vunpack.c.0.s8.s32 v15;
	v13 =	vunpack.c.0.s8.s32 v13;
	v15 =	vimm.s32 $0x15141312;
	[dreg:$0xd] =	wrdreg s13;
	s13 =	sadd.s32 s30, s2  }
0x23: {  	v22 =	vunpack.c.0.s8.s32 v22;
	v21 =	vunpack.c.0.s8.s32 v21;
	v31 =	vunpack.c.0.s8.s32 v27;
	s0 =	sor.u32 $0x380, s7;
	[dreg:$0xe] =	wrdreg s13;
	s13 =	sadd.s32 s31, s2  }
0x24: {  	v27 =	vunpack.c.0.s8.s32 v28;
	v28 =	vunpack.c.0.s8.s32 v29;
	vm5 =	vmor vm6, vm5;
	s2 =	sadd.s32 s0, s2;
	[dreg:$0xf] =	wrdreg s13  }
0x25: {  	v29 =	vunpack.c.0.s8.s32 v30;
	vm6 =	vcmask $0x2F14;
	v60 =	vunpack.c.0.s8.s32 v37;
	s0 =	sadd.s32 s0, s12;
	[dreg:$0x10] =	wrdreg s2  }
0x26: {  	v37 =	vunpack.c.l.s4.s8 v62;
	v40 =	vunpack.c.0.s8.s32 v38;
	v38 =	vunpack.c.0.s8.s32 v39;
	s13 =	sadd.s32 s24, s12;
	[dreg:$0x19] =	wrdreg s0  }
0x27: {  	v15 =	vunpack.c.0.s8.s32 v15;
	vm6 =	vmor vm7, vm6;
	vm7 =	vcmask $0x2B10;
	s24 =	sadd.s32 s7, s12;
	[dreg:$0x11] =	wrdreg s13  }
0x28: {  	[tilespmem:$0x1FFE0] =	vst v0;
	v0 =	vand.u32 $0xF, v7;
	v7 =	vimm.s32 $0x14131211;
	v14 =	vand.u32 $0xF, v14;
	s7 =	sadd.s32 s28, s12;
	[dreg:$0x12] =	wrdreg s24  }
0x29: {  	p0 =	sne.s32 s22, $0x0;
	v22 =	vand.u32 $0xF, v22;
	v30 =	vand.u32 $0xF, v31;
	v31 =	vimm.s32 $0x17161514;
	[dreg:$0x15] =	wrdreg s7;
	s13 =	sadd.s32 s29, s12  }
0x2a: {  	vm7 =	vmor vm8, vm7;
	v37 =	vunpack.c.0.s8.s32 v37;
	v31 =	vunpack.c.0.s8.s32 v31;
	s25 =	simm.s32 $0x1;
	s24 =	sadd.s32 s30, s12;
	[dreg:$0x16] =	wrdreg s13  }
.Ltmp0:
0x2b: {  	vm8 =	vcmask $0x270C;
	v39 =	vand.u32 $0xF, v40;
	[tilespmem:$0x1FFF0] =	vst v0;
	v7 =	vunpack.c.0.s8.s32 v7;
	s31 =	simm.s32 $0xA080;
	[dreg:$0x17] =	wrdreg s24;
	(pc) =	sbr.rel .LBB2_1-.Ltmp0, $4  }
0x2c: {  	vm8 =	vmor vm9, vm8;
	vm9 =	vcmask $0x2308;
	v31 =	vsel vm2, v32, v31;
	s28 =	simm.s32 $0xA200;
	s29 =	smax.u32 s23, $0x1;
	_ =	strace $0x80000047  }
0x2d: {  	v32 =	vsel vm2, v34, v33;
	v33 =	vsel vm2, v36, v35;
	v36 =	vunpack.c.l.s4.s8 v61;
	s23 =	simm.s32 $0x80;
	s30 =	simm.s32 $0xA180;
	s26 =	rddreg [dreg:$0x1c]  }
0x2e: {  	v37 =	vand.u32 $0xF, v37;
	vm9 =	vmor vm10, vm9;
	vm10 =	vcmask $0x3F08;
	s24 =	simm.s32 $0x200;
	[dreg:$0x1b] =	wrdreg s29;
	s0 =	sadd.s32 $0xA0000, s26  }
0x2f: {  	v34 =	vunpack.c.0.s8.s32 v59;
	v35 =	vand.u32 $0xF, v60;
	v36 =	vunpack.c.0.s8.s32 v36;
	s26 =	simm.s32 $0xA000;
	[dreg:$0x1a] =	wrdreg s0;
	s0 =	simm.s32 $0x0  }
.LBB2_83:
0x30: {  	s0 =	sadd.s32 $0x1, s0;
	s2 =	rddreg [dreg:$0x1b]  }
0x31: {  	p1 =	sne.s32 s0, s2  }
.Ltmp1:
0x32: {  	_ = 	snop;
	(pc) =	sbr.rel @!p1 .LBB2_84-.Ltmp1, $1  }
0x33: {  	_ =	sdelay $0x3  }
.LBB2_1:
0x34: {  	[tilespmem:$0xA000] =	vst v1  }
0x35: {  	[tilespmem:$0xA010] =	vst v1  }
0x36: {  	[tilespmem:$0xA020] =	vst v1  }
0x37: {  	[tilespmem:$0xA080] =	vst v1;
	s2 =	rddreg [dreg:$0x4]  }
0x38: {  	[tilespmem:s1], [sflag:$0x1] =	stream.strided.gather [hbm4b:s2+s23], $0x2000, s24, s23, $0x38;
	[tilespmem:$0xA2D0] =	vst v63  }
0x39: {  	_ =	swait.ge [sflag:s25], $0x2000  }
0x3a: {  	s7 =	simm.s32 $0x40;
	s12 =	sadd.s32 $0x0, s3;
	[sflag:s25] =	ssyncset.done $0x0  }
0x3b: {  	s22 =	simm.s32 $0x2200;
	s2 =	simm.s32 $0x2000;
	[sflag:s25] =	ssyncadd.s32 $0xFFFFE000  }
.LBB2_2:
0x3c: {  	[tilespmem:s2], [sflag:$0x1] =	stream.linear.gather [hbm4b:s12+s1], $0x80, $0x38;
	[tilespmem:$0xA2D0] =	vst v63  }
0x3d: {  	s12 =	smov.u32 s7;
	s2 =	smov.u32 s22;
	p1 =	sne.s32 s7, $0xFC0  }
.Ltmp2:
0x3e: {  	s7 =	sadd.s32 $0x40, s7;
	(pc) =	sbr.rel @p1 .LBB2_2-.Ltmp2, $2  }
0x3f: {  	_ =	sdelay $0x2  }
0x40: {  	s22 =	sadd.s32 $0x200, s22;
	s12 =	sadd.s32 s12, s3  }
0x41: {  	[tilespmem:s2], [sflag:$0x1] =	stream.linear.gather [hbm4b:s12+s1], $0x80, $0x38;
	[tilespmem:$0xA2D0] =	vst v63  }
0x42: {  	_ =	swait.ge [sflag:s25], $0x2000  }
0x43: {  	s2 =	simm.s32 $0x2080;
	s7 =	simm.s32 $0x40;
	[sflag:s25] =	ssyncset.done $0x0  }
0x44: {  	s12 =	sadd.s32 $0x0, s4;
	s22 =	simm.s32 $0x2280;
	[sflag:s25] =	ssyncadd.s32 $0xFFFFE000  }
.LBB2_4:
0x45: {  	[tilespmem:s2], [sflag:$0x1] =	stream.linear.gather [hbm4b:s12+s1], $0x80, $0x38;
	[tilespmem:$0xA2D0] =	vst v63  }
0x46: {  	s12 =	smov.u32 s7;
	s2 =	smov.u32 s22;
	p1 =	sne.s32 s7, $0xFC0  }
.Ltmp3:
0x47: {  	s7 =	sadd.s32 $0x40, s7;
	(pc) =	sbr.rel @p1 .LBB2_4-.Ltmp3, $2  }
0x48: {  	_ =	sdelay $0x2  }
0x49: {  	s22 =	sadd.s32 $0x200, s22;
	s12 =	sadd.s32 s12, s4  }
0x4a: {  	[tilespmem:s2], [sflag:$0x1] =	stream.linear.gather [hbm4b:s12+s1], $0x80, $0x38;
	[tilespmem:$0xA2D0] =	vst v63  }
0x4b: {  	_ =	swait.ge [sflag:s25], $0x2000  }
0x4c: {  	s2 =	simm.s32 $0x2100;
	s7 =	simm.s32 $0x40;
	[sflag:s25] =	ssyncset.done $0x0  }
0x4d: {  	s12 =	sadd.s32 $0x0, s5;
	s22 =	simm.s32 $0x2300;
	[sflag:s25] =	ssyncadd.s32 $0xFFFFE000  }
.LBB2_6:
0x4e: {  	[tilespmem:s2], [sflag:$0x1] =	stream.linear.gather [hbm4b:s12+s1], $0x80, $0x38;
	[tilespmem:$0xA2D0] =	vst v63  }
0x4f: {  	s12 =	smov.u32 s7;
	s2 =	smov.u32 s22;
	p1 =	sne.s32 s7, $0xFC0  }
.Ltmp4:
0x50: {  	s7 =	sadd.s32 $0x40, s7;
	(pc) =	sbr.rel @p1 .LBB2_6-.Ltmp4, $2  }
0x51: {  	_ =	sdelay $0x2  }
0x52: {  	s22 =	sadd.s32 $0x200, s22;
	s12 =	sadd.s32 s12, s5  }
0x53: {  	[tilespmem:s2], [sflag:$0x1] =	stream.linear.gather [hbm4b:s12+s1], $0x80, $0x38;
	[tilespmem:$0xA2D0] =	vst v63  }
0x54: {  	_ =	swait.ge [sflag:s25], $0x2000  }
0x55: {  	s2 =	simm.s32 $0x2180;
	s7 =	simm.s32 $0x40;
	[sflag:s25] =	ssyncset.done $0x0  }
0x56: {  	s12 =	sadd.s32 $0x0, s6;
	s22 =	simm.s32 $0x2380;
	[sflag:s25] =	ssyncadd.s32 $0xFFFFE000  }
.LBB2_8:
0x57: {  	[tilespmem:s2], [sflag:$0x1] =	stream.linear.gather [hbm4b:s12+s1], $0x80, $0x38;
	[tilespmem:$0xA2D0] =	vst v63  }
0x58: {  	s12 =	smov.u32 s7;
	s2 =	smov.u32 s22;
	p1 =	sne.s32 s7, $0xFC0  }
.Ltmp5:
0x59: {  	s7 =	sadd.s32 $0x40, s7;
	(pc) =	sbr.rel @p1 .LBB2_8-.Ltmp5, $2  }
0x5a: {  	_ =	sdelay $0x2  }
0x5b: {  	s22 =	sadd.s32 $0x200, s22;
	s12 =	sadd.s32 s12, s6  }
0x5c: {  	[tilespmem:s2], [sflag:$0x1] =	stream.linear.gather [hbm4b:s12+s1], $0x80, $0x38;
	[tilespmem:$0xA2D0] =	vst v63  }
0x5d: {  	s13 =	simm.s32 $0x0;
	_ =	swait.ge [sflag:s25], $0x2000  }
0x5e: {  	s7 =	sand.u32 $0x70, s13;
	s2 =	sand.u32 $0x7E00, s13;
	[sflag:s25] =	ssyncset.done $0x0  }
0x5f: {  	s2 =	sor.u32 s7, s2;
	[sflag:s25] =	ssyncadd.s32 $0xFFFFE000  }
0x60: {  	v40 =	vld [tilespmem:s2+$0x2000]  }
0x61: {  	v41 =	vld [tilespmem:s2+$0x2080];
	_ =	sdelay $0x1  }
0x62: {  	v42 =	vld [tilespmem:s2+$0x2100];
	_ =	sdelay $0x1  }
0x63: {  	v43 =	vld [tilespmem:s2+$0x2180]  }
0x64: {  	v44 =	vmul.f32 v40, v40;
	v45 =	vmul.f32 v41, v41;
	_ =	sdelay $0x1  }
0x65: {  	v46 =	vmul.f32 v42, v42;
	v44 =	vadd.f32 v45, v44;
	_ =	sdelay $0x1  }
0x66: {  	v58 =	vmul.f32 v43, v43;
	v44 =	vadd.f32 v46, v44;
	_ =	sdelay $0x1  }
0x67: {  	v44 =	vadd.f32 v58, v44;
	_ =	sdelay $0x1  }
0x68: {  	v44 =	vmax.f32 v44, $1.000000000e-30  }
0x69: {  	v59 =	vshrl.u32 v44, $0x1;
	v60 =	vmul.f32 $5.000000000e-01, v44  }
0x6a: {  	v45 =	vsub.s32 $0x5F3759DF, v59  }
0x6b: {  	v47 =	vmul.f32 v45, v60;
	_ =	sdelay $0x1  }
0x6c: {  	v47 =	vmul.f32 v45, v47;
	_ =	sdelay $0x1  }
0x6d: {  	v47 =	vsub.f32 $1.500000000e+00, v47;
	_ =	sdelay $0x1  }
0x6e: {  	v45 =	vmul.f32 v45, v47;
	_ =	sdelay $0x1  }
0x6f: {  	v47 =	vmul.f32 v45, v60;
	_ =	sdelay $0x1  }
0x70: {  	s22 =	simm.s32 $0x0;
	v47 =	vmul.f32 v47, v45  }
0x71: {  	v48 =	vld [tilespmem:s22+$0x0]  }
0x72: {  	v47 =	vsub.f32 $1.500000000e+00, v47;
	_ =	sdelay $0x1  }
0x73: {  	v45 =	vmul.f32 v47, v45;
	_ =	sdelay $0x1  }
0x74: {  	v61 =	vadd.s32 $0x8, v48;
	v46 =	vmul.f32 v45, v60  }
0x75: {  	v49 =	vadd.s32 $0x10, v48  }
0x76: {  	v50 =	vadd.s32 $0x18, v48;
	v46 =	vmul.f32 v46, v45  }
0x77: {  	v51 =	vadd.s32 $0x20, v48  }
0x78: {  	[tilespmem:v48+s26+$0x0] =	vst.idx.add.f32.msk $0xffff, v40;
	v62 =	vsub.f32 $1.500000000e+00, v46  }
0x79: {  	[tilespmem:v61+s26+$0x0] =	vst.idx.add.f32.msk $0xffff, v41  }
0x7a: {  	v40 =	vadd.s32 $0x28, v48;
	[tilespmem:v49+s26+$0x0] =	vst.idx.add.f32.msk $0xffff, v42;
	v63 =	vmul.f32 v62, v45  }
0x7b: {  	s29 =	simm.s32 $0x10;
	[tilespmem:v50+s26+$0x0] =	vst.idx.add.f32.msk $0xffff, v43  }
0x7c: {  	s7 =	simm.s32 $0x20;
	s2 =	sand.u32 $0x70, s29;
	s22 =	simm.s32 $0x40;
	[tilespmem:v51+s26+$0x0] =	vst.idx.add.f32.msk $0xffff, v3;
	v41 =	vmul.f32 v63, v44  }
.LBB2_10:
0x7d: {  	s12 =	smov.u32 s7  }
0x7e: {  	s13 =	sand.u32 $0x70, s7;
	s29 =	sand.u32 $0x7E00, s22;
	s12 =	sadd.s32 $0x10, s7  }
0x7f: {  	p1 =	sne.s32 s7, $0x1FF0;
	s7 =	sor.u32 s2, s29;
	s2 =	smov.u32 s13;
	[tilespmem:v40+s26+$0x0] =	vst.idx.add.f32.msk $0xffff, v41  }
0x80: {  	v40 =	vld [tilespmem:s7+$0x2000]  }
0x81: {  	v41 =	vld [tilespmem:s7+$0x2080]  }
0x82: {  	v42 =	vld [tilespmem:s7+$0x2100];
	_ =	sdelay $0x1  }
0x83: {  	v43 =	vld [tilespmem:s7+$0x2180]  }
0x84: {  	v44 =	vmul.f32 v40, v40  }
0x85: {  	v45 =	vmul.f32 v41, v41  }
0x86: {  	v46 =	vmul.f32 v42, v42  }
0x87: {  	v44 =	vadd.f32 v45, v44  }
0x88: {  	v45 =	vmul.f32 v43, v43  }
0x89: {  	v44 =	vadd.f32 v46, v44;
	_ =	sdelay $0x1  }
0x8a: {  	v44 =	vadd.f32 v45, v44;
	_ =	sdelay $0x1  }
0x8b: {  	v44 =	vmax.f32 v44, $1.000000000e-30  }
0x8c: {  	v45 =	vshrl.u32 v44, $0x1;
	v46 =	vmul.f32 $5.000000000e-01, v44  }
0x8d: {  	v45 =	vsub.s32 $0x5F3759DF, v45  }
0x8e: {  	v47 =	vmul.f32 v45, v46;
	_ =	sdelay $0x1  }
0x8f: {  	v47 =	vmul.f32 v45, v47;
	_ =	sdelay $0x1  }
0x90: {  	v47 =	vsub.f32 $1.500000000e+00, v47;
	_ =	sdelay $0x1  }
0x91: {  	v45 =	vmul.f32 v45, v47;
	_ =	sdelay $0x1  }
0x92: {  	v47 =	vmul.f32 v45, v46;
	_ =	sdelay $0x1  }
0x93: {  	s7 =	sshra.s32 s22, $0x2;
	v47 =	vmul.f32 v47, v45  }
0x94: {  	v48 =	vld [tilespmem:s7+$0x0]  }
0x95: {  	v47 =	vsub.f32 $1.500000000e+00, v47;
	_ =	sdelay $0x1  }
0x96: {  	v45 =	vmul.f32 v47, v45;
	_ =	sdelay $0x1  }
0x97: {  	v46 =	vmul.f32 v45, v46;
	v47 =	vadd.s32 $0x8, v48  }
0x98: {  	v49 =	vadd.s32 $0x10, v48  }
0x99: {  	v50 =	vadd.s32 $0x18, v48;
	v46 =	vmul.f32 v46, v45  }
0x9a: {  	v51 =	vadd.s32 $0x20, v48;
	[tilespmem:v48+s26+$0x0] =	vst.idx.add.f32.msk $0xffff, v40  }
.Ltmp6:
0x9b: {  	v40 =	vadd.s32 $0x28, v48;
	v46 =	vsub.f32 $1.500000000e+00, v46;
	(pc) =	sbr.rel @p1 .LBB2_10-.Ltmp6, $4  }
0x9c: {  	[tilespmem:v47+s26+$0x0] =	vst.idx.add.f32.msk $0xffff, v41  }
0x9d: {  	v41 =	vmul.f32 v46, v45;
	[tilespmem:v49+s26+$0x0] =	vst.idx.add.f32.msk $0xffff, v42  }
0x9e: {  	[tilespmem:v50+s26+$0x0] =	vst.idx.add.f32.msk $0xffff, v43  }
0x9f: {  	s22 =	sadd.s32 $0x40, s22;
	s7 =	smov.u32 s12;
	v41 =	vmul.f32 v41, v44;
	[tilespmem:v51+s26+$0x0] =	vst.idx.add.f32.msk $0xffff, v3  }
0xa0: {  	_ =	sdelay $0x2  }
0xa1: {  	s7 =	sand.u32 $0x7E00, s22  }
0xa2: {  	s2 =	sor.u32 s2, s7;
	[tilespmem:v40+s26+$0x0] =	vst.idx.add.f32.msk $0xffff, v41  }
0xa3: {  	v40 =	vld [tilespmem:s2+$0x2000]  }
0xa4: {  	v41 =	vld [tilespmem:s2+$0x2080];
	_ =	sdelay $0x1  }
0xa5: {  	v42 =	vld [tilespmem:s2+$0x2100];
	_ =	sdelay $0x1  }
0xa6: {  	v43 =	vld [tilespmem:s2+$0x2180]  }
0xa7: {  	v44 =	vmul.f32 v40, v40;
	v45 =	vmul.f32 v41, v41;
	_ =	sdelay $0x1  }
0xa8: {  	v46 =	vmul.f32 v42, v42;
	v44 =	vadd.f32 v45, v44;
	_ =	sdelay $0x1  }
0xa9: {  	v58 =	vmul.f32 v43, v43;
	v44 =	vadd.f32 v46, v44;
	_ =	sdelay $0x1  }
0xaa: {  	v44 =	vadd.f32 v58, v44;
	_ =	sdelay $0x1  }
0xab: {  	v44 =	vmax.f32 v44, $1.000000000e-30  }
0xac: {  	v59 =	vshrl.u32 v44, $0x1;
	v60 =	vmul.f32 $5.000000000e-01, v44  }
0xad: {  	v45 =	vsub.s32 $0x5F3759DF, v59  }
0xae: {  	v47 =	vmul.f32 v45, v60;
	_ =	sdelay $0x1  }
0xaf: {  	v47 =	vmul.f32 v45, v47;
	_ =	sdelay $0x1  }
0xb0: {  	v47 =	vsub.f32 $1.500000000e+00, v47;
	_ =	sdelay $0x1  }
0xb1: {  	v45 =	vmul.f32 v45, v47;
	_ =	sdelay $0x1  }
0xb2: {  	v47 =	vmul.f32 v45, v60;
	_ =	sdelay $0x1  }
0xb3: {  	v47 =	vmul.f32 v47, v45  }
0xb4: {  	s13 =	sshra.s32 s22, $0x2  }
0xb5: {  	v48 =	vld [tilespmem:s13+$0x0];
	v47 =	vsub.f32 $1.500000000e+00, v47;
	_ =	sdelay $0x1  }
0xb6: {  	v45 =	vmul.f32 v47, v45;
	_ =	sdelay $0x1  }
0xb7: {  	v46 =	vmul.f32 v45, v60  }
0xb8: {  	v61 =	vadd.s32 $0x8, v48  }
0xb9: {  	v49 =	vadd.s32 $0x10, v48;
	v46 =	vmul.f32 v46, v45  }
0xba: {  	v50 =	vadd.s32 $0x18, v48  }
0xbb: {  	v51 =	vadd.s32 $0x20, v48;
	v46 =	vsub.f32 $1.500000000e+00, v46  }
0xbc: {  	v62 =	vadd.s32 $0x28, v48;
	[tilespmem:v48+s26+$0x0] =	vst.idx.add.f32.msk $0xffff, v40  }
0xbd: {  	[tilespmem:v61+s26+$0x0] =	vst.idx.add.f32.msk $0xffff, v41;
	v63 =	vmul.f32 v46, v45  }
0xbe: {  	[tilespmem:v49+s26+$0x0] =	vst.idx.add.f32.msk $0xffff, v42  }
0xbf: {  	[tilespmem:v50+s26+$0x0] =	vst.idx.add.f32.msk $0xffff, v43;
	v41 =	vmul.f32 v63, v44  }
0xc0: {  	[tilespmem:v51+s26+$0x0] =	vst.idx.add.f32.msk $0xffff, v3  }
0xc1: {  	s22 =	simm.s32 $0x0;
	s29 =	rddreg [dreg:$0x5];
	[tilespmem:v62+s26+$0x0] =	vst.idx.add.f32.msk $0xffff, v41  }
0xc2: {  	[tilespmem:s22], [sflag:$0x1] =	stream.strided.gather [hbm4b:s29+s23], $0x2000, s24, s23, $0x38;
	[tilespmem:$0xA2D0] =	vst v63  }
0xc3: {  	_ =	swait.ge [sflag:s25], $0x2000  }
0xc4: {  	s12 =	sadd.s32 $0x0, s8;
	s7 =	simm.s32 $0x40;
	[sflag:s25] =	ssyncset.done $0x0  }
0xc5: {  	s2 =	simm.s32 $0x2000;
	s22 =	simm.s32 $0x2200;
	[sflag:s25] =	ssyncadd.s32 $0xFFFFE000  }
.LBB2_12:
0xc6: {  	[tilespmem:s2], [sflag:$0x1] =	stream.linear.gather [hbm4b:s12+s1], $0x80, $0x38;
	[tilespmem:$0xA2D0] =	vst v63  }
0xc7: {  	s12 =	smov.u32 s7;
	s2 =	smov.u32 s22;
	p1 =	sne.s32 s7, $0xFC0  }
.Ltmp7:
0xc8: {  	s7 =	sadd.s32 $0x40, s7;
	(pc) =	sbr.rel @p1 .LBB2_12-.Ltmp7, $2  }
0xc9: {  	_ =	sdelay $0x2  }
0xca: {  	s22 =	sadd.s32 $0x200, s22;
	s12 =	sadd.s32 s12, s8  }
0xcb: {  	[tilespmem:s2], [sflag:$0x1] =	stream.linear.gather [hbm4b:s12+s1], $0x80, $0x38;
	[tilespmem:$0xA2D0] =	vst v63  }
0xcc: {  	_ =	swait.ge [sflag:s25], $0x2000  }
0xcd: {  	s2 =	simm.s32 $0x2080;
	s7 =	simm.s32 $0x40;
	[sflag:s25] =	ssyncset.done $0x0  }
0xce: {  	s12 =	sadd.s32 $0x0, s9;
	s22 =	simm.s32 $0x2280;
	[sflag:s25] =	ssyncadd.s32 $0xFFFFE000  }
.LBB2_14:
0xcf: {  	[tilespmem:s2], [sflag:$0x1] =	stream.linear.gather [hbm4b:s12+s1], $0x80, $0x38;
	[tilespmem:$0xA2D0] =	vst v63  }
0xd0: {  	s12 =	smov.u32 s7;
	s2 =	smov.u32 s22;
	p1 =	sne.s32 s7, $0xFC0  }
.Ltmp8:
0xd1: {  	s7 =	sadd.s32 $0x40, s7;
	(pc) =	sbr.rel @p1 .LBB2_14-.Ltmp8, $2  }
0xd2: {  	_ =	sdelay $0x2  }
0xd3: {  	s22 =	sadd.s32 $0x200, s22;
	s12 =	sadd.s32 s12, s9  }
0xd4: {  	[tilespmem:s2], [sflag:$0x1] =	stream.linear.gather [hbm4b:s12+s1], $0x80, $0x38;
	[tilespmem:$0xA2D0] =	vst v63  }
0xd5: {  	_ =	swait.ge [sflag:s25], $0x2000  }
0xd6: {  	s2 =	simm.s32 $0x2100;
	s7 =	simm.s32 $0x40;
	[sflag:s25] =	ssyncset.done $0x0  }
0xd7: {  	s12 =	sadd.s32 $0x0, s10;
	s22 =	simm.s32 $0x2300;
	[sflag:s25] =	ssyncadd.s32 $0xFFFFE000  }
.LBB2_16:
0xd8: {  	[tilespmem:s2], [sflag:$0x1] =	stream.linear.gather [hbm4b:s12+s1], $0x80, $0x38;
	[tilespmem:$0xA2D0] =	vst v63  }
0xd9: {  	s12 =	smov.u32 s7;
	s2 =	smov.u32 s22;
	p1 =	sne.s32 s7, $0xFC0  }
.Ltmp9:
0xda: {  	s7 =	sadd.s32 $0x40, s7;
	(pc) =	sbr.rel @p1 .LBB2_16-.Ltmp9, $2  }
0xdb: {  	_ =	sdelay $0x2  }
0xdc: {  	s22 =	sadd.s32 $0x200, s22;
	s12 =	sadd.s32 s12, s10  }
0xdd: {  	[tilespmem:s2], [sflag:$0x1] =	stream.linear.gather [hbm4b:s12+s1], $0x80, $0x38;
	[tilespmem:$0xA2D0] =	vst v63  }
0xde: {  	_ =	swait.ge [sflag:s25], $0x2000  }
0xdf: {  	s2 =	simm.s32 $0x2180;
	s7 =	simm.s32 $0x40;
	[sflag:s25] =	ssyncset.done $0x0  }
0xe0: {  	s12 =	sadd.s32 $0x0, s11;
	s22 =	simm.s32 $0x2380;
	[sflag:s25] =	ssyncadd.s32 $0xFFFFE000  }
.LBB2_18:
0xe1: {  	[tilespmem:s2], [sflag:$0x1] =	stream.linear.gather [hbm4b:s12+s1], $0x80, $0x38;
	[tilespmem:$0xA2D0] =	vst v63  }
0xe2: {  	s12 =	smov.u32 s7;
	s2 =	smov.u32 s22;
	p1 =	sne.s32 s7, $0xFC0  }
.Ltmp10:
0xe3: {  	s7 =	sadd.s32 $0x40, s7;
	(pc) =	sbr.rel @p1 .LBB2_18-.Ltmp10, $2  }
0xe4: {  	_ =	sdelay $0x2  }
0xe5: {  	s22 =	sadd.s32 $0x200, s22;
	s12 =	sadd.s32 s12, s11  }
0xe6: {  	[tilespmem:s2], [sflag:$0x1] =	stream.linear.gather [hbm4b:s12+s1], $0x80, $0x38;
	[tilespmem:$0xA2D0] =	vst v63  }
0xe7: {  	s13 =	simm.s32 $0x0;
	_ =	swait.ge [sflag:s25], $0x2000  }
0xe8: {  	s7 =	sand.u32 $0x70, s13;
	s2 =	sand.u32 $0x7E00, s13;
	[sflag:s25] =	ssyncset.done $0x0  }
0xe9: {  	s2 =	sor.u32 s7, s2;
	[sflag:s25] =	ssyncadd.s32 $0xFFFFE000  }
0xea: {  	v40 =	vld [tilespmem:s2+$0x2000]  }
0xeb: {  	v41 =	vld [tilespmem:s2+$0x2080];
	_ =	sdelay $0x1  }
0xec: {  	v42 =	vld [tilespmem:s2+$0x2100];
	_ =	sdelay $0x1  }
0xed: {  	v43 =	vld [tilespmem:s2+$0x2180]  }
0xee: {  	v44 =	vmul.f32 v40, v40;
	v45 =	vmul.f32 v41, v41;
	_ =	sdelay $0x1  }
0xef: {  	v46 =	vmul.f32 v42, v42;
	v44 =	vadd.f32 v45, v44;
	_ =	sdelay $0x1  }
0xf0: {  	v58 =	vmul.f32 v43, v43;
	v44 =	vadd.f32 v46, v44;
	_ =	sdelay $0x1  }
0xf1: {  	v44 =	vadd.f32 v58, v44;
	_ =	sdelay $0x1  }
0xf2: {  	v44 =	vmax.f32 v44, $1.000000000e-30  }
0xf3: {  	v59 =	vshrl.u32 v44, $0x1;
	v60 =	vmul.f32 $5.000000000e-01, v44  }
0xf4: {  	v45 =	vsub.s32 $0x5F3759DF, v59  }
0xf5: {  	v47 =	vmul.f32 v45, v60;
	_ =	sdelay $0x1  }
0xf6: {  	v47 =	vmul.f32 v45, v47;
	_ =	sdelay $0x1  }
0xf7: {  	v47 =	vsub.f32 $1.500000000e+00, v47;
	_ =	sdelay $0x1  }
0xf8: {  	v45 =	vmul.f32 v45, v47;
	_ =	sdelay $0x1  }
0xf9: {  	v47 =	vmul.f32 v45, v60;
	_ =	sdelay $0x1  }
0xfa: {  	s22 =	simm.s32 $0x0;
	v47 =	vmul.f32 v47, v45  }
0xfb: {  	v48 =	vld [tilespmem:s22+$0x0]  }
0xfc: {  	v47 =	vsub.f32 $1.500000000e+00, v47;
	_ =	sdelay $0x1  }
0xfd: {  	v45 =	vmul.f32 v47, v45;
	_ =	sdelay $0x1  }
0xfe: {  	v61 =	vadd.s32 $0x8, v48;
	v46 =	vmul.f32 v45, v60  }
0xff: {  	v49 =	vadd.s32 $0x10, v48  }
0x100: {  	v50 =	vadd.s32 $0x18, v48;
	v46 =	vmul.f32 v46, v45  }
0x101: {  	v51 =	vadd.s32 $0x20, v48  }
0x102: {  	[tilespmem:v48+s26+$0x0] =	vst.idx.add.f32.msk $0xffff, v40;
	v62 =	vsub.f32 $1.500000000e+00, v46  }
0x103: {  	[tilespmem:v61+s26+$0x0] =	vst.idx.add.f32.msk $0xffff, v41  }
0x104: {  	v40 =	vadd.s32 $0x28, v48;
	[tilespmem:v49+s26+$0x0] =	vst.idx.add.f32.msk $0xffff, v42;
	v63 =	vmul.f32 v62, v45  }
0x105: {  	s29 =	simm.s32 $0x10;
	[tilespmem:v50+s26+$0x0] =	vst.idx.add.f32.msk $0xffff, v43  }
0x106: {  	s12 =	simm.s32 $0x20;
	s2 =	sand.u32 $0x70, s29;
	s22 =	simm.s32 $0x40;
	[tilespmem:v51+s26+$0x0] =	vst.idx.add.f32.msk $0xffff, v3;
	v41 =	vmul.f32 v63, v44  }
.LBB2_20:
0x107: {  	s7 =	smov.u32 s12  }
0x108: {  	s13 =	sand.u32 $0x70, s12;
	s29 =	sand.u32 $0x7E00, s22;
	s7 =	sadd.s32 $0x10, s12  }
0x109: {  	p1 =	sne.s32 s12, $0x1FF0;
	s12 =	sor.u32 s2, s29;
	s2 =	smov.u32 s13;
	[tilespmem:v40+s26+$0x0] =	vst.idx.add.f32.msk $0xffff, v41  }
0x10a: {  	v40 =	vld [tilespmem:s12+$0x2000]  }
0x10b: {  	v41 =	vld [tilespmem:s12+$0x2080]  }
0x10c: {  	v42 =	vld [tilespmem:s12+$0x2100];
	_ =	sdelay $0x1  }
0x10d: {  	v43 =	vld [tilespmem:s12+$0x2180]  }
0x10e: {  	v44 =	vmul.f32 v40, v40  }
0x10f: {  	v45 =	vmul.f32 v41, v41  }
0x110: {  	v46 =	vmul.f32 v42, v42  }
0x111: {  	v44 =	vadd.f32 v45, v44  }
0x112: {  	v45 =	vmul.f32 v43, v43  }
0x113: {  	v44 =	vadd.f32 v46, v44;
	_ =	sdelay $0x1  }
0x114: {  	v44 =	vadd.f32 v45, v44;
	_ =	sdelay $0x1  }
0x115: {  	v44 =	vmax.f32 v44, $1.000000000e-30  }
0x116: {  	v45 =	vshrl.u32 v44, $0x1;
	v46 =	vmul.f32 $5.000000000e-01, v44  }
0x117: {  	v45 =	vsub.s32 $0x5F3759DF, v45  }
0x118: {  	v47 =	vmul.f32 v45, v46;
	_ =	sdelay $0x1  }
0x119: {  	v47 =	vmul.f32 v45, v47;
	_ =	sdelay $0x1  }
0x11a: {  	v47 =	vsub.f32 $1.500000000e+00, v47;
	_ =	sdelay $0x1  }
0x11b: {  	v45 =	vmul.f32 v45, v47;
	_ =	sdelay $0x1  }
0x11c: {  	v47 =	vmul.f32 v45, v46;
	_ =	sdelay $0x1  }
0x11d: {  	s12 =	sshra.s32 s22, $0x2;
	v47 =	vmul.f32 v47, v45  }
0x11e: {  	v48 =	vld [tilespmem:s12+$0x0]  }
0x11f: {  	v47 =	vsub.f32 $1.500000000e+00, v47;
	_ =	sdelay $0x1  }
0x120: {  	v45 =	vmul.f32 v47, v45;
	_ =	sdelay $0x1  }
0x121: {  	v46 =	vmul.f32 v45, v46;
	v47 =	vadd.s32 $0x8, v48  }
0x122: {  	v49 =	vadd.s32 $0x10, v48  }
0x123: {  	v50 =	vadd.s32 $0x18, v48;
	v46 =	vmul.f32 v46, v45  }
0x124: {  	v51 =	vadd.s32 $0x20, v48;
	[tilespmem:v48+s26+$0x0] =	vst.idx.add.f32.msk $0xffff, v40  }
.Ltmp11:
0x125: {  	v40 =	vadd.s32 $0x28, v48;
	v46 =	vsub.f32 $1.500000000e+00, v46;
	(pc) =	sbr.rel @p1 .LBB2_20-.Ltmp11, $4  }
0x126: {  	[tilespmem:v47+s26+$0x0] =	vst.idx.add.f32.msk $0xffff, v41  }
0x127: {  	v41 =	vmul.f32 v46, v45;
	[tilespmem:v49+s26+$0x0] =	vst.idx.add.f32.msk $0xffff, v42  }
0x128: {  	[tilespmem:v50+s26+$0x0] =	vst.idx.add.f32.msk $0xffff, v43  }
0x129: {  	s22 =	sadd.s32 $0x40, s22;
	s12 =	smov.u32 s7;
	v41 =	vmul.f32 v41, v44;
	[tilespmem:v51+s26+$0x0] =	vst.idx.add.f32.msk $0xffff, v3  }
0x12a: {  	_ =	sdelay $0x2  }
0x12b: {  	s7 =	sand.u32 $0x7E00, s22  }
0x12c: {  	s2 =	sor.u32 s2, s7;
	[tilespmem:v40+s26+$0x0] =	vst.idx.add.f32.msk $0xffff, v41  }
0x12d: {  	v40 =	vld [tilespmem:s2+$0x2000]  }
0x12e: {  	v41 =	vld [tilespmem:s2+$0x2080];
	_ =	sdelay $0x1  }
0x12f: {  	v42 =	vld [tilespmem:s2+$0x2100];
	_ =	sdelay $0x1  }
0x130: {  	v43 =	vld [tilespmem:s2+$0x2180]  }
0x131: {  	v44 =	vmul.f32 v40, v40;
	v45 =	vmul.f32 v41, v41;
	_ =	sdelay $0x1  }
0x132: {  	v46 =	vmul.f32 v42, v42;
	v44 =	vadd.f32 v45, v44;
	_ =	sdelay $0x1  }
0x133: {  	v58 =	vmul.f32 v43, v43;
	v44 =	vadd.f32 v46, v44;
	_ =	sdelay $0x1  }
0x134: {  	v44 =	vadd.f32 v58, v44;
	_ =	sdelay $0x1  }
0x135: {  	v44 =	vmax.f32 v44, $1.000000000e-30  }
0x136: {  	v59 =	vshrl.u32 v44, $0x1;
	v60 =	vmul.f32 $5.000000000e-01, v44  }
0x137: {  	v45 =	vsub.s32 $0x5F3759DF, v59  }
0x138: {  	v47 =	vmul.f32 v45, v60;
	_ =	sdelay $0x1  }
0x139: {  	v47 =	vmul.f32 v45, v47;
	_ =	sdelay $0x1  }
0x13a: {  	v47 =	vsub.f32 $1.500000000e+00, v47;
	_ =	sdelay $0x1  }
0x13b: {  	v45 =	vmul.f32 v45, v47;
	_ =	sdelay $0x1  }
0x13c: {  	v47 =	vmul.f32 v45, v60;
	_ =	sdelay $0x1  }
0x13d: {  	v47 =	vmul.f32 v47, v45  }
0x13e: {  	s13 =	sshra.s32 s22, $0x2  }
0x13f: {  	v48 =	vld [tilespmem:s13+$0x0];
	v47 =	vsub.f32 $1.500000000e+00, v47;
	_ =	sdelay $0x1  }
0x140: {  	v45 =	vmul.f32 v47, v45;
	_ =	sdelay $0x1  }
0x141: {  	v46 =	vmul.f32 v45, v60  }
0x142: {  	v61 =	vadd.s32 $0x8, v48  }
0x143: {  	v49 =	vadd.s32 $0x10, v48;
	v46 =	vmul.f32 v46, v45  }
0x144: {  	v50 =	vadd.s32 $0x18, v48  }
0x145: {  	v51 =	vadd.s32 $0x20, v48;
	v46 =	vsub.f32 $1.500000000e+00, v46  }
0x146: {  	v62 =	vadd.s32 $0x28, v48;
	[tilespmem:v48+s26+$0x0] =	vst.idx.add.f32.msk $0xffff, v40  }
0x147: {  	[tilespmem:v61+s26+$0x0] =	vst.idx.add.f32.msk $0xffff, v41;
	v63 =	vmul.f32 v46, v45  }
0x148: {  	[tilespmem:v49+s26+$0x0] =	vst.idx.add.f32.msk $0xffff, v42  }
0x149: {  	[tilespmem:v50+s26+$0x0] =	vst.idx.add.f32.msk $0xffff, v43;
	v41 =	vmul.f32 v63, v44  }
0x14a: {  	[tilespmem:v51+s26+$0x0] =	vst.idx.add.f32.msk $0xffff, v3  }
0x14b: {  	s22 =	simm.s32 $0x0;
	s29 =	rddreg [dreg:$0x6];
	[tilespmem:v62+s26+$0x0] =	vst.idx.add.f32.msk $0xffff, v41  }
0x14c: {  	[tilespmem:s22], [sflag:$0x1] =	stream.strided.gather [hbm4b:s29+s23], $0x2000, s24, s23, $0x38;
	[tilespmem:$0xA2D0] =	vst v63  }
0x14d: {  	_ =	swait.ge [sflag:s25], $0x2000  }
0x14e: {  	s12 =	sadd.s32 $0x0, s14;
	s7 =	simm.s32 $0x40;
	[sflag:s25] =	ssyncset.done $0x0  }
0x14f: {  	s2 =	simm.s32 $0x2000;
	s22 =	simm.s32 $0x2200;
	[sflag:s25] =	ssyncadd.s32 $0xFFFFE000  }
.LBB2_22:
0x150: {  	[tilespmem:s2], [sflag:$0x1] =	stream.linear.gather [hbm4b:s12+s1], $0x80, $0x38;
	[tilespmem:$0xA2D0] =	vst v63  }
0x151: {  	s12 =	smov.u32 s7;
	s2 =	smov.u32 s22;
	p1 =	sne.s32 s7, $0xFC0  }
.Ltmp12:
0x152: {  	s7 =	sadd.s32 $0x40, s7;
	(pc) =	sbr.rel @p1 .LBB2_22-.Ltmp12, $2  }
0x153: {  	_ =	sdelay $0x2  }
0x154: {  	s22 =	sadd.s32 $0x200, s22;
	s12 =	sadd.s32 s12, s14  }
0x155: {  	[tilespmem:s2], [sflag:$0x1] =	stream.linear.gather [hbm4b:s12+s1], $0x80, $0x38;
	[tilespmem:$0xA2D0] =	vst v63  }
0x156: {  	_ =	swait.ge [sflag:s25], $0x2000  }
0x157: {  	s2 =	simm.s32 $0x2080;
	s7 =	simm.s32 $0x40;
	[sflag:s25] =	ssyncset.done $0x0  }
0x158: {  	s12 =	sadd.s32 $0x0, s15;
	s22 =	simm.s32 $0x2280;
	[sflag:s25] =	ssyncadd.s32 $0xFFFFE000  }
.LBB2_24:
0x159: {  	[tilespmem:s2], [sflag:$0x1] =	stream.linear.gather [hbm4b:s12+s1], $0x80, $0x38;
	[tilespmem:$0xA2D0] =	vst v63  }
0x15a: {  	s12 =	smov.u32 s7;
	s2 =	smov.u32 s22;
	p1 =	sne.s32 s7, $0xFC0  }
.Ltmp13:
0x15b: {  	s7 =	sadd.s32 $0x40, s7;
	(pc) =	sbr.rel @p1 .LBB2_24-.Ltmp13, $2  }
0x15c: {  	_ =	sdelay $0x2  }
0x15d: {  	s22 =	sadd.s32 $0x200, s22;
	s12 =	sadd.s32 s12, s15  }
0x15e: {  	[tilespmem:s2], [sflag:$0x1] =	stream.linear.gather [hbm4b:s12+s1], $0x80, $0x38;
	[tilespmem:$0xA2D0] =	vst v63  }
0x15f: {  	_ =	swait.ge [sflag:s25], $0x2000  }
0x160: {  	s2 =	simm.s32 $0x2100;
	s7 =	simm.s32 $0x40;
	[sflag:s25] =	ssyncset.done $0x0  }
0x161: {  	s12 =	sadd.s32 $0x0, s16;
	s22 =	simm.s32 $0x2300;
	[sflag:s25] =	ssyncadd.s32 $0xFFFFE000  }
.LBB2_26:
0x162: {  	[tilespmem:s2], [sflag:$0x1] =	stream.linear.gather [hbm4b:s12+s1], $0x80, $0x38;
	[tilespmem:$0xA2D0] =	vst v63  }
0x163: {  	s12 =	smov.u32 s7;
	s2 =	smov.u32 s22;
	p1 =	sne.s32 s7, $0xFC0  }
.Ltmp14:
0x164: {  	s7 =	sadd.s32 $0x40, s7;
	(pc) =	sbr.rel @p1 .LBB2_26-.Ltmp14, $2  }
0x165: {  	_ =	sdelay $0x2  }
0x166: {  	s22 =	sadd.s32 $0x200, s22;
	s12 =	sadd.s32 s12, s16  }
0x167: {  	[tilespmem:s2], [sflag:$0x1] =	stream.linear.gather [hbm4b:s12+s1], $0x80, $0x38;
	[tilespmem:$0xA2D0] =	vst v63  }
0x168: {  	_ =	swait.ge [sflag:s25], $0x2000  }
0x169: {  	s2 =	simm.s32 $0x2180;
	s7 =	simm.s32 $0x40;
	[sflag:s25] =	ssyncset.done $0x0  }
0x16a: {  	s12 =	sadd.s32 $0x0, s17;
	s22 =	simm.s32 $0x2380;
	[sflag:s25] =	ssyncadd.s32 $0xFFFFE000  }
.LBB2_28:
0x16b: {  	[tilespmem:s2], [sflag:$0x1] =	stream.linear.gather [hbm4b:s12+s1], $0x80, $0x38;
	[tilespmem:$0xA2D0] =	vst v63  }
0x16c: {  	s12 =	smov.u32 s7;
	s2 =	smov.u32 s22;
	p1 =	sne.s32 s7, $0xFC0  }
.Ltmp15:
0x16d: {  	s7 =	sadd.s32 $0x40, s7;
	(pc) =	sbr.rel @p1 .LBB2_28-.Ltmp15, $2  }
0x16e: {  	_ =	sdelay $0x2  }
0x16f: {  	s22 =	sadd.s32 $0x200, s22;
	s12 =	sadd.s32 s12, s17  }
0x170: {  	[tilespmem:s2], [sflag:$0x1] =	stream.linear.gather [hbm4b:s12+s1], $0x80, $0x38;
	[tilespmem:$0xA2D0] =	vst v63  }
0x171: {  	s13 =	simm.s32 $0x0;
	_ =	swait.ge [sflag:s25], $0x2000  }
0x172: {  	s7 =	sand.u32 $0x70, s13;
	s2 =	sand.u32 $0x7E00, s13;
	[sflag:s25] =	ssyncset.done $0x0  }
0x173: {  	s2 =	sor.u32 s7, s2;
	[sflag:s25] =	ssyncadd.s32 $0xFFFFE000  }
0x174: {  	v40 =	vld [tilespmem:s2+$0x2000]  }
0x175: {  	v41 =	vld [tilespmem:s2+$0x2080];
	_ =	sdelay $0x1  }
0x176: {  	v42 =	vld [tilespmem:s2+$0x2100];
	_ =	sdelay $0x1  }
0x177: {  	v43 =	vld [tilespmem:s2+$0x2180]  }
0x178: {  	v44 =	vmul.f32 v40, v40;
	v45 =	vmul.f32 v41, v41;
	_ =	sdelay $0x1  }
0x179: {  	v46 =	vmul.f32 v42, v42;
	v44 =	vadd.f32 v45, v44;
	_ =	sdelay $0x1  }
0x17a: {  	v58 =	vmul.f32 v43, v43;
	v44 =	vadd.f32 v46, v44;
	_ =	sdelay $0x1  }
0x17b: {  	v44 =	vadd.f32 v58, v44;
	_ =	sdelay $0x1  }
0x17c: {  	v44 =	vmax.f32 v44, $1.000000000e-30  }
0x17d: {  	v59 =	vshrl.u32 v44, $0x1;
	v60 =	vmul.f32 $5.000000000e-01, v44  }
0x17e: {  	v45 =	vsub.s32 $0x5F3759DF, v59  }
0x17f: {  	v47 =	vmul.f32 v45, v60;
	_ =	sdelay $0x1  }
0x180: {  	v47 =	vmul.f32 v45, v47;
	_ =	sdelay $0x1  }
0x181: {  	v47 =	vsub.f32 $1.500000000e+00, v47;
	_ =	sdelay $0x1  }
0x182: {  	v45 =	vmul.f32 v45, v47;
	_ =	sdelay $0x1  }
0x183: {  	v47 =	vmul.f32 v45, v60;
	_ =	sdelay $0x1  }
0x184: {  	s22 =	simm.s32 $0x0;
	v47 =	vmul.f32 v47, v45  }
0x185: {  	v48 =	vld [tilespmem:s22+$0x0]  }
0x186: {  	v47 =	vsub.f32 $1.500000000e+00, v47;
	_ =	sdelay $0x1  }
0x187: {  	v45 =	vmul.f32 v47, v45;
	_ =	sdelay $0x1  }
0x188: {  	v61 =	vadd.s32 $0x8, v48;
	v46 =	vmul.f32 v45, v60  }
0x189: {  	v49 =	vadd.s32 $0x10, v48  }
0x18a: {  	v50 =	vadd.s32 $0x18, v48;
	v46 =	vmul.f32 v46, v45  }
0x18b: {  	v51 =	vadd.s32 $0x20, v48  }
0x18c: {  	[tilespmem:v48+s26+$0x0] =	vst.idx.add.f32.msk $0xffff, v40;
	v62 =	vsub.f32 $1.500000000e+00, v46  }
0x18d: {  	[tilespmem:v61+s26+$0x0] =	vst.idx.add.f32.msk $0xffff, v41  }
0x18e: {  	v40 =	vadd.s32 $0x28, v48;
	[tilespmem:v49+s26+$0x0] =	vst.idx.add.f32.msk $0xffff, v42;
	v63 =	vmul.f32 v62, v45  }
0x18f: {  	s29 =	simm.s32 $0x10;
	[tilespmem:v50+s26+$0x0] =	vst.idx.add.f32.msk $0xffff, v43  }
0x190: {  	s12 =	simm.s32 $0x20;
	s2 =	sand.u32 $0x70, s29;
	s22 =	simm.s32 $0x40;
	[tilespmem:v51+s26+$0x0] =	vst.idx.add.f32.msk $0xffff, v3;
	v41 =	vmul.f32 v63, v44  }
.LBB2_30:
0x191: {  	s7 =	smov.u32 s12  }
0x192: {  	s13 =	sand.u32 $0x70, s12;
	s29 =	sand.u32 $0x7E00, s22;
	s7 =	sadd.s32 $0x10, s12  }
0x193: {  	p1 =	sne.s32 s12, $0x1FF0;
	s12 =	sor.u32 s2, s29;
	s2 =	smov.u32 s13;
	[tilespmem:v40+s26+$0x0] =	vst.idx.add.f32.msk $0xffff, v41  }
0x194: {  	v40 =	vld [tilespmem:s12+$0x2000]  }
0x195: {  	v41 =	vld [tilespmem:s12+$0x2080]  }
0x196: {  	v42 =	vld [tilespmem:s12+$0x2100];
	_ =	sdelay $0x1  }
0x197: {  	v43 =	vld [tilespmem:s12+$0x2180]  }
0x198: {  	v44 =	vmul.f32 v40, v40  }
0x199: {  	v45 =	vmul.f32 v41, v41  }
0x19a: {  	v46 =	vmul.f32 v42, v42  }
0x19b: {  	v44 =	vadd.f32 v45, v44  }
0x19c: {  	v45 =	vmul.f32 v43, v43  }
0x19d: {  	v44 =	vadd.f32 v46, v44;
	_ =	sdelay $0x1  }
0x19e: {  	v44 =	vadd.f32 v45, v44;
	_ =	sdelay $0x1  }
0x19f: {  	v44 =	vmax.f32 v44, $1.000000000e-30  }
0x1a0: {  	v45 =	vshrl.u32 v44, $0x1;
	v46 =	vmul.f32 $5.000000000e-01, v44  }
0x1a1: {  	v45 =	vsub.s32 $0x5F3759DF, v45  }
0x1a2: {  	v47 =	vmul.f32 v45, v46;
	_ =	sdelay $0x1  }
0x1a3: {  	v47 =	vmul.f32 v45, v47;
	_ =	sdelay $0x1  }
0x1a4: {  	v47 =	vsub.f32 $1.500000000e+00, v47;
	_ =	sdelay $0x1  }
0x1a5: {  	v45 =	vmul.f32 v45, v47;
	_ =	sdelay $0x1  }
0x1a6: {  	v47 =	vmul.f32 v45, v46;
	_ =	sdelay $0x1  }
0x1a7: {  	s12 =	sshra.s32 s22, $0x2;
	v47 =	vmul.f32 v47, v45  }
0x1a8: {  	v48 =	vld [tilespmem:s12+$0x0]  }
0x1a9: {  	v47 =	vsub.f32 $1.500000000e+00, v47;
	_ =	sdelay $0x1  }
0x1aa: {  	v45 =	vmul.f32 v47, v45;
	_ =	sdelay $0x1  }
0x1ab: {  	v46 =	vmul.f32 v45, v46;
	v47 =	vadd.s32 $0x8, v48  }
0x1ac: {  	v49 =	vadd.s32 $0x10, v48  }
0x1ad: {  	v50 =	vadd.s32 $0x18, v48;
	v46 =	vmul.f32 v46, v45  }
0x1ae: {  	v51 =	vadd.s32 $0x20, v48;
	[tilespmem:v48+s26+$0x0] =	vst.idx.add.f32.msk $0xffff, v40  }
.Ltmp16:
0x1af: {  	v40 =	vadd.s32 $0x28, v48;
	v46 =	vsub.f32 $1.500000000e+00, v46;
	(pc) =	sbr.rel @p1 .LBB2_30-.Ltmp16, $4  }
0x1b0: {  	[tilespmem:v47+s26+$0x0] =	vst.idx.add.f32.msk $0xffff, v41  }
0x1b1: {  	v41 =	vmul.f32 v46, v45;
	[tilespmem:v49+s26+$0x0] =	vst.idx.add.f32.msk $0xffff, v42  }
0x1b2: {  	[tilespmem:v50+s26+$0x0] =	vst.idx.add.f32.msk $0xffff, v43  }
0x1b3: {  	s22 =	sadd.s32 $0x40, s22;
	s12 =	smov.u32 s7;
	v41 =	vmul.f32 v41, v44;
	[tilespmem:v51+s26+$0x0] =	vst.idx.add.f32.msk $0xffff, v3  }
0x1b4: {  	_ =	sdelay $0x2  }
0x1b5: {  	s7 =	sand.u32 $0x7E00, s22  }
0x1b6: {  	s2 =	sor.u32 s2, s7;
	[tilespmem:v40+s26+$0x0] =	vst.idx.add.f32.msk $0xffff, v41  }
0x1b7: {  	v40 =	vld [tilespmem:s2+$0x2000]  }
0x1b8: {  	v41 =	vld [tilespmem:s2+$0x2080];
	_ =	sdelay $0x1  }
0x1b9: {  	v42 =	vld [tilespmem:s2+$0x2100];
	_ =	sdelay $0x1  }
0x1ba: {  	v43 =	vld [tilespmem:s2+$0x2180]  }
0x1bb: {  	v44 =	vmul.f32 v40, v40;
	v45 =	vmul.f32 v41, v41;
	_ =	sdelay $0x1  }
0x1bc: {  	v46 =	vmul.f32 v42, v42;
	v44 =	vadd.f32 v45, v44;
	_ =	sdelay $0x1  }
0x1bd: {  	v58 =	vmul.f32 v43, v43;
	v44 =	vadd.f32 v46, v44;
	_ =	sdelay $0x1  }
0x1be: {  	v44 =	vadd.f32 v58, v44;
	_ =	sdelay $0x1  }
0x1bf: {  	v44 =	vmax.f32 v44, $1.000000000e-30  }
0x1c0: {  	v59 =	vshrl.u32 v44, $0x1;
	v60 =	vmul.f32 $5.000000000e-01, v44  }
0x1c1: {  	v45 =	vsub.s32 $0x5F3759DF, v59  }
0x1c2: {  	v47 =	vmul.f32 v45, v60;
	_ =	sdelay $0x1  }
0x1c3: {  	v47 =	vmul.f32 v45, v47;
	_ =	sdelay $0x1  }
0x1c4: {  	v47 =	vsub.f32 $1.500000000e+00, v47;
	_ =	sdelay $0x1  }
0x1c5: {  	v45 =	vmul.f32 v45, v47;
	_ =	sdelay $0x1  }
0x1c6: {  	v47 =	vmul.f32 v45, v60;
	_ =	sdelay $0x1  }
0x1c7: {  	v47 =	vmul.f32 v47, v45  }
0x1c8: {  	s13 =	sshra.s32 s22, $0x2  }
0x1c9: {  	v48 =	vld [tilespmem:s13+$0x0];
	v47 =	vsub.f32 $1.500000000e+00, v47;
	_ =	sdelay $0x1  }
0x1ca: {  	v45 =	vmul.f32 v47, v45;
	_ =	sdelay $0x1  }
0x1cb: {  	v46 =	vmul.f32 v45, v60  }
0x1cc: {  	v61 =	vadd.s32 $0x8, v48  }
0x1cd: {  	v49 =	vadd.s32 $0x10, v48;
	v46 =	vmul.f32 v46, v45  }
0x1ce: {  	v50 =	vadd.s32 $0x18, v48  }
0x1cf: {  	v51 =	vadd.s32 $0x20, v48;
	v46 =	vsub.f32 $1.500000000e+00, v46  }
0x1d0: {  	v62 =	vadd.s32 $0x28, v48;
	[tilespmem:v48+s26+$0x0] =	vst.idx.add.f32.msk $0xffff, v40  }
0x1d1: {  	[tilespmem:v61+s26+$0x0] =	vst.idx.add.f32.msk $0xffff, v41;
	v63 =	vmul.f32 v46, v45  }
0x1d2: {  	[tilespmem:v49+s26+$0x0] =	vst.idx.add.f32.msk $0xffff, v42  }
0x1d3: {  	[tilespmem:v50+s26+$0x0] =	vst.idx.add.f32.msk $0xffff, v43;
	v41 =	vmul.f32 v63, v44  }
0x1d4: {  	[tilespmem:v51+s26+$0x0] =	vst.idx.add.f32.msk $0xffff, v3  }
0x1d5: {  	s22 =	simm.s32 $0x0;
	s29 =	rddreg [dreg:$0x7];
	[tilespmem:v62+s26+$0x0] =	vst.idx.add.f32.msk $0xffff, v41  }
0x1d6: {  	[tilespmem:s22], [sflag:$0x1] =	stream.strided.gather [hbm4b:s29+s23], $0x2000, s24, s23, $0x38;
	[tilespmem:$0xA2D0] =	vst v63  }
0x1d7: {  	_ =	swait.ge [sflag:s25], $0x2000  }
0x1d8: {  	s12 =	sadd.s32 $0x0, s18;
	s7 =	simm.s32 $0x40;
	[sflag:s25] =	ssyncset.done $0x0  }
0x1d9: {  	s2 =	simm.s32 $0x2000;
	s22 =	simm.s32 $0x2200;
	[sflag:s25] =	ssyncadd.s32 $0xFFFFE000  }
.LBB2_32:
0x1da: {  	[tilespmem:s2], [sflag:$0x1] =	stream.linear.gather [hbm4b:s12+s1], $0x80, $0x38;
	[tilespmem:$0xA2D0] =	vst v63  }
0x1db: {  	s12 =	smov.u32 s7;
	s2 =	smov.u32 s22;
	p1 =	sne.s32 s7, $0xFC0  }
.Ltmp17:
0x1dc: {  	s7 =	sadd.s32 $0x40, s7;
	(pc) =	sbr.rel @p1 .LBB2_32-.Ltmp17, $2  }
0x1dd: {  	_ =	sdelay $0x2  }
0x1de: {  	s22 =	sadd.s32 $0x200, s22;
	s12 =	sadd.s32 s12, s18  }
0x1df: {  	[tilespmem:s2], [sflag:$0x1] =	stream.linear.gather [hbm4b:s12+s1], $0x80, $0x38;
	[tilespmem:$0xA2D0] =	vst v63  }
0x1e0: {  	_ =	swait.ge [sflag:s25], $0x2000  }
0x1e1: {  	s2 =	simm.s32 $0x2080;
	s7 =	simm.s32 $0x40;
	[sflag:s25] =	ssyncset.done $0x0  }
0x1e2: {  	s12 =	sadd.s32 $0x0, s19;
	s22 =	simm.s32 $0x2280;
	[sflag:s25] =	ssyncadd.s32 $0xFFFFE000  }
.LBB2_34:
0x1e3: {  	[tilespmem:s2], [sflag:$0x1] =	stream.linear.gather [hbm4b:s12+s1], $0x80, $0x38;
	[tilespmem:$0xA2D0] =	vst v63  }
0x1e4: {  	s12 =	smov.u32 s7;
	s2 =	smov.u32 s22;
	p1 =	sne.s32 s7, $0xFC0  }
.Ltmp18:
0x1e5: {  	s7 =	sadd.s32 $0x40, s7;
	(pc) =	sbr.rel @p1 .LBB2_34-.Ltmp18, $2  }
0x1e6: {  	_ =	sdelay $0x2  }
0x1e7: {  	s22 =	sadd.s32 $0x200, s22;
	s12 =	sadd.s32 s12, s19  }
0x1e8: {  	[tilespmem:s2], [sflag:$0x1] =	stream.linear.gather [hbm4b:s12+s1], $0x80, $0x38;
	[tilespmem:$0xA2D0] =	vst v63  }
0x1e9: {  	_ =	swait.ge [sflag:s25], $0x2000  }
0x1ea: {  	s2 =	simm.s32 $0x2100;
	s7 =	simm.s32 $0x40;
	[sflag:s25] =	ssyncset.done $0x0  }
0x1eb: {  	s12 =	sadd.s32 $0x0, s20;
	s22 =	simm.s32 $0x2300;
	[sflag:s25] =	ssyncadd.s32 $0xFFFFE000  }
.LBB2_36:
0x1ec: {  	[tilespmem:s2], [sflag:$0x1] =	stream.linear.gather [hbm4b:s12+s1], $0x80, $0x38;
	[tilespmem:$0xA2D0] =	vst v63  }
0x1ed: {  	s12 =	smov.u32 s7;
	s2 =	smov.u32 s22;
	p1 =	sne.s32 s7, $0xFC0  }
.Ltmp19:
0x1ee: {  	s7 =	sadd.s32 $0x40, s7;
	(pc) =	sbr.rel @p1 .LBB2_36-.Ltmp19, $2  }
0x1ef: {  	_ =	sdelay $0x2  }
0x1f0: {  	s22 =	sadd.s32 $0x200, s22;
	s12 =	sadd.s32 s12, s20  }
0x1f1: {  	[tilespmem:s2], [sflag:$0x1] =	stream.linear.gather [hbm4b:s12+s1], $0x80, $0x38;
	[tilespmem:$0xA2D0] =	vst v63  }
0x1f2: {  	_ =	swait.ge [sflag:s25], $0x2000  }
0x1f3: {  	s2 =	simm.s32 $0x2180;
	s7 =	simm.s32 $0x40;
	[sflag:s25] =	ssyncset.done $0x0  }
0x1f4: {  	s12 =	sadd.s32 $0x0, s21;
	s22 =	simm.s32 $0x2380;
	[sflag:s25] =	ssyncadd.s32 $0xFFFFE000  }
.LBB2_38:
0x1f5: {  	[tilespmem:s2], [sflag:$0x1] =	stream.linear.gather [hbm4b:s12+s1], $0x80, $0x38;
	[tilespmem:$0xA2D0] =	vst v63  }
0x1f6: {  	s12 =	smov.u32 s7;
	s2 =	smov.u32 s22;
	p1 =	sne.s32 s7, $0xFC0  }
.Ltmp20:
0x1f7: {  	s7 =	sadd.s32 $0x40, s7;
	(pc) =	sbr.rel @p1 .LBB2_38-.Ltmp20, $2  }
0x1f8: {  	_ =	sdelay $0x2  }
0x1f9: {  	s22 =	sadd.s32 $0x200, s22;
	s12 =	sadd.s32 s12, s21  }
0x1fa: {  	[tilespmem:s2], [sflag:$0x1] =	stream.linear.gather [hbm4b:s12+s1], $0x80, $0x38;
	[tilespmem:$0xA2D0] =	vst v63  }
0x1fb: {  	s13 =	simm.s32 $0x0;
	_ =	swait.ge [sflag:s25], $0x2000  }
0x1fc: {  	s7 =	sand.u32 $0x70, s13;
	s2 =	sand.u32 $0x7E00, s13;
	[sflag:s25] =	ssyncset.done $0x0  }
0x1fd: {  	s2 =	sor.u32 s7, s2;
	[sflag:s25] =	ssyncadd.s32 $0xFFFFE000  }
0x1fe: {  	v40 =	vld [tilespmem:s2+$0x2000]  }
0x1ff: {  	v41 =	vld [tilespmem:s2+$0x2080];
	_ =	sdelay $0x1  }
0x200: {  	v42 =	vld [tilespmem:s2+$0x2100];
	_ =	sdelay $0x1  }
0x201: {  	v43 =	vld [tilespmem:s2+$0x2180]  }
0x202: {  	v44 =	vmul.f32 v40, v40;
	v45 =	vmul.f32 v41, v41;
	_ =	sdelay $0x1  }
0x203: {  	v46 =	vmul.f32 v42, v42;
	v44 =	vadd.f32 v45, v44;
	_ =	sdelay $0x1  }
0x204: {  	v58 =	vmul.f32 v43, v43;
	v44 =	vadd.f32 v46, v44;
	_ =	sdelay $0x1  }
0x205: {  	v44 =	vadd.f32 v58, v44;
	_ =	sdelay $0x1  }
0x206: {  	v44 =	vmax.f32 v44, $1.000000000e-30  }
0x207: {  	v59 =	vshrl.u32 v44, $0x1;
	v60 =	vmul.f32 $5.000000000e-01, v44  }
0x208: {  	v45 =	vsub.s32 $0x5F3759DF, v59  }
0x209: {  	v47 =	vmul.f32 v45, v60;
	_ =	sdelay $0x1  }
0x20a: {  	v47 =	vmul.f32 v45, v47;
	_ =	sdelay $0x1  }
0x20b: {  	v47 =	vsub.f32 $1.500000000e+00, v47;
	_ =	sdelay $0x1  }
0x20c: {  	v45 =	vmul.f32 v45, v47;
	_ =	sdelay $0x1  }
0x20d: {  	v47 =	vmul.f32 v45, v60;
	_ =	sdelay $0x1  }
0x20e: {  	s22 =	simm.s32 $0x0;
	v47 =	vmul.f32 v47, v45  }
0x20f: {  	v48 =	vld [tilespmem:s22+$0x0]  }
0x210: {  	v47 =	vsub.f32 $1.500000000e+00, v47;
	_ =	sdelay $0x1  }
0x211: {  	v45 =	vmul.f32 v47, v45;
	_ =	sdelay $0x1  }
0x212: {  	v61 =	vadd.s32 $0x8, v48;
	v46 =	vmul.f32 v45, v60  }
0x213: {  	v49 =	vadd.s32 $0x10, v48  }
0x214: {  	v50 =	vadd.s32 $0x18, v48;
	v46 =	vmul.f32 v46, v45  }
0x215: {  	v51 =	vadd.s32 $0x20, v48  }
0x216: {  	[tilespmem:v48+s26+$0x0] =	vst.idx.add.f32.msk $0xffff, v40;
	v62 =	vsub.f32 $1.500000000e+00, v46  }
0x217: {  	[tilespmem:v61+s26+$0x0] =	vst.idx.add.f32.msk $0xffff, v41  }
0x218: {  	v40 =	vadd.s32 $0x28, v48;
	[tilespmem:v49+s26+$0x0] =	vst.idx.add.f32.msk $0xffff, v42;
	v63 =	vmul.f32 v62, v45  }
0x219: {  	s29 =	simm.s32 $0x10;
	[tilespmem:v50+s26+$0x0] =	vst.idx.add.f32.msk $0xffff, v43  }
0x21a: {  	s12 =	simm.s32 $0x20;
	s2 =	sand.u32 $0x70, s29;
	s22 =	simm.s32 $0x40;
	[tilespmem:v51+s26+$0x0] =	vst.idx.add.f32.msk $0xffff, v3;
	v41 =	vmul.f32 v63, v44  }
.LBB2_40:
0x21b: {  	s7 =	smov.u32 s12  }
0x21c: {  	s13 =	sand.u32 $0x70, s12;
	s29 =	sand.u32 $0x7E00, s22;
	s7 =	sadd.s32 $0x10, s12  }
0x21d: {  	p1 =	sne.s32 s12, $0x1FF0;
	s12 =	sor.u32 s2, s29;
	s2 =	smov.u32 s13;
	[tilespmem:v40+s26+$0x0] =	vst.idx.add.f32.msk $0xffff, v41  }
0x21e: {  	v40 =	vld [tilespmem:s12+$0x2000]  }
0x21f: {  	v41 =	vld [tilespmem:s12+$0x2080]  }
0x220: {  	v42 =	vld [tilespmem:s12+$0x2100];
	_ =	sdelay $0x1  }
0x221: {  	v43 =	vld [tilespmem:s12+$0x2180]  }
0x222: {  	v44 =	vmul.f32 v40, v40  }
0x223: {  	v45 =	vmul.f32 v41, v41  }
0x224: {  	v46 =	vmul.f32 v42, v42  }
0x225: {  	v44 =	vadd.f32 v45, v44  }
0x226: {  	v45 =	vmul.f32 v43, v43  }
0x227: {  	v44 =	vadd.f32 v46, v44;
	_ =	sdelay $0x1  }
0x228: {  	v44 =	vadd.f32 v45, v44;
	_ =	sdelay $0x1  }
0x229: {  	v44 =	vmax.f32 v44, $1.000000000e-30  }
0x22a: {  	v45 =	vshrl.u32 v44, $0x1;
	v46 =	vmul.f32 $5.000000000e-01, v44  }
0x22b: {  	v45 =	vsub.s32 $0x5F3759DF, v45  }
0x22c: {  	v47 =	vmul.f32 v45, v46;
	_ =	sdelay $0x1  }
0x22d: {  	v47 =	vmul.f32 v45, v47;
	_ =	sdelay $0x1  }
0x22e: {  	v47 =	vsub.f32 $1.500000000e+00, v47;
	_ =	sdelay $0x1  }
0x22f: {  	v45 =	vmul.f32 v45, v47;
	_ =	sdelay $0x1  }
0x230: {  	v47 =	vmul.f32 v45, v46;
	_ =	sdelay $0x1  }
0x231: {  	s12 =	sshra.s32 s22, $0x2;
	v47 =	vmul.f32 v47, v45  }
0x232: {  	v48 =	vld [tilespmem:s12+$0x0]  }
0x233: {  	v47 =	vsub.f32 $1.500000000e+00, v47;
	_ =	sdelay $0x1  }
0x234: {  	v45 =	vmul.f32 v47, v45;
	_ =	sdelay $0x1  }
0x235: {  	v46 =	vmul.f32 v45, v46;
	v47 =	vadd.s32 $0x8, v48  }
0x236: {  	v49 =	vadd.s32 $0x10, v48  }
0x237: {  	v50 =	vadd.s32 $0x18, v48;
	v46 =	vmul.f32 v46, v45  }
0x238: {  	v51 =	vadd.s32 $0x20, v48;
	[tilespmem:v48+s26+$0x0] =	vst.idx.add.f32.msk $0xffff, v40  }
.Ltmp21:
0x239: {  	v40 =	vadd.s32 $0x28, v48;
	v46 =	vsub.f32 $1.500000000e+00, v46;
	(pc) =	sbr.rel @p1 .LBB2_40-.Ltmp21, $4  }
0x23a: {  	[tilespmem:v47+s26+$0x0] =	vst.idx.add.f32.msk $0xffff, v41  }
0x23b: {  	v41 =	vmul.f32 v46, v45;
	[tilespmem:v49+s26+$0x0] =	vst.idx.add.f32.msk $0xffff, v42  }
0x23c: {  	[tilespmem:v50+s26+$0x0] =	vst.idx.add.f32.msk $0xffff, v43  }
0x23d: {  	s22 =	sadd.s32 $0x40, s22;
	s12 =	smov.u32 s7;
	v41 =	vmul.f32 v41, v44;
	[tilespmem:v51+s26+$0x0] =	vst.idx.add.f32.msk $0xffff, v3  }
0x23e: {  	_ =	sdelay $0x2  }
0x23f: {  	s7 =	sand.u32 $0x7E00, s22  }
0x240: {  	s2 =	sor.u32 s2, s7;
	[tilespmem:v40+s26+$0x0] =	vst.idx.add.f32.msk $0xffff, v41  }
0x241: {  	v40 =	vld [tilespmem:s2+$0x2000]  }
0x242: {  	v41 =	vld [tilespmem:s2+$0x2080];
	_ =	sdelay $0x1  }
0x243: {  	v42 =	vld [tilespmem:s2+$0x2100];
	_ =	sdelay $0x1  }
0x244: {  	v43 =	vld [tilespmem:s2+$0x2180]  }
0x245: {  	v44 =	vmul.f32 v40, v40;
	v45 =	vmul.f32 v41, v41;
	_ =	sdelay $0x1  }
0x246: {  	v46 =	vmul.f32 v42, v42;
	v44 =	vadd.f32 v45, v44;
	_ =	sdelay $0x1  }
0x247: {  	v54 =	vmul.f32 v43, v43;
	v44 =	vadd.f32 v46, v44;
	_ =	sdelay $0x1  }
0x248: {  	v44 =	vadd.f32 v54, v44;
	_ =	sdelay $0x1  }
0x249: {  	v44 =	vmax.f32 v44, $1.000000000e-30  }
0x24a: {  	v55 =	vshrl.u32 v44, $0x1;
	v56 =	vmul.f32 $5.000000000e-01, v44  }
0x24b: {  	v45 =	vsub.s32 $0x5F3759DF, v55  }
0x24c: {  	v47 =	vmul.f32 v45, v56;
	_ =	sdelay $0x1  }
0x24d: {  	v47 =	vmul.f32 v45, v47;
	_ =	sdelay $0x1  }
0x24e: {  	v47 =	vsub.f32 $1.500000000e+00, v47;
	_ =	sdelay $0x1  }
0x24f: {  	v45 =	vmul.f32 v45, v47;
	_ =	sdelay $0x1  }
0x250: {  	v47 =	vmul.f32 v45, v56;
	_ =	sdelay $0x1  }
0x251: {  	v47 =	vmul.f32 v47, v45  }
0x252: {  	s13 =	sshra.s32 s22, $0x2  }
0x253: {  	v48 =	vld [tilespmem:s13+$0x0];
	v47 =	vsub.f32 $1.500000000e+00, v47;
	_ =	sdelay $0x1  }
0x254: {  	v45 =	vmul.f32 v47, v45;
	_ =	sdelay $0x1  }
0x255: {  	v46 =	vmul.f32 v45, v56  }
0x256: {  	v57 =	vadd.s32 $0x8, v48  }
0x257: {  	v49 =	vadd.s32 $0x10, v48;
	v46 =	vmul.f32 v46, v45  }
0x258: {  	v50 =	vadd.s32 $0x18, v48  }
0x259: {  	v51 =	vadd.s32 $0x20, v48;
	v46 =	vsub.f32 $1.500000000e+00, v46  }
0x25a: {  	v58 =	vadd.s32 $0x28, v48;
	[tilespmem:v48+s26+$0x0] =	vst.idx.add.f32.msk $0xffff, v40  }
0x25b: {  	[tilespmem:v57+s26+$0x0] =	vst.idx.add.f32.msk $0xffff, v41;
	v59 =	vmul.f32 v46, v45  }
0x25c: {  	[tilespmem:v49+s26+$0x0] =	vst.idx.add.f32.msk $0xffff, v42  }
0x25d: {  	[tilespmem:v50+s26+$0x0] =	vst.idx.add.f32.msk $0xffff, v43;
	v41 =	vmul.f32 v59, v44  }
0x25e: {  	[tilespmem:v51+s26+$0x0] =	vst.idx.add.f32.msk $0xffff, v3  }
0x25f: {  	[tilespmem:v58+s26+$0x0] =	vst.idx.add.f32.msk $0xffff, v41  }
0x260: {  	v40 =	vld [tilespmem:$0xA000]  }
0x261: {  	v41 =	vld [tilespmem:$0xA010]  }
0x262: {  	v42 =	vld [tilespmem:$0xA020];
	_ =	sdelay $0x1  }
0x263: {  	[tilespmem:$0xA230] =	vst v1  }
0x264: {  	[tilespmem:$0xA200] =	vst v40  }
0x265: {  	[tilespmem:$0xA210] =	vst v41  }
0x266: {  	s22 =	rddreg [dreg:$0x8];
	[tilespmem:$0xA220] =	vst v42  }
0x267: {  	[spmem:s22] =	stream.linear.scatter [tilespmem:s28], [sflag:$0x1], $0x40, $0x38;
	[tilespmem:$0xA2D0] =	vst v63  }
0x268: {  	_ =	swait.ge [sflag:s25], $0x40  }
0x269: {  	[sflag:s25] =	ssyncset.done $0x0  }
0x26a: {  	[sflag:s25] =	ssyncadd.s32 $0xFFFFFFC0  }
0x26b: {  	[bflag:$0x0] =	sbarrier.arrive $0xFFFF  }
0x26c: {  	s29 =	rddreg [dreg:$0x9]  }
0x26d: {  	[tilespmem:s28], [sflag:$0x1] =	stream.linear.gather [spmem:s29], $0x40, $0x38;
	[tilespmem:$0xA2D0] =	vst v63  }
0x26e: {  	_ =	swait.ge [sflag:s25], $0x40  }
0x26f: {  	[sflag:s25] =	ssyncset.done $0x0  }
0x270: {  	[sflag:s25] =	ssyncadd.s32 $0xFFFFFFC0  }
0x271: {  	v40 =	vld [tilespmem:$0xA200]  }
0x272: {  	s7 =	rddreg [dreg:$0xa];
	v41 =	vld [tilespmem:$0xA210]  }
0x273: {  	v42 =	vld [tilespmem:$0xA220];
	[tilespmem:s28], [sflag:$0x1] =	stream.linear.gather [spmem:s7], $0x40, $0x38  }
0x274: {  	_ =	swait.ge [sflag:s25], $0x40  }
0x275: {  	[sflag:s25] =	ssyncset.done $0x0  }
0x276: {  	[sflag:s25] =	ssyncadd.s32 $0xFFFFFFC0  }
0x277: {  	v43 =	vld [tilespmem:$0xA200]  }
0x278: {  	s12 =	rddreg [dreg:$0xb];
	v44 =	vld [tilespmem:$0xA210]  }
0x279: {  	v45 =	vld [tilespmem:$0xA220];
	[tilespmem:s28], [sflag:$0x1] =	stream.linear.gather [spmem:s12], $0x40, $0x38  }
0x27a: {  	_ =	swait.ge [sflag:s25], $0x40  }
0x27b: {  	[sflag:s25] =	ssyncset.done $0x0  }
0x27c: {  	[sflag:s25] =	ssyncadd.s32 $0xFFFFFFC0  }
0x27d: {  	v60 =	vld [tilespmem:$0xA200]  }
0x27e: {  	s13 =	rddreg [dreg:$0xc];
	v47 =	vld [tilespmem:$0xA210]  }
0x27f: {  	v48 =	vld [tilespmem:$0xA220];
	[tilespmem:s28], [sflag:$0x1] =	stream.linear.gather [spmem:s13], $0x40, $0x38  }
0x280: {  	_ =	swait.ge [sflag:s25], $0x40  }
0x281: {  	[sflag:s25] =	ssyncset.done $0x0  }
0x282: {  	[sflag:s25] =	ssyncadd.s32 $0xFFFFFFC0  }
0x283: {  	v61 =	vld [tilespmem:$0xA200]  }
0x284: {  	s22 =	rddreg [dreg:$0xd];
	v62 =	vld [tilespmem:$0xA210]  }
0x285: {  	v63 =	vld [tilespmem:$0xA220];
	[tilespmem:s28], [sflag:$0x1] =	stream.linear.gather [spmem:s22], $0x40, $0x38  }
0x286: {  	_ =	swait.ge [sflag:s25], $0x40  }
0x287: {  	[sflag:s25] =	ssyncset.done $0x0  }
0x288: {  	[sflag:s25] =	ssyncadd.s32 $0xFFFFFFC0  }
0x289: {  	v52 =	vld [tilespmem:$0xA200]  }
0x28a: {  	s29 =	rddreg [dreg:$0xe];
	v53 =	vld [tilespmem:$0xA210]  }
0x28b: {  	v54 =	vld [tilespmem:$0xA220];
	[tilespmem:s28], [sflag:$0x1] =	stream.linear.gather [spmem:s29], $0x40, $0x38  }
0x28c: {  	_ =	swait.ge [sflag:s25], $0x40  }
0x28d: {  	[sflag:s25] =	ssyncset.done $0x0  }
0x28e: {  	[sflag:s25] =	ssyncadd.s32 $0xFFFFFFC0  }
0x28f: {  	v55 =	vld [tilespmem:$0xA200]  }
0x290: {  	s7 =	rddreg [dreg:$0xf];
	v56 =	vld [tilespmem:$0xA210]  }
0x291: {  	v57 =	vld [tilespmem:$0xA220];
	[tilespmem:s28], [sflag:$0x1] =	stream.linear.gather [spmem:s7], $0x40, $0x38  }
0x292: {  	v40 =	vadd.f32 $0.0e+00, v40;
	_ =	swait.ge [sflag:s25], $0x40  }
0x293: {  	v41 =	vadd.f32 $0.0e+00, v41;
	[sflag:s25] =	ssyncset.done $0x0  }
0x294: {  	v42 =	vadd.f32 $0.0e+00, v42;
	v40 =	vadd.f32 v43, v40;
	[sflag:s25] =	ssyncadd.s32 $0xFFFFFFC0  }
0x295: {  	v41 =	vadd.f32 v44, v41;
	v58 =	vld [tilespmem:$0xA200]  }
0x296: {  	v42 =	vadd.f32 v45, v42;
	v40 =	vadd.f32 v60, v40;
	s12 =	rddreg [dreg:$0x10];
	v59 =	vld [tilespmem:$0xA210]  }
0x297: {  	v41 =	vadd.f32 v47, v41;
	v60 =	vld [tilespmem:$0xA220];
	[tilespmem:s28], [sflag:$0x1] =	stream.linear.gather [spmem:s12], $0x40, $0x38  }
0x298: {  	v42 =	vadd.f32 v48, v42;
	v40 =	vadd.f32 v61, v40;
	_ =	swait.ge [sflag:s25], $0x40  }
0x299: {  	v41 =	vadd.f32 v62, v41;
	[sflag:s25] =	ssyncset.done $0x0  }
0x29a: {  	v42 =	vadd.f32 v63, v42;
	v40 =	vadd.f32 v52, v40;
	[sflag:s25] =	ssyncadd.s32 $0xFFFFFFC0  }
0x29b: {  	v41 =	vadd.f32 v53, v41;
	v61 =	vld [tilespmem:$0xA200]  }
0x29c: {  	v42 =	vadd.f32 v54, v42;
	v40 =	vadd.f32 v55, v40;
	v62 =	vld [tilespmem:$0xA210]  }
0x29d: {  	v41 =	vadd.f32 v56, v41;
	v63 =	vld [tilespmem:$0xA220]  }
0x29e: {  	v42 =	vadd.f32 v57, v42;
	v40 =	vadd.f32 v58, v40  }
0x29f: {  	v41 =	vadd.f32 v59, v41  }
0x2a0: {  	v42 =	vadd.f32 v60, v42;
	v40 =	vadd.f32 v61, v40  }
0x2a1: {  	v41 =	vadd.f32 v62, v41  }
0x2a2: {  	v42 =	vadd.f32 v63, v42;
	[tilespmem:$0xA100] =	vst v40  }
0x2a3: {  	[tilespmem:$0xA110] =	vst v41  }
0x2a4: {  	s13 =	simm.s32 $0xA100;
	[tilespmem:$0xA120] =	vst v42  }
0x2a5: {  	v42 =	vld.idx.msk [tilespmem:v4+s13+$0x0], $0xffff;
	_ =	sdelay $0x4  }
0x2a6: {  	v42 =	vmax.f32 v42, $1.000000000e+00  }
0x2a7: {  	(erf) = vrcp.f32 v42;
	_ =	sdelay $0x8  }
0x2a8: {  	v42 =	vpop (erf)  }
0x2a9: {  	v40 =	vmul.f32 v42, v40  }
0x2aa: {  	v41 =	vmul.f32 v42, v41  }
0x2ab: {  	[tilespmem:$0xA180] =	vst v40  }
0x2ac: {  	s22 =	simm.s32 $0x0;
	s29 =	rddreg [dreg:$0x4];
	[tilespmem:$0xA190] =	vst v41  }
0x2ad: {  	[tilespmem:s22], [sflag:$0x1] =	stream.strided.gather [hbm4b:s29+s23], $0x2000, s24, s23, $0x38;
	[tilespmem:$0xA2D0] =	vst v63  }
0x2ae: {  	_ =	swait.ge [sflag:s25], $0x2000  }
0x2af: {  	s2 =	simm.s32 $0x2000;
	s7 =	simm.s32 $0x40;
	[sflag:s25] =	ssyncset.done $0x0  }
0x2b0: {  	s12 =	sadd.s32 $0x0, s3;
	s22 =	simm.s32 $0x2200;
	[sflag:s25] =	ssyncadd.s32 $0xFFFFE000  }
.LBB2_42:
0x2b1: {  	[tilespmem:s2], [sflag:$0x1] =	stream.linear.gather [hbm4b:s12+s1], $0x80, $0x38;
	[tilespmem:$0xA2D0] =	vst v63  }
0x2b2: {  	s12 =	smov.u32 s7;
	s2 =	smov.u32 s22;
	p1 =	sne.s32 s7, $0xFC0  }
.Ltmp22:
0x2b3: {  	s7 =	sadd.s32 $0x40, s7;
	(pc) =	sbr.rel @p1 .LBB2_42-.Ltmp22, $2  }
0x2b4: {  	_ =	sdelay $0x2  }
0x2b5: {  	s22 =	sadd.s32 $0x200, s22;
	s12 =	sadd.s32 s12, s3  }
0x2b6: {  	[tilespmem:s2], [sflag:$0x1] =	stream.linear.gather [hbm4b:s12+s1], $0x80, $0x38;
	[tilespmem:$0xA2D0] =	vst v63  }
0x2b7: {  	_ =	swait.ge [sflag:s25], $0x2000  }
0x2b8: {  	s2 =	simm.s32 $0x2080;
	s7 =	simm.s32 $0x40;
	[sflag:s25] =	ssyncset.done $0x0  }
0x2b9: {  	s12 =	sadd.s32 $0x0, s4;
	s22 =	simm.s32 $0x2280;
	[sflag:s25] =	ssyncadd.s32 $0xFFFFE000  }
.LBB2_44:
0x2ba: {  	[tilespmem:s2], [sflag:$0x1] =	stream.linear.gather [hbm4b:s12+s1], $0x80, $0x38;
	[tilespmem:$0xA2D0] =	vst v63  }
0x2bb: {  	s12 =	smov.u32 s7;
	s2 =	smov.u32 s22;
	p1 =	sne.s32 s7, $0xFC0  }
.Ltmp23:
0x2bc: {  	s7 =	sadd.s32 $0x40, s7;
	(pc) =	sbr.rel @p1 .LBB2_44-.Ltmp23, $2  }
0x2bd: {  	_ =	sdelay $0x2  }
0x2be: {  	s22 =	sadd.s32 $0x200, s22;
	s12 =	sadd.s32 s12, s4  }
0x2bf: {  	[tilespmem:s2], [sflag:$0x1] =	stream.linear.gather [hbm4b:s12+s1], $0x80, $0x38;
	[tilespmem:$0xA2D0] =	vst v63  }
0x2c0: {  	_ =	swait.ge [sflag:s25], $0x2000  }
0x2c1: {  	s2 =	simm.s32 $0x2100;
	s7 =	simm.s32 $0x40;
	[sflag:s25] =	ssyncset.done $0x0  }
0x2c2: {  	s12 =	sadd.s32 $0x0, s5;
	s22 =	simm.s32 $0x2300;
	[sflag:s25] =	ssyncadd.s32 $0xFFFFE000  }
.LBB2_46:
0x2c3: {  	[tilespmem:s2], [sflag:$0x1] =	stream.linear.gather [hbm4b:s12+s1], $0x80, $0x38;
	[tilespmem:$0xA2D0] =	vst v63  }
0x2c4: {  	s12 =	smov.u32 s7;
	s2 =	smov.u32 s22;
	p1 =	sne.s32 s7, $0xFC0  }
.Ltmp24:
0x2c5: {  	s7 =	sadd.s32 $0x40, s7;
	(pc) =	sbr.rel @p1 .LBB2_46-.Ltmp24, $2  }
0x2c6: {  	_ =	sdelay $0x2  }
0x2c7: {  	s22 =	sadd.s32 $0x200, s22;
	s12 =	sadd.s32 s12, s5  }
0x2c8: {  	[tilespmem:s2], [sflag:$0x1] =	stream.linear.gather [hbm4b:s12+s1], $0x80, $0x38;
	[tilespmem:$0xA2D0] =	vst v63  }
0x2c9: {  	_ =	swait.ge [sflag:s25], $0x2000  }
0x2ca: {  	s2 =	simm.s32 $0x2180;
	s7 =	simm.s32 $0x40;
	[sflag:s25] =	ssyncset.done $0x0  }
0x2cb: {  	s12 =	sadd.s32 $0x0, s6;
	s22 =	simm.s32 $0x2380;
	[sflag:s25] =	ssyncadd.s32 $0xFFFFE000  }
.LBB2_48:
0x2cc: {  	[tilespmem:s2], [sflag:$0x1] =	stream.linear.gather [hbm4b:s12+s1], $0x80, $0x38;
	[tilespmem:$0xA2D0] =	vst v63  }
0x2cd: {  	s12 =	smov.u32 s7;
	s2 =	smov.u32 s22;
	p1 =	sne.s32 s7, $0xFC0  }
.Ltmp25:
0x2ce: {  	s7 =	sadd.s32 $0x40, s7;
	(pc) =	sbr.rel @p1 .LBB2_48-.Ltmp25, $2  }
0x2cf: {  	_ =	sdelay $0x2  }
0x2d0: {  	s22 =	sadd.s32 $0x200, s22;
	s12 =	sadd.s32 s12, s6  }
0x2d1: {  	[tilespmem:s2], [sflag:$0x1] =	stream.linear.gather [hbm4b:s12+s1], $0x80, $0x38;
	[tilespmem:$0xA2D0] =	vst v63  }
0x2d2: {  	_ =	swait.ge [sflag:s25], $0x2000  }
0x2d3: {  	s22 =	simm.s32 $0x0;
	s12 =	simm.s32 $0x0;
	[sflag:s25] =	ssyncset.done $0x0  }
0x2d4: {  	s7 =	simm.s32 $0x10;
	s2 =	simm.s32 $0x0;
	[sflag:s25] =	ssyncadd.s32 $0xFFFFE000  }
.LBB2_50:
0x2d5: {  	p1 =	sne.s32 s7, $0x1FF0;
	v40 =	vld [tilespmem:s12+$0x0];
	_ =	sdelay $0x4  }
0x2d6: {  	v41 =	vadd.s32 $0x8, v40  }
0x2d7: {  	s12 =	sand.u32 $0x70, s22;
	s13 =	sand.u32 $0x7E00, s2;
	s22 =	smov.u32 s7  }
0x2d8: {  	s12 =	sor.u32 s12, s13;
	v42 =	vadd.s32 $0x10, v40  }
0x2d9: {  	v43 =	vld [tilespmem:s12+$0x2080]  }
0x2da: {  	v45 =	vadd.s32 $0x18, v40;
	v44 =	vld.idx.msk [tilespmem:v40+s30+$0x0], $0xffff  }
0x2db: {  	v41 =	vld.idx.msk [tilespmem:v41+s30+$0x0], $0xffff  }
0x2dc: {  	v46 =	vld [tilespmem:s12+$0x2000]  }
0x2dd: {  	v42 =	vld.idx.msk [tilespmem:v42+s30+$0x0], $0xffff  }
0x2de: {  	v47 =	vld [tilespmem:s12+$0x2100]  }
0x2df: {  	v45 =	vld.idx.msk [tilespmem:v45+s30+$0x0], $0xffff  }
0x2e0: {  	v48 =	vld [tilespmem:s12+$0x2180]  }
0x2e1: {  	v41 =	vsub.f32 v43, v41;
	v44 =	vsub.f32 v46, v44;
	_ =	sdelay $0x1  }
0x2e2: {  	v41 =	vmul.f32 v41, v41;
	v43 =	vmul.f32 v44, v44;
	v42 =	vsub.f32 v47, v42;
	_ =	sdelay $0x1  }
0x2e3: {  	v41 =	vadd.f32 v41, v43;
	v42 =	vmul.f32 v42, v42;
	v43 =	vsub.f32 v48, v45;
	_ =	sdelay $0x1  }
0x2e4: {  	v41 =	vadd.f32 v42, v41;
	v42 =	vmul.f32 v43, v43;
	_ =	sdelay $0x1  }
0x2e5: {  	v41 =	vadd.f32 v42, v41;
	_ =	sdelay $0x1  }
0x2e6: {  	v41 =	vmax.f32 v41, $1.000000000e-30  }
0x2e7: {  	v42 =	vshrl.u32 v41, $0x1;
	v43 =	vmul.f32 $5.000000000e-01, v41  }
0x2e8: {  	v42 =	vsub.s32 $0x5F3759DF, v42  }
0x2e9: {  	v44 =	vmul.f32 v42, v43;
	_ =	sdelay $0x1  }
0x2ea: {  	v44 =	vmul.f32 v42, v44;
	_ =	sdelay $0x1  }
0x2eb: {  	v44 =	vsub.f32 $1.500000000e+00, v44;
	_ =	sdelay $0x1  }
0x2ec: {  	v42 =	vmul.f32 v42, v44;
	_ =	sdelay $0x1  }
0x2ed: {  	v44 =	vmul.f32 v42, v43;
	_ =	sdelay $0x1  }
0x2ee: {  	v44 =	vmul.f32 v44, v42;
	_ =	sdelay $0x1  }
0x2ef: {  	v44 =	vsub.f32 $1.500000000e+00, v44;
	_ =	sdelay $0x1  }
0x2f0: {  	v42 =	vmul.f32 v44, v42;
	_ =	sdelay $0x1  }
0x2f1: {  	v43 =	vmul.f32 v42, v43;
	_ =	sdelay $0x1  }
0x2f2: {  	v43 =	vmul.f32 v43, v42;
	_ =	sdelay $0x1  }
0x2f3: {  	v43 =	vsub.f32 $1.500000000e+00, v43;
	_ =	sdelay $0x1  }
.Ltmp26:
0x2f4: {  	v42 =	vmul.f32 v43, v42;
	(pc) =	sbr.rel @p1 .LBB2_50-.Ltmp26, $4  }
0x2f5: {  	_ = 	snop  }
0x2f6: {  	v41 =	vmul.f32 v42, v41  }
0x2f7: {  	s2 =	sadd.s32 $0x40, s2  }
0x2f8: {  	s7 =	sadd.s32 $0x10, s7;
	s12 =	sshra.s32 s2, $0x2;
	[tilespmem:v40+s31+$0x0] =	vst.idx.add.f32.msk $0xffff, v41  }
0x2f9: {  	v40 =	vld [tilespmem:s12+$0x0];
	_ =	sdelay $0x4  }
0x2fa: {  	s7 =	sand.u32 $0x70, s22;
	s2 =	sand.u32 $0x7E00, s2;
	v41 =	vadd.s32 $0x8, v40  }
0x2fb: {  	s2 =	sor.u32 s7, s2  }
0x2fc: {  	v43 =	vld [tilespmem:s2+$0x2080];
	v42 =	vadd.s32 $0x10, v40  }
0x2fd: {  	v46 =	vld [tilespmem:s2+$0x2000]  }
0x2fe: {  	v45 =	vadd.s32 $0x18, v40;
	v44 =	vld.idx.msk [tilespmem:v40+s30+$0x0], $0xffff  }
0x2ff: {  	v41 =	vld.idx.msk [tilespmem:v41+s30+$0x0], $0xffff  }
0x300: {  	v47 =	vld [tilespmem:s2+$0x2100]  }
0x301: {  	v42 =	vld.idx.msk [tilespmem:v42+s30+$0x0], $0xffff  }
0x302: {  	v48 =	vld [tilespmem:s2+$0x2180]  }
0x303: {  	v45 =	vld.idx.msk [tilespmem:v45+s30+$0x0], $0xffff  }
0x304: {  	v44 =	vsub.f32 v46, v44;
	v41 =	vsub.f32 v43, v41;
	_ =	sdelay $0x1  }
0x305: {  	v58 =	vmul.f32 v44, v44;
	v42 =	vsub.f32 v47, v42;
	v41 =	vmul.f32 v41, v41;
	_ =	sdelay $0x1  }
0x306: {  	v59 =	vsub.f32 v48, v45;
	v42 =	vmul.f32 v42, v42;
	v41 =	vadd.f32 v41, v58;
	_ =	sdelay $0x1  }
0x307: {  	v60 =	vmul.f32 v59, v59;
	v41 =	vadd.f32 v42, v41;
	_ =	sdelay $0x1  }
0x308: {  	v41 =	vadd.f32 v60, v41;
	_ =	sdelay $0x1  }
0x309: {  	v41 =	vmax.f32 v41, $1.000000000e-30  }
0x30a: {  	v61 =	vshrl.u32 v41, $0x1;
	v62 =	vmul.f32 $5.000000000e-01, v41  }
0x30b: {  	v42 =	vsub.s32 $0x5F3759DF, v61  }
0x30c: {  	v63 =	vmul.f32 v42, v62;
	_ =	sdelay $0x1  }
0x30d: {  	v44 =	vmul.f32 v42, v63;
	_ =	sdelay $0x1  }
0x30e: {  	v44 =	vsub.f32 $1.500000000e+00, v44;
	_ =	sdelay $0x1  }
0x30f: {  	v42 =	vmul.f32 v42, v44;
	_ =	sdelay $0x1  }
0x310: {  	v44 =	vmul.f32 v42, v62;
	_ =	sdelay $0x1  }
0x311: {  	v44 =	vmul.f32 v44, v42;
	_ =	sdelay $0x1  }
0x312: {  	v44 =	vsub.f32 $1.500000000e+00, v44;
	_ =	sdelay $0x1  }
0x313: {  	v42 =	vmul.f32 v44, v42;
	_ =	sdelay $0x1  }
0x314: {  	v43 =	vmul.f32 v42, v62;
	_ =	sdelay $0x1  }
0x315: {  	v43 =	vmul.f32 v43, v42;
	_ =	sdelay $0x1  }
0x316: {  	v43 =	vsub.f32 $1.500000000e+00, v43;
	_ =	sdelay $0x1  }
0x317: {  	v42 =	vmul.f32 v43, v42;
	_ =	sdelay $0x1  }
0x318: {  	v41 =	vmul.f32 v42, v41;
	_ =	sdelay $0x1  }
0x319: {  	s22 =	simm.s32 $0x0;
	s29 =	rddreg [dreg:$0x5];
	[tilespmem:v40+s31+$0x0] =	vst.idx.add.f32.msk $0xffff, v41  }
0x31a: {  	[tilespmem:s22], [sflag:$0x1] =	stream.strided.gather [hbm4b:s29+s23], $0x2000, s24, s23, $0x38;
	[tilespmem:$0xA2D0] =	vst v63  }
0x31b: {  	_ =	swait.ge [sflag:s25], $0x2000  }
0x31c: {  	s12 =	sadd.s32 $0x0, s8;
	s7 =	simm.s32 $0x40;
	[sflag:s25] =	ssyncset.done $0x0  }
0x31d: {  	s2 =	simm.s32 $0x2000;
	s22 =	simm.s32 $0x2200;
	[sflag:s25] =	ssyncadd.s32 $0xFFFFE000  }
.LBB2_52:
0x31e: {  	[tilespmem:s2], [sflag:$0x1] =	stream.linear.gather [hbm4b:s12+s1], $0x80, $0x38;
	[tilespmem:$0xA2D0] =	vst v63  }
0x31f: {  	s12 =	smov.u32 s7;
	s2 =	smov.u32 s22;
	p1 =	sne.s32 s7, $0xFC0  }
.Ltmp27:
0x320: {  	s7 =	sadd.s32 $0x40, s7;
	(pc) =	sbr.rel @p1 .LBB2_52-.Ltmp27, $2  }
0x321: {  	_ =	sdelay $0x2  }
0x322: {  	s22 =	sadd.s32 $0x200, s22;
	s12 =	sadd.s32 s12, s8  }
0x323: {  	[tilespmem:s2], [sflag:$0x1] =	stream.linear.gather [hbm4b:s12+s1], $0x80, $0x38;
	[tilespmem:$0xA2D0] =	vst v63  }
0x324: {  	_ =	swait.ge [sflag:s25], $0x2000  }
0x325: {  	s2 =	simm.s32 $0x2080;
	s7 =	simm.s32 $0x40;
	[sflag:s25] =	ssyncset.done $0x0  }
0x326: {  	s12 =	sadd.s32 $0x0, s9;
	s22 =	simm.s32 $0x2280;
	[sflag:s25] =	ssyncadd.s32 $0xFFFFE000  }
.LBB2_54:
0x327: {  	[tilespmem:s2], [sflag:$0x1] =	stream.linear.gather [hbm4b:s12+s1], $0x80, $0x38;
	[tilespmem:$0xA2D0] =	vst v63  }
0x328: {  	s12 =	smov.u32 s7;
	s2 =	smov.u32 s22;
	p1 =	sne.s32 s7, $0xFC0  }
.Ltmp28:
0x329: {  	s7 =	sadd.s32 $0x40, s7;
	(pc) =	sbr.rel @p1 .LBB2_54-.Ltmp28, $2  }
0x32a: {  	_ =	sdelay $0x2  }
0x32b: {  	s22 =	sadd.s32 $0x200, s22;
	s12 =	sadd.s32 s12, s9  }
0x32c: {  	[tilespmem:s2], [sflag:$0x1] =	stream.linear.gather [hbm4b:s12+s1], $0x80, $0x38;
	[tilespmem:$0xA2D0] =	vst v63  }
0x32d: {  	_ =	swait.ge [sflag:s25], $0x2000  }
0x32e: {  	s2 =	simm.s32 $0x2100;
	s7 =	simm.s32 $0x40;
	[sflag:s25] =	ssyncset.done $0x0  }
0x32f: {  	s12 =	sadd.s32 $0x0, s10;
	s22 =	simm.s32 $0x2300;
	[sflag:s25] =	ssyncadd.s32 $0xFFFFE000  }
.LBB2_56:
0x330: {  	[tilespmem:s2], [sflag:$0x1] =	stream.linear.gather [hbm4b:s12+s1], $0x80, $0x38;
	[tilespmem:$0xA2D0] =	vst v63  }
0x331: {  	s12 =	smov.u32 s7;
	s2 =	smov.u32 s22;
	p1 =	sne.s32 s7, $0xFC0  }
.Ltmp29:
0x332: {  	s7 =	sadd.s32 $0x40, s7;
	(pc) =	sbr.rel @p1 .LBB2_56-.Ltmp29, $2  }
0x333: {  	_ =	sdelay $0x2  }
0x334: {  	s22 =	sadd.s32 $0x200, s22;
	s12 =	sadd.s32 s12, s10  }
0x335: {  	[tilespmem:s2], [sflag:$0x1] =	stream.linear.gather [hbm4b:s12+s1], $0x80, $0x38;
	[tilespmem:$0xA2D0] =	vst v63  }
0x336: {  	_ =	swait.ge [sflag:s25], $0x2000  }
0x337: {  	s2 =	simm.s32 $0x2180;
	s7 =	simm.s32 $0x40;
	[sflag:s25] =	ssyncset.done $0x0  }
0x338: {  	s12 =	sadd.s32 $0x0, s11;
	s22 =	simm.s32 $0x2380;
	[sflag:s25] =	ssyncadd.s32 $0xFFFFE000  }
.LBB2_58:
0x339: {  	[tilespmem:s2], [sflag:$0x1] =	stream.linear.gather [hbm4b:s12+s1], $0x80, $0x38;
	[tilespmem:$0xA2D0] =	vst v63  }
0x33a: {  	s12 =	smov.u32 s7;
	s2 =	smov.u32 s22;
	p1 =	sne.s32 s7, $0xFC0  }
.Ltmp30:
0x33b: {  	s7 =	sadd.s32 $0x40, s7;
	(pc) =	sbr.rel @p1 .LBB2_58-.Ltmp30, $2  }
0x33c: {  	_ =	sdelay $0x2  }
0x33d: {  	s22 =	sadd.s32 $0x200, s22;
	s12 =	sadd.s32 s12, s11  }
0x33e: {  	[tilespmem:s2], [sflag:$0x1] =	stream.linear.gather [hbm4b:s12+s1], $0x80, $0x38;
	[tilespmem:$0xA2D0] =	vst v63  }
0x33f: {  	_ =	swait.ge [sflag:s25], $0x2000  }
0x340: {  	s22 =	simm.s32 $0x0;
	s12 =	simm.s32 $0x0;
	[sflag:s25] =	ssyncset.done $0x0  }
0x341: {  	s7 =	simm.s32 $0x10;
	s2 =	simm.s32 $0x0;
	[sflag:s25] =	ssyncadd.s32 $0xFFFFE000  }
.LBB2_60:
0x342: {  	p1 =	sne.s32 s7, $0x1FF0;
	v40 =	vld [tilespmem:s12+$0x0];
	_ =	sdelay $0x4  }
0x343: {  	v41 =	vadd.s32 $0x8, v40  }
0x344: {  	s12 =	sand.u32 $0x70, s22;
	s13 =	sand.u32 $0x7E00, s2;
	s22 =	smov.u32 s7  }
0x345: {  	s12 =	sor.u32 s12, s13;
	v42 =	vadd.s32 $0x10, v40  }
0x346: {  	v43 =	vld [tilespmem:s12+$0x2080]  }
0x347: {  	v45 =	vadd.s32 $0x18, v40;
	v44 =	vld.idx.msk [tilespmem:v40+s30+$0x0], $0xffff  }
0x348: {  	v41 =	vld.idx.msk [tilespmem:v41+s30+$0x0], $0xffff  }
0x349: {  	v46 =	vld [tilespmem:s12+$0x2000]  }
0x34a: {  	v42 =	vld.idx.msk [tilespmem:v42+s30+$0x0], $0xffff  }
0x34b: {  	v47 =	vld [tilespmem:s12+$0x2100]  }
0x34c: {  	v45 =	vld.idx.msk [tilespmem:v45+s30+$0x0], $0xffff  }
0x34d: {  	v48 =	vld [tilespmem:s12+$0x2180]  }
0x34e: {  	v41 =	vsub.f32 v43, v41;
	v44 =	vsub.f32 v46, v44;
	_ =	sdelay $0x1  }
0x34f: {  	v41 =	vmul.f32 v41, v41;
	v43 =	vmul.f32 v44, v44;
	v42 =	vsub.f32 v47, v42;
	_ =	sdelay $0x1  }
0x350: {  	v41 =	vadd.f32 v41, v43;
	v42 =	vmul.f32 v42, v42;
	v43 =	vsub.f32 v48, v45;
	_ =	sdelay $0x1  }
0x351: {  	v41 =	vadd.f32 v42, v41;
	v42 =	vmul.f32 v43, v43;
	_ =	sdelay $0x1  }
0x352: {  	v41 =	vadd.f32 v42, v41;
	_ =	sdelay $0x1  }
0x353: {  	v41 =	vmax.f32 v41, $1.000000000e-30  }
0x354: {  	v42 =	vshrl.u32 v41, $0x1;
	v43 =	vmul.f32 $5.000000000e-01, v41  }
0x355: {  	v42 =	vsub.s32 $0x5F3759DF, v42  }
0x356: {  	v44 =	vmul.f32 v42, v43;
	_ =	sdelay $0x1  }
0x357: {  	v44 =	vmul.f32 v42, v44;
	_ =	sdelay $0x1  }
0x358: {  	v44 =	vsub.f32 $1.500000000e+00, v44;
	_ =	sdelay $0x1  }
0x359: {  	v42 =	vmul.f32 v42, v44;
	_ =	sdelay $0x1  }
0x35a: {  	v44 =	vmul.f32 v42, v43;
	_ =	sdelay $0x1  }
0x35b: {  	v44 =	vmul.f32 v44, v42;
	_ =	sdelay $0x1  }
0x35c: {  	v44 =	vsub.f32 $1.500000000e+00, v44;
	_ =	sdelay $0x1  }
0x35d: {  	v42 =	vmul.f32 v44, v42;
	_ =	sdelay $0x1  }
0x35e: {  	v43 =	vmul.f32 v42, v43;
	_ =	sdelay $0x1  }
0x35f: {  	v43 =	vmul.f32 v43, v42;
	_ =	sdelay $0x1  }
0x360: {  	v43 =	vsub.f32 $1.500000000e+00, v43;
	_ =	sdelay $0x1  }
.Ltmp31:
0x361: {  	v42 =	vmul.f32 v43, v42;
	(pc) =	sbr.rel @p1 .LBB2_60-.Ltmp31, $4  }
0x362: {  	_ = 	snop  }
0x363: {  	v41 =	vmul.f32 v42, v41  }
0x364: {  	s2 =	sadd.s32 $0x40, s2  }
0x365: {  	s7 =	sadd.s32 $0x10, s7;
	s12 =	sshra.s32 s2, $0x2;
	[tilespmem:v40+s31+$0x0] =	vst.idx.add.f32.msk $0xffff, v41  }
0x366: {  	v40 =	vld [tilespmem:s12+$0x0];
	_ =	sdelay $0x4  }
0x367: {  	s7 =	sand.u32 $0x70, s22;
	s2 =	sand.u32 $0x7E00, s2;
	v41 =	vadd.s32 $0x8, v40  }
0x368: {  	s2 =	sor.u32 s7, s2  }
0x369: {  	v43 =	vld [tilespmem:s2+$0x2080];
	v42 =	vadd.s32 $0x10, v40  }
0x36a: {  	v46 =	vld [tilespmem:s2+$0x2000]  }
0x36b: {  	v45 =	vadd.s32 $0x18, v40;
	v44 =	vld.idx.msk [tilespmem:v40+s30+$0x0], $0xffff  }
0x36c: {  	v41 =	vld.idx.msk [tilespmem:v41+s30+$0x0], $0xffff  }
0x36d: {  	v47 =	vld [tilespmem:s2+$0x2100]  }
0x36e: {  	v42 =	vld.idx.msk [tilespmem:v42+s30+$0x0], $0xffff  }
0x36f: {  	v48 =	vld [tilespmem:s2+$0x2180]  }
0x370: {  	v45 =	vld.idx.msk [tilespmem:v45+s30+$0x0], $0xffff  }
0x371: {  	v44 =	vsub.f32 v46, v44;
	v41 =	vsub.f32 v43, v41;
	_ =	sdelay $0x1  }
0x372: {  	v58 =	vmul.f32 v44, v44;
	v42 =	vsub.f32 v47, v42;
	v41 =	vmul.f32 v41, v41;
	_ =	sdelay $0x1  }
0x373: {  	v59 =	vsub.f32 v48, v45;
	v42 =	vmul.f32 v42, v42;
	v41 =	vadd.f32 v41, v58;
	_ =	sdelay $0x1  }
0x374: {  	v60 =	vmul.f32 v59, v59;
	v41 =	vadd.f32 v42, v41;
	_ =	sdelay $0x1  }
0x375: {  	v41 =	vadd.f32 v60, v41;
	_ =	sdelay $0x1  }
0x376: {  	v41 =	vmax.f32 v41, $1.000000000e-30  }
0x377: {  	v61 =	vshrl.u32 v41, $0x1;
	v62 =	vmul.f32 $5.000000000e-01, v41  }
0x378: {  	v42 =	vsub.s32 $0x5F3759DF, v61  }
0x379: {  	v63 =	vmul.f32 v42, v62;
	_ =	sdelay $0x1  }
0x37a: {  	v44 =	vmul.f32 v42, v63;
	_ =	sdelay $0x1  }
0x37b: {  	v44 =	vsub.f32 $1.500000000e+00, v44;
	_ =	sdelay $0x1  }
0x37c: {  	v42 =	vmul.f32 v42, v44;
	_ =	sdelay $0x1  }
0x37d: {  	v44 =	vmul.f32 v42, v62;
	_ =	sdelay $0x1  }
0x37e: {  	v44 =	vmul.f32 v44, v42;
	_ =	sdelay $0x1  }
0x37f: {  	v44 =	vsub.f32 $1.500000000e+00, v44;
	_ =	sdelay $0x1  }
0x380: {  	v42 =	vmul.f32 v44, v42;
	_ =	sdelay $0x1  }
0x381: {  	v43 =	vmul.f32 v42, v62;
	_ =	sdelay $0x1  }
0x382: {  	v43 =	vmul.f32 v43, v42;
	_ =	sdelay $0x1  }
0x383: {  	v43 =	vsub.f32 $1.500000000e+00, v43;
	_ =	sdelay $0x1  }
0x384: {  	v42 =	vmul.f32 v43, v42;
	_ =	sdelay $0x1  }
0x385: {  	v41 =	vmul.f32 v42, v41;
	_ =	sdelay $0x1  }
0x386: {  	s22 =	simm.s32 $0x0;
	s29 =	rddreg [dreg:$0x6];
	[tilespmem:v40+s31+$0x0] =	vst.idx.add.f32.msk $0xffff, v41  }
0x387: {  	[tilespmem:s22], [sflag:$0x1] =	stream.strided.gather [hbm4b:s29+s23], $0x2000, s24, s23, $0x38;
	[tilespmem:$0xA2D0] =	vst v63  }
0x388: {  	_ =	swait.ge [sflag:s25], $0x2000  }
0x389: {  	s12 =	sadd.s32 $0x0, s14;
	s7 =	simm.s32 $0x40;
	[sflag:s25] =	ssyncset.done $0x0  }
0x38a: {  	s2 =	simm.s32 $0x2000;
	s22 =	simm.s32 $0x2200;
	[sflag:s25] =	ssyncadd.s32 $0xFFFFE000  }
.LBB2_62:
0x38b: {  	[tilespmem:s2], [sflag:$0x1] =	stream.linear.gather [hbm4b:s12+s1], $0x80, $0x38;
	[tilespmem:$0xA2D0] =	vst v63  }
0x38c: {  	s12 =	smov.u32 s7;
	s2 =	smov.u32 s22;
	p1 =	sne.s32 s7, $0xFC0  }
.Ltmp32:
0x38d: {  	s7 =	sadd.s32 $0x40, s7;
	(pc) =	sbr.rel @p1 .LBB2_62-.Ltmp32, $2  }
0x38e: {  	_ =	sdelay $0x2  }
0x38f: {  	s22 =	sadd.s32 $0x200, s22;
	s12 =	sadd.s32 s12, s14  }
0x390: {  	[tilespmem:s2], [sflag:$0x1] =	stream.linear.gather [hbm4b:s12+s1], $0x80, $0x38;
	[tilespmem:$0xA2D0] =	vst v63  }
0x391: {  	_ =	swait.ge [sflag:s25], $0x2000  }
0x392: {  	s2 =	simm.s32 $0x2080;
	s7 =	simm.s32 $0x40;
	[sflag:s25] =	ssyncset.done $0x0  }
0x393: {  	s12 =	sadd.s32 $0x0, s15;
	s22 =	simm.s32 $0x2280;
	[sflag:s25] =	ssyncadd.s32 $0xFFFFE000  }
.LBB2_64:
0x394: {  	[tilespmem:s2], [sflag:$0x1] =	stream.linear.gather [hbm4b:s12+s1], $0x80, $0x38;
	[tilespmem:$0xA2D0] =	vst v63  }
0x395: {  	s12 =	smov.u32 s7;
	s2 =	smov.u32 s22;
	p1 =	sne.s32 s7, $0xFC0  }
.Ltmp33:
0x396: {  	s7 =	sadd.s32 $0x40, s7;
	(pc) =	sbr.rel @p1 .LBB2_64-.Ltmp33, $2  }
0x397: {  	_ =	sdelay $0x2  }
0x398: {  	s22 =	sadd.s32 $0x200, s22;
	s12 =	sadd.s32 s12, s15  }
0x399: {  	[tilespmem:s2], [sflag:$0x1] =	stream.linear.gather [hbm4b:s12+s1], $0x80, $0x38;
	[tilespmem:$0xA2D0] =	vst v63  }
0x39a: {  	_ =	swait.ge [sflag:s25], $0x2000  }
0x39b: {  	s2 =	simm.s32 $0x2100;
	s7 =	simm.s32 $0x40;
	[sflag:s25] =	ssyncset.done $0x0  }
0x39c: {  	s12 =	sadd.s32 $0x0, s16;
	s22 =	simm.s32 $0x2300;
	[sflag:s25] =	ssyncadd.s32 $0xFFFFE000  }
.LBB2_66:
0x39d: {  	[tilespmem:s2], [sflag:$0x1] =	stream.linear.gather [hbm4b:s12+s1], $0x80, $0x38;
	[tilespmem:$0xA2D0] =	vst v63  }
0x39e: {  	s12 =	smov.u32 s7;
	s2 =	smov.u32 s22;
	p1 =	sne.s32 s7, $0xFC0  }
.Ltmp34:
0x39f: {  	s7 =	sadd.s32 $0x40, s7;
	(pc) =	sbr.rel @p1 .LBB2_66-.Ltmp34, $2  }
0x3a0: {  	_ =	sdelay $0x2  }
0x3a1: {  	s22 =	sadd.s32 $0x200, s22;
	s12 =	sadd.s32 s12, s16  }
0x3a2: {  	[tilespmem:s2], [sflag:$0x1] =	stream.linear.gather [hbm4b:s12+s1], $0x80, $0x38;
	[tilespmem:$0xA2D0] =	vst v63  }
0x3a3: {  	_ =	swait.ge [sflag:s25], $0x2000  }
0x3a4: {  	s2 =	simm.s32 $0x2180;
	s7 =	simm.s32 $0x40;
	[sflag:s25] =	ssyncset.done $0x0  }
0x3a5: {  	s12 =	sadd.s32 $0x0, s17;
	s22 =	simm.s32 $0x2380;
	[sflag:s25] =	ssyncadd.s32 $0xFFFFE000  }
.LBB2_68:
0x3a6: {  	[tilespmem:s2], [sflag:$0x1] =	stream.linear.gather [hbm4b:s12+s1], $0x80, $0x38;
	[tilespmem:$0xA2D0] =	vst v63  }
0x3a7: {  	s12 =	smov.u32 s7;
	s2 =	smov.u32 s22;
	p1 =	sne.s32 s7, $0xFC0  }
.Ltmp35:
0x3a8: {  	s7 =	sadd.s32 $0x40, s7;
	(pc) =	sbr.rel @p1 .LBB2_68-.Ltmp35, $2  }
0x3a9: {  	_ =	sdelay $0x2  }
0x3aa: {  	s22 =	sadd.s32 $0x200, s22;
	s12 =	sadd.s32 s12, s17  }
0x3ab: {  	[tilespmem:s2], [sflag:$0x1] =	stream.linear.gather [hbm4b:s12+s1], $0x80, $0x38;
	[tilespmem:$0xA2D0] =	vst v63  }
0x3ac: {  	_ =	swait.ge [sflag:s25], $0x2000  }
0x3ad: {  	s22 =	simm.s32 $0x0;
	s12 =	simm.s32 $0x0;
	[sflag:s25] =	ssyncset.done $0x0  }
0x3ae: {  	s7 =	simm.s32 $0x10;
	s2 =	simm.s32 $0x0;
	[sflag:s25] =	ssyncadd.s32 $0xFFFFE000  }
.LBB2_70:
0x3af: {  	p1 =	sne.s32 s7, $0x1FF0;
	v40 =	vld [tilespmem:s12+$0x0];
	_ =	sdelay $0x4  }
0x3b0: {  	v41 =	vadd.s32 $0x8, v40  }
0x3b1: {  	s12 =	sand.u32 $0x70, s22;
	s13 =	sand.u32 $0x7E00, s2;
	s22 =	smov.u32 s7  }
0x3b2: {  	s12 =	sor.u32 s12, s13;
	v42 =	vadd.s32 $0x10, v40  }
0x3b3: {  	v43 =	vld [tilespmem:s12+$0x2080]  }
0x3b4: {  	v45 =	vadd.s32 $0x18, v40;
	v44 =	vld.idx.msk [tilespmem:v40+s30+$0x0], $0xffff  }
0x3b5: {  	v41 =	vld.idx.msk [tilespmem:v41+s30+$0x0], $0xffff  }
0x3b6: {  	v46 =	vld [tilespmem:s12+$0x2000]  }
0x3b7: {  	v42 =	vld.idx.msk [tilespmem:v42+s30+$0x0], $0xffff  }
0x3b8: {  	v47 =	vld [tilespmem:s12+$0x2100]  }
0x3b9: {  	v45 =	vld.idx.msk [tilespmem:v45+s30+$0x0], $0xffff  }
0x3ba: {  	v48 =	vld [tilespmem:s12+$0x2180]  }
0x3bb: {  	v41 =	vsub.f32 v43, v41;
	v44 =	vsub.f32 v46, v44;
	_ =	sdelay $0x1  }
0x3bc: {  	v41 =	vmul.f32 v41, v41;
	v43 =	vmul.f32 v44, v44;
	v42 =	vsub.f32 v47, v42;
	_ =	sdelay $0x1  }
0x3bd: {  	v41 =	vadd.f32 v41, v43;
	v42 =	vmul.f32 v42, v42;
	v43 =	vsub.f32 v48, v45;
	_ =	sdelay $0x1  }
0x3be: {  	v41 =	vadd.f32 v42, v41;
	v42 =	vmul.f32 v43, v43;
	_ =	sdelay $0x1  }
0x3bf: {  	v41 =	vadd.f32 v42, v41;
	_ =	sdelay $0x1  }
0x3c0: {  	v41 =	vmax.f32 v41, $1.000000000e-30  }
0x3c1: {  	v42 =	vshrl.u32 v41, $0x1;
	v43 =	vmul.f32 $5.000000000e-01, v41  }
0x3c2: {  	v42 =	vsub.s32 $0x5F3759DF, v42  }
0x3c3: {  	v44 =	vmul.f32 v42, v43;
	_ =	sdelay $0x1  }
0x3c4: {  	v44 =	vmul.f32 v42, v44;
	_ =	sdelay $0x1  }
0x3c5: {  	v44 =	vsub.f32 $1.500000000e+00, v44;
	_ =	sdelay $0x1  }
0x3c6: {  	v42 =	vmul.f32 v42, v44;
	_ =	sdelay $0x1  }
0x3c7: {  	v44 =	vmul.f32 v42, v43;
	_ =	sdelay $0x1  }
0x3c8: {  	v44 =	vmul.f32 v44, v42;
	_ =	sdelay $0x1  }
0x3c9: {  	v44 =	vsub.f32 $1.500000000e+00, v44;
	_ =	sdelay $0x1  }
0x3ca: {  	v42 =	vmul.f32 v44, v42;
	_ =	sdelay $0x1  }
0x3cb: {  	v43 =	vmul.f32 v42, v43;
	_ =	sdelay $0x1  }
0x3cc: {  	v43 =	vmul.f32 v43, v42;
	_ =	sdelay $0x1  }
0x3cd: {  	v43 =	vsub.f32 $1.500000000e+00, v43;
	_ =	sdelay $0x1  }
.Ltmp36:
0x3ce: {  	v42 =	vmul.f32 v43, v42;
	(pc) =	sbr.rel @p1 .LBB2_70-.Ltmp36, $4  }
0x3cf: {  	_ = 	snop  }
0x3d0: {  	v41 =	vmul.f32 v42, v41  }
0x3d1: {  	s2 =	sadd.s32 $0x40, s2  }
0x3d2: {  	s7 =	sadd.s32 $0x10, s7;
	s12 =	sshra.s32 s2, $0x2;
	[tilespmem:v40+s31+$0x0] =	vst.idx.add.f32.msk $0xffff, v41  }
0x3d3: {  	v40 =	vld [tilespmem:s12+$0x0];
	_ =	sdelay $0x4  }
0x3d4: {  	s7 =	sand.u32 $0x70, s22;
	s2 =	sand.u32 $0x7E00, s2;
	v41 =	vadd.s32 $0x8, v40  }
0x3d5: {  	s2 =	sor.u32 s7, s2  }
0x3d6: {  	v43 =	vld [tilespmem:s2+$0x2080];
	v42 =	vadd.s32 $0x10, v40  }
0x3d7: {  	v46 =	vld [tilespmem:s2+$0x2000]  }
0x3d8: {  	v45 =	vadd.s32 $0x18, v40;
	v44 =	vld.idx.msk [tilespmem:v40+s30+$0x0], $0xffff  }
0x3d9: {  	v41 =	vld.idx.msk [tilespmem:v41+s30+$0x0], $0xffff  }
0x3da: {  	v47 =	vld [tilespmem:s2+$0x2100]  }
0x3db: {  	v42 =	vld.idx.msk [tilespmem:v42+s30+$0x0], $0xffff  }
0x3dc: {  	v48 =	vld [tilespmem:s2+$0x2180]  }
0x3dd: {  	v45 =	vld.idx.msk [tilespmem:v45+s30+$0x0], $0xffff  }
0x3de: {  	v44 =	vsub.f32 v46, v44;
	v41 =	vsub.f32 v43, v41;
	_ =	sdelay $0x1  }
0x3df: {  	v58 =	vmul.f32 v44, v44;
	v42 =	vsub.f32 v47, v42;
	v41 =	vmul.f32 v41, v41;
	_ =	sdelay $0x1  }
0x3e0: {  	v59 =	vsub.f32 v48, v45;
	v42 =	vmul.f32 v42, v42;
	v41 =	vadd.f32 v41, v58;
	_ =	sdelay $0x1  }
0x3e1: {  	v60 =	vmul.f32 v59, v59;
	v41 =	vadd.f32 v42, v41;
	_ =	sdelay $0x1  }
0x3e2: {  	v41 =	vadd.f32 v60, v41;
	_ =	sdelay $0x1  }
0x3e3: {  	v41 =	vmax.f32 v41, $1.000000000e-30  }
0x3e4: {  	v61 =	vshrl.u32 v41, $0x1;
	v62 =	vmul.f32 $5.000000000e-01, v41  }
0x3e5: {  	v42 =	vsub.s32 $0x5F3759DF, v61  }
0x3e6: {  	v63 =	vmul.f32 v42, v62;
	_ =	sdelay $0x1  }
0x3e7: {  	v44 =	vmul.f32 v42, v63;
	_ =	sdelay $0x1  }
0x3e8: {  	v44 =	vsub.f32 $1.500000000e+00, v44;
	_ =	sdelay $0x1  }
0x3e9: {  	v42 =	vmul.f32 v42, v44;
	_ =	sdelay $0x1  }
0x3ea: {  	v44 =	vmul.f32 v42, v62;
	_ =	sdelay $0x1  }
0x3eb: {  	v44 =	vmul.f32 v44, v42;
	_ =	sdelay $0x1  }
0x3ec: {  	v44 =	vsub.f32 $1.500000000e+00, v44;
	_ =	sdelay $0x1  }
0x3ed: {  	v42 =	vmul.f32 v44, v42;
	_ =	sdelay $0x1  }
0x3ee: {  	v43 =	vmul.f32 v42, v62;
	_ =	sdelay $0x1  }
0x3ef: {  	v43 =	vmul.f32 v43, v42;
	_ =	sdelay $0x1  }
0x3f0: {  	v43 =	vsub.f32 $1.500000000e+00, v43;
	_ =	sdelay $0x1  }
0x3f1: {  	v42 =	vmul.f32 v43, v42;
	_ =	sdelay $0x1  }
0x3f2: {  	v41 =	vmul.f32 v42, v41;
	_ =	sdelay $0x1  }
0x3f3: {  	s22 =	simm.s32 $0x0;
	s29 =	rddreg [dreg:$0x7];
	[tilespmem:v40+s31+$0x0] =	vst.idx.add.f32.msk $0xffff, v41  }
0x3f4: {  	[tilespmem:s22], [sflag:$0x1] =	stream.strided.gather [hbm4b:s29+s23], $0x2000, s24, s23, $0x38;
	[tilespmem:$0xA2D0] =	vst v63  }
0x3f5: {  	_ =	swait.ge [sflag:s25], $0x2000  }
0x3f6: {  	s12 =	sadd.s32 $0x0, s18;
	s7 =	simm.s32 $0x40;
	[sflag:s25] =	ssyncset.done $0x0  }
0x3f7: {  	s2 =	simm.s32 $0x2000;
	s22 =	simm.s32 $0x2200;
	[sflag:s25] =	ssyncadd.s32 $0xFFFFE000  }
.LBB2_72:
0x3f8: {  	[tilespmem:s2], [sflag:$0x1] =	stream.linear.gather [hbm4b:s12+s1], $0x80, $0x38;
	[tilespmem:$0xA2D0] =	vst v63  }
0x3f9: {  	s12 =	smov.u32 s7;
	s2 =	smov.u32 s22;
	p1 =	sne.s32 s7, $0xFC0  }
.Ltmp37:
0x3fa: {  	s7 =	sadd.s32 $0x40, s7;
	(pc) =	sbr.rel @p1 .LBB2_72-.Ltmp37, $2  }
0x3fb: {  	_ =	sdelay $0x2  }
0x3fc: {  	s22 =	sadd.s32 $0x200, s22;
	s12 =	sadd.s32 s12, s18  }
0x3fd: {  	[tilespmem:s2], [sflag:$0x1] =	stream.linear.gather [hbm4b:s12+s1], $0x80, $0x38;
	[tilespmem:$0xA2D0] =	vst v63  }
0x3fe: {  	_ =	swait.ge [sflag:s25], $0x2000  }
0x3ff: {  	s2 =	simm.s32 $0x2080;
	s7 =	simm.s32 $0x40;
	[sflag:s25] =	ssyncset.done $0x0  }
0x400: {  	s12 =	sadd.s32 $0x0, s19;
	s22 =	simm.s32 $0x2280;
	[sflag:s25] =	ssyncadd.s32 $0xFFFFE000  }
.LBB2_74:
0x401: {  	[tilespmem:s2], [sflag:$0x1] =	stream.linear.gather [hbm4b:s12+s1], $0x80, $0x38;
	[tilespmem:$0xA2D0] =	vst v63  }
0x402: {  	s12 =	smov.u32 s7;
	s2 =	smov.u32 s22;
	p1 =	sne.s32 s7, $0xFC0  }
.Ltmp38:
0x403: {  	s7 =	sadd.s32 $0x40, s7;
	(pc) =	sbr.rel @p1 .LBB2_74-.Ltmp38, $2  }
0x404: {  	_ =	sdelay $0x2  }
0x405: {  	s22 =	sadd.s32 $0x200, s22;
	s12 =	sadd.s32 s12, s19  }
0x406: {  	[tilespmem:s2], [sflag:$0x1] =	stream.linear.gather [hbm4b:s12+s1], $0x80, $0x38;
	[tilespmem:$0xA2D0] =	vst v63  }
0x407: {  	_ =	swait.ge [sflag:s25], $0x2000  }
0x408: {  	s2 =	simm.s32 $0x2100;
	s7 =	simm.s32 $0x40;
	[sflag:s25] =	ssyncset.done $0x0  }
0x409: {  	s12 =	sadd.s32 $0x0, s20;
	s22 =	simm.s32 $0x2300;
	[sflag:s25] =	ssyncadd.s32 $0xFFFFE000  }
.LBB2_76:
0x40a: {  	[tilespmem:s2], [sflag:$0x1] =	stream.linear.gather [hbm4b:s12+s1], $0x80, $0x38;
	[tilespmem:$0xA2D0] =	vst v63  }
0x40b: {  	s12 =	smov.u32 s7;
	s2 =	smov.u32 s22;
	p1 =	sne.s32 s7, $0xFC0  }
.Ltmp39:
0x40c: {  	s7 =	sadd.s32 $0x40, s7;
	(pc) =	sbr.rel @p1 .LBB2_76-.Ltmp39, $2  }
0x40d: {  	_ =	sdelay $0x2  }
0x40e: {  	s22 =	sadd.s32 $0x200, s22;
	s12 =	sadd.s32 s12, s20  }
0x40f: {  	[tilespmem:s2], [sflag:$0x1] =	stream.linear.gather [hbm4b:s12+s1], $0x80, $0x38;
	[tilespmem:$0xA2D0] =	vst v63  }
0x410: {  	_ =	swait.ge [sflag:s25], $0x2000  }
0x411: {  	s2 =	simm.s32 $0x2180;
	s7 =	simm.s32 $0x40;
	[sflag:s25] =	ssyncset.done $0x0  }
0x412: {  	s12 =	sadd.s32 $0x0, s21;
	s22 =	simm.s32 $0x2380;
	[sflag:s25] =	ssyncadd.s32 $0xFFFFE000  }
.LBB2_78:
0x413: {  	[tilespmem:s2], [sflag:$0x1] =	stream.linear.gather [hbm4b:s12+s1], $0x80, $0x38;
	[tilespmem:$0xA2D0] =	vst v63  }
0x414: {  	s12 =	smov.u32 s7;
	s2 =	smov.u32 s22;
	p1 =	sne.s32 s7, $0xFC0  }
.Ltmp40:
0x415: {  	s7 =	sadd.s32 $0x40, s7;
	(pc) =	sbr.rel @p1 .LBB2_78-.Ltmp40, $2  }
0x416: {  	_ =	sdelay $0x2  }
0x417: {  	s22 =	sadd.s32 $0x200, s22;
	s12 =	sadd.s32 s12, s21  }
0x418: {  	[tilespmem:s2], [sflag:$0x1] =	stream.linear.gather [hbm4b:s12+s1], $0x80, $0x38;
	[tilespmem:$0xA2D0] =	vst v63  }
0x419: {  	_ =	swait.ge [sflag:s25], $0x2000  }
0x41a: {  	s22 =	simm.s32 $0x0;
	s12 =	simm.s32 $0x0;
	[sflag:s25] =	ssyncset.done $0x0  }
0x41b: {  	s7 =	simm.s32 $0x10;
	s2 =	simm.s32 $0x0;
	[sflag:s25] =	ssyncadd.s32 $0xFFFFE000  }
.LBB2_80:
0x41c: {  	p1 =	sne.s32 s7, $0x1FF0;
	v40 =	vld [tilespmem:s12+$0x0];
	_ =	sdelay $0x4  }
0x41d: {  	v41 =	vadd.s32 $0x8, v40  }
0x41e: {  	s12 =	sand.u32 $0x70, s22;
	s13 =	sand.u32 $0x7E00, s2;
	s22 =	smov.u32 s7  }
0x41f: {  	s12 =	sor.u32 s12, s13;
	v42 =	vadd.s32 $0x10, v40  }
0x420: {  	v43 =	vld [tilespmem:s12+$0x2080]  }
0x421: {  	v45 =	vadd.s32 $0x18, v40;
	v44 =	vld.idx.msk [tilespmem:v40+s30+$0x0], $0xffff  }
0x422: {  	v41 =	vld.idx.msk [tilespmem:v41+s30+$0x0], $0xffff  }
0x423: {  	v46 =	vld [tilespmem:s12+$0x2000]  }
0x424: {  	v42 =	vld.idx.msk [tilespmem:v42+s30+$0x0], $0xffff  }
0x425: {  	v47 =	vld [tilespmem:s12+$0x2100]  }
0x426: {  	v45 =	vld.idx.msk [tilespmem:v45+s30+$0x0], $0xffff  }
0x427: {  	v48 =	vld [tilespmem:s12+$0x2180]  }
0x428: {  	v41 =	vsub.f32 v43, v41;
	v44 =	vsub.f32 v46, v44;
	_ =	sdelay $0x1  }
0x429: {  	v41 =	vmul.f32 v41, v41;
	v43 =	vmul.f32 v44, v44;
	v42 =	vsub.f32 v47, v42;
	_ =	sdelay $0x1  }
0x42a: {  	v41 =	vadd.f32 v41, v43;
	v42 =	vmul.f32 v42, v42;
	v43 =	vsub.f32 v48, v45;
	_ =	sdelay $0x1  }
0x42b: {  	v41 =	vadd.f32 v42, v41;
	v42 =	vmul.f32 v43, v43;
	_ =	sdelay $0x1  }
0x42c: {  	v41 =	vadd.f32 v42, v41;
	_ =	sdelay $0x1  }
0x42d: {  	v41 =	vmax.f32 v41, $1.000000000e-30  }
0x42e: {  	v42 =	vshrl.u32 v41, $0x1;
	v43 =	vmul.f32 $5.000000000e-01, v41  }
0x42f: {  	v42 =	vsub.s32 $0x5F3759DF, v42  }
0x430: {  	v44 =	vmul.f32 v42, v43;
	_ =	sdelay $0x1  }
0x431: {  	v44 =	vmul.f32 v42, v44;
	_ =	sdelay $0x1  }
0x432: {  	v44 =	vsub.f32 $1.500000000e+00, v44;
	_ =	sdelay $0x1  }
0x433: {  	v42 =	vmul.f32 v42, v44;
	_ =	sdelay $0x1  }
0x434: {  	v44 =	vmul.f32 v42, v43;
	_ =	sdelay $0x1  }
0x435: {  	v44 =	vmul.f32 v44, v42;
	_ =	sdelay $0x1  }
0x436: {  	v44 =	vsub.f32 $1.500000000e+00, v44;
	_ =	sdelay $0x1  }
0x437: {  	v42 =	vmul.f32 v44, v42;
	_ =	sdelay $0x1  }
0x438: {  	v43 =	vmul.f32 v42, v43;
	_ =	sdelay $0x1  }
0x439: {  	v43 =	vmul.f32 v43, v42;
	_ =	sdelay $0x1  }
0x43a: {  	v43 =	vsub.f32 $1.500000000e+00, v43;
	_ =	sdelay $0x1  }
.Ltmp41:
0x43b: {  	v42 =	vmul.f32 v43, v42;
	(pc) =	sbr.rel @p1 .LBB2_80-.Ltmp41, $4  }
0x43c: {  	_ = 	snop  }
0x43d: {  	v41 =	vmul.f32 v42, v41  }
0x43e: {  	s2 =	sadd.s32 $0x40, s2  }
0x43f: {  	s7 =	sadd.s32 $0x10, s7;
	s12 =	sshra.s32 s2, $0x2;
	[tilespmem:v40+s31+$0x0] =	vst.idx.add.f32.msk $0xffff, v41  }
0x440: {  	v40 =	vld [tilespmem:s12+$0x0];
	_ =	sdelay $0x4  }
0x441: {  	s7 =	sand.u32 $0x70, s22;
	s2 =	sand.u32 $0x7E00, s2;
	v41 =	vadd.s32 $0x8, v40  }
0x442: {  	s2 =	sor.u32 s7, s2  }
0x443: {  	v43 =	vld [tilespmem:s2+$0x2080];
	v42 =	vadd.s32 $0x10, v40  }
0x444: {  	v46 =	vld [tilespmem:s2+$0x2000]  }
0x445: {  	v45 =	vadd.s32 $0x18, v40;
	v44 =	vld.idx.msk [tilespmem:v40+s30+$0x0], $0xffff  }
0x446: {  	v41 =	vld.idx.msk [tilespmem:v41+s30+$0x0], $0xffff  }
0x447: {  	v47 =	vld [tilespmem:s2+$0x2100]  }
0x448: {  	v42 =	vld.idx.msk [tilespmem:v42+s30+$0x0], $0xffff  }
0x449: {  	v48 =	vld [tilespmem:s2+$0x2180]  }
0x44a: {  	v45 =	vld.idx.msk [tilespmem:v45+s30+$0x0], $0xffff  }
0x44b: {  	v44 =	vsub.f32 v46, v44;
	v41 =	vsub.f32 v43, v41;
	_ =	sdelay $0x1  }
0x44c: {  	v58 =	vmul.f32 v44, v44;
	v42 =	vsub.f32 v47, v42;
	v41 =	vmul.f32 v41, v41;
	_ =	sdelay $0x1  }
0x44d: {  	v59 =	vsub.f32 v48, v45;
	v42 =	vmul.f32 v42, v42;
	v41 =	vadd.f32 v41, v58;
	_ =	sdelay $0x1  }
0x44e: {  	v60 =	vmul.f32 v59, v59;
	v41 =	vadd.f32 v42, v41;
	_ =	sdelay $0x1  }
0x44f: {  	v41 =	vadd.f32 v60, v41;
	_ =	sdelay $0x1  }
0x450: {  	v41 =	vmax.f32 v41, $1.000000000e-30  }
0x451: {  	v61 =	vshrl.u32 v41, $0x1;
	v62 =	vmul.f32 $5.000000000e-01, v41  }
0x452: {  	v42 =	vsub.s32 $0x5F3759DF, v61  }
0x453: {  	v63 =	vmul.f32 v42, v62;
	_ =	sdelay $0x1  }
0x454: {  	v44 =	vmul.f32 v42, v63;
	_ =	sdelay $0x1  }
0x455: {  	v44 =	vsub.f32 $1.500000000e+00, v44;
	_ =	sdelay $0x1  }
0x456: {  	v42 =	vmul.f32 v42, v44;
	_ =	sdelay $0x1  }
0x457: {  	v44 =	vmul.f32 v42, v62;
	_ =	sdelay $0x1  }
0x458: {  	v44 =	vmul.f32 v44, v42;
	_ =	sdelay $0x1  }
0x459: {  	v44 =	vsub.f32 $1.500000000e+00, v44;
	_ =	sdelay $0x1  }
0x45a: {  	v42 =	vmul.f32 v44, v42;
	_ =	sdelay $0x1  }
0x45b: {  	v43 =	vmul.f32 v42, v62;
	_ =	sdelay $0x1  }
0x45c: {  	v43 =	vmul.f32 v43, v42;
	_ =	sdelay $0x1  }
0x45d: {  	v43 =	vsub.f32 $1.500000000e+00, v43;
	_ =	sdelay $0x1  }
0x45e: {  	v42 =	vmul.f32 v43, v42;
	_ =	sdelay $0x1  }
0x45f: {  	v41 =	vmul.f32 v42, v41;
	_ =	sdelay $0x1  }
0x460: {  	s29 =	rddreg [dreg:$0x11];
	[tilespmem:v40+s31+$0x0] =	vst.idx.add.f32.msk $0xffff, v41  }
0x461: {  	[spmem:s29] =	stream.linear.scatter [tilespmem:s31], [sflag:$0x1], $0x80, $0x38;
	[tilespmem:$0xA2D0] =	vst v63  }
.Ltmp42:
0x462: {  	_ =	swait.ge [sflag:s25], $0x80;
	(pc) =	sbr.rel @p0 .LBB2_83-.Ltmp42, $3  }
0x463: {  	[sflag:s25] =	ssyncset.done $0x0  }
0x464: {  	[sflag:s25] =	ssyncadd.s32 $0xFFFFFF80  }
0x465: {  	[bflag:$0x0] =	sbarrier.arrive $0xFFFF;
	_ =	sdelay $0x1  }
0x466: {  	s2 =	rddreg [dreg:$0x12]  }
0x467: {  	[tilespmem:s31], [sflag:$0x1] =	stream.linear.gather [spmem:s2], $0x80, $0x38;
	[tilespmem:$0xA2D0] =	vst v63  }
0x468: {  	_ =	swait.ge [sflag:s25], $0x80  }
0x469: {  	[sflag:s25] =	ssyncset.done $0x0  }
0x46a: {  	s12 =	rddreg [dreg:$0x13];
	[sflag:s25] =	ssyncadd.s32 $0xFFFFFF80  }
0x46b: {  	v40 =	vld [tilespmem:$0xA080];
	[tilespmem:s31], [sflag:$0x1] =	stream.linear.gather [spmem:s12], $0x80, $0x38  }
0x46c: {  	_ =	swait.ge [sflag:s25], $0x80  }
0x46d: {  	[sflag:s25] =	ssyncset.done $0x0  }
0x46e: {  	s13 =	rddreg [dreg:$0x14];
	[sflag:s25] =	ssyncadd.s32 $0xFFFFFF80  }
0x46f: {  	v45 =	vld [tilespmem:$0xA080];
	[tilespmem:s31], [sflag:$0x1] =	stream.linear.gather [spmem:s13], $0x80, $0x38  }
0x470: {  	_ =	swait.ge [sflag:s25], $0x80  }
0x471: {  	[sflag:s25] =	ssyncset.done $0x0  }
0x472: {  	s22 =	rddreg [dreg:$0x15];
	[sflag:s25] =	ssyncadd.s32 $0xFFFFFF80  }
0x473: {  	v46 =	vld [tilespmem:$0xA080];
	[tilespmem:s31], [sflag:$0x1] =	stream.linear.gather [spmem:s22], $0x80, $0x38  }
0x474: {  	_ =	swait.ge [sflag:s25], $0x80  }
0x475: {  	[sflag:s25] =	ssyncset.done $0x0  }
0x476: {  	s29 =	rddreg [dreg:$0x16];
	[sflag:s25] =	ssyncadd.s32 $0xFFFFFF80  }
0x477: {  	v47 =	vld [tilespmem:$0xA080];
	[tilespmem:s31], [sflag:$0x1] =	stream.linear.gather [spmem:s29], $0x80, $0x38  }
0x478: {  	_ =	swait.ge [sflag:s25], $0x80  }
0x479: {  	[sflag:s25] =	ssyncset.done $0x0  }
0x47a: {  	s7 =	rddreg [dreg:$0x17];
	[sflag:s25] =	ssyncadd.s32 $0xFFFFFF80  }
0x47b: {  	v48 =	vld [tilespmem:$0xA080];
	[tilespmem:s31], [sflag:$0x1] =	stream.linear.gather [spmem:s7], $0x80, $0x38  }
0x47c: {  	_ =	swait.ge [sflag:s25], $0x80  }
0x47d: {  	[sflag:s25] =	ssyncset.done $0x0  }
0x47e: {  	s12 =	rddreg [dreg:$0x18];
	[sflag:s25] =	ssyncadd.s32 $0xFFFFFF80  }
0x47f: {  	v49 =	vld [tilespmem:$0xA080];
	[tilespmem:s31], [sflag:$0x1] =	stream.linear.gather [spmem:s12], $0x80, $0x38  }
0x480: {  	_ =	swait.ge [sflag:s25], $0x80  }
0x481: {  	[sflag:s25] =	ssyncset.done $0x0  }
0x482: {  	s13 =	rddreg [dreg:$0x19];
	[sflag:s25] =	ssyncadd.s32 $0xFFFFFF80  }
0x483: {  	v50 =	vld [tilespmem:$0xA080];
	[tilespmem:s31], [sflag:$0x1] =	stream.linear.gather [spmem:s13], $0x80, $0x38  }
0x484: {  	_ =	swait.ge [sflag:s25], $0x80  }
0x485: {  	v0 =	vld [tilespmem:$0x1FFE0];
	_ =	sdelay $0x5  }
0x486: {  	[sflag:s25] =	ssyncset.done $0x0  }
0x487: {  	[sflag:s25] =	ssyncadd.s32 $0xFFFFFF80  }
0x488: {  	v52 =	vld.idx.msk [tilespmem:v0+s30+$0x0], $0xffff;
	v0 =	vlaneseq.u32  }
0x489: {  	v60 =	vor.u32 $0x18, v0;
	v0 =	vld [tilespmem:$0x1FFF0];
	_ =	sdelay $0x1  }
0x48a: {  	v41 =	vor.u32 $0x8, v2;
	_ =	sdelay $0x3  }
0x48b: {  	v43 =	vsel vm2, v8, v7;
	v42 =	vld.idx.msk [tilespmem:v2+s30+$0x0], $0xffff  }
0x48c: {  	v44 =	vor.u32 $0x10, v2;
	v53 =	vsel vm2, v10, v9;
	v51 =	vcombine.low v43, v43;
	v43 =	vld.idx.msk [tilespmem:v41+s30+$0x0], $0xffff  }
0x48d: {  	v53 =	vcombine.low v53, v53;
	v54 =	vld.idx.msk [tilespmem:v0+s30+$0x0], $0xffff;
	_ =	sdelay $0x3  }
0x48e: {  	v44 =	vld.idx.msk [tilespmem:v44+s30+$0x0], $0xffff  }
0x48f: {  	v51 =	vld.idx.msk [tilespmem:v51+s30+$0x0], $0xffff;
	v52 =	vsub.f32 v42, v52;
	v54 =	vsub.f32 v43, v54  }
0x490: {  	v53 =	vld.idx.msk [tilespmem:v53+s30+$0x0], $0xffff  }
0x491: {  	v63 =	vld.idx.msk [tilespmem:v13+s30+$0x0], $0xffff;
	v52 =	vmul.f32 v52, v52;
	v54 =	vmul.f32 v54, v54  }
0x492: {  	v61 =	vsel vm2, v16, v15;
	v40 =	vadd.f32 $0.0e+00, v40;
	v41 =	vld.idx.msk [tilespmem:v60+s30+$0x0], $0xffff  }
0x493: {  	v56 =	vld.idx.msk [tilespmem:v14+s30+$0x0], $0xffff;
	v52 =	vadd.f32 v54, v52;
	v54 =	vcombine.low v61, v61  }
0x494: {  	v55 =	vsel vm2, v18, v17;
	v40 =	vadd.f32 v45, v40;
	v5 =	vld.idx.msk [tilespmem:v36+s30+$0x0], $0xffff  }
0x495: {  	v55 =	vcombine.low v55, v55;
	v6 =	vld.idx.msk [tilespmem:v37+s30+$0x0], $0xffff;
	v51 =	vsub.f32 v44, v51  }
0x496: {  	v40 =	vadd.f32 v46, v40  }
0x497: {  	v51 =	vmul.f32 v51, v51;
	v53 =	vsub.f32 v41, v53  }
0x498: {  	v59 =	vsel vm2, v24, v23;
	v47 =	vadd.f32 v47, v40;
	v56 =	vsub.f32 v43, v56  }
0x499: {  	v62 =	vmul.f32 v53, v53;
	v53 =	vsub.f32 v42, v63;
	v51 =	vadd.f32 v51, v52;
	v60 =	vld.idx.msk [tilespmem:v54+s30+$0x0], $0xffff  }
0x49a: {  	v59 =	vcombine.low v59, v59;
	v5 =	vsub.f32 v42, v5;
	v6 =	vsub.f32 v43, v6  }
0x49b: {  	v55 =	vld.idx.msk [tilespmem:v55+s30+$0x0], $0xffff;
	v56 =	vmul.f32 v56, v56;
	v53 =	vmul.f32 v53, v53;
	v51 =	vadd.f32 v62, v51  }
0x49c: {  	v5 =	vmul.f32 v5, v5;
	v6 =	vmul.f32 v6, v6;
	v62 =	vsel vm2, v26, v25  }
0x49d: {  	v53 =	vadd.f32 v56, v53;
	v56 =	vcombine.low v62, v62;
	v51 =	vmax.f32 v51, $1.000000000e-30  }
0x49e: {  	v63 =	vld.idx.msk [tilespmem:v21+s30+$0x0], $0xffff;
	v61 =	vshrl.u32 v51, $0x1;
	v57 =	vmul.f32 $5.000000000e-01, v51;
	v52 =	vsub.f32 v44, v60  }
0x49f: {  	v5 =	vadd.f32 v6, v5;
	v6 =	vsel vm2, v25, v26;
	v54 =	vsub.s32 $0x5F3759DF, v61  }
0x4a0: {  	v55 =	vsub.f32 v41, v55;
	v61 =	vld.idx.msk [tilespmem:v22+s30+$0x0], $0xffff;
	v58 =	vmul.f32 v54, v57;
	v52 =	vmul.f32 v52, v52  }
0x4a1: {  	v47 =	vadd.f32 v48, v47;
	v6 =	vcombine.low v6, v6  }
0x4a2: {  	v58 =	vmul.f32 v54, v58;
	v60 =	vmul.f32 v55, v55;
	v52 =	vadd.f32 v52, v53  }
0x4a3: {  	v47 =	vadd.f32 v49, v47;
	v45 =	vsub.f32 v42, v63;
	v53 =	vld.idx.msk [tilespmem:v59+s30+$0x0], $0xffff  }
0x4a4: {  	v56 =	vld.idx.msk [tilespmem:v56+s30+$0x0], $0xffff;
	v58 =	vsub.f32 $1.500000000e+00, v58;
	v52 =	vadd.f32 v60, v52  }
0x4a5: {  	v45 =	vmul.f32 v45, v45;
	v55 =	vsub.f32 v43, v61;
	v61 =	vcombine.low v32, v32  }
0x4a6: {  	s22 =	simm.s32 $0xA100;
	v46 =	vmul.f32 v54, v58;
	v60 =	vcombine.low v31, v31;
	v52 =	vmax.f32 v52, $1.000000000e-30  }
0x4a7: {  	v40 =	vld.idx.msk [tilespmem:v4+s22+$0x0], $0xffff;
	v55 =	vmul.f32 v55, v55;
	v62 =	vshrl.u32 v52, $0x1;
	v59 =	vmul.f32 $5.000000000e-01, v52  }
0x4a8: {  	v6 =	vld.idx.msk [tilespmem:v6+s30+$0x0], $0xffff;
	v54 =	vmul.f32 v46, v57;
	v53 =	vsub.f32 v44, v53;
	v58 =	vsub.s32 $0x5F3759DF, v62  }
0x4a9: {  	v45 =	vadd.f32 v55, v45;
	v55 =	vsub.f32 v41, v56;
	v56 =	vld.idx.msk [tilespmem:v29+s30+$0x0], $0xffff;
	v48 =	vmul.f32 v58, v59  }
0x4aa: {  	v54 =	vmul.f32 v54, v46;
	v62 =	vld.idx.msk [tilespmem:v30+s30+$0x0], $0xffff;
	v53 =	vmul.f32 v53, v53  }
0x4ab: {  	v47 =	vadd.f32 v50, v47;
	v0 =	vsel vm2, v17, v18;
	v48 =	vmul.f32 v58, v48  }
0x4ac: {  	v49 =	vmul.f32 v55, v55;
	v54 =	vsub.f32 $1.500000000e+00, v54;
	v55 =	vld.idx.msk [tilespmem:v60+s30+$0x0], $0xffff;
	v45 =	vadd.f32 v53, v45  }
0x4ad: {  	v6 =	vsub.f32 v41, v6;
	v63 =	vmax.f32 v40, $1.000000000e+00;
	v48 =	vsub.f32 $1.500000000e+00, v48  }
0x4ae: {  	v50 =	vld.idx.msk [tilespmem:v61+s30+$0x0], $0xffff;
	v61 =	vsub.f32 v42, v56;
	v45 =	vadd.f32 v49, v45;
	v49 =	vmul.f32 v54, v46  }
0x4af: {  	(erf) = vrcp.f32 v63;
	v62 =	vsub.f32 v43, v62;
	v48 =	vmul.f32 v58, v48  }
0x4b0: {  	v53 =	vld [tilespmem:$0xA080];
	v46 =	vmax.f32 v45, $1.000000000e-30;
	v56 =	vmul.f32 v49, v57;
	v45 =	vmul.f32 v61, v61  }
0x4b1: {  	v54 =	vmul.f32 v62, v62;
	v55 =	vsub.f32 v44, v55;
	v60 =	vshrl.u32 v46, $0x1  }
0x4b2: {  	v63 =	vmul.f32 v48, v59;
	v58 =	vsub.s32 $0x5F3759DF, v60;
	v60 =	vmul.f32 $5.000000000e-01, v46  }
0x4b3: {  	v45 =	vadd.f32 v54, v45;
	v61 =	vmul.f32 v55, v55;
	v62 =	vmul.f32 v56, v49  }
0x4b4: {  	v50 =	vsub.f32 v41, v50;
	v57 =	vmul.f32 v63, v48;
	v63 =	vmul.f32 v58, v60  }
0x4b5: {  	v0 =	vcombine.low v0, v0;
	v47 =	vadd.f32 v53, v47;
	v45 =	vadd.f32 v61, v45  }
0x4b6: {  	v53 =	vsub.f32 $1.500000000e+00, v62;
	v62 =	vsel vm2, v7, v8;
	v61 =	vmul.f32 v58, v63  }
0x4b7: {  	v50 =	vmul.f32 v50, v50;
	v55 =	vcombine.low v62, v62;
	v56 =	vsub.f32 $1.500000000e+00, v57  }
0x4b8: {  	v62 =	vsel vm2, v9, v10;
	v49 =	vmul.f32 v53, v49;
	v63 =	vpop (erf);
	v61 =	vsub.f32 $1.500000000e+00, v61  }
0x4b9: {  	v54 =	vld.idx.msk [tilespmem:v34+s30+$0x0], $0xffff;
	v50 =	vadd.f32 v50, v45;
	v48 =	vmul.f32 v56, v48;
	v45 =	vmul.f32 v63, v47  }
0x4ba: {  	v57 =	vld.idx.msk [tilespmem:v35+s30+$0x0], $0xffff;
	v47 =	vmul.f32 v58, v61;
	v58 =	vcombine.low v62, v62;
	v61 =	vsel vm2, v15, v16  }
0x4bb: {  	v50 =	vmax.f32 v50, $1.000000000e-30;
	v53 =	vmul.f32 v48, v59;
	v61 =	vcombine.low v61, v61  }
0x4bc: {  	v6 =	vmul.f32 v6, v6;
	v56 =	vshrl.u32 v50, $0x1;
	v59 =	vmul.f32 $5.000000000e-01, v50  }
0x4bd: {  	v56 =	vsub.s32 $0x5F3759DF, v56;
	v55 =	vld.idx.msk [tilespmem:v55+s30+$0x0], $0xffff;
	v62 =	vmul.f32 v47, v60;
	v53 =	vmul.f32 v53, v48  }
0x4be: {  	v0 =	vld.idx.msk [tilespmem:v0+s30+$0x0], $0xffff;
	v54 =	vsub.f32 v42, v54;
	v49 =	vmul.f32 v49, v51;
	v63 =	vmul.f32 v56, v59  }
0x4bf: {  	v57 =	vsub.f32 v43, v57;
	v62 =	vmul.f32 v62, v47;
	v51 =	vsub.f32 $1.500000000e+00, v53  }
0x4c0: {  	vm11 =	vgt.f32 v40, $0.0e+00;
	v54 =	vmul.f32 v54, v54;
	v63 =	vmul.f32 v56, v63;
	v58 =	vld.idx.msk [tilespmem:v58+s30+$0x0], $0xffff  }
0x4c1: {  	v57 =	vmul.f32 v57, v57;
	v53 =	vsub.f32 $1.500000000e+00, v62;
	v48 =	vmul.f32 v51, v48;
	v51 =	vld.idx.msk [tilespmem:v61+s30+$0x0], $0xffff  }
0x4c2: {  	v40 =	vsel vm1, $0x0, v40;
	v62 =	vsub.f32 $1.500000000e+00, v63;
	v55 =	vsub.f32 v44, v55  }
0x4c3: {  	v0 =	vsub.f32 v41, v0;
	v54 =	vadd.f32 v57, v54;
	v47 =	vmul.f32 v53, v47  }
0x4c4: {  	v63 =	vsel vm2, v23, v24;
	v53 =	vmul.f32 v56, v62;
	v55 =	vmul.f32 v55, v55  }
0x4c5: {  	v56 =	vcombine.low v63, v63;
	v60 =	vmul.f32 v47, v60;
	v58 =	vsub.f32 v41, v58  }
0x4c6: {  	v45 =	vadd.f32 $-5.000000000e-01, v45;
	v57 =	vsel vm2, v12, v11;
	v51 =	vsub.f32 v44, v51  }
0x4c7: {  	v54 =	vadd.f32 v55, v54;
	v60 =	vmul.f32 v60, v47;
	v55 =	vmul.f32 v58, v58  }
0x4c8: {  	v45 =	vmax.f32 v45, $0.0e+00;
	v57 =	vcombine.low v57, v57;
	v58 =	vld.idx.msk [tilespmem:v38+s30+$0x0], $0xffff;
	v51 =	vmul.f32 v51, v51  }
0x4c9: {  	v48 =	vmul.f32 v48, v52;
	v52 =	vsub.f32 $1.500000000e+00, v60;
	v54 =	vadd.f32 v55, v54;
	v55 =	vld.idx.msk [tilespmem:v39+s30+$0x0], $0xffff  }
0x4ca: {  	v0 =	vmul.f32 v0, v0;
	v45 =	vmul.f32 v45, v45;
	v5 =	vadd.f32 v51, v5  }
0x4cb: {  	v51 =	vld.idx.msk [tilespmem:v56+s30+$0x0], $0xffff;
	v56 =	vmul.f32 v53, v59;
	v47 =	vmul.f32 v52, v47;
	v54 =	vmax.f32 v54, $1.000000000e-30  }
0x4cc: {  	v60 =	vshrl.u32 v54, $0x1;
	v0 =	vadd.f32 v0, v5;
	v5 =	vmul.f32 $5.000000000e-01, v54  }
0x4cd: {  	v56 =	vmul.f32 v56, v53;
	v42 =	vsub.f32 v42, v58;
	v60 =	vsub.s32 $0x5F3759DF, v60  }
0x4ce: {  	v41 =	vld.idx.msk [tilespmem:v57+s22+$0x0], $0xffff;
	v58 =	vmul.f32 v60, v5;
	v0 =	vmax.f32 v0, $1.000000000e-30;
	v43 =	vsub.f32 v43, v55  }
0x4cf: {  	v42 =	vmul.f32 v42, v42;
	v62 =	vsub.f32 $1.500000000e+00, v56;
	v61 =	vshrl.u32 v0, $0x1  }
0x4d0: {  	v44 =	vsub.f32 v44, v51;
	v51 =	vmul.f32 $5.000000000e-01, v0;
	v43 =	vmul.f32 v43, v43  }
0x4d1: {  	v55 =	vsub.s32 $0x5F3759DF, v61;
	v58 =	vmul.f32 v60, v58;
	v52 =	vmul.f32 v62, v53  }
0x4d2: {  	v63 =	vmul.f32 v55, v51;
	v44 =	vmul.f32 v44, v44;
	v42 =	vadd.f32 v43, v42  }
0x4d3: {  	v48 =	vsub.f32 $1.500000000e+00, v48;
	vm12 =	vgt.f32 v41, $0.0e+00;
	v43 =	vsub.f32 $1.500000000e+00, v58  }
0x4d4: {  	v61 =	vmul.f32 v55, v63;
	v63 =	vmul.f32 v52, v59;
	v42 =	vadd.f32 v44, v42  }
0x4d5: {  	v41 =	vmul.f32 v47, v46;
	v62 =	vsel vm2, v20, v19;
	v43 =	vmul.f32 v60, v43  }
0x4d6: {  	v53 =	vsub.f32 $1.500000000e+00, v61;
	v56 =	vmul.f32 v63, v52;
	v6 =	vadd.f32 v6, v42  }
0x4d7: {  	v41 =	vsub.f32 $1.500000000e+00, v41;
	v44 =	vcombine.low v62, v62;
	v60 =	vmul.f32 v43, v5  }
0x4d8: {  	v53 =	vmul.f32 v55, v53;
	v61 =	vsub.f32 $1.500000000e+00, v56;
	v6 =	vmax.f32 v6, $1.000000000e-30  }
0x4d9: {  	v42 =	vmul.f32 v60, v43;
	v63 =	vshrl.u32 v6, $0x1;
	v56 =	vmul.f32 $5.000000000e-01, v6  }
0x4da: {  	v62 =	vmul.f32 v53, v51;
	v46 =	vmul.f32 v61, v52;
	v52 =	vsub.s32 $0x5F3759DF, v63  }
0x4db: {  	v60 =	vsel vm2, v28, v27;
	v42 =	vsub.f32 $1.500000000e+00, v42;
	v61 =	vmul.f32 v52, v56  }
0x4dc: {  	v48 =	vmax.f32 v48, $0.0e+00;
	v47 =	vmul.f32 v62, v53;
	v62 =	vcombine.low v60, v60  }
0x4dd: {  	v41 =	vmax.f32 v41, $0.0e+00;
	v42 =	vmul.f32 v42, v43;
	v57 =	vmul.f32 v52, v61  }
0x4de: {  	v48 =	vmul.f32 v48, v48;
	v41 =	vmul.f32 v41, v41;
	v58 =	vsel vm0, $0x3F800000, v1  }
0x4df: {  	v63 =	vsub.f32 $1.500000000e+00, v49;
	v5 =	vmul.f32 v42, v5;
	v49 =	vsub.f32 $1.500000000e+00, v57  }
0x4e0: {  	v46 =	vmul.f32 v46, v50;
	v60 =	vcombine.low v33, v33;
	v47 =	vsub.f32 $1.500000000e+00, v47  }
0x4e1: {  	v59 =	vor.u32 $0x28, v2;
	v44 =	vld.idx.msk [tilespmem:v44+s22+$0x0], $0xffff;
	v5 =	vmul.f32 v5, v42;
	v49 =	vmul.f32 v52, v49  }
0x4e2: {  	v43 =	vmax.f32 v63, $0.0e+00;
	v63 =	vsel vm2, v19, v20;
	v47 =	vmul.f32 v47, v53  }
0x4e3: {  	v43 =	vmul.f32 v43, v43;
	v50 =	vld.idx.msk [tilespmem:v62+s22+$0x0], $0xffff;
	v5 =	vsub.f32 $1.500000000e+00, v5;
	v61 =	vmul.f32 v49, v56  }
0x4e4: {  	v53 =	vnsel vm11, $0x0, v58;
	vm11 =	vmand vm11, vm0;
	v51 =	vmul.f32 v47, v51  }
0x4e5: {  	vm12 =	vmand vm11, vm12;
	v5 =	vmul.f32 v5, v42;
	v42 =	vmul.f32 v61, v49  }
0x4e6: {  	vm13 =	vgt.f32 v44, $0.0e+00;
	vm12 =	vmand vm12, vm3;
	v62 =	vsel vm2, v11, v12  }
0x4e7: {  	v43 =	vnsel vm12, $0x0, v43;
	v51 =	vmul.f32 v51, v47;
	v42 =	vsub.f32 $1.500000000e+00, v42  }
0x4e8: {  	v52 =	vld.idx.msk [tilespmem:v59+s22+$0x0], $0xffff;
	vm12 =	vgt.f32 v50, $0.0e+00;
	v5 =	vmul.f32 v5, v54;
	v50 =	vcombine.low v62, v62  }
0x4e9: {  	v44 =	vld.idx.msk [tilespmem:v60+s22+$0x0], $0xffff;
	v51 =	vsub.f32 $1.500000000e+00, v51;
	v54 =	vcombine.low v63, v63;
	v42 =	vmul.f32 v42, v49  }
0x4ea: {  	v57 =	vsub.f32 $1.500000000e+00, v46;
	vm13 =	vmand vm11, vm13;
	v45 =	vnsel vm11, $0x0, v45  }
0x4eb: {  	v47 =	vmul.f32 v51, v47;
	v55 =	vmul.f32 v42, v56;
	v56 =	vsel vm2, v27, v28  }
0x4ec: {  	(xrf2) =	vadd.scan.msk.f32 $0xffff, v53;
	vm13 =	vmand vm13, vm4;
	v60 =	vmax.f32 v57, $0.0e+00;
	v58 =	vcombine.low v56, v56  }
0x4ed: {  	(xrf2) =	vadd.scan.msk.f32 $0xffff, v45;
	v48 =	vnsel vm13, $0x0, v48;
	v0 =	vmul.f32 v47, v0;
	v47 =	vmul.f32 v55, v42  }
0x4ee: {  	(xrf2) =	vadd.scan.msk.f32 $0xffff, v40;
	v59 =	vsel vm1, $0x0, v52;
	vm13 =	vgt.f32 v44, $0.0e+00;
	vm12 =	vmand vm11, vm12;
	v50 =	vld.idx.msk [tilespmem:v50+s22+$0x0], $0xffff  }
0x4ef: {  	(xrf2) =	vadd.scan.msk.f32 $0xffff, v59;
	vm13 =	vmand vm11, vm13;
	v5 =	vsub.f32 $1.500000000e+00, v5;
	v61 =	vld.idx.msk [tilespmem:v54+s22+$0x0], $0xffff;
	v62 =	vsub.f32 $1.500000000e+00, v47  }
0x4f0: {  	v40 =	vmul.f32 v60, v60;
	(xrf2) =	vadd.scan.msk.f32 $0xffff, v43;
	vm12 =	vmand vm12, vm5;
	vm13 =	vmand vm13, vm6  }
0x4f1: {  	v5 =	vmax.f32 v5, $0.0e+00;
	v0 =	vsub.f32 $1.500000000e+00, v0;
	v42 =	vmul.f32 v62, v42  }
0x4f2: {  	(xrf2) =	vadd.scan.msk.f32 $0xffff, v48;
	v41 =	vnsel vm12, $0x0, v41;
	v40 =	vnsel vm13, $0x0, v40;
	v5 =	vmul.f32 v5, v5;
	v63 =	vld.idx.msk [tilespmem:v58+s22+$0x0], $0xffff  }
0x4f3: {  	v0 =	vmax.f32 v0, $0.0e+00;
	vm12 =	vgt.f32 v50, $0.0e+00;
	v6 =	vmul.f32 v42, v6  }
0x4f4: {  	(xrf2) =	vadd.scan.msk.f32 $0xffff, v41;
	v0 =	vmul.f32 v0, v0;
	vm13 =	vgt.f32 v61, $0.0e+00;
	vm12 =	vmand vm11, vm12  }
0x4f5: {  	vm13 =	vmand vm11, vm13;
	vm12 =	vmand vm12, vm7;
	v6 =	vsub.f32 $1.500000000e+00, v6  }
0x4f6: {  	v48, _, _ =	vpop (xrf2);
	(xrf2) =	vadd.scan.msk.f32 $0xffff, v40;
	v5 =	vnsel vm12, $0x0, v5;
	vm12 =	vmand vm13, vm8  }
0x4f7: {  	v49, _, _ =	vpop (xrf2);
	(xrf2) =	vadd.scan.msk.f32 $0xffff, v5;
	v0 =	vnsel vm12, $0x0, v0;
	v5 =	vmax.f32 v6, $0.0e+00;
	vm12 =	vgt.f32 v63, $0.0e+00  }
0x4f8: {  	v50, _, _ =	vpop (xrf2);
	v5 =	vmul.f32 v5, v5;
	vm11 =	vmand vm11, vm12  }
0x4f9: {  	v41 =	vbroadcast v48, $0xF;
	v6, _, _ =	vpop (xrf2);
	vm11 =	vmand vm11, vm9  }
0x4fa: {  	(xrf2) =	vadd.scan.msk.f32 $0xffff, v0;
	v51, _, _ =	vpop (xrf2);
	v5 =	vnsel vm11, $0x0, v5  }
0x4fb: {  	v0 =	vmul.f32 $1.000003010e+12, v41;
	v43 =	vbroadcast v51, $0xF;
	(xrf2) =	vadd.scan.msk.f32 $0xffff, v5;
	v5 =	vadd.f32 $-1.000000000e+00, v41  }
0x4fc: {  	v52 =	vmax.f32 v41, $1.000000000e+00;
	v42 =	vbroadcast v50, $0xF;
	v53, _, _ =	vpop (xrf2)  }
0x4fd: {  	v54 =	vbroadcast v53, $0xF;
	v0 =	vadd.f32 v43, v0;
	v5 =	vmul.f32 v5, v41  }
0x4fe: {  	(erf) = vrcp.f32 v52;
	v56 =	vmax.f32 v42, $1.000000000e+00;
	v55, _, _ =	vpop (xrf2)  }
0x4ff: {  	v57 =	vbroadcast v55, $0xF;
	v0 =	vadd.f32 v54, v0;
	v5 =	vmax.f32 v5, $1.000000000e+00  }
0x500: {  	(erf) = vrcp.f32 v56;
	v58, _, _ =	vpop (xrf2)  }
0x501: {  	v59 =	vbroadcast v58, $0xF;
	(erf) = vrcp.f32 v5;
	v0 =	vadd.f32 v57, v0  }
0x502: {  	v5, _, _ =	vpop (xrf2)  }
0x503: {  	v0 =	vadd.f32 v59, v0;
	v5 =	vbroadcast v5, $0xF  }
0x504: {  	v60, _, _ =	vpop (xrf2)  }
0x505: {  	v0 =	vadd.f32 v5, v0;
	v5 =	vbroadcast v60, $0xF  }
0x506: {  	v61, _, _ =	vpop (xrf2)  }
0x507: {  	v0 =	vadd.f32 v5, v0;
	v5 =	vbroadcast v61, $0xF  }
0x508: {  	v62 =	vpop (erf)  }
0x509: {  	v44 =	vpop (erf);
	v0 =	vadd.f32 v5, v0  }
0x50a: {  	v6 =	vbroadcast v6, $0xF;
	v5 =	vbroadcast v49, $0xF;
	v63 =	vpop (erf)  }
0x50b: {  	v0 =	vmul.f32 v0, v63  }
0x50c: {  	[tilespmem:$0xA210] =	vst v1;
	vm11 =	vgt.f32 v41, $1.000000000e+00;
	v6 =	vmul.f32 v44, v6;
	v5 =	vmul.f32 v5, v62  }
0x50d: {  	[tilespmem:$0xA220] =	vst v1;
	v0 =	vnsel vm11, $0x0, v0  }
0x50e: {  	[tilespmem:$0xA230] =	vst v1;
	v0 =	vadd.f32 v0, v5;
	v5 =	vmul.f32 $1.000000010e-01, v6  }
0x50f: {  	[tilespmem:$0xA240] =	vst v1;
	vm11 =	vgt.f32 v42, $0.0e+00  }
0x510: {  	[tilespmem:$0xA250] =	vst v1;
	v0 =	vadd.f32 v0, v5;
	v5 =	vsel vm11, $0x3F800000, v1  }
0x511: {  	[tilespmem:$0xA260] =	vst v1;
	vm11 =	vmmov $0x1;
	v5 =	vsel vm10, $0x0, v5  }
0x512: {  	[tilespmem:$0xA270] =	vst v1;
	v0 =	vsel vm11, v0, v5  }
.Ltmp43:
0x513: {  	s29 =	rddreg [dreg:$0x1a];
	[tilespmem:$0xA200] =	vst v0;
	(pc) =	sbr.rel .LBB2_83-.Ltmp43, $4  }
0x514: {  	[hbm4b:s29+s1] =	stream.linear.scatter [tilespmem:s28], [sflag:$0x1], $0x80, $0x38;
	[tilespmem:$0xA2D0] =	vst v63  }
0x515: {  	_ =	swait.ge [sflag:s25], $0x80  }
0x516: {  	[sflag:s25] =	ssyncset.done $0x0  }
0x517: {  	[sflag:s25] =	ssyncadd.s32 $0xFFFFFF80  }
.LBB2_84:
0x518: {  	_ =	sfence.sel $0x180000  }
0x519: {  	[bflag:$0x0] =	sbarrier.arrive $0xFFFF  }
0x51a: {  	_ =	strace $0x90000047  }
0x51b: {  	s0 =	stileid.u32;
	[bflag:$0x2] =	sbarrier.arrive $0xFFFF  }
0x51c: {  	p0 =	sne.s32 s0, $0x0;
	s0 =	rddreg [dreg:$0x3]  }
0x51d: {  	s0 =	sadd.s32 @!p0 $0x100000, s0  }
0x51e: {  	[sflag:s0] =	ssyncadd.tile.s32 @!p0 $0x1;
	_ =	shalt  }
.Lfunc_end2:
_tile_overlayer_lowered:
.L_overlay_start_2:
0x51f: {  	(tag) =	ssettag $0x2  }
0x520: {  	s0 =	rddreg [dreg:$0x0];
	s2 =	stileid.u32  }
0x521: {  	s1 =	rddreg [dreg:$0x1];
	p0 =	sne.s32 s2, $0x0  }
0x522: {  	s3 =	rddreg [dreg:$0x2];
	[bflag:$0x3] =	sbarrier.arrive $0xFFFF;
	s2 =	simm.s32 @!p0 $0x1C01  }
0x523: {  	[timem:s3], [sflag:s2] =	dma.local @!p0 [hbm:s0], s1  }
0x524: {  	s0 =	simm.s32 @!p0 $0x1  }
0x525: {  	_ =	swait.ge @!p0 [sflag:s0], s1  }
0x526: {  	s1 =	ssub.s32 @!p0 $0x0, s1;
	[sflag:s0] =	ssyncset.done @!p0 $0x0  }
0x527: {  	[sflag:s0] =	ssyncadd.s32 @!p0 s1  }
0x528: {  	[bflag:$0x3] =	sbarrier.arrive $0xFFFF  }
0x529: {  	_ =	shalt  }

</sc_bundles>
